<compile_context>
chip_gen: v7x
topology: tpu7x:2x2x1
jax: 0.10.2.dev20260603
libtpu: 0.0.44.dev20260713+nightly
codegen_flags: <defaults>
</compile_context>

<pallas_src>
import functools

import jax
import jax.numpy as jnp
from jax import lax
from jax.experimental import pallas as pl
from jax.experimental.pallas import tpu as pltpu
from jax.experimental.pallas import tpu_sc as plsc

N = 10000
E = 320000
D = 128

NC = 2
NS = 16
NW = NC * NS
CH = 128
CPW = 80
ECH = NW * CPW
NB = 2
NTRASH = 8
NA = N + NTRASH
RPT = 624
RTAIL = NA - NS * RPT
OTAIL = N - NS * RPT

_MESH = plsc.VectorSubcoreMesh(core_axis_name="c", subcore_axis_name="s")
_PARAMS = pltpu.CompilerParams(needs_layout_passes=False)


def _sc_agg_body(phases, xlate, table, cids, sidx2, didx2, zin, out,
                 cids_v, sidx, didx, rows0, rows1, acc, sem0, sem1):
    c = lax.axis_index("c")
    s = lax.axis_index("s")
    wid = c * NS + s
    rows = (rows0, rows1)
    sems = (sem0, sem1)

    pltpu.sync_copy(zin, acc.at[pl.ds(s * RPT, RPT)])

    @pl.when(s == 0)
    def _():
        pltpu.sync_copy(zin.at[pl.ds(0, RTAIL)],
                        acc.at[pl.ds(NS * RPT, RTAIL)])

    if xlate:
        pltpu.sync_copy(cids, cids_v)

    plsc.subcore_barrier()

    def translate(jj):
        if xlate:
            for g in range(CH // 16):
                v = sidx[jj, pl.ds(g * 16, 16)]
                sidx[jj, pl.ds(g * 16, 16)] = plsc.load_gather(cids_v, [v])

    off = 0
    for phc in phases:
        base = wid * CPW + off
        off += phc
        pltpu.sync_copy(sidx2.at[pl.ds(base, phc)], sidx.at[pl.ds(0, phc)])
        pltpu.sync_copy(didx2.at[pl.ds(base, phc)], didx.at[pl.ds(0, phc)])

        for b in range(NB):
            translate(b)
            pltpu.async_copy(table.at[sidx.at[b]], rows[b], sems[b])

        def pipe(i, carry):
            for b in range(NB):
                j = i * NB + b
                pltpu.make_async_copy(
                    table.at[sidx.at[j]], rows[b], sems[b]).wait()
                pltpu.sync_copy(rows[b], acc.at[didx.at[j]], add=True)

                @pl.when(j + NB < phc)
                def _():
                    translate(j + NB)
                    pltpu.async_copy(
                        table.at[sidx.at[j + NB]], rows[b], sems[b])
            return carry

        lax.fori_loop(0, phc // NB, pipe, 0)

    plsc.subcore_barrier()
    pltpu.sync_copy(acc.at[pl.ds(s * RPT, RPT)],
                    out.at[c, pl.ds(s * RPT, RPT)])

    @pl.when(s == 0)
    def _():
        pltpu.sync_copy(acc.at[pl.ds(NS * RPT, OTAIL)],
                        out.at[c, pl.ds(NS * RPT, OTAIL)])


def _sc_agg(table, cids, sidx2, didx2, zin, xlate):
    phases = (24, 24, 24, 8) if xlate else (40, 40)
    kern = pl.kernel(
        functools.partial(_sc_agg_body, phases, xlate),
        out_type=jax.ShapeDtypeStruct((NC, N, D), jnp.float32),
        mesh=_MESH,
        compiler_params=_PARAMS,
        scratch_types=[
            pltpu.VMEM((N if xlate else 8,), jnp.int32),
            pltpu.VMEM((max(phases), CH), jnp.int32),
            pltpu.VMEM((max(phases), CH), jnp.int32),
            pltpu.VMEM((CH, D), jnp.float32),
            pltpu.VMEM((CH, D), jnp.float32),
            pltpu.VMEM_SHARED((NA, D), jnp.float32),
            pltpu.SemaphoreType.DMA,
            pltpu.SemaphoreType.DMA,
        ],
    )
    return kern(table, cids, sidx2, didx2, zin)


def _tc_mlp_body(p_ref, w_ref, b_ref, o_ref):
    x = p_ref[0] + p_ref[1]
    y = jnp.dot(x, w_ref[...], preferred_element_type=jnp.float32) + b_ref[...]
    o_ref[...] = jnp.maximum(y, 0.0)


def _tc_mlp(partials, w, b):
    br = 2000
    return pl.pallas_call(
        _tc_mlp_body,
        grid=(N // br,),
        in_specs=[
            pl.BlockSpec((NC, br, D), lambda i: (0, i, 0)),
            pl.BlockSpec((D, D), lambda i: (0, 0)),
            pl.BlockSpec((1, D), lambda i: (0, 0)),
        ],
        out_specs=pl.BlockSpec((br, D), lambda i: (i, 0)),
        out_shape=jax.ShapeDtypeStruct((N, D), jnp.float32),
    )(partials, w, b.reshape(1, D))


def kernel(cncpt_ids, edge_index, concept_table, W1, b1, W2, b2):
    cids = cncpt_ids.astype(jnp.int32)
    src = edge_index[0].astype(jnp.int32)
    dst = edge_index[1].astype(jnp.int32)
    npad = ECH * CH - E
    ar = jnp.arange(npad, dtype=jnp.int32)
    src2 = jnp.concatenate([src, ar % N]).reshape(ECH, CH)
    dst2 = jnp.concatenate([dst, N + (ar % NTRASH)]).reshape(ECH, CH)
    zin = jnp.zeros((RPT, D), jnp.float32)
    p1 = _sc_agg(concept_table, cids, src2, dst2, zin, True)
    h = _tc_mlp(p1, W1, b1)
    p2 = _sc_agg(h, cids, src2, dst2, zin, False)
    return _tc_mlp(p2, W2, b2)

# --- scband reference (transcript-rebuilt; emitter-appended) ---
"""Pipeline reference for scband-knowledge-aware-graph-networks-29738353558010 (READ-ONLY COPY).

The authoritative reference and input builder live on the scoring server;
editing this copy changes nothing except your own understanding.
"""

import jax, jax.numpy as jnp
import numpy as np

N_NODES = 10000
N_EDGES = 320000
D_FEAT = 128
HIDDEN = 128
OUT = 128

def setup_inputs(seed: int = 0) -> dict:
    key = jax.random.key(seed)
    k1, k2, k3, k4, k5, k6, k7, k8 = jax.random.split(key, 8)
    cncpt_ids = jax.random.randint(k1, (N_NODES,), 0, N_NODES, dtype=jnp.int64 if jax.config.jax_enable_x64 else jnp.int32)
    edge_index = jax.random.randint(k2, (2, N_EDGES), 0, N_NODES, dtype=jnp.int64 if jax.config.jax_enable_x64 else jnp.int32)
    bias = np.sqrt(6.0 / D_FEAT)
    concept_table = jax.random.uniform(k3, (N_NODES, D_FEAT), dtype=jnp.float32, minval=-bias, maxval=bias)
    W1 = jax.random.normal(k4, (D_FEAT, HIDDEN), dtype=jnp.float32) * (1.0 / np.sqrt(D_FEAT))
    b1 = jax.random.normal(k5, (HIDDEN,), dtype=jnp.float32) * 0.01
    W2 = jax.random.normal(k6, (HIDDEN, OUT), dtype=jnp.float32) * (1.0 / np.sqrt(HIDDEN))
    b2 = jax.random.normal(k7, (OUT,), dtype=jnp.float32) * 0.01
    return {"cncpt_ids": cncpt_ids, "edge_index": edge_index, "concept_table": concept_table, "W1": W1, "b1": b1, "W2": W2, "b2": b2}

def reference(cncpt_ids, edge_index, concept_table, W1, b1, W2, b2):
    # GCN_Encoder forward: embedding lookup + 2 GraphConvLayers
    # (DGL copy_src + sum reduce == gather over src, segment_sum over dst)
    feat = jnp.take(concept_table, cncpt_ids, axis=0)          # [N, d]
    src = edge_index[0]
    dst = edge_index[1]
    # layer 1
    msg = jnp.take(feat, src, axis=0)                          # [E, d]
    agg = jax.ops.segment_sum(msg, dst, num_segments=N_NODES)  # [N, d]
    h = jax.nn.relu(agg @ W1 + b1)                             # NodeApplyModule
    # layer 2
    msg2 = jnp.take(h, src, axis=0)
    agg2 = jax.ops.segment_sum(msg2, dst, num_segments=N_NODES)
    h2 = jax.nn.relu(agg2 @ W2 + b2)
    return h2

if __name__ == "__main__":
    import jax
    _d = setup_inputs()
    print(jax.jit(kernel)(*tuple(_d.values())))

</pallas_src>

<mosaic_0001>
#map = affine_map<(d0, d1) -> (0, 0)>
#map1 = affine_map<(d0, d1) -> (0)>
#map2 = affine_map<(d0, d1) -> (0, 0, 0)>
module attributes {stable_mosaic.version = 14 : i64} {
  func.func @_sc_agg_body(%arg0: i32, %arg1: i32, %arg2: memref<10000x128xf32, #tpu.memory_space<hbm>>, %arg3: memref<10000xi32, #tpu.memory_space<hbm>>, %arg4: memref<2560x128xi32, #tpu.memory_space<hbm>>, %arg5: memref<2560x128xi32, #tpu.memory_space<hbm>>, %arg6: memref<624x128xf32, #tpu.memory_space<hbm>>, %arg7: memref<2x10000x128xf32, #tpu.memory_space<hbm>>, %arg8: memref<10000xi32, #tpu.memory_space<vmem>>, %arg9: memref<24x128xi32, #tpu.memory_space<vmem>>, %arg10: memref<24x128xi32, #tpu.memory_space<vmem>>, %arg11: memref<128x128xf32, #tpu.memory_space<vmem>>, %arg12: memref<128x128xf32, #tpu.memory_space<vmem>>, %arg13: memref<10008x128xf32, #tpu.memory_space<vmem_shared>>, %arg14: memref<!tpu.dma_semaphore, #tpu.memory_space<semaphore_mem>>, %arg15: memref<!tpu.dma_semaphore, #tpu.memory_space<semaphore_mem>>) attributes {dimension_semantics = [#tpu.dimension_semantics<core_parallel>, #tpu.dimension_semantics<subcore_parallel>], iteration_bounds = array<i64: 2, 16>, scalar_prefetch = 0 : i64, scratch_operands = 8 : i64, tpu.core_type = #tpu.core_type<sc_vector_subcore>, window_params = [{transform_indices = #map}, {transform_indices = #map1}, {transform_indices = #map}, {transform_indices = #map}, {transform_indices = #map}, {transform_indices = #map2}]} {
    %mul3A = arith.constant 16 : i32
    %mul3A_0 = arith.muli %arg0, %mul3A : i32
    %add3A = arith.addi %mul3A_0, %arg1 : i32
    %mul3A_1 = arith.constant 624 : i32
    %mul3A_2 = arith.muli %arg1, %mul3A_1 : i32
    "tpu.region"() ({
      %run_scoped3A = tpu.sem_alloc : memref<!tpu.dma_semaphore, #tpu.memory_space<semaphore_mem>>
      %dma_start3A_682 = arith.constant 0 : i32
      %dma_start3A_683 = tpu.memref_slice %arg13[%mul3A_2, %dma_start3A_682] : memref<10008x128xf32, #tpu.memory_space<vmem_shared>> -> memref<624x128xf32, #tpu.memory_space<vmem_shared>>
      tpu.enqueue_dma source(%arg6 : memref<624x128xf32, #tpu.memory_space<hbm>>) target(%dma_start3A_683 : memref<624x128xf32, #tpu.memory_space<vmem_shared>>) target_semaphore(%run_scoped3A : memref<!tpu.dma_semaphore, #tpu.memory_space<semaphore_mem>>)
      %dma_wait3A = arith.constant 0 : i32
      %dma_wait3A_684 = tpu.memref_slice %arg13[%mul3A_2, %dma_wait3A] : memref<10008x128xf32, #tpu.memory_space<vmem_shared>> -> memref<624x128xf32, #tpu.memory_space<vmem_shared>>
      tpu.wait_dma2 semaphore(%run_scoped3A : memref<!tpu.dma_semaphore, #tpu.memory_space<semaphore_mem>>) src(%arg6 : memref<624x128xf32, #tpu.memory_space<hbm>>) dst(%dma_wait3A_684 : memref<624x128xf32, #tpu.memory_space<vmem_shared>>)
      tpu.yield
    }) : () -> ()
    %eq3A = arith.constant 0 : i32
    %eq3A_3 = arith.cmpi eq, %arg1, %eq3A : i32
    %convert_element_type3A = arith.extui %eq3A_3 : i1 to i32
    %cond3A = arith.constant 0 : i32
    %cond3A_4 = arith.cmpi ne, %convert_element_type3A, %cond3A : i32
    scf.if %cond3A_4 {
      "tpu.region"() ({
        %run_scoped3A = tpu.sem_alloc : memref<!tpu.dma_semaphore, #tpu.memory_space<semaphore_mem>>
        %dma_start3A_682 = arith.constant 9984 : i32
        %dma_start3A_683 = arith.constant 0 : i32
        %dma_start3A_684 = tpu.memref_slice %arg13[%dma_start3A_682, %dma_start3A_683] : memref<10008x128xf32, #tpu.memory_space<vmem_shared>> -> memref<24x128xf32, #tpu.memory_space<vmem_shared>>
        %dma_start3A_685 = arith.constant 0 : i32
        %dma_start3A_686 = arith.constant 0 : i32
        %dma_start3A_687 = tpu.memref_slice %arg6[%dma_start3A_685, %dma_start3A_686] : memref<624x128xf32, #tpu.memory_space<hbm>> -> memref<24x128xf32, #tpu.memory_space<hbm>>
        tpu.enqueue_dma source(%dma_start3A_687 : memref<24x128xf32, #tpu.memory_space<hbm>>) target(%dma_start3A_684 : memref<24x128xf32, #tpu.memory_space<vmem_shared>>) target_semaphore(%run_scoped3A : memref<!tpu.dma_semaphore, #tpu.memory_space<semaphore_mem>>)
        %dma_wait3A = arith.constant 9984 : i32
        %dma_wait3A_688 = arith.constant 0 : i32
        %dma_wait3A_689 = tpu.memref_slice %arg13[%dma_wait3A, %dma_wait3A_688] : memref<10008x128xf32, #tpu.memory_space<vmem_shared>> -> memref<24x128xf32, #tpu.memory_space<vmem_shared>>
        %dma_wait3A_690 = arith.constant 0 : i32
        %dma_wait3A_691 = arith.constant 0 : i32
        %dma_wait3A_692 = tpu.memref_slice %arg6[%dma_wait3A_690, %dma_wait3A_691] : memref<624x128xf32, #tpu.memory_space<hbm>> -> memref<24x128xf32, #tpu.memory_space<hbm>>
        tpu.wait_dma2 semaphore(%run_scoped3A : memref<!tpu.dma_semaphore, #tpu.memory_space<semaphore_mem>>) src(%dma_wait3A_692 : memref<24x128xf32, #tpu.memory_space<hbm>>) dst(%dma_wait3A_689 : memref<24x128xf32, #tpu.memory_space<vmem_shared>>)
        tpu.yield
      }) : () -> ()
    } else {
    }
    "tpu.region"() ({
      %run_scoped3A = tpu.sem_alloc : memref<!tpu.dma_semaphore, #tpu.memory_space<semaphore_mem>>
      tpu.enqueue_dma source(%arg3 : memref<10000xi32, #tpu.memory_space<hbm>>) target(%arg8 : memref<10000xi32, #tpu.memory_space<vmem>>) target_semaphore(%run_scoped3A : memref<!tpu.dma_semaphore, #tpu.memory_space<semaphore_mem>>)
      tpu.wait_dma2 semaphore(%run_scoped3A : memref<!tpu.dma_semaphore, #tpu.memory_space<semaphore_mem>>) src(%arg3 : memref<10000xi32, #tpu.memory_space<hbm>>) dst(%arg8 : memref<10000xi32, #tpu.memory_space<vmem>>)
      tpu.yield
    }) : () -> ()
    %barrier3A = arith.constant 0 : index
    tpu.barrier barrier_id(%barrier3A)
    %mul3A_5 = arith.constant 80 : i32
    %mul3A_6 = arith.muli %add3A, %mul3A_5 : i32
    %add3A_7 = arith.constant 0 : i32
    %add3A_8 = arith.addi %mul3A_6, %add3A_7 : i32
    "tpu.region"() ({
      %run_scoped3A = tpu.sem_alloc : memref<!tpu.dma_semaphore, #tpu.memory_space<semaphore_mem>>
      %dma_start3A_682 = arith.constant 0 : i32
      %dma_start3A_683 = arith.constant 0 : i32
      %dma_start3A_684 = tpu.memref_slice %arg9[%dma_start3A_682, %dma_start3A_683] : memref<24x128xi32, #tpu.memory_space<vmem>> -> memref<24x128xi32, #tpu.memory_space<vmem>>
      %dma_start3A_685 = arith.constant 0 : i32
      %dma_start3A_686 = tpu.memref_slice %arg4[%add3A_8, %dma_start3A_685] : memref<2560x128xi32, #tpu.memory_space<hbm>> -> memref<24x128xi32, #tpu.memory_space<hbm>>
      %dma_start3A_687 = arith.constant 0 : i32
      %dma_start3A_688 = arith.constant 0 : i32
      %dma_start3A_689 = tpu.memref_slice %arg9[%dma_start3A_687, %dma_start3A_688] : memref<24x128xi32, #tpu.memory_space<vmem>> -> memref<24x128xi32, #tpu.memory_space<vmem>>
      %dma_start3A_690 = arith.constant 0 : i32
      %dma_start3A_691 = tpu.memref_slice %arg4[%add3A_8, %dma_start3A_690] : memref<2560x128xi32, #tpu.memory_space<hbm>> -> memref<24x128xi32, #tpu.memory_space<hbm>>
      tpu.enqueue_dma source(%dma_start3A_691 : memref<24x128xi32, #tpu.memory_space<hbm>>) target(%dma_start3A_689 : memref<24x128xi32, #tpu.memory_space<vmem>>) target_semaphore(%run_scoped3A : memref<!tpu.dma_semaphore, #tpu.memory_space<semaphore_mem>>)
      %dma_wait3A = arith.constant 0 : i32
      %dma_wait3A_692 = arith.constant 0 : i32
      %dma_wait3A_693 = tpu.memref_slice %arg9[%dma_wait3A, %dma_wait3A_692] : memref<24x128xi32, #tpu.memory_space<vmem>> -> memref<24x128xi32, #tpu.memory_space<vmem>>
      %dma_wait3A_694 = arith.constant 0 : i32
      %dma_wait3A_695 = tpu.memref_slice %arg4[%add3A_8, %dma_wait3A_694] : memref<2560x128xi32, #tpu.memory_space<hbm>> -> memref<24x128xi32, #tpu.memory_space<hbm>>
      %dma_wait3A_696 = arith.constant 0 : i32
      %dma_wait3A_697 = arith.constant 0 : i32
      %dma_wait3A_698 = tpu.memref_slice %arg9[%dma_wait3A_696, %dma_wait3A_697] : memref<24x128xi32, #tpu.memory_space<vmem>> -> memref<24x128xi32, #tpu.memory_space<vmem>>
      %dma_wait3A_699 = arith.constant 0 : i32
      %dma_wait3A_700 = tpu.memref_slice %arg4[%add3A_8, %dma_wait3A_699] : memref<2560x128xi32, #tpu.memory_space<hbm>> -> memref<24x128xi32, #tpu.memory_space<hbm>>
      tpu.wait_dma2 semaphore(%run_scoped3A : memref<!tpu.dma_semaphore, #tpu.memory_space<semaphore_mem>>) src(%dma_wait3A_700 : memref<24x128xi32, #tpu.memory_space<hbm>>) dst(%dma_wait3A_698 : memref<24x128xi32, #tpu.memory_space<vmem>>)
      tpu.yield
    }) : () -> ()
    "tpu.region"() ({
      %run_scoped3A = tpu.sem_alloc : memref<!tpu.dma_semaphore, #tpu.memory_space<semaphore_mem>>
      %dma_start3A_682 = arith.constant 0 : i32
      %dma_start3A_683 = arith.constant 0 : i32
      %dma_start3A_684 = tpu.memref_slice %arg10[%dma_start3A_682, %dma_start3A_683] : memref<24x128xi32, #tpu.memory_space<vmem>> -> memref<24x128xi32, #tpu.memory_space<vmem>>
      %dma_start3A_685 = arith.constant 0 : i32
      %dma_start3A_686 = tpu.memref_slice %arg5[%add3A_8, %dma_start3A_685] : memref<2560x128xi32, #tpu.memory_space<hbm>> -> memref<24x128xi32, #tpu.memory_space<hbm>>
      %dma_start3A_687 = arith.constant 0 : i32
      %dma_start3A_688 = arith.constant 0 : i32
      %dma_start3A_689 = tpu.memref_slice %arg10[%dma_start3A_687, %dma_start3A_688] : memref<24x128xi32, #tpu.memory_space<vmem>> -> memref<24x128xi32, #tpu.memory_space<vmem>>
      %dma_start3A_690 = arith.constant 0 : i32
      %dma_start3A_691 = tpu.memref_slice %arg5[%add3A_8, %dma_start3A_690] : memref<2560x128xi32, #tpu.memory_space<hbm>> -> memref<24x128xi32, #tpu.memory_space<hbm>>
      tpu.enqueue_dma source(%dma_start3A_691 : memref<24x128xi32, #tpu.memory_space<hbm>>) target(%dma_start3A_689 : memref<24x128xi32, #tpu.memory_space<vmem>>) target_semaphore(%run_scoped3A : memref<!tpu.dma_semaphore, #tpu.memory_space<semaphore_mem>>)
      %dma_wait3A = arith.constant 0 : i32
      %dma_wait3A_692 = arith.constant 0 : i32
      %dma_wait3A_693 = tpu.memref_slice %arg10[%dma_wait3A, %dma_wait3A_692] : memref<24x128xi32, #tpu.memory_space<vmem>> -> memref<24x128xi32, #tpu.memory_space<vmem>>
      %dma_wait3A_694 = arith.constant 0 : i32
      %dma_wait3A_695 = tpu.memref_slice %arg5[%add3A_8, %dma_wait3A_694] : memref<2560x128xi32, #tpu.memory_space<hbm>> -> memref<24x128xi32, #tpu.memory_space<hbm>>
      %dma_wait3A_696 = arith.constant 0 : i32
      %dma_wait3A_697 = arith.constant 0 : i32
      %dma_wait3A_698 = tpu.memref_slice %arg10[%dma_wait3A_696, %dma_wait3A_697] : memref<24x128xi32, #tpu.memory_space<vmem>> -> memref<24x128xi32, #tpu.memory_space<vmem>>
      %dma_wait3A_699 = arith.constant 0 : i32
      %dma_wait3A_700 = tpu.memref_slice %arg5[%add3A_8, %dma_wait3A_699] : memref<2560x128xi32, #tpu.memory_space<hbm>> -> memref<24x128xi32, #tpu.memory_space<hbm>>
      tpu.wait_dma2 semaphore(%run_scoped3A : memref<!tpu.dma_semaphore, #tpu.memory_space<semaphore_mem>>) src(%dma_wait3A_700 : memref<24x128xi32, #tpu.memory_space<hbm>>) dst(%dma_wait3A_698 : memref<24x128xi32, #tpu.memory_space<vmem>>)
      tpu.yield
    }) : () -> ()
    %get3A = arith.constant 0 : i32
    %get3A_9 = arith.index_cast %get3A : i32 to index
    %get3A_10 = arith.constant 0 : index
    %get3A_11 = tpu.vector_load %arg9[%get3A_9, %get3A_10] {strides = array<i32>} : memref<24x128xi32, #tpu.memory_space<vmem>>, vector<16xi32>,
    %gather3A = tpu.vector_load_idx %arg8[%get3A_11] : memref<10000xi32, #tpu.memory_space<vmem>>[vector<16xi32>], vector<16xi32>,
    %swap3A = arith.constant 0 : i32
    %swap3A_12 = arith.index_cast %swap3A : i32 to index
    %swap3A_13 = arith.constant 0 : index
    %swap3A_14 = tpu.vector_load %arg9[%swap3A_12, %swap3A_13] {strides = array<i32>} : memref<24x128xi32, #tpu.memory_space<vmem>>, vector<16xi32>,
    tpu.vector_store %arg9[%swap3A_12, %swap3A_13], %gather3A {strides = array<i32>} : memref<24x128xi32, #tpu.memory_space<vmem>>, vector<16xi32>,
    %get3A_15 = arith.constant 0 : i32
    %get3A_16 = arith.index_cast %get3A_15 : i32 to index
    %get3A_17 = arith.constant 16 : index
    %get3A_18 = tpu.vector_load %arg9[%get3A_16, %get3A_17] {strides = array<i32>} : memref<24x128xi32, #tpu.memory_space<vmem>>, vector<16xi32>,
    %gather3A_19 = tpu.vector_load_idx %arg8[%get3A_18] : memref<10000xi32, #tpu.memory_space<vmem>>[vector<16xi32>], vector<16xi32>,
    %swap3A_20 = arith.constant 0 : i32
    %swap3A_21 = arith.index_cast %swap3A_20 : i32 to index
    %swap3A_22 = arith.constant 16 : index
    %swap3A_23 = tpu.vector_load %arg9[%swap3A_21, %swap3A_22] {strides = array<i32>} : memref<24x128xi32, #tpu.memory_space<vmem>>, vector<16xi32>,
    tpu.vector_store %arg9[%swap3A_21, %swap3A_22], %gather3A_19 {strides = array<i32>} : memref<24x128xi32, #tpu.memory_space<vmem>>, vector<16xi32>,
    %get3A_24 = arith.constant 0 : i32
    %get3A_25 = arith.index_cast %get3A_24 : i32 to index
    %get3A_26 = arith.constant 32 : index
    %get3A_27 = tpu.vector_load %arg9[%get3A_25, %get3A_26] {strides = array<i32>} : memref<24x128xi32, #tpu.memory_space<vmem>>, vector<16xi32>,
    %gather3A_28 = tpu.vector_load_idx %arg8[%get3A_27] : memref<10000xi32, #tpu.memory_space<vmem>>[vector<16xi32>], vector<16xi32>,
    %swap3A_29 = arith.constant 0 : i32
    %swap3A_30 = arith.index_cast %swap3A_29 : i32 to index
    %swap3A_31 = arith.constant 32 : index
    %swap3A_32 = tpu.vector_load %arg9[%swap3A_30, %swap3A_31] {strides = array<i32>} : memref<24x128xi32, #tpu.memory_space<vmem>>, vector<16xi32>,
    tpu.vector_store %arg9[%swap3A_30, %swap3A_31], %gather3A_28 {strides = array<i32>} : memref<24x128xi32, #tpu.memory_space<vmem>>, vector<16xi32>,
    %get3A_33 = arith.constant 0 : i32
    %get3A_34 = arith.index_cast %get3A_33 : i32 to index
    %get3A_35 = arith.constant 48 : index
    %get3A_36 = tpu.vector_load %arg9[%get3A_34, %get3A_35] {strides = array<i32>} : memref<24x128xi32, #tpu.memory_space<vmem>>, vector<16xi32>,
    %gather3A_37 = tpu.vector_load_idx %arg8[%get3A_36] : memref<10000xi32, #tpu.memory_space<vmem>>[vector<16xi32>], vector<16xi32>,
    %swap3A_38 = arith.constant 0 : i32
    %swap3A_39 = arith.index_cast %swap3A_38 : i32 to index
    %swap3A_40 = arith.constant 48 : index
    %swap3A_41 = tpu.vector_load %arg9[%swap3A_39, %swap3A_40] {strides = array<i32>} : memref<24x128xi32, #tpu.memory_space<vmem>>, vector<16xi32>,
    tpu.vector_store %arg9[%swap3A_39, %swap3A_40], %gather3A_37 {strides = array<i32>} : memref<24x128xi32, #tpu.memory_space<vmem>>, vector<16xi32>,
    %get3A_42 = arith.constant 0 : i32
    %get3A_43 = arith.index_cast %get3A_42 : i32 to index
    %get3A_44 = arith.constant 64 : index
    %get3A_45 = tpu.vector_load %arg9[%get3A_43, %get3A_44] {strides = array<i32>} : memref<24x128xi32, #tpu.memory_space<vmem>>, vector<16xi32>,
    %gather3A_46 = tpu.vector_load_idx %arg8[%get3A_45] : memref<10000xi32, #tpu.memory_space<vmem>>[vector<16xi32>], vector<16xi32>,
    %swap3A_47 = arith.constant 0 : i32
    %swap3A_48 = arith.index_cast %swap3A_47 : i32 to index
    %swap3A_49 = arith.constant 64 : index
    %swap3A_50 = tpu.vector_load %arg9[%swap3A_48, %swap3A_49] {strides = array<i32>} : memref<24x128xi32, #tpu.memory_space<vmem>>, vector<16xi32>,
    tpu.vector_store %arg9[%swap3A_48, %swap3A_49], %gather3A_46 {strides = array<i32>} : memref<24x128xi32, #tpu.memory_space<vmem>>, vector<16xi32>,
    %get3A_51 = arith.constant 0 : i32
    %get3A_52 = arith.index_cast %get3A_51 : i32 to index
    %get3A_53 = arith.constant 80 : index
    %get3A_54 = tpu.vector_load %arg9[%get3A_52, %get3A_53] {strides = array<i32>} : memref<24x128xi32, #tpu.memory_space<vmem>>, vector<16xi32>,
    %gather3A_55 = tpu.vector_load_idx %arg8[%get3A_54] : memref<10000xi32, #tpu.memory_space<vmem>>[vector<16xi32>], vector<16xi32>,
    %swap3A_56 = arith.constant 0 : i32
    %swap3A_57 = arith.index_cast %swap3A_56 : i32 to index
    %swap3A_58 = arith.constant 80 : index
    %swap3A_59 = tpu.vector_load %arg9[%swap3A_57, %swap3A_58] {strides = array<i32>} : memref<24x128xi32, #tpu.memory_space<vmem>>, vector<16xi32>,
    tpu.vector_store %arg9[%swap3A_57, %swap3A_58], %gather3A_55 {strides = array<i32>} : memref<24x128xi32, #tpu.memory_space<vmem>>, vector<16xi32>,
    %get3A_60 = arith.constant 0 : i32
    %get3A_61 = arith.index_cast %get3A_60 : i32 to index
    %get3A_62 = arith.constant 96 : index
    %get3A_63 = tpu.vector_load %arg9[%get3A_61, %get3A_62] {strides = array<i32>} : memref<24x128xi32, #tpu.memory_space<vmem>>, vector<16xi32>,
    %gather3A_64 = tpu.vector_load_idx %arg8[%get3A_63] : memref<10000xi32, #tpu.memory_space<vmem>>[vector<16xi32>], vector<16xi32>,
    %swap3A_65 = arith.constant 0 : i32
    %swap3A_66 = arith.index_cast %swap3A_65 : i32 to index
    %swap3A_67 = arith.constant 96 : index
    %swap3A_68 = tpu.vector_load %arg9[%swap3A_66, %swap3A_67] {strides = array<i32>} : memref<24x128xi32, #tpu.memory_space<vmem>>, vector<16xi32>,
    tpu.vector_store %arg9[%swap3A_66, %swap3A_67], %gather3A_64 {strides = array<i32>} : memref<24x128xi32, #tpu.memory_space<vmem>>, vector<16xi32>,
    %get3A_69 = arith.constant 0 : i32
    %get3A_70 = arith.index_cast %get3A_69 : i32 to index
    %get3A_71 = arith.constant 112 : index
    %get3A_72 = tpu.vector_load %arg9[%get3A_70, %get3A_71] {strides = array<i32>} : memref<24x128xi32, #tpu.memory_space<vmem>>, vector<16xi32>,
    %gather3A_73 = tpu.vector_load_idx %arg8[%get3A_72] : memref<10000xi32, #tpu.memory_space<vmem>>[vector<16xi32>], vector<16xi32>,
    %swap3A_74 = arith.constant 0 : i32
    %swap3A_75 = arith.index_cast %swap3A_74 : i32 to index
    %swap3A_76 = arith.constant 112 : index
    %swap3A_77 = tpu.vector_load %arg9[%swap3A_75, %swap3A_76] {strides = array<i32>} : memref<24x128xi32, #tpu.memory_space<vmem>>, vector<16xi32>,
    tpu.vector_store %arg9[%swap3A_75, %swap3A_76], %gather3A_73 {strides = array<i32>} : memref<24x128xi32, #tpu.memory_space<vmem>>, vector<16xi32>,
    %dma_start3A = arith.constant 0 : i32
    %dma_start3A_78 = arith.constant 0 : i32
    %dma_start3A_79 = tpu.memref_slice %arg9[%dma_start3A, %dma_start3A_78] : memref<24x128xi32, #tpu.memory_space<vmem>> -> memref<1x128xi32, #tpu.memory_space<vmem>>
    %dma_start3A_80 = tpu.memref_squeeze %dma_start3A_79 : memref<1x128xi32, #tpu.memory_space<vmem>> -> memref<128xi32, #tpu.memory_space<vmem>>
    %dma_start3A_81 = arith.constant 0 : i32
    %dma_start3A_82 = arith.constant 0 : i32
    %dma_start3A_83 = tpu.memref_slice %arg2[%dma_start3A_81, %dma_start3A_82] : memref<10000x128xf32, #tpu.memory_space<hbm>> -> memref<10000x128xf32, #tpu.memory_space<hbm>>
    tpu.enqueue_indirect_dma source(%dma_start3A_83 : memref<10000x128xf32, #tpu.memory_space<hbm>>) target(%arg11 : memref<128x128xf32, #tpu.memory_space<vmem>>) offsets(%dma_start3A_80 : memref<128xi32, #tpu.memory_space<vmem>>) semaphore(%arg14 : memref<!tpu.dma_semaphore, #tpu.memory_space<semaphore_mem>>)
    %get3A_84 = arith.constant 1 : i32
    %get3A_85 = arith.index_cast %get3A_84 : i32 to index
    %get3A_86 = arith.constant 0 : index
    %get3A_87 = tpu.vector_load %arg9[%get3A_85, %get3A_86] {strides = array<i32>} : memref<24x128xi32, #tpu.memory_space<vmem>>, vector<16xi32>,
    %gather3A_88 = tpu.vector_load_idx %arg8[%get3A_87] : memref<10000xi32, #tpu.memory_space<vmem>>[vector<16xi32>], vector<16xi32>,
    %swap3A_89 = arith.constant 1 : i32
    %swap3A_90 = arith.index_cast %swap3A_89 : i32 to index
    %swap3A_91 = arith.constant 0 : index
    %swap3A_92 = tpu.vector_load %arg9[%swap3A_90, %swap3A_91] {strides = array<i32>} : memref<24x128xi32, #tpu.memory_space<vmem>>, vector<16xi32>,
    tpu.vector_store %arg9[%swap3A_90, %swap3A_91], %gather3A_88 {strides = array<i32>} : memref<24x128xi32, #tpu.memory_space<vmem>>, vector<16xi32>,
    %get3A_93 = arith.constant 1 : i32
    %get3A_94 = arith.index_cast %get3A_93 : i32 to index
    %get3A_95 = arith.constant 16 : index
    %get3A_96 = tpu.vector_load %arg9[%get3A_94, %get3A_95] {strides = array<i32>} : memref<24x128xi32, #tpu.memory_space<vmem>>, vector<16xi32>,
    %gather3A_97 = tpu.vector_load_idx %arg8[%get3A_96] : memref<10000xi32, #tpu.memory_space<vmem>>[vector<16xi32>], vector<16xi32>,
    %swap3A_98 = arith.constant 1 : i32
    %swap3A_99 = arith.index_cast %swap3A_98 : i32 to index
    %swap3A_100 = arith.constant 16 : index
    %swap3A_101 = tpu.vector_load %arg9[%swap3A_99, %swap3A_100] {strides = array<i32>} : memref<24x128xi32, #tpu.memory_space<vmem>>, vector<16xi32>,
    tpu.vector_store %arg9[%swap3A_99, %swap3A_100], %gather3A_97 {strides = array<i32>} : memref<24x128xi32, #tpu.memory_space<vmem>>, vector<16xi32>,
    %get3A_102 = arith.constant 1 : i32
    %get3A_103 = arith.index_cast %get3A_102 : i32 to index
    %get3A_104 = arith.constant 32 : index
    %get3A_105 = tpu.vector_load %arg9[%get3A_103, %get3A_104] {strides = array<i32>} : memref<24x128xi32, #tpu.memory_space<vmem>>, vector<16xi32>,
    %gather3A_106 = tpu.vector_load_idx %arg8[%get3A_105] : memref<10000xi32, #tpu.memory_space<vmem>>[vector<16xi32>], vector<16xi32>,
    %swap3A_107 = arith.constant 1 : i32
    %swap3A_108 = arith.index_cast %swap3A_107 : i32 to index
    %swap3A_109 = arith.constant 32 : index
    %swap3A_110 = tpu.vector_load %arg9[%swap3A_108, %swap3A_109] {strides = array<i32>} : memref<24x128xi32, #tpu.memory_space<vmem>>, vector<16xi32>,
    tpu.vector_store %arg9[%swap3A_108, %swap3A_109], %gather3A_106 {strides = array<i32>} : memref<24x128xi32, #tpu.memory_space<vmem>>, vector<16xi32>,
    %get3A_111 = arith.constant 1 : i32
    %get3A_112 = arith.index_cast %get3A_111 : i32 to index
    %get3A_113 = arith.constant 48 : index
    %get3A_114 = tpu.vector_load %arg9[%get3A_112, %get3A_113] {strides = array<i32>} : memref<24x128xi32, #tpu.memory_space<vmem>>, vector<16xi32>,
    %gather3A_115 = tpu.vector_load_idx %arg8[%get3A_114] : memref<10000xi32, #tpu.memory_space<vmem>>[vector<16xi32>], vector<16xi32>,
    %swap3A_116 = arith.constant 1 : i32
    %swap3A_117 = arith.index_cast %swap3A_116 : i32 to index
    %swap3A_118 = arith.constant 48 : index
    %swap3A_119 = tpu.vector_load %arg9[%swap3A_117, %swap3A_118] {strides = array<i32>} : memref<24x128xi32, #tpu.memory_space<vmem>>, vector<16xi32>,
    tpu.vector_store %arg9[%swap3A_117, %swap3A_118], %gather3A_115 {strides = array<i32>} : memref<24x128xi32, #tpu.memory_space<vmem>>, vector<16xi32>,
    %get3A_120 = arith.constant 1 : i32
    %get3A_121 = arith.index_cast %get3A_120 : i32 to index
    %get3A_122 = arith.constant 64 : index
    %get3A_123 = tpu.vector_load %arg9[%get3A_121, %get3A_122] {strides = array<i32>} : memref<24x128xi32, #tpu.memory_space<vmem>>, vector<16xi32>,
    %gather3A_124 = tpu.vector_load_idx %arg8[%get3A_123] : memref<10000xi32, #tpu.memory_space<vmem>>[vector<16xi32>], vector<16xi32>,
    %swap3A_125 = arith.constant 1 : i32
    %swap3A_126 = arith.index_cast %swap3A_125 : i32 to index
    %swap3A_127 = arith.constant 64 : index
    %swap3A_128 = tpu.vector_load %arg9[%swap3A_126, %swap3A_127] {strides = array<i32>} : memref<24x128xi32, #tpu.memory_space<vmem>>, vector<16xi32>,
    tpu.vector_store %arg9[%swap3A_126, %swap3A_127], %gather3A_124 {strides = array<i32>} : memref<24x128xi32, #tpu.memory_space<vmem>>, vector<16xi32>,
    %get3A_129 = arith.constant 1 : i32
    %get3A_130 = arith.index_cast %get3A_129 : i32 to index
    %get3A_131 = arith.constant 80 : index
    %get3A_132 = tpu.vector_load %arg9[%get3A_130, %get3A_131] {strides = array<i32>} : memref<24x128xi32, #tpu.memory_space<vmem>>, vector<16xi32>,
    %gather3A_133 = tpu.vector_load_idx %arg8[%get3A_132] : memref<10000xi32, #tpu.memory_space<vmem>>[vector<16xi32>], vector<16xi32>,
    %swap3A_134 = arith.constant 1 : i32
    %swap3A_135 = arith.index_cast %swap3A_134 : i32 to index
    %swap3A_136 = arith.constant 80 : index
    %swap3A_137 = tpu.vector_load %arg9[%swap3A_135, %swap3A_136] {strides = array<i32>} : memref<24x128xi32, #tpu.memory_space<vmem>>, vector<16xi32>,
    tpu.vector_store %arg9[%swap3A_135, %swap3A_136], %gather3A_133 {strides = array<i32>} : memref<24x128xi32, #tpu.memory_space<vmem>>, vector<16xi32>,
    %get3A_138 = arith.constant 1 : i32
    %get3A_139 = arith.index_cast %get3A_138 : i32 to index
    %get3A_140 = arith.constant 96 : index
    %get3A_141 = tpu.vector_load %arg9[%get3A_139, %get3A_140] {strides = array<i32>} : memref<24x128xi32, #tpu.memory_space<vmem>>, vector<16xi32>,
    %gather3A_142 = tpu.vector_load_idx %arg8[%get3A_141] : memref<10000xi32, #tpu.memory_space<vmem>>[vector<16xi32>], vector<16xi32>,
    %swap3A_143 = arith.constant 1 : i32
    %swap3A_144 = arith.index_cast %swap3A_143 : i32 to index
    %swap3A_145 = arith.constant 96 : index
    %swap3A_146 = tpu.vector_load %arg9[%swap3A_144, %swap3A_145] {strides = array<i32>} : memref<24x128xi32, #tpu.memory_space<vmem>>, vector<16xi32>,
    tpu.vector_store %arg9[%swap3A_144, %swap3A_145], %gather3A_142 {strides = array<i32>} : memref<24x128xi32, #tpu.memory_space<vmem>>, vector<16xi32>,
    %get3A_147 = arith.constant 1 : i32
    %get3A_148 = arith.index_cast %get3A_147 : i32 to index
    %get3A_149 = arith.constant 112 : index
    %get3A_150 = tpu.vector_load %arg9[%get3A_148, %get3A_149] {strides = array<i32>} : memref<24x128xi32, #tpu.memory_space<vmem>>, vector<16xi32>,
    %gather3A_151 = tpu.vector_load_idx %arg8[%get3A_150] : memref<10000xi32, #tpu.memory_space<vmem>>[vector<16xi32>], vector<16xi32>,
    %swap3A_152 = arith.constant 1 : i32
    %swap3A_153 = arith.index_cast %swap3A_152 : i32 to index
    %swap3A_154 = arith.constant 112 : index
    %swap3A_155 = tpu.vector_load %arg9[%swap3A_153, %swap3A_154] {strides = array<i32>} : memref<24x128xi32, #tpu.memory_space<vmem>>, vector<16xi32>,
    tpu.vector_store %arg9[%swap3A_153, %swap3A_154], %gather3A_151 {strides = array<i32>} : memref<24x128xi32, #tpu.memory_space<vmem>>, vector<16xi32>,
    %dma_start3A_156 = arith.constant 1 : i32
    %dma_start3A_157 = arith.constant 0 : i32
    %dma_start3A_158 = tpu.memref_slice %arg9[%dma_start3A_156, %dma_start3A_157] : memref<24x128xi32, #tpu.memory_space<vmem>> -> memref<1x128xi32, #tpu.memory_space<vmem>>
    %dma_start3A_159 = tpu.memref_squeeze %dma_start3A_158 : memref<1x128xi32, #tpu.memory_space<vmem>> -> memref<128xi32, #tpu.memory_space<vmem>>
    %dma_start3A_160 = arith.constant 0 : i32
    %dma_start3A_161 = arith.constant 0 : i32
    %dma_start3A_162 = tpu.memref_slice %arg2[%dma_start3A_160, %dma_start3A_161] : memref<10000x128xf32, #tpu.memory_space<hbm>> -> memref<10000x128xf32, #tpu.memory_space<hbm>>
    tpu.enqueue_indirect_dma source(%dma_start3A_162 : memref<10000x128xf32, #tpu.memory_space<hbm>>) target(%arg12 : memref<128x128xf32, #tpu.memory_space<vmem>>) offsets(%dma_start3A_159 : memref<128xi32, #tpu.memory_space<vmem>>) semaphore(%arg15 : memref<!tpu.dma_semaphore, #tpu.memory_space<semaphore_mem>>)
    %scan3A = arith.constant 0 : i32
    %scan3A_163 = arith.constant 0 : i32
    %scan3A_164 = arith.constant 12 : i32
    %scan3A_165 = arith.addi %scan3A_163, %scan3A_164 : i32
    %scan3A_166 = arith.constant 1 : i32
    scf.for %scan3A_682 = %scan3A_163 to %scan3A_165 step %scan3A_166  : i32 {
      %mul3A_683 = arith.constant 2 : i32
      %mul3A_684 = arith.muli %scan3A_682, %mul3A_683 : i32
      %add3A_685 = arith.constant 0 : i32
      %add3A_686 = arith.addi %mul3A_684, %add3A_685 : i32
      %dma_wait3A = arith.constant 0 : i32
      %dma_wait3A_687 = tpu.memref_slice %arg9[%add3A_686, %dma_wait3A] : memref<24x128xi32, #tpu.memory_space<vmem>> -> memref<1x128xi32, #tpu.memory_space<vmem>>
      %dma_wait3A_688 = tpu.memref_squeeze %dma_wait3A_687 : memref<1x128xi32, #tpu.memory_space<vmem>> -> memref<128xi32, #tpu.memory_space<vmem>>
      %dma_wait3A_689 = arith.constant 0 : i32
      %dma_wait3A_690 = arith.constant 0 : i32
      %dma_wait3A_691 = tpu.memref_slice %arg2[%dma_wait3A_689, %dma_wait3A_690] : memref<10000x128xf32, #tpu.memory_space<hbm>> -> memref<10000x128xf32, #tpu.memory_space<hbm>>
      tpu.wait_indirect_dma semaphore(%arg14 : memref<!tpu.dma_semaphore, #tpu.memory_space<semaphore_mem>>) src(%dma_wait3A_691 : memref<10000x128xf32, #tpu.memory_space<hbm>>) dst(%arg11 : memref<128x128xf32, #tpu.memory_space<vmem>>)
      "tpu.region"() ({
        %run_scoped3A = tpu.sem_alloc : memref<!tpu.dma_semaphore, #tpu.memory_space<semaphore_mem>>
        %dma_start3A_715 = arith.constant 0 : i32
        %dma_start3A_716 = tpu.memref_slice %arg10[%add3A_686, %dma_start3A_715] : memref<24x128xi32, #tpu.memory_space<vmem>> -> memref<1x128xi32, #tpu.memory_space<vmem>>
        %dma_start3A_717 = tpu.memref_squeeze %dma_start3A_716 : memref<1x128xi32, #tpu.memory_space<vmem>> -> memref<128xi32, #tpu.memory_space<vmem>>
        %dma_start3A_718 = arith.constant 0 : i32
        %dma_start3A_719 = arith.constant 0 : i32
        %dma_start3A_720 = tpu.memref_slice %arg13[%dma_start3A_718, %dma_start3A_719] : memref<10008x128xf32, #tpu.memory_space<vmem_shared>> -> memref<10008x128xf32, #tpu.memory_space<vmem_shared>>
        tpu.enqueue_indirect_dma source(%arg11 : memref<128x128xf32, #tpu.memory_space<vmem>>) target(%dma_start3A_720 : memref<10008x128xf32, #tpu.memory_space<vmem_shared>>) offsets(%dma_start3A_717 : memref<128xi32, #tpu.memory_space<vmem>>) semaphore(%run_scoped3A : memref<!tpu.dma_semaphore, #tpu.memory_space<semaphore_mem>>) {add = true}
        %dma_wait3A_721 = arith.constant 0 : i32
        %dma_wait3A_722 = tpu.memref_slice %arg10[%add3A_686, %dma_wait3A_721] : memref<24x128xi32, #tpu.memory_space<vmem>> -> memref<1x128xi32, #tpu.memory_space<vmem>>
        %dma_wait3A_723 = tpu.memref_squeeze %dma_wait3A_722 : memref<1x128xi32, #tpu.memory_space<vmem>> -> memref<128xi32, #tpu.memory_space<vmem>>
        %dma_wait3A_724 = arith.constant 0 : i32
        %dma_wait3A_725 = arith.constant 0 : i32
        %dma_wait3A_726 = tpu.memref_slice %arg13[%dma_wait3A_724, %dma_wait3A_725] : memref<10008x128xf32, #tpu.memory_space<vmem_shared>> -> memref<10008x128xf32, #tpu.memory_space<vmem_shared>>
        tpu.wait_indirect_dma semaphore(%run_scoped3A : memref<!tpu.dma_semaphore, #tpu.memory_space<semaphore_mem>>) src(%arg11 : memref<128x128xf32, #tpu.memory_space<vmem>>) dst(%dma_wait3A_726 : memref<10008x128xf32, #tpu.memory_space<vmem_shared>>)
        tpu.yield
      }) : () -> ()
      %add3A_692 = arith.constant 2 : i32
      %add3A_693 = arith.addi %add3A_686, %add3A_692 : i32
      %lt3A = arith.constant 24 : i32
      %lt3A_694 = arith.cmpi slt, %add3A_693, %lt3A : i32
      %convert_element_type3A_695 = arith.extui %lt3A_694 : i1 to i32
      %cond3A_696 = arith.constant 0 : i32
      %cond3A_697 = arith.cmpi ne, %convert_element_type3A_695, %cond3A_696 : i32
      scf.if %cond3A_697 {
        %add3A_715 = arith.constant 2 : i32
        %add3A_716 = arith.addi %add3A_686, %add3A_715 : i32
        %get3A_717 = arith.index_cast %add3A_716 : i32 to index
        %get3A_718 = arith.constant 0 : index
        %get3A_719 = tpu.vector_load %arg9[%get3A_717, %get3A_718] {strides = array<i32>} : memref<24x128xi32, #tpu.memory_space<vmem>>, vector<16xi32>,
        %gather3A_720 = tpu.vector_load_idx %arg8[%get3A_719] : memref<10000xi32, #tpu.memory_space<vmem>>[vector<16xi32>], vector<16xi32>,
        %swap3A_721 = arith.index_cast %add3A_716 : i32 to index
        %swap3A_722 = arith.constant 0 : index
        %swap3A_723 = tpu.vector_load %arg9[%swap3A_721, %swap3A_722] {strides = array<i32>} : memref<24x128xi32, #tpu.memory_space<vmem>>, vector<16xi32>,
        tpu.vector_store %arg9[%swap3A_721, %swap3A_722], %gather3A_720 {strides = array<i32>} : memref<24x128xi32, #tpu.memory_space<vmem>>, vector<16xi32>,
        %get3A_724 = arith.index_cast %add3A_716 : i32 to index
        %get3A_725 = arith.constant 16 : index
        %get3A_726 = tpu.vector_load %arg9[%get3A_724, %get3A_725] {strides = array<i32>} : memref<24x128xi32, #tpu.memory_space<vmem>>, vector<16xi32>,
        %gather3A_727 = tpu.vector_load_idx %arg8[%get3A_726] : memref<10000xi32, #tpu.memory_space<vmem>>[vector<16xi32>], vector<16xi32>,
        %swap3A_728 = arith.index_cast %add3A_716 : i32 to index
        %swap3A_729 = arith.constant 16 : index
        %swap3A_730 = tpu.vector_load %arg9[%swap3A_728, %swap3A_729] {strides = array<i32>} : memref<24x128xi32, #tpu.memory_space<vmem>>, vector<16xi32>,
        tpu.vector_store %arg9[%swap3A_728, %swap3A_729], %gather3A_727 {strides = array<i32>} : memref<24x128xi32, #tpu.memory_space<vmem>>, vector<16xi32>,
        %get3A_731 = arith.index_cast %add3A_716 : i32 to index
        %get3A_732 = arith.constant 32 : index
        %get3A_733 = tpu.vector_load %arg9[%get3A_731, %get3A_732] {strides = array<i32>} : memref<24x128xi32, #tpu.memory_space<vmem>>, vector<16xi32>,
        %gather3A_734 = tpu.vector_load_idx %arg8[%get3A_733] : memref<10000xi32, #tpu.memory_space<vmem>>[vector<16xi32>], vector<16xi32>,
        %swap3A_735 = arith.index_cast %add3A_716 : i32 to index
        %swap3A_736 = arith.constant 32 : index
        %swap3A_737 = tpu.vector_load %arg9[%swap3A_735, %swap3A_736] {strides = array<i32>} : memref<24x128xi32, #tpu.memory_space<vmem>>, vector<16xi32>,
        tpu.vector_store %arg9[%swap3A_735, %swap3A_736], %gather3A_734 {strides = array<i32>} : memref<24x128xi32, #tpu.memory_space<vmem>>, vector<16xi32>,
        %get3A_738 = arith.index_cast %add3A_716 : i32 to index
        %get3A_739 = arith.constant 48 : index
        %get3A_740 = tpu.vector_load %arg9[%get3A_738, %get3A_739] {strides = array<i32>} : memref<24x128xi32, #tpu.memory_space<vmem>>, vector<16xi32>,
        %gather3A_741 = tpu.vector_load_idx %arg8[%get3A_740] : memref<10000xi32, #tpu.memory_space<vmem>>[vector<16xi32>], vector<16xi32>,
        %swap3A_742 = arith.index_cast %add3A_716 : i32 to index
        %swap3A_743 = arith.constant 48 : index
        %swap3A_744 = tpu.vector_load %arg9[%swap3A_742, %swap3A_743] {strides = array<i32>} : memref<24x128xi32, #tpu.memory_space<vmem>>, vector<16xi32>,
        tpu.vector_store %arg9[%swap3A_742, %swap3A_743], %gather3A_741 {strides = array<i32>} : memref<24x128xi32, #tpu.memory_space<vmem>>, vector<16xi32>,
        %get3A_745 = arith.index_cast %add3A_716 : i32 to index
        %get3A_746 = arith.constant 64 : index
        %get3A_747 = tpu.vector_load %arg9[%get3A_745, %get3A_746] {strides = array<i32>} : memref<24x128xi32, #tpu.memory_space<vmem>>, vector<16xi32>,
        %gather3A_748 = tpu.vector_load_idx %arg8[%get3A_747] : memref<10000xi32, #tpu.memory_space<vmem>>[vector<16xi32>], vector<16xi32>,
        %swap3A_749 = arith.index_cast %add3A_716 : i32 to index
        %swap3A_750 = arith.constant 64 : index
        %swap3A_751 = tpu.vector_load %arg9[%swap3A_749, %swap3A_750] {strides = array<i32>} : memref<24x128xi32, #tpu.memory_space<vmem>>, vector<16xi32>,
        tpu.vector_store %arg9[%swap3A_749, %swap3A_750], %gather3A_748 {strides = array<i32>} : memref<24x128xi32, #tpu.memory_space<vmem>>, vector<16xi32>,
        %get3A_752 = arith.index_cast %add3A_716 : i32 to index
        %get3A_753 = arith.constant 80 : index
        %get3A_754 = tpu.vector_load %arg9[%get3A_752, %get3A_753] {strides = array<i32>} : memref<24x128xi32, #tpu.memory_space<vmem>>, vector<16xi32>,
        %gather3A_755 = tpu.vector_load_idx %arg8[%get3A_754] : memref<10000xi32, #tpu.memory_space<vmem>>[vector<16xi32>], vector<16xi32>,
        %swap3A_756 = arith.index_cast %add3A_716 : i32 to index
        %swap3A_757 = arith.constant 80 : index
        %swap3A_758 = tpu.vector_load %arg9[%swap3A_756, %swap3A_757] {strides = array<i32>} : memref<24x128xi32, #tpu.memory_space<vmem>>, vector<16xi32>,
        tpu.vector_store %arg9[%swap3A_756, %swap3A_757], %gather3A_755 {strides = array<i32>} : memref<24x128xi32, #tpu.memory_space<vmem>>, vector<16xi32>,
        %get3A_759 = arith.index_cast %add3A_716 : i32 to index
        %get3A_760 = arith.constant 96 : index
        %get3A_761 = tpu.vector_load %arg9[%get3A_759, %get3A_760] {strides = array<i32>} : memref<24x128xi32, #tpu.memory_space<vmem>>, vector<16xi32>,
        %gather3A_762 = tpu.vector_load_idx %arg8[%get3A_761] : memref<10000xi32, #tpu.memory_space<vmem>>[vector<16xi32>], vector<16xi32>,
        %swap3A_763 = arith.index_cast %add3A_716 : i32 to index
        %swap3A_764 = arith.constant 96 : index
        %swap3A_765 = tpu.vector_load %arg9[%swap3A_763, %swap3A_764] {strides = array<i32>} : memref<24x128xi32, #tpu.memory_space<vmem>>, vector<16xi32>,
        tpu.vector_store %arg9[%swap3A_763, %swap3A_764], %gather3A_762 {strides = array<i32>} : memref<24x128xi32, #tpu.memory_space<vmem>>, vector<16xi32>,
        %get3A_766 = arith.index_cast %add3A_716 : i32 to index
        %get3A_767 = arith.constant 112 : index
        %get3A_768 = tpu.vector_load %arg9[%get3A_766, %get3A_767] {strides = array<i32>} : memref<24x128xi32, #tpu.memory_space<vmem>>, vector<16xi32>,
        %gather3A_769 = tpu.vector_load_idx %arg8[%get3A_768] : memref<10000xi32, #tpu.memory_space<vmem>>[vector<16xi32>], vector<16xi32>,
        %swap3A_770 = arith.index_cast %add3A_716 : i32 to index
        %swap3A_771 = arith.constant 112 : index
        %swap3A_772 = tpu.vector_load %arg9[%swap3A_770, %swap3A_771] {strides = array<i32>} : memref<24x128xi32, #tpu.memory_space<vmem>>, vector<16xi32>,
        tpu.vector_store %arg9[%swap3A_770, %swap3A_771], %gather3A_769 {strides = array<i32>} : memref<24x128xi32, #tpu.memory_space<vmem>>, vector<16xi32>,
        %add3A_773 = arith.constant 2 : i32
        %add3A_774 = arith.addi %add3A_686, %add3A_773 : i32
        %dma_start3A_775 = arith.constant 0 : i32
        %dma_start3A_776 = tpu.memref_slice %arg9[%add3A_774, %dma_start3A_775] : memref<24x128xi32, #tpu.memory_space<vmem>> -> memref<1x128xi32, #tpu.memory_space<vmem>>
        %dma_start3A_777 = tpu.memref_squeeze %dma_start3A_776 : memref<1x128xi32, #tpu.memory_space<vmem>> -> memref<128xi32, #tpu.memory_space<vmem>>
        %dma_start3A_778 = arith.constant 0 : i32
        %dma_start3A_779 = arith.constant 0 : i32
        %dma_start3A_780 = tpu.memref_slice %arg2[%dma_start3A_778, %dma_start3A_779] : memref<10000x128xf32, #tpu.memory_space<hbm>> -> memref<10000x128xf32, #tpu.memory_space<hbm>>
        tpu.enqueue_indirect_dma source(%dma_start3A_780 : memref<10000x128xf32, #tpu.memory_space<hbm>>) target(%arg11 : memref<128x128xf32, #tpu.memory_space<vmem>>) offsets(%dma_start3A_777 : memref<128xi32, #tpu.memory_space<vmem>>) semaphore(%arg14 : memref<!tpu.dma_semaphore, #tpu.memory_space<semaphore_mem>>)
      } else {
      }
      %mul3A_698 = arith.constant 2 : i32
      %mul3A_699 = arith.muli %scan3A_682, %mul3A_698 : i32
      %add3A_700 = arith.constant 1 : i32
      %add3A_701 = arith.addi %mul3A_699, %add3A_700 : i32
      %dma_wait3A_702 = arith.constant 0 : i32
      %dma_wait3A_703 = tpu.memref_slice %arg9[%add3A_701, %dma_wait3A_702] : memref<24x128xi32, #tpu.memory_space<vmem>> -> memref<1x128xi32, #tpu.memory_space<vmem>>
      %dma_wait3A_704 = tpu.memref_squeeze %dma_wait3A_703 : memref<1x128xi32, #tpu.memory_space<vmem>> -> memref<128xi32, #tpu.memory_space<vmem>>
      %dma_wait3A_705 = arith.constant 0 : i32
      %dma_wait3A_706 = arith.constant 0 : i32
      %dma_wait3A_707 = tpu.memref_slice %arg2[%dma_wait3A_705, %dma_wait3A_706] : memref<10000x128xf32, #tpu.memory_space<hbm>> -> memref<10000x128xf32, #tpu.memory_space<hbm>>
      tpu.wait_indirect_dma semaphore(%arg15 : memref<!tpu.dma_semaphore, #tpu.memory_space<semaphore_mem>>) src(%dma_wait3A_707 : memref<10000x128xf32, #tpu.memory_space<hbm>>) dst(%arg12 : memref<128x128xf32, #tpu.memory_space<vmem>>)
      "tpu.region"() ({
        %run_scoped3A = tpu.sem_alloc : memref<!tpu.dma_semaphore, #tpu.memory_space<semaphore_mem>>
        %dma_start3A_715 = arith.constant 0 : i32
        %dma_start3A_716 = tpu.memref_slice %arg10[%add3A_701, %dma_start3A_715] : memref<24x128xi32, #tpu.memory_space<vmem>> -> memref<1x128xi32, #tpu.memory_space<vmem>>
        %dma_start3A_717 = tpu.memref_squeeze %dma_start3A_716 : memref<1x128xi32, #tpu.memory_space<vmem>> -> memref<128xi32, #tpu.memory_space<vmem>>
        %dma_start3A_718 = arith.constant 0 : i32
        %dma_start3A_719 = arith.constant 0 : i32
        %dma_start3A_720 = tpu.memref_slice %arg13[%dma_start3A_718, %dma_start3A_719] : memref<10008x128xf32, #tpu.memory_space<vmem_shared>> -> memref<10008x128xf32, #tpu.memory_space<vmem_shared>>
        tpu.enqueue_indirect_dma source(%arg12 : memref<128x128xf32, #tpu.memory_space<vmem>>) target(%dma_start3A_720 : memref<10008x128xf32, #tpu.memory_space<vmem_shared>>) offsets(%dma_start3A_717 : memref<128xi32, #tpu.memory_space<vmem>>) semaphore(%run_scoped3A : memref<!tpu.dma_semaphore, #tpu.memory_space<semaphore_mem>>) {add = true}
        %dma_wait3A_721 = arith.constant 0 : i32
        %dma_wait3A_722 = tpu.memref_slice %arg10[%add3A_701, %dma_wait3A_721] : memref<24x128xi32, #tpu.memory_space<vmem>> -> memref<1x128xi32, #tpu.memory_space<vmem>>
        %dma_wait3A_723 = tpu.memref_squeeze %dma_wait3A_722 : memref<1x128xi32, #tpu.memory_space<vmem>> -> memref<128xi32, #tpu.memory_space<vmem>>
        %dma_wait3A_724 = arith.constant 0 : i32
        %dma_wait3A_725 = arith.constant 0 : i32
        %dma_wait3A_726 = tpu.memref_slice %arg13[%dma_wait3A_724, %dma_wait3A_725] : memref<10008x128xf32, #tpu.memory_space<vmem_shared>> -> memref<10008x128xf32, #tpu.memory_space<vmem_shared>>
        tpu.wait_indirect_dma semaphore(%run_scoped3A : memref<!tpu.dma_semaphore, #tpu.memory_space<semaphore_mem>>) src(%arg12 : memref<128x128xf32, #tpu.memory_space<vmem>>) dst(%dma_wait3A_726 : memref<10008x128xf32, #tpu.memory_space<vmem_shared>>)
        tpu.yield
      }) : () -> ()
      %add3A_708 = arith.constant 2 : i32
      %add3A_709 = arith.addi %add3A_701, %add3A_708 : i32
      %lt3A_710 = arith.constant 24 : i32
      %lt3A_711 = arith.cmpi slt, %add3A_709, %lt3A_710 : i32
      %convert_element_type3A_712 = arith.extui %lt3A_711 : i1 to i32
      %cond3A_713 = arith.constant 0 : i32
      %cond3A_714 = arith.cmpi ne, %convert_element_type3A_712, %cond3A_713 : i32
      scf.if %cond3A_714 {
        %add3A_715 = arith.constant 2 : i32
        %add3A_716 = arith.addi %add3A_701, %add3A_715 : i32
        %get3A_717 = arith.index_cast %add3A_716 : i32 to index
        %get3A_718 = arith.constant 0 : index
        %get3A_719 = tpu.vector_load %arg9[%get3A_717, %get3A_718] {strides = array<i32>} : memref<24x128xi32, #tpu.memory_space<vmem>>, vector<16xi32>,
        %gather3A_720 = tpu.vector_load_idx %arg8[%get3A_719] : memref<10000xi32, #tpu.memory_space<vmem>>[vector<16xi32>], vector<16xi32>,
        %swap3A_721 = arith.index_cast %add3A_716 : i32 to index
        %swap3A_722 = arith.constant 0 : index
        %swap3A_723 = tpu.vector_load %arg9[%swap3A_721, %swap3A_722] {strides = array<i32>} : memref<24x128xi32, #tpu.memory_space<vmem>>, vector<16xi32>,
        tpu.vector_store %arg9[%swap3A_721, %swap3A_722], %gather3A_720 {strides = array<i32>} : memref<24x128xi32, #tpu.memory_space<vmem>>, vector<16xi32>,
        %get3A_724 = arith.index_cast %add3A_716 : i32 to index
        %get3A_725 = arith.constant 16 : index
        %get3A_726 = tpu.vector_load %arg9[%get3A_724, %get3A_725] {strides = array<i32>} : memref<24x128xi32, #tpu.memory_space<vmem>>, vector<16xi32>,
        %gather3A_727 = tpu.vector_load_idx %arg8[%get3A_726] : memref<10000xi32, #tpu.memory_space<vmem>>[vector<16xi32>], vector<16xi32>,
        %swap3A_728 = arith.index_cast %add3A_716 : i32 to index
        %swap3A_729 = arith.constant 16 : index
        %swap3A_730 = tpu.vector_load %arg9[%swap3A_728, %swap3A_729] {strides = array<i32>} : memref<24x128xi32, #tpu.memory_space<vmem>>, vector<16xi32>,
        tpu.vector_store %arg9[%swap3A_728, %swap3A_729], %gather3A_727 {strides = array<i32>} : memref<24x128xi32, #tpu.memory_space<vmem>>, vector<16xi32>,
        %get3A_731 = arith.index_cast %add3A_716 : i32 to index
        %get3A_732 = arith.constant 32 : index
        %get3A_733 = tpu.vector_load %arg9[%get3A_731, %get3A_732] {strides = array<i32>} : memref<24x128xi32, #tpu.memory_space<vmem>>, vector<16xi32>,
        %gather3A_734 = tpu.vector_load_idx %arg8[%get3A_733] : memref<10000xi32, #tpu.memory_space<vmem>>[vector<16xi32>], vector<16xi32>,
        %swap3A_735 = arith.index_cast %add3A_716 : i32 to index
        %swap3A_736 = arith.constant 32 : index
        %swap3A_737 = tpu.vector_load %arg9[%swap3A_735, %swap3A_736] {strides = array<i32>} : memref<24x128xi32, #tpu.memory_space<vmem>>, vector<16xi32>,
        tpu.vector_store %arg9[%swap3A_735, %swap3A_736], %gather3A_734 {strides = array<i32>} : memref<24x128xi32, #tpu.memory_space<vmem>>, vector<16xi32>,
        %get3A_738 = arith.index_cast %add3A_716 : i32 to index
        %get3A_739 = arith.constant 48 : index
        %get3A_740 = tpu.vector_load %arg9[%get3A_738, %get3A_739] {strides = array<i32>} : memref<24x128xi32, #tpu.memory_space<vmem>>, vector<16xi32>,
        %gather3A_741 = tpu.vector_load_idx %arg8[%get3A_740] : memref<10000xi32, #tpu.memory_space<vmem>>[vector<16xi32>], vector<16xi32>,
        %swap3A_742 = arith.index_cast %add3A_716 : i32 to index
        %swap3A_743 = arith.constant 48 : index
        %swap3A_744 = tpu.vector_load %arg9[%swap3A_742, %swap3A_743] {strides = array<i32>} : memref<24x128xi32, #tpu.memory_space<vmem>>, vector<16xi32>,
        tpu.vector_store %arg9[%swap3A_742, %swap3A_743], %gather3A_741 {strides = array<i32>} : memref<24x128xi32, #tpu.memory_space<vmem>>, vector<16xi32>,
        %get3A_745 = arith.index_cast %add3A_716 : i32 to index
        %get3A_746 = arith.constant 64 : index
        %get3A_747 = tpu.vector_load %arg9[%get3A_745, %get3A_746] {strides = array<i32>} : memref<24x128xi32, #tpu.memory_space<vmem>>, vector<16xi32>,
        %gather3A_748 = tpu.vector_load_idx %arg8[%get3A_747] : memref<10000xi32, #tpu.memory_space<vmem>>[vector<16xi32>], vector<16xi32>,
        %swap3A_749 = arith.index_cast %add3A_716 : i32 to index
        %swap3A_750 = arith.constant 64 : index
        %swap3A_751 = tpu.vector_load %arg9[%swap3A_749, %swap3A_750] {strides = array<i32>} : memref<24x128xi32, #tpu.memory_space<vmem>>, vector<16xi32>,
        tpu.vector_store %arg9[%swap3A_749, %swap3A_750], %gather3A_748 {strides = array<i32>} : memref<24x128xi32, #tpu.memory_space<vmem>>, vector<16xi32>,
        %get3A_752 = arith.index_cast %add3A_716 : i32 to index
        %get3A_753 = arith.constant 80 : index
        %get3A_754 = tpu.vector_load %arg9[%get3A_752, %get3A_753] {strides = array<i32>} : memref<24x128xi32, #tpu.memory_space<vmem>>, vector<16xi32>,
        %gather3A_755 = tpu.vector_load_idx %arg8[%get3A_754] : memref<10000xi32, #tpu.memory_space<vmem>>[vector<16xi32>], vector<16xi32>,
        %swap3A_756 = arith.index_cast %add3A_716 : i32 to index
        %swap3A_757 = arith.constant 80 : index
        %swap3A_758 = tpu.vector_load %arg9[%swap3A_756, %swap3A_757] {strides = array<i32>} : memref<24x128xi32, #tpu.memory_space<vmem>>, vector<16xi32>,
        tpu.vector_store %arg9[%swap3A_756, %swap3A_757], %gather3A_755 {strides = array<i32>} : memref<24x128xi32, #tpu.memory_space<vmem>>, vector<16xi32>,
        %get3A_759 = arith.index_cast %add3A_716 : i32 to index
        %get3A_760 = arith.constant 96 : index
        %get3A_761 = tpu.vector_load %arg9[%get3A_759, %get3A_760] {strides = array<i32>} : memref<24x128xi32, #tpu.memory_space<vmem>>, vector<16xi32>,
        %gather3A_762 = tpu.vector_load_idx %arg8[%get3A_761] : memref<10000xi32, #tpu.memory_space<vmem>>[vector<16xi32>], vector<16xi32>,
        %swap3A_763 = arith.index_cast %add3A_716 : i32 to index
        %swap3A_764 = arith.constant 96 : index
        %swap3A_765 = tpu.vector_load %arg9[%swap3A_763, %swap3A_764] {strides = array<i32>} : memref<24x128xi32, #tpu.memory_space<vmem>>, vector<16xi32>,
        tpu.vector_store %arg9[%swap3A_763, %swap3A_764], %gather3A_762 {strides = array<i32>} : memref<24x128xi32, #tpu.memory_space<vmem>>, vector<16xi32>,
        %get3A_766 = arith.index_cast %add3A_716 : i32 to index
        %get3A_767 = arith.constant 112 : index
        %get3A_768 = tpu.vector_load %arg9[%get3A_766, %get3A_767] {strides = array<i32>} : memref<24x128xi32, #tpu.memory_space<vmem>>, vector<16xi32>,
        %gather3A_769 = tpu.vector_load_idx %arg8[%get3A_768] : memref<10000xi32, #tpu.memory_space<vmem>>[vector<16xi32>], vector<16xi32>,
        %swap3A_770 = arith.index_cast %add3A_716 : i32 to index
        %swap3A_771 = arith.constant 112 : index
        %swap3A_772 = tpu.vector_load %arg9[%swap3A_770, %swap3A_771] {strides = array<i32>} : memref<24x128xi32, #tpu.memory_space<vmem>>, vector<16xi32>,
        tpu.vector_store %arg9[%swap3A_770, %swap3A_771], %gather3A_769 {strides = array<i32>} : memref<24x128xi32, #tpu.memory_space<vmem>>, vector<16xi32>,
        %add3A_773 = arith.constant 2 : i32
        %add3A_774 = arith.addi %add3A_701, %add3A_773 : i32
        %dma_start3A_775 = arith.constant 0 : i32
        %dma_start3A_776 = tpu.memref_slice %arg9[%add3A_774, %dma_start3A_775] : memref<24x128xi32, #tpu.memory_space<vmem>> -> memref<1x128xi32, #tpu.memory_space<vmem>>
        %dma_start3A_777 = tpu.memref_squeeze %dma_start3A_776 : memref<1x128xi32, #tpu.memory_space<vmem>> -> memref<128xi32, #tpu.memory_space<vmem>>
        %dma_start3A_778 = arith.constant 0 : i32
        %dma_start3A_779 = arith.constant 0 : i32
        %dma_start3A_780 = tpu.memref_slice %arg2[%dma_start3A_778, %dma_start3A_779] : memref<10000x128xf32, #tpu.memory_space<hbm>> -> memref<10000x128xf32, #tpu.memory_space<hbm>>
        tpu.enqueue_indirect_dma source(%dma_start3A_780 : memref<10000x128xf32, #tpu.memory_space<hbm>>) target(%arg12 : memref<128x128xf32, #tpu.memory_space<vmem>>) offsets(%dma_start3A_777 : memref<128xi32, #tpu.memory_space<vmem>>) semaphore(%arg15 : memref<!tpu.dma_semaphore, #tpu.memory_space<semaphore_mem>>)
      } else {
      }
    }
    %scan3A_167 = arith.constant 12 : i32
    %mul3A_168 = arith.constant 80 : i32
    %mul3A_169 = arith.muli %add3A, %mul3A_168 : i32
    %add3A_170 = arith.constant 24 : i32
    %add3A_171 = arith.addi %mul3A_169, %add3A_170 : i32
    "tpu.region"() ({
      %run_scoped3A = tpu.sem_alloc : memref<!tpu.dma_semaphore, #tpu.memory_space<semaphore_mem>>
      %dma_start3A_682 = arith.constant 0 : i32
      %dma_start3A_683 = arith.constant 0 : i32
      %dma_start3A_684 = tpu.memref_slice %arg9[%dma_start3A_682, %dma_start3A_683] : memref<24x128xi32, #tpu.memory_space<vmem>> -> memref<24x128xi32, #tpu.memory_space<vmem>>
      %dma_start3A_685 = arith.constant 0 : i32
      %dma_start3A_686 = tpu.memref_slice %arg4[%add3A_171, %dma_start3A_685] : memref<2560x128xi32, #tpu.memory_space<hbm>> -> memref<24x128xi32, #tpu.memory_space<hbm>>
      %dma_start3A_687 = arith.constant 0 : i32
      %dma_start3A_688 = arith.constant 0 : i32
      %dma_start3A_689 = tpu.memref_slice %arg9[%dma_start3A_687, %dma_start3A_688] : memref<24x128xi32, #tpu.memory_space<vmem>> -> memref<24x128xi32, #tpu.memory_space<vmem>>
      %dma_start3A_690 = arith.constant 0 : i32
      %dma_start3A_691 = tpu.memref_slice %arg4[%add3A_171, %dma_start3A_690] : memref<2560x128xi32, #tpu.memory_space<hbm>> -> memref<24x128xi32, #tpu.memory_space<hbm>>
      tpu.enqueue_dma source(%dma_start3A_691 : memref<24x128xi32, #tpu.memory_space<hbm>>) target(%dma_start3A_689 : memref<24x128xi32, #tpu.memory_space<vmem>>) target_semaphore(%run_scoped3A : memref<!tpu.dma_semaphore, #tpu.memory_space<semaphore_mem>>)
      %dma_wait3A = arith.constant 0 : i32
      %dma_wait3A_692 = arith.constant 0 : i32
      %dma_wait3A_693 = tpu.memref_slice %arg9[%dma_wait3A, %dma_wait3A_692] : memref<24x128xi32, #tpu.memory_space<vmem>> -> memref<24x128xi32, #tpu.memory_space<vmem>>
      %dma_wait3A_694 = arith.constant 0 : i32
      %dma_wait3A_695 = tpu.memref_slice %arg4[%add3A_171, %dma_wait3A_694] : memref<2560x128xi32, #tpu.memory_space<hbm>> -> memref<24x128xi32, #tpu.memory_space<hbm>>
      %dma_wait3A_696 = arith.constant 0 : i32
      %dma_wait3A_697 = arith.constant 0 : i32
      %dma_wait3A_698 = tpu.memref_slice %arg9[%dma_wait3A_696, %dma_wait3A_697] : memref<24x128xi32, #tpu.memory_space<vmem>> -> memref<24x128xi32, #tpu.memory_space<vmem>>
      %dma_wait3A_699 = arith.constant 0 : i32
      %dma_wait3A_700 = tpu.memref_slice %arg4[%add3A_171, %dma_wait3A_699] : memref<2560x128xi32, #tpu.memory_space<hbm>> -> memref<24x128xi32, #tpu.memory_space<hbm>>
      tpu.wait_dma2 semaphore(%run_scoped3A : memref<!tpu.dma_semaphore, #tpu.memory_space<semaphore_mem>>) src(%dma_wait3A_700 : memref<24x128xi32, #tpu.memory_space<hbm>>) dst(%dma_wait3A_698 : memref<24x128xi32, #tpu.memory_space<vmem>>)
      tpu.yield
    }) : () -> ()
    "tpu.region"() ({
      %run_scoped3A = tpu.sem_alloc : memref<!tpu.dma_semaphore, #tpu.memory_space<semaphore_mem>>
      %dma_start3A_682 = arith.constant 0 : i32
      %dma_start3A_683 = arith.constant 0 : i32
      %dma_start3A_684 = tpu.memref_slice %arg10[%dma_start3A_682, %dma_start3A_683] : memref<24x128xi32, #tpu.memory_space<vmem>> -> memref<24x128xi32, #tpu.memory_space<vmem>>
      %dma_start3A_685 = arith.constant 0 : i32
      %dma_start3A_686 = tpu.memref_slice %arg5[%add3A_171, %dma_start3A_685] : memref<2560x128xi32, #tpu.memory_space<hbm>> -> memref<24x128xi32, #tpu.memory_space<hbm>>
      %dma_start3A_687 = arith.constant 0 : i32
      %dma_start3A_688 = arith.constant 0 : i32
      %dma_start3A_689 = tpu.memref_slice %arg10[%dma_start3A_687, %dma_start3A_688] : memref<24x128xi32, #tpu.memory_space<vmem>> -> memref<24x128xi32, #tpu.memory_space<vmem>>
      %dma_start3A_690 = arith.constant 0 : i32
      %dma_start3A_691 = tpu.memref_slice %arg5[%add3A_171, %dma_start3A_690] : memref<2560x128xi32, #tpu.memory_space<hbm>> -> memref<24x128xi32, #tpu.memory_space<hbm>>
      tpu.enqueue_dma source(%dma_start3A_691 : memref<24x128xi32, #tpu.memory_space<hbm>>) target(%dma_start3A_689 : memref<24x128xi32, #tpu.memory_space<vmem>>) target_semaphore(%run_scoped3A : memref<!tpu.dma_semaphore, #tpu.memory_space<semaphore_mem>>)
      %dma_wait3A = arith.constant 0 : i32
      %dma_wait3A_692 = arith.constant 0 : i32
      %dma_wait3A_693 = tpu.memref_slice %arg10[%dma_wait3A, %dma_wait3A_692] : memref<24x128xi32, #tpu.memory_space<vmem>> -> memref<24x128xi32, #tpu.memory_space<vmem>>
      %dma_wait3A_694 = arith.constant 0 : i32
      %dma_wait3A_695 = tpu.memref_slice %arg5[%add3A_171, %dma_wait3A_694] : memref<2560x128xi32, #tpu.memory_space<hbm>> -> memref<24x128xi32, #tpu.memory_space<hbm>>
      %dma_wait3A_696 = arith.constant 0 : i32
      %dma_wait3A_697 = arith.constant 0 : i32
      %dma_wait3A_698 = tpu.memref_slice %arg10[%dma_wait3A_696, %dma_wait3A_697] : memref<24x128xi32, #tpu.memory_space<vmem>> -> memref<24x128xi32, #tpu.memory_space<vmem>>
      %dma_wait3A_699 = arith.constant 0 : i32
      %dma_wait3A_700 = tpu.memref_slice %arg5[%add3A_171, %dma_wait3A_699] : memref<2560x128xi32, #tpu.memory_space<hbm>> -> memref<24x128xi32, #tpu.memory_space<hbm>>
      tpu.wait_dma2 semaphore(%run_scoped3A : memref<!tpu.dma_semaphore, #tpu.memory_space<semaphore_mem>>) src(%dma_wait3A_700 : memref<24x128xi32, #tpu.memory_space<hbm>>) dst(%dma_wait3A_698 : memref<24x128xi32, #tpu.memory_space<vmem>>)
      tpu.yield
    }) : () -> ()
    %get3A_172 = arith.constant 0 : i32
    %get3A_173 = arith.index_cast %get3A_172 : i32 to index
    %get3A_174 = arith.constant 0 : index
    %get3A_175 = tpu.vector_load %arg9[%get3A_173, %get3A_174] {strides = array<i32>} : memref<24x128xi32, #tpu.memory_space<vmem>>, vector<16xi32>,
    %gather3A_176 = tpu.vector_load_idx %arg8[%get3A_175] : memref<10000xi32, #tpu.memory_space<vmem>>[vector<16xi32>], vector<16xi32>,
    %swap3A_177 = arith.constant 0 : i32
    %swap3A_178 = arith.index_cast %swap3A_177 : i32 to index
    %swap3A_179 = arith.constant 0 : index
    %swap3A_180 = tpu.vector_load %arg9[%swap3A_178, %swap3A_179] {strides = array<i32>} : memref<24x128xi32, #tpu.memory_space<vmem>>, vector<16xi32>,
    tpu.vector_store %arg9[%swap3A_178, %swap3A_179], %gather3A_176 {strides = array<i32>} : memref<24x128xi32, #tpu.memory_space<vmem>>, vector<16xi32>,
    %get3A_181 = arith.constant 0 : i32
    %get3A_182 = arith.index_cast %get3A_181 : i32 to index
    %get3A_183 = arith.constant 16 : index
    %get3A_184 = tpu.vector_load %arg9[%get3A_182, %get3A_183] {strides = array<i32>} : memref<24x128xi32, #tpu.memory_space<vmem>>, vector<16xi32>,
    %gather3A_185 = tpu.vector_load_idx %arg8[%get3A_184] : memref<10000xi32, #tpu.memory_space<vmem>>[vector<16xi32>], vector<16xi32>,
    %swap3A_186 = arith.constant 0 : i32
    %swap3A_187 = arith.index_cast %swap3A_186 : i32 to index
    %swap3A_188 = arith.constant 16 : index
    %swap3A_189 = tpu.vector_load %arg9[%swap3A_187, %swap3A_188] {strides = array<i32>} : memref<24x128xi32, #tpu.memory_space<vmem>>, vector<16xi32>,
    tpu.vector_store %arg9[%swap3A_187, %swap3A_188], %gather3A_185 {strides = array<i32>} : memref<24x128xi32, #tpu.memory_space<vmem>>, vector<16xi32>,
    %get3A_190 = arith.constant 0 : i32
    %get3A_191 = arith.index_cast %get3A_190 : i32 to index
    %get3A_192 = arith.constant 32 : index
    %get3A_193 = tpu.vector_load %arg9[%get3A_191, %get3A_192] {strides = array<i32>} : memref<24x128xi32, #tpu.memory_space<vmem>>, vector<16xi32>,
    %gather3A_194 = tpu.vector_load_idx %arg8[%get3A_193] : memref<10000xi32, #tpu.memory_space<vmem>>[vector<16xi32>], vector<16xi32>,
    %swap3A_195 = arith.constant 0 : i32
    %swap3A_196 = arith.index_cast %swap3A_195 : i32 to index
    %swap3A_197 = arith.constant 32 : index
    %swap3A_198 = tpu.vector_load %arg9[%swap3A_196, %swap3A_197] {strides = array<i32>} : memref<24x128xi32, #tpu.memory_space<vmem>>, vector<16xi32>,
    tpu.vector_store %arg9[%swap3A_196, %swap3A_197], %gather3A_194 {strides = array<i32>} : memref<24x128xi32, #tpu.memory_space<vmem>>, vector<16xi32>,
    %get3A_199 = arith.constant 0 : i32
    %get3A_200 = arith.index_cast %get3A_199 : i32 to index
    %get3A_201 = arith.constant 48 : index
    %get3A_202 = tpu.vector_load %arg9[%get3A_200, %get3A_201] {strides = array<i32>} : memref<24x128xi32, #tpu.memory_space<vmem>>, vector<16xi32>,
    %gather3A_203 = tpu.vector_load_idx %arg8[%get3A_202] : memref<10000xi32, #tpu.memory_space<vmem>>[vector<16xi32>], vector<16xi32>,
    %swap3A_204 = arith.constant 0 : i32
    %swap3A_205 = arith.index_cast %swap3A_204 : i32 to index
    %swap3A_206 = arith.constant 48 : index
    %swap3A_207 = tpu.vector_load %arg9[%swap3A_205, %swap3A_206] {strides = array<i32>} : memref<24x128xi32, #tpu.memory_space<vmem>>, vector<16xi32>,
    tpu.vector_store %arg9[%swap3A_205, %swap3A_206], %gather3A_203 {strides = array<i32>} : memref<24x128xi32, #tpu.memory_space<vmem>>, vector<16xi32>,
    %get3A_208 = arith.constant 0 : i32
    %get3A_209 = arith.index_cast %get3A_208 : i32 to index
    %get3A_210 = arith.constant 64 : index
    %get3A_211 = tpu.vector_load %arg9[%get3A_209, %get3A_210] {strides = array<i32>} : memref<24x128xi32, #tpu.memory_space<vmem>>, vector<16xi32>,
    %gather3A_212 = tpu.vector_load_idx %arg8[%get3A_211] : memref<10000xi32, #tpu.memory_space<vmem>>[vector<16xi32>], vector<16xi32>,
    %swap3A_213 = arith.constant 0 : i32
    %swap3A_214 = arith.index_cast %swap3A_213 : i32 to index
    %swap3A_215 = arith.constant 64 : index
    %swap3A_216 = tpu.vector_load %arg9[%swap3A_214, %swap3A_215] {strides = array<i32>} : memref<24x128xi32, #tpu.memory_space<vmem>>, vector<16xi32>,
    tpu.vector_store %arg9[%swap3A_214, %swap3A_215], %gather3A_212 {strides = array<i32>} : memref<24x128xi32, #tpu.memory_space<vmem>>, vector<16xi32>,
    %get3A_217 = arith.constant 0 : i32
    %get3A_218 = arith.index_cast %get3A_217 : i32 to index
    %get3A_219 = arith.constant 80 : index
    %get3A_220 = tpu.vector_load %arg9[%get3A_218, %get3A_219] {strides = array<i32>} : memref<24x128xi32, #tpu.memory_space<vmem>>, vector<16xi32>,
    %gather3A_221 = tpu.vector_load_idx %arg8[%get3A_220] : memref<10000xi32, #tpu.memory_space<vmem>>[vector<16xi32>], vector<16xi32>,
    %swap3A_222 = arith.constant 0 : i32
    %swap3A_223 = arith.index_cast %swap3A_222 : i32 to index
    %swap3A_224 = arith.constant 80 : index
    %swap3A_225 = tpu.vector_load %arg9[%swap3A_223, %swap3A_224] {strides = array<i32>} : memref<24x128xi32, #tpu.memory_space<vmem>>, vector<16xi32>,
    tpu.vector_store %arg9[%swap3A_223, %swap3A_224], %gather3A_221 {strides = array<i32>} : memref<24x128xi32, #tpu.memory_space<vmem>>, vector<16xi32>,
    %get3A_226 = arith.constant 0 : i32
    %get3A_227 = arith.index_cast %get3A_226 : i32 to index
    %get3A_228 = arith.constant 96 : index
    %get3A_229 = tpu.vector_load %arg9[%get3A_227, %get3A_228] {strides = array<i32>} : memref<24x128xi32, #tpu.memory_space<vmem>>, vector<16xi32>,
    %gather3A_230 = tpu.vector_load_idx %arg8[%get3A_229] : memref<10000xi32, #tpu.memory_space<vmem>>[vector<16xi32>], vector<16xi32>,
    %swap3A_231 = arith.constant 0 : i32
    %swap3A_232 = arith.index_cast %swap3A_231 : i32 to index
    %swap3A_233 = arith.constant 96 : index
    %swap3A_234 = tpu.vector_load %arg9[%swap3A_232, %swap3A_233] {strides = array<i32>} : memref<24x128xi32, #tpu.memory_space<vmem>>, vector<16xi32>,
    tpu.vector_store %arg9[%swap3A_232, %swap3A_233], %gather3A_230 {strides = array<i32>} : memref<24x128xi32, #tpu.memory_space<vmem>>, vector<16xi32>,
    %get3A_235 = arith.constant 0 : i32
    %get3A_236 = arith.index_cast %get3A_235 : i32 to index
    %get3A_237 = arith.constant 112 : index
    %get3A_238 = tpu.vector_load %arg9[%get3A_236, %get3A_237] {strides = array<i32>} : memref<24x128xi32, #tpu.memory_space<vmem>>, vector<16xi32>,
    %gather3A_239 = tpu.vector_load_idx %arg8[%get3A_238] : memref<10000xi32, #tpu.memory_space<vmem>>[vector<16xi32>], vector<16xi32>,
    %swap3A_240 = arith.constant 0 : i32
    %swap3A_241 = arith.index_cast %swap3A_240 : i32 to index
    %swap3A_242 = arith.constant 112 : index
    %swap3A_243 = tpu.vector_load %arg9[%swap3A_241, %swap3A_242] {strides = array<i32>} : memref<24x128xi32, #tpu.memory_space<vmem>>, vector<16xi32>,
    tpu.vector_store %arg9[%swap3A_241, %swap3A_242], %gather3A_239 {strides = array<i32>} : memref<24x128xi32, #tpu.memory_space<vmem>>, vector<16xi32>,
    %dma_start3A_244 = arith.constant 0 : i32
    %dma_start3A_245 = arith.constant 0 : i32
    %dma_start3A_246 = tpu.memref_slice %arg9[%dma_start3A_244, %dma_start3A_245] : memref<24x128xi32, #tpu.memory_space<vmem>> -> memref<1x128xi32, #tpu.memory_space<vmem>>
    %dma_start3A_247 = tpu.memref_squeeze %dma_start3A_246 : memref<1x128xi32, #tpu.memory_space<vmem>> -> memref<128xi32, #tpu.memory_space<vmem>>
    %dma_start3A_248 = arith.constant 0 : i32
    %dma_start3A_249 = arith.constant 0 : i32
    %dma_start3A_250 = tpu.memref_slice %arg2[%dma_start3A_248, %dma_start3A_249] : memref<10000x128xf32, #tpu.memory_space<hbm>> -> memref<10000x128xf32, #tpu.memory_space<hbm>>
    tpu.enqueue_indirect_dma source(%dma_start3A_250 : memref<10000x128xf32, #tpu.memory_space<hbm>>) target(%arg11 : memref<128x128xf32, #tpu.memory_space<vmem>>) offsets(%dma_start3A_247 : memref<128xi32, #tpu.memory_space<vmem>>) semaphore(%arg14 : memref<!tpu.dma_semaphore, #tpu.memory_space<semaphore_mem>>)
    %get3A_251 = arith.constant 1 : i32
    %get3A_252 = arith.index_cast %get3A_251 : i32 to index
    %get3A_253 = arith.constant 0 : index
    %get3A_254 = tpu.vector_load %arg9[%get3A_252, %get3A_253] {strides = array<i32>} : memref<24x128xi32, #tpu.memory_space<vmem>>, vector<16xi32>,
    %gather3A_255 = tpu.vector_load_idx %arg8[%get3A_254] : memref<10000xi32, #tpu.memory_space<vmem>>[vector<16xi32>], vector<16xi32>,
    %swap3A_256 = arith.constant 1 : i32
    %swap3A_257 = arith.index_cast %swap3A_256 : i32 to index
    %swap3A_258 = arith.constant 0 : index
    %swap3A_259 = tpu.vector_load %arg9[%swap3A_257, %swap3A_258] {strides = array<i32>} : memref<24x128xi32, #tpu.memory_space<vmem>>, vector<16xi32>,
    tpu.vector_store %arg9[%swap3A_257, %swap3A_258], %gather3A_255 {strides = array<i32>} : memref<24x128xi32, #tpu.memory_space<vmem>>, vector<16xi32>,
    %get3A_260 = arith.constant 1 : i32
    %get3A_261 = arith.index_cast %get3A_260 : i32 to index
    %get3A_262 = arith.constant 16 : index
    %get3A_263 = tpu.vector_load %arg9[%get3A_261, %get3A_262] {strides = array<i32>} : memref<24x128xi32, #tpu.memory_space<vmem>>, vector<16xi32>,
    %gather3A_264 = tpu.vector_load_idx %arg8[%get3A_263] : memref<10000xi32, #tpu.memory_space<vmem>>[vector<16xi32>], vector<16xi32>,
    %swap3A_265 = arith.constant 1 : i32
    %swap3A_266 = arith.index_cast %swap3A_265 : i32 to index
    %swap3A_267 = arith.constant 16 : index
    %swap3A_268 = tpu.vector_load %arg9[%swap3A_266, %swap3A_267] {strides = array<i32>} : memref<24x128xi32, #tpu.memory_space<vmem>>, vector<16xi32>,
    tpu.vector_store %arg9[%swap3A_266, %swap3A_267], %gather3A_264 {strides = array<i32>} : memref<24x128xi32, #tpu.memory_space<vmem>>, vector<16xi32>,
    %get3A_269 = arith.constant 1 : i32
    %get3A_270 = arith.index_cast %get3A_269 : i32 to index
    %get3A_271 = arith.constant 32 : index
    %get3A_272 = tpu.vector_load %arg9[%get3A_270, %get3A_271] {strides = array<i32>} : memref<24x128xi32, #tpu.memory_space<vmem>>, vector<16xi32>,
    %gather3A_273 = tpu.vector_load_idx %arg8[%get3A_272] : memref<10000xi32, #tpu.memory_space<vmem>>[vector<16xi32>], vector<16xi32>,
    %swap3A_274 = arith.constant 1 : i32
    %swap3A_275 = arith.index_cast %swap3A_274 : i32 to index
    %swap3A_276 = arith.constant 32 : index
    %swap3A_277 = tpu.vector_load %arg9[%swap3A_275, %swap3A_276] {strides = array<i32>} : memref<24x128xi32, #tpu.memory_space<vmem>>, vector<16xi32>,
    tpu.vector_store %arg9[%swap3A_275, %swap3A_276], %gather3A_273 {strides = array<i32>} : memref<24x128xi32, #tpu.memory_space<vmem>>, vector<16xi32>,
    %get3A_278 = arith.constant 1 : i32
    %get3A_279 = arith.index_cast %get3A_278 : i32 to index
    %get3A_280 = arith.constant 48 : index
    %get3A_281 = tpu.vector_load %arg9[%get3A_279, %get3A_280] {strides = array<i32>} : memref<24x128xi32, #tpu.memory_space<vmem>>, vector<16xi32>,
    %gather3A_282 = tpu.vector_load_idx %arg8[%get3A_281] : memref<10000xi32, #tpu.memory_space<vmem>>[vector<16xi32>], vector<16xi32>,
    %swap3A_283 = arith.constant 1 : i32
    %swap3A_284 = arith.index_cast %swap3A_283 : i32 to index
    %swap3A_285 = arith.constant 48 : index
    %swap3A_286 = tpu.vector_load %arg9[%swap3A_284, %swap3A_285] {strides = array<i32>} : memref<24x128xi32, #tpu.memory_space<vmem>>, vector<16xi32>,
    tpu.vector_store %arg9[%swap3A_284, %swap3A_285], %gather3A_282 {strides = array<i32>} : memref<24x128xi32, #tpu.memory_space<vmem>>, vector<16xi32>,
    %get3A_287 = arith.constant 1 : i32
    %get3A_288 = arith.index_cast %get3A_287 : i32 to index
    %get3A_289 = arith.constant 64 : index
    %get3A_290 = tpu.vector_load %arg9[%get3A_288, %get3A_289] {strides = array<i32>} : memref<24x128xi32, #tpu.memory_space<vmem>>, vector<16xi32>,
    %gather3A_291 = tpu.vector_load_idx %arg8[%get3A_290] : memref<10000xi32, #tpu.memory_space<vmem>>[vector<16xi32>], vector<16xi32>,
    %swap3A_292 = arith.constant 1 : i32
    %swap3A_293 = arith.index_cast %swap3A_292 : i32 to index
    %swap3A_294 = arith.constant 64 : index
    %swap3A_295 = tpu.vector_load %arg9[%swap3A_293, %swap3A_294] {strides = array<i32>} : memref<24x128xi32, #tpu.memory_space<vmem>>, vector<16xi32>,
    tpu.vector_store %arg9[%swap3A_293, %swap3A_294], %gather3A_291 {strides = array<i32>} : memref<24x128xi32, #tpu.memory_space<vmem>>, vector<16xi32>,
    %get3A_296 = arith.constant 1 : i32
    %get3A_297 = arith.index_cast %get3A_296 : i32 to index
    %get3A_298 = arith.constant 80 : index
    %get3A_299 = tpu.vector_load %arg9[%get3A_297, %get3A_298] {strides = array<i32>} : memref<24x128xi32, #tpu.memory_space<vmem>>, vector<16xi32>,
    %gather3A_300 = tpu.vector_load_idx %arg8[%get3A_299] : memref<10000xi32, #tpu.memory_space<vmem>>[vector<16xi32>], vector<16xi32>,
    %swap3A_301 = arith.constant 1 : i32
    %swap3A_302 = arith.index_cast %swap3A_301 : i32 to index
    %swap3A_303 = arith.constant 80 : index
    %swap3A_304 = tpu.vector_load %arg9[%swap3A_302, %swap3A_303] {strides = array<i32>} : memref<24x128xi32, #tpu.memory_space<vmem>>, vector<16xi32>,
    tpu.vector_store %arg9[%swap3A_302, %swap3A_303], %gather3A_300 {strides = array<i32>} : memref<24x128xi32, #tpu.memory_space<vmem>>, vector<16xi32>,
    %get3A_305 = arith.constant 1 : i32
    %get3A_306 = arith.index_cast %get3A_305 : i32 to index
    %get3A_307 = arith.constant 96 : index
    %get3A_308 = tpu.vector_load %arg9[%get3A_306, %get3A_307] {strides = array<i32>} : memref<24x128xi32, #tpu.memory_space<vmem>>, vector<16xi32>,
    %gather3A_309 = tpu.vector_load_idx %arg8[%get3A_308] : memref<10000xi32, #tpu.memory_space<vmem>>[vector<16xi32>], vector<16xi32>,
    %swap3A_310 = arith.constant 1 : i32
    %swap3A_311 = arith.index_cast %swap3A_310 : i32 to index
    %swap3A_312 = arith.constant 96 : index
    %swap3A_313 = tpu.vector_load %arg9[%swap3A_311, %swap3A_312] {strides = array<i32>} : memref<24x128xi32, #tpu.memory_space<vmem>>, vector<16xi32>,
    tpu.vector_store %arg9[%swap3A_311, %swap3A_312], %gather3A_309 {strides = array<i32>} : memref<24x128xi32, #tpu.memory_space<vmem>>, vector<16xi32>,
    %get3A_314 = arith.constant 1 : i32
    %get3A_315 = arith.index_cast %get3A_314 : i32 to index
    %get3A_316 = arith.constant 112 : index
    %get3A_317 = tpu.vector_load %arg9[%get3A_315, %get3A_316] {strides = array<i32>} : memref<24x128xi32, #tpu.memory_space<vmem>>, vector<16xi32>,
    %gather3A_318 = tpu.vector_load_idx %arg8[%get3A_317] : memref<10000xi32, #tpu.memory_space<vmem>>[vector<16xi32>], vector<16xi32>,
    %swap3A_319 = arith.constant 1 : i32
    %swap3A_320 = arith.index_cast %swap3A_319 : i32 to index
    %swap3A_321 = arith.constant 112 : index
    %swap3A_322 = tpu.vector_load %arg9[%swap3A_320, %swap3A_321] {strides = array<i32>} : memref<24x128xi32, #tpu.memory_space<vmem>>, vector<16xi32>,
    tpu.vector_store %arg9[%swap3A_320, %swap3A_321], %gather3A_318 {strides = array<i32>} : memref<24x128xi32, #tpu.memory_space<vmem>>, vector<16xi32>,
    %dma_start3A_323 = arith.constant 1 : i32
    %dma_start3A_324 = arith.constant 0 : i32
    %dma_start3A_325 = tpu.memref_slice %arg9[%dma_start3A_323, %dma_start3A_324] : memref<24x128xi32, #tpu.memory_space<vmem>> -> memref<1x128xi32, #tpu.memory_space<vmem>>
    %dma_start3A_326 = tpu.memref_squeeze %dma_start3A_325 : memref<1x128xi32, #tpu.memory_space<vmem>> -> memref<128xi32, #tpu.memory_space<vmem>>
    %dma_start3A_327 = arith.constant 0 : i32
    %dma_start3A_328 = arith.constant 0 : i32
    %dma_start3A_329 = tpu.memref_slice %arg2[%dma_start3A_327, %dma_start3A_328] : memref<10000x128xf32, #tpu.memory_space<hbm>> -> memref<10000x128xf32, #tpu.memory_space<hbm>>
    tpu.enqueue_indirect_dma source(%dma_start3A_329 : memref<10000x128xf32, #tpu.memory_space<hbm>>) target(%arg12 : memref<128x128xf32, #tpu.memory_space<vmem>>) offsets(%dma_start3A_326 : memref<128xi32, #tpu.memory_space<vmem>>) semaphore(%arg15 : memref<!tpu.dma_semaphore, #tpu.memory_space<semaphore_mem>>)
    %scan3A_330 = arith.constant 0 : i32
    %scan3A_331 = arith.constant 0 : i32
    %scan3A_332 = arith.constant 12 : i32
    %scan3A_333 = arith.addi %scan3A_331, %scan3A_332 : i32
    %scan3A_334 = arith.constant 1 : i32
    scf.for %scan3A_682 = %scan3A_331 to %scan3A_333 step %scan3A_334  : i32 {
      %mul3A_683 = arith.constant 2 : i32
      %mul3A_684 = arith.muli %scan3A_682, %mul3A_683 : i32
      %add3A_685 = arith.constant 0 : i32
      %add3A_686 = arith.addi %mul3A_684, %add3A_685 : i32
      %dma_wait3A = arith.constant 0 : i32
      %dma_wait3A_687 = tpu.memref_slice %arg9[%add3A_686, %dma_wait3A] : memref<24x128xi32, #tpu.memory_space<vmem>> -> memref<1x128xi32, #tpu.memory_space<vmem>>
      %dma_wait3A_688 = tpu.memref_squeeze %dma_wait3A_687 : memref<1x128xi32, #tpu.memory_space<vmem>> -> memref<128xi32, #tpu.memory_space<vmem>>
      %dma_wait3A_689 = arith.constant 0 : i32
      %dma_wait3A_690 = arith.constant 0 : i32
      %dma_wait3A_691 = tpu.memref_slice %arg2[%dma_wait3A_689, %dma_wait3A_690] : memref<10000x128xf32, #tpu.memory_space<hbm>> -> memref<10000x128xf32, #tpu.memory_space<hbm>>
      tpu.wait_indirect_dma semaphore(%arg14 : memref<!tpu.dma_semaphore, #tpu.memory_space<semaphore_mem>>) src(%dma_wait3A_691 : memref<10000x128xf32, #tpu.memory_space<hbm>>) dst(%arg11 : memref<128x128xf32, #tpu.memory_space<vmem>>)
      "tpu.region"() ({
        %run_scoped3A = tpu.sem_alloc : memref<!tpu.dma_semaphore, #tpu.memory_space<semaphore_mem>>
        %dma_start3A_715 = arith.constant 0 : i32
        %dma_start3A_716 = tpu.memref_slice %arg10[%add3A_686, %dma_start3A_715] : memref<24x128xi32, #tpu.memory_space<vmem>> -> memref<1x128xi32, #tpu.memory_space<vmem>>
        %dma_start3A_717 = tpu.memref_squeeze %dma_start3A_716 : memref<1x128xi32, #tpu.memory_space<vmem>> -> memref<128xi32, #tpu.memory_space<vmem>>
        %dma_start3A_718 = arith.constant 0 : i32
        %dma_start3A_719 = arith.constant 0 : i32
        %dma_start3A_720 = tpu.memref_slice %arg13[%dma_start3A_718, %dma_start3A_719] : memref<10008x128xf32, #tpu.memory_space<vmem_shared>> -> memref<10008x128xf32, #tpu.memory_space<vmem_shared>>
        tpu.enqueue_indirect_dma source(%arg11 : memref<128x128xf32, #tpu.memory_space<vmem>>) target(%dma_start3A_720 : memref<10008x128xf32, #tpu.memory_space<vmem_shared>>) offsets(%dma_start3A_717 : memref<128xi32, #tpu.memory_space<vmem>>) semaphore(%run_scoped3A : memref<!tpu.dma_semaphore, #tpu.memory_space<semaphore_mem>>) {add = true}
        %dma_wait3A_721 = arith.constant 0 : i32
        %dma_wait3A_722 = tpu.memref_slice %arg10[%add3A_686, %dma_wait3A_721] : memref<24x128xi32, #tpu.memory_space<vmem>> -> memref<1x128xi32, #tpu.memory_space<vmem>>
        %dma_wait3A_723 = tpu.memref_squeeze %dma_wait3A_722 : memref<1x128xi32, #tpu.memory_space<vmem>> -> memref<128xi32, #tpu.memory_space<vmem>>
        %dma_wait3A_724 = arith.constant 0 : i32
        %dma_wait3A_725 = arith.constant 0 : i32
        %dma_wait3A_726 = tpu.memref_slice %arg13[%dma_wait3A_724, %dma_wait3A_725] : memref<10008x128xf32, #tpu.memory_space<vmem_shared>> -> memref<10008x128xf32, #tpu.memory_space<vmem_shared>>
        tpu.wait_indirect_dma semaphore(%run_scoped3A : memref<!tpu.dma_semaphore, #tpu.memory_space<semaphore_mem>>) src(%arg11 : memref<128x128xf32, #tpu.memory_space<vmem>>) dst(%dma_wait3A_726 : memref<10008x128xf32, #tpu.memory_space<vmem_shared>>)
        tpu.yield
      }) : () -> ()
      %add3A_692 = arith.constant 2 : i32
      %add3A_693 = arith.addi %add3A_686, %add3A_692 : i32
      %lt3A = arith.constant 24 : i32
      %lt3A_694 = arith.cmpi slt, %add3A_693, %lt3A : i32
      %convert_element_type3A_695 = arith.extui %lt3A_694 : i1 to i32
      %cond3A_696 = arith.constant 0 : i32
      %cond3A_697 = arith.cmpi ne, %convert_element_type3A_695, %cond3A_696 : i32
      scf.if %cond3A_697 {
        %add3A_715 = arith.constant 2 : i32
        %add3A_716 = arith.addi %add3A_686, %add3A_715 : i32
        %get3A_717 = arith.index_cast %add3A_716 : i32 to index
        %get3A_718 = arith.constant 0 : index
        %get3A_719 = tpu.vector_load %arg9[%get3A_717, %get3A_718] {strides = array<i32>} : memref<24x128xi32, #tpu.memory_space<vmem>>, vector<16xi32>,
        %gather3A_720 = tpu.vector_load_idx %arg8[%get3A_719] : memref<10000xi32, #tpu.memory_space<vmem>>[vector<16xi32>], vector<16xi32>,
        %swap3A_721 = arith.index_cast %add3A_716 : i32 to index
        %swap3A_722 = arith.constant 0 : index
        %swap3A_723 = tpu.vector_load %arg9[%swap3A_721, %swap3A_722] {strides = array<i32>} : memref<24x128xi32, #tpu.memory_space<vmem>>, vector<16xi32>,
        tpu.vector_store %arg9[%swap3A_721, %swap3A_722], %gather3A_720 {strides = array<i32>} : memref<24x128xi32, #tpu.memory_space<vmem>>, vector<16xi32>,
        %get3A_724 = arith.index_cast %add3A_716 : i32 to index
        %get3A_725 = arith.constant 16 : index
        %get3A_726 = tpu.vector_load %arg9[%get3A_724, %get3A_725] {strides = array<i32>} : memref<24x128xi32, #tpu.memory_space<vmem>>, vector<16xi32>,
        %gather3A_727 = tpu.vector_load_idx %arg8[%get3A_726] : memref<10000xi32, #tpu.memory_space<vmem>>[vector<16xi32>], vector<16xi32>,
        %swap3A_728 = arith.index_cast %add3A_716 : i32 to index
        %swap3A_729 = arith.constant 16 : index
        %swap3A_730 = tpu.vector_load %arg9[%swap3A_728, %swap3A_729] {strides = array<i32>} : memref<24x128xi32, #tpu.memory_space<vmem>>, vector<16xi32>,
        tpu.vector_store %arg9[%swap3A_728, %swap3A_729], %gather3A_727 {strides = array<i32>} : memref<24x128xi32, #tpu.memory_space<vmem>>, vector<16xi32>,
        %get3A_731 = arith.index_cast %add3A_716 : i32 to index
        %get3A_732 = arith.constant 32 : index
        %get3A_733 = tpu.vector_load %arg9[%get3A_731, %get3A_732] {strides = array<i32>} : memref<24x128xi32, #tpu.memory_space<vmem>>, vector<16xi32>,
        %gather3A_734 = tpu.vector_load_idx %arg8[%get3A_733] : memref<10000xi32, #tpu.memory_space<vmem>>[vector<16xi32>], vector<16xi32>,
        %swap3A_735 = arith.index_cast %add3A_716 : i32 to index
        %swap3A_736 = arith.constant 32 : index
        %swap3A_737 = tpu.vector_load %arg9[%swap3A_735, %swap3A_736] {strides = array<i32>} : memref<24x128xi32, #tpu.memory_space<vmem>>, vector<16xi32>,
        tpu.vector_store %arg9[%swap3A_735, %swap3A_736], %gather3A_734 {strides = array<i32>} : memref<24x128xi32, #tpu.memory_space<vmem>>, vector<16xi32>,
        %get3A_738 = arith.index_cast %add3A_716 : i32 to index
        %get3A_739 = arith.constant 48 : index
        %get3A_740 = tpu.vector_load %arg9[%get3A_738, %get3A_739] {strides = array<i32>} : memref<24x128xi32, #tpu.memory_space<vmem>>, vector<16xi32>,
        %gather3A_741 = tpu.vector_load_idx %arg8[%get3A_740] : memref<10000xi32, #tpu.memory_space<vmem>>[vector<16xi32>], vector<16xi32>,
        %swap3A_742 = arith.index_cast %add3A_716 : i32 to index
        %swap3A_743 = arith.constant 48 : index
        %swap3A_744 = tpu.vector_load %arg9[%swap3A_742, %swap3A_743] {strides = array<i32>} : memref<24x128xi32, #tpu.memory_space<vmem>>, vector<16xi32>,
        tpu.vector_store %arg9[%swap3A_742, %swap3A_743], %gather3A_741 {strides = array<i32>} : memref<24x128xi32, #tpu.memory_space<vmem>>, vector<16xi32>,
        %get3A_745 = arith.index_cast %add3A_716 : i32 to index
        %get3A_746 = arith.constant 64 : index
        %get3A_747 = tpu.vector_load %arg9[%get3A_745, %get3A_746] {strides = array<i32>} : memref<24x128xi32, #tpu.memory_space<vmem>>, vector<16xi32>,
        %gather3A_748 = tpu.vector_load_idx %arg8[%get3A_747] : memref<10000xi32, #tpu.memory_space<vmem>>[vector<16xi32>], vector<16xi32>,
        %swap3A_749 = arith.index_cast %add3A_716 : i32 to index
        %swap3A_750 = arith.constant 64 : index
        %swap3A_751 = tpu.vector_load %arg9[%swap3A_749, %swap3A_750] {strides = array<i32>} : memref<24x128xi32, #tpu.memory_space<vmem>>, vector<16xi32>,
        tpu.vector_store %arg9[%swap3A_749, %swap3A_750], %gather3A_748 {strides = array<i32>} : memref<24x128xi32, #tpu.memory_space<vmem>>, vector<16xi32>,
        %get3A_752 = arith.index_cast %add3A_716 : i32 to index
        %get3A_753 = arith.constant 80 : index
        %get3A_754 = tpu.vector_load %arg9[%get3A_752, %get3A_753] {strides = array<i32>} : memref<24x128xi32, #tpu.memory_space<vmem>>, vector<16xi32>,
        %gather3A_755 = tpu.vector_load_idx %arg8[%get3A_754] : memref<10000xi32, #tpu.memory_space<vmem>>[vector<16xi32>], vector<16xi32>,
        %swap3A_756 = arith.index_cast %add3A_716 : i32 to index
        %swap3A_757 = arith.constant 80 : index
        %swap3A_758 = tpu.vector_load %arg9[%swap3A_756, %swap3A_757] {strides = array<i32>} : memref<24x128xi32, #tpu.memory_space<vmem>>, vector<16xi32>,
        tpu.vector_store %arg9[%swap3A_756, %swap3A_757], %gather3A_755 {strides = array<i32>} : memref<24x128xi32, #tpu.memory_space<vmem>>, vector<16xi32>,
        %get3A_759 = arith.index_cast %add3A_716 : i32 to index
        %get3A_760 = arith.constant 96 : index
        %get3A_761 = tpu.vector_load %arg9[%get3A_759, %get3A_760] {strides = array<i32>} : memref<24x128xi32, #tpu.memory_space<vmem>>, vector<16xi32>,
        %gather3A_762 = tpu.vector_load_idx %arg8[%get3A_761] : memref<10000xi32, #tpu.memory_space<vmem>>[vector<16xi32>], vector<16xi32>,
        %swap3A_763 = arith.index_cast %add3A_716 : i32 to index
        %swap3A_764 = arith.constant 96 : index
        %swap3A_765 = tpu.vector_load %arg9[%swap3A_763, %swap3A_764] {strides = array<i32>} : memref<24x128xi32, #tpu.memory_space<vmem>>, vector<16xi32>,
        tpu.vector_store %arg9[%swap3A_763, %swap3A_764], %gather3A_762 {strides = array<i32>} : memref<24x128xi32, #tpu.memory_space<vmem>>, vector<16xi32>,
        %get3A_766 = arith.index_cast %add3A_716 : i32 to index
        %get3A_767 = arith.constant 112 : index
        %get3A_768 = tpu.vector_load %arg9[%get3A_766, %get3A_767] {strides = array<i32>} : memref<24x128xi32, #tpu.memory_space<vmem>>, vector<16xi32>,
        %gather3A_769 = tpu.vector_load_idx %arg8[%get3A_768] : memref<10000xi32, #tpu.memory_space<vmem>>[vector<16xi32>], vector<16xi32>,
        %swap3A_770 = arith.index_cast %add3A_716 : i32 to index
        %swap3A_771 = arith.constant 112 : index
        %swap3A_772 = tpu.vector_load %arg9[%swap3A_770, %swap3A_771] {strides = array<i32>} : memref<24x128xi32, #tpu.memory_space<vmem>>, vector<16xi32>,
        tpu.vector_store %arg9[%swap3A_770, %swap3A_771], %gather3A_769 {strides = array<i32>} : memref<24x128xi32, #tpu.memory_space<vmem>>, vector<16xi32>,
        %add3A_773 = arith.constant 2 : i32
        %add3A_774 = arith.addi %add3A_686, %add3A_773 : i32
        %dma_start3A_775 = arith.constant 0 : i32
        %dma_start3A_776 = tpu.memref_slice %arg9[%add3A_774, %dma_start3A_775] : memref<24x128xi32, #tpu.memory_space<vmem>> -> memref<1x128xi32, #tpu.memory_space<vmem>>
        %dma_start3A_777 = tpu.memref_squeeze %dma_start3A_776 : memref<1x128xi32, #tpu.memory_space<vmem>> -> memref<128xi32, #tpu.memory_space<vmem>>
        %dma_start3A_778 = arith.constant 0 : i32
        %dma_start3A_779 = arith.constant 0 : i32
        %dma_start3A_780 = tpu.memref_slice %arg2[%dma_start3A_778, %dma_start3A_779] : memref<10000x128xf32, #tpu.memory_space<hbm>> -> memref<10000x128xf32, #tpu.memory_space<hbm>>
        tpu.enqueue_indirect_dma source(%dma_start3A_780 : memref<10000x128xf32, #tpu.memory_space<hbm>>) target(%arg11 : memref<128x128xf32, #tpu.memory_space<vmem>>) offsets(%dma_start3A_777 : memref<128xi32, #tpu.memory_space<vmem>>) semaphore(%arg14 : memref<!tpu.dma_semaphore, #tpu.memory_space<semaphore_mem>>)
      } else {
      }
      %mul3A_698 = arith.constant 2 : i32
      %mul3A_699 = arith.muli %scan3A_682, %mul3A_698 : i32
      %add3A_700 = arith.constant 1 : i32
      %add3A_701 = arith.addi %mul3A_699, %add3A_700 : i32
      %dma_wait3A_702 = arith.constant 0 : i32
      %dma_wait3A_703 = tpu.memref_slice %arg9[%add3A_701, %dma_wait3A_702] : memref<24x128xi32, #tpu.memory_space<vmem>> -> memref<1x128xi32, #tpu.memory_space<vmem>>
      %dma_wait3A_704 = tpu.memref_squeeze %dma_wait3A_703 : memref<1x128xi32, #tpu.memory_space<vmem>> -> memref<128xi32, #tpu.memory_space<vmem>>
      %dma_wait3A_705 = arith.constant 0 : i32
      %dma_wait3A_706 = arith.constant 0 : i32
      %dma_wait3A_707 = tpu.memref_slice %arg2[%dma_wait3A_705, %dma_wait3A_706] : memref<10000x128xf32, #tpu.memory_space<hbm>> -> memref<10000x128xf32, #tpu.memory_space<hbm>>
      tpu.wait_indirect_dma semaphore(%arg15 : memref<!tpu.dma_semaphore, #tpu.memory_space<semaphore_mem>>) src(%dma_wait3A_707 : memref<10000x128xf32, #tpu.memory_space<hbm>>) dst(%arg12 : memref<128x128xf32, #tpu.memory_space<vmem>>)
      "tpu.region"() ({
        %run_scoped3A = tpu.sem_alloc : memref<!tpu.dma_semaphore, #tpu.memory_space<semaphore_mem>>
        %dma_start3A_715 = arith.constant 0 : i32
        %dma_start3A_716 = tpu.memref_slice %arg10[%add3A_701, %dma_start3A_715] : memref<24x128xi32, #tpu.memory_space<vmem>> -> memref<1x128xi32, #tpu.memory_space<vmem>>
        %dma_start3A_717 = tpu.memref_squeeze %dma_start3A_716 : memref<1x128xi32, #tpu.memory_space<vmem>> -> memref<128xi32, #tpu.memory_space<vmem>>
        %dma_start3A_718 = arith.constant 0 : i32
        %dma_start3A_719 = arith.constant 0 : i32
        %dma_start3A_720 = tpu.memref_slice %arg13[%dma_start3A_718, %dma_start3A_719] : memref<10008x128xf32, #tpu.memory_space<vmem_shared>> -> memref<10008x128xf32, #tpu.memory_space<vmem_shared>>
        tpu.enqueue_indirect_dma source(%arg12 : memref<128x128xf32, #tpu.memory_space<vmem>>) target(%dma_start3A_720 : memref<10008x128xf32, #tpu.memory_space<vmem_shared>>) offsets(%dma_start3A_717 : memref<128xi32, #tpu.memory_space<vmem>>) semaphore(%run_scoped3A : memref<!tpu.dma_semaphore, #tpu.memory_space<semaphore_mem>>) {add = true}
        %dma_wait3A_721 = arith.constant 0 : i32
        %dma_wait3A_722 = tpu.memref_slice %arg10[%add3A_701, %dma_wait3A_721] : memref<24x128xi32, #tpu.memory_space<vmem>> -> memref<1x128xi32, #tpu.memory_space<vmem>>
        %dma_wait3A_723 = tpu.memref_squeeze %dma_wait3A_722 : memref<1x128xi32, #tpu.memory_space<vmem>> -> memref<128xi32, #tpu.memory_space<vmem>>
        %dma_wait3A_724 = arith.constant 0 : i32
        %dma_wait3A_725 = arith.constant 0 : i32
        %dma_wait3A_726 = tpu.memref_slice %arg13[%dma_wait3A_724, %dma_wait3A_725] : memref<10008x128xf32, #tpu.memory_space<vmem_shared>> -> memref<10008x128xf32, #tpu.memory_space<vmem_shared>>
        tpu.wait_indirect_dma semaphore(%run_scoped3A : memref<!tpu.dma_semaphore, #tpu.memory_space<semaphore_mem>>) src(%arg12 : memref<128x128xf32, #tpu.memory_space<vmem>>) dst(%dma_wait3A_726 : memref<10008x128xf32, #tpu.memory_space<vmem_shared>>)
        tpu.yield
      }) : () -> ()
      %add3A_708 = arith.constant 2 : i32
      %add3A_709 = arith.addi %add3A_701, %add3A_708 : i32
      %lt3A_710 = arith.constant 24 : i32
      %lt3A_711 = arith.cmpi slt, %add3A_709, %lt3A_710 : i32
      %convert_element_type3A_712 = arith.extui %lt3A_711 : i1 to i32
      %cond3A_713 = arith.constant 0 : i32
      %cond3A_714 = arith.cmpi ne, %convert_element_type3A_712, %cond3A_713 : i32
      scf.if %cond3A_714 {
        %add3A_715 = arith.constant 2 : i32
        %add3A_716 = arith.addi %add3A_701, %add3A_715 : i32
        %get3A_717 = arith.index_cast %add3A_716 : i32 to index
        %get3A_718 = arith.constant 0 : index
        %get3A_719 = tpu.vector_load %arg9[%get3A_717, %get3A_718] {strides = array<i32>} : memref<24x128xi32, #tpu.memory_space<vmem>>, vector<16xi32>,
        %gather3A_720 = tpu.vector_load_idx %arg8[%get3A_719] : memref<10000xi32, #tpu.memory_space<vmem>>[vector<16xi32>], vector<16xi32>,
        %swap3A_721 = arith.index_cast %add3A_716 : i32 to index
        %swap3A_722 = arith.constant 0 : index
        %swap3A_723 = tpu.vector_load %arg9[%swap3A_721, %swap3A_722] {strides = array<i32>} : memref<24x128xi32, #tpu.memory_space<vmem>>, vector<16xi32>,
        tpu.vector_store %arg9[%swap3A_721, %swap3A_722], %gather3A_720 {strides = array<i32>} : memref<24x128xi32, #tpu.memory_space<vmem>>, vector<16xi32>,
        %get3A_724 = arith.index_cast %add3A_716 : i32 to index
        %get3A_725 = arith.constant 16 : index
        %get3A_726 = tpu.vector_load %arg9[%get3A_724, %get3A_725] {strides = array<i32>} : memref<24x128xi32, #tpu.memory_space<vmem>>, vector<16xi32>,
        %gather3A_727 = tpu.vector_load_idx %arg8[%get3A_726] : memref<10000xi32, #tpu.memory_space<vmem>>[vector<16xi32>], vector<16xi32>,
        %swap3A_728 = arith.index_cast %add3A_716 : i32 to index
        %swap3A_729 = arith.constant 16 : index
        %swap3A_730 = tpu.vector_load %arg9[%swap3A_728, %swap3A_729] {strides = array<i32>} : memref<24x128xi32, #tpu.memory_space<vmem>>, vector<16xi32>,
        tpu.vector_store %arg9[%swap3A_728, %swap3A_729], %gather3A_727 {strides = array<i32>} : memref<24x128xi32, #tpu.memory_space<vmem>>, vector<16xi32>,
        %get3A_731 = arith.index_cast %add3A_716 : i32 to index
        %get3A_732 = arith.constant 32 : index
        %get3A_733 = tpu.vector_load %arg9[%get3A_731, %get3A_732] {strides = array<i32>} : memref<24x128xi32, #tpu.memory_space<vmem>>, vector<16xi32>,
        %gather3A_734 = tpu.vector_load_idx %arg8[%get3A_733] : memref<10000xi32, #tpu.memory_space<vmem>>[vector<16xi32>], vector<16xi32>,
        %swap3A_735 = arith.index_cast %add3A_716 : i32 to index
        %swap3A_736 = arith.constant 32 : index
        %swap3A_737 = tpu.vector_load %arg9[%swap3A_735, %swap3A_736] {strides = array<i32>} : memref<24x128xi32, #tpu.memory_space<vmem>>, vector<16xi32>,
        tpu.vector_store %arg9[%swap3A_735, %swap3A_736], %gather3A_734 {strides = array<i32>} : memref<24x128xi32, #tpu.memory_space<vmem>>, vector<16xi32>,
        %get3A_738 = arith.index_cast %add3A_716 : i32 to index
        %get3A_739 = arith.constant 48 : index
        %get3A_740 = tpu.vector_load %arg9[%get3A_738, %get3A_739] {strides = array<i32>} : memref<24x128xi32, #tpu.memory_space<vmem>>, vector<16xi32>,
        %gather3A_741 = tpu.vector_load_idx %arg8[%get3A_740] : memref<10000xi32, #tpu.memory_space<vmem>>[vector<16xi32>], vector<16xi32>,
        %swap3A_742 = arith.index_cast %add3A_716 : i32 to index
        %swap3A_743 = arith.constant 48 : index
        %swap3A_744 = tpu.vector_load %arg9[%swap3A_742, %swap3A_743] {strides = array<i32>} : memref<24x128xi32, #tpu.memory_space<vmem>>, vector<16xi32>,
        tpu.vector_store %arg9[%swap3A_742, %swap3A_743], %gather3A_741 {strides = array<i32>} : memref<24x128xi32, #tpu.memory_space<vmem>>, vector<16xi32>,
        %get3A_745 = arith.index_cast %add3A_716 : i32 to index
        %get3A_746 = arith.constant 64 : index
        %get3A_747 = tpu.vector_load %arg9[%get3A_745, %get3A_746] {strides = array<i32>} : memref<24x128xi32, #tpu.memory_space<vmem>>, vector<16xi32>,
        %gather3A_748 = tpu.vector_load_idx %arg8[%get3A_747] : memref<10000xi32, #tpu.memory_space<vmem>>[vector<16xi32>], vector<16xi32>,
        %swap3A_749 = arith.index_cast %add3A_716 : i32 to index
        %swap3A_750 = arith.constant 64 : index
        %swap3A_751 = tpu.vector_load %arg9[%swap3A_749, %swap3A_750] {strides = array<i32>} : memref<24x128xi32, #tpu.memory_space<vmem>>, vector<16xi32>,
        tpu.vector_store %arg9[%swap3A_749, %swap3A_750], %gather3A_748 {strides = array<i32>} : memref<24x128xi32, #tpu.memory_space<vmem>>, vector<16xi32>,
        %get3A_752 = arith.index_cast %add3A_716 : i32 to index
        %get3A_753 = arith.constant 80 : index
        %get3A_754 = tpu.vector_load %arg9[%get3A_752, %get3A_753] {strides = array<i32>} : memref<24x128xi32, #tpu.memory_space<vmem>>, vector<16xi32>,
        %gather3A_755 = tpu.vector_load_idx %arg8[%get3A_754] : memref<10000xi32, #tpu.memory_space<vmem>>[vector<16xi32>], vector<16xi32>,
        %swap3A_756 = arith.index_cast %add3A_716 : i32 to index
        %swap3A_757 = arith.constant 80 : index
        %swap3A_758 = tpu.vector_load %arg9[%swap3A_756, %swap3A_757] {strides = array<i32>} : memref<24x128xi32, #tpu.memory_space<vmem>>, vector<16xi32>,
        tpu.vector_store %arg9[%swap3A_756, %swap3A_757], %gather3A_755 {strides = array<i32>} : memref<24x128xi32, #tpu.memory_space<vmem>>, vector<16xi32>,
        %get3A_759 = arith.index_cast %add3A_716 : i32 to index
        %get3A_760 = arith.constant 96 : index
        %get3A_761 = tpu.vector_load %arg9[%get3A_759, %get3A_760] {strides = array<i32>} : memref<24x128xi32, #tpu.memory_space<vmem>>, vector<16xi32>,
        %gather3A_762 = tpu.vector_load_idx %arg8[%get3A_761] : memref<10000xi32, #tpu.memory_space<vmem>>[vector<16xi32>], vector<16xi32>,
        %swap3A_763 = arith.index_cast %add3A_716 : i32 to index
        %swap3A_764 = arith.constant 96 : index
        %swap3A_765 = tpu.vector_load %arg9[%swap3A_763, %swap3A_764] {strides = array<i32>} : memref<24x128xi32, #tpu.memory_space<vmem>>, vector<16xi32>,
        tpu.vector_store %arg9[%swap3A_763, %swap3A_764], %gather3A_762 {strides = array<i32>} : memref<24x128xi32, #tpu.memory_space<vmem>>, vector<16xi32>,
        %get3A_766 = arith.index_cast %add3A_716 : i32 to index
        %get3A_767 = arith.constant 112 : index
        %get3A_768 = tpu.vector_load %arg9[%get3A_766, %get3A_767] {strides = array<i32>} : memref<24x128xi32, #tpu.memory_space<vmem>>, vector<16xi32>,
        %gather3A_769 = tpu.vector_load_idx %arg8[%get3A_768] : memref<10000xi32, #tpu.memory_space<vmem>>[vector<16xi32>], vector<16xi32>,
        %swap3A_770 = arith.index_cast %add3A_716 : i32 to index
        %swap3A_771 = arith.constant 112 : index
        %swap3A_772 = tpu.vector_load %arg9[%swap3A_770, %swap3A_771] {strides = array<i32>} : memref<24x128xi32, #tpu.memory_space<vmem>>, vector<16xi32>,
        tpu.vector_store %arg9[%swap3A_770, %swap3A_771], %gather3A_769 {strides = array<i32>} : memref<24x128xi32, #tpu.memory_space<vmem>>, vector<16xi32>,
        %add3A_773 = arith.constant 2 : i32
        %add3A_774 = arith.addi %add3A_701, %add3A_773 : i32
        %dma_start3A_775 = arith.constant 0 : i32
        %dma_start3A_776 = tpu.memref_slice %arg9[%add3A_774, %dma_start3A_775] : memref<24x128xi32, #tpu.memory_space<vmem>> -> memref<1x128xi32, #tpu.memory_space<vmem>>
        %dma_start3A_777 = tpu.memref_squeeze %dma_start3A_776 : memref<1x128xi32, #tpu.memory_space<vmem>> -> memref<128xi32, #tpu.memory_space<vmem>>
        %dma_start3A_778 = arith.constant 0 : i32
        %dma_start3A_779 = arith.constant 0 : i32
        %dma_start3A_780 = tpu.memref_slice %arg2[%dma_start3A_778, %dma_start3A_779] : memref<10000x128xf32, #tpu.memory_space<hbm>> -> memref<10000x128xf32, #tpu.memory_space<hbm>>
        tpu.enqueue_indirect_dma source(%dma_start3A_780 : memref<10000x128xf32, #tpu.memory_space<hbm>>) target(%arg12 : memref<128x128xf32, #tpu.memory_space<vmem>>) offsets(%dma_start3A_777 : memref<128xi32, #tpu.memory_space<vmem>>) semaphore(%arg15 : memref<!tpu.dma_semaphore, #tpu.memory_space<semaphore_mem>>)
      } else {
      }
    }
    %scan3A_335 = arith.constant 12 : i32
    %mul3A_336 = arith.constant 80 : i32
    %mul3A_337 = arith.muli %add3A, %mul3A_336 : i32
    %add3A_338 = arith.constant 48 : i32
    %add3A_339 = arith.addi %mul3A_337, %add3A_338 : i32
    "tpu.region"() ({
      %run_scoped3A = tpu.sem_alloc : memref<!tpu.dma_semaphore, #tpu.memory_space<semaphore_mem>>
      %dma_start3A_682 = arith.constant 0 : i32
      %dma_start3A_683 = arith.constant 0 : i32
      %dma_start3A_684 = tpu.memref_slice %arg9[%dma_start3A_682, %dma_start3A_683] : memref<24x128xi32, #tpu.memory_space<vmem>> -> memref<24x128xi32, #tpu.memory_space<vmem>>
      %dma_start3A_685 = arith.constant 0 : i32
      %dma_start3A_686 = tpu.memref_slice %arg4[%add3A_339, %dma_start3A_685] : memref<2560x128xi32, #tpu.memory_space<hbm>> -> memref<24x128xi32, #tpu.memory_space<hbm>>
      %dma_start3A_687 = arith.constant 0 : i32
      %dma_start3A_688 = arith.constant 0 : i32
      %dma_start3A_689 = tpu.memref_slice %arg9[%dma_start3A_687, %dma_start3A_688] : memref<24x128xi32, #tpu.memory_space<vmem>> -> memref<24x128xi32, #tpu.memory_space<vmem>>
      %dma_start3A_690 = arith.constant 0 : i32
      %dma_start3A_691 = tpu.memref_slice %arg4[%add3A_339, %dma_start3A_690] : memref<2560x128xi32, #tpu.memory_space<hbm>> -> memref<24x128xi32, #tpu.memory_space<hbm>>
      tpu.enqueue_dma source(%dma_start3A_691 : memref<24x128xi32, #tpu.memory_space<hbm>>) target(%dma_start3A_689 : memref<24x128xi32, #tpu.memory_space<vmem>>) target_semaphore(%run_scoped3A : memref<!tpu.dma_semaphore, #tpu.memory_space<semaphore_mem>>)
      %dma_wait3A = arith.constant 0 : i32
      %dma_wait3A_692 = arith.constant 0 : i32
      %dma_wait3A_693 = tpu.memref_slice %arg9[%dma_wait3A, %dma_wait3A_692] : memref<24x128xi32, #tpu.memory_space<vmem>> -> memref<24x128xi32, #tpu.memory_space<vmem>>
      %dma_wait3A_694 = arith.constant 0 : i32
      %dma_wait3A_695 = tpu.memref_slice %arg4[%add3A_339, %dma_wait3A_694] : memref<2560x128xi32, #tpu.memory_space<hbm>> -> memref<24x128xi32, #tpu.memory_space<hbm>>
      %dma_wait3A_696 = arith.constant 0 : i32
      %dma_wait3A_697 = arith.constant 0 : i32
      %dma_wait3A_698 = tpu.memref_slice %arg9[%dma_wait3A_696, %dma_wait3A_697] : memref<24x128xi32, #tpu.memory_space<vmem>> -> memref<24x128xi32, #tpu.memory_space<vmem>>
      %dma_wait3A_699 = arith.constant 0 : i32
      %dma_wait3A_700 = tpu.memref_slice %arg4[%add3A_339, %dma_wait3A_699] : memref<2560x128xi32, #tpu.memory_space<hbm>> -> memref<24x128xi32, #tpu.memory_space<hbm>>
      tpu.wait_dma2 semaphore(%run_scoped3A : memref<!tpu.dma_semaphore, #tpu.memory_space<semaphore_mem>>) src(%dma_wait3A_700 : memref<24x128xi32, #tpu.memory_space<hbm>>) dst(%dma_wait3A_698 : memref<24x128xi32, #tpu.memory_space<vmem>>)
      tpu.yield
    }) : () -> ()
    "tpu.region"() ({
      %run_scoped3A = tpu.sem_alloc : memref<!tpu.dma_semaphore, #tpu.memory_space<semaphore_mem>>
      %dma_start3A_682 = arith.constant 0 : i32
      %dma_start3A_683 = arith.constant 0 : i32
      %dma_start3A_684 = tpu.memref_slice %arg10[%dma_start3A_682, %dma_start3A_683] : memref<24x128xi32, #tpu.memory_space<vmem>> -> memref<24x128xi32, #tpu.memory_space<vmem>>
      %dma_start3A_685 = arith.constant 0 : i32
      %dma_start3A_686 = tpu.memref_slice %arg5[%add3A_339, %dma_start3A_685] : memref<2560x128xi32, #tpu.memory_space<hbm>> -> memref<24x128xi32, #tpu.memory_space<hbm>>
      %dma_start3A_687 = arith.constant 0 : i32
      %dma_start3A_688 = arith.constant 0 : i32
      %dma_start3A_689 = tpu.memref_slice %arg10[%dma_start3A_687, %dma_start3A_688] : memref<24x128xi32, #tpu.memory_space<vmem>> -> memref<24x128xi32, #tpu.memory_space<vmem>>
      %dma_start3A_690 = arith.constant 0 : i32
      %dma_start3A_691 = tpu.memref_slice %arg5[%add3A_339, %dma_start3A_690] : memref<2560x128xi32, #tpu.memory_space<hbm>> -> memref<24x128xi32, #tpu.memory_space<hbm>>
      tpu.enqueue_dma source(%dma_start3A_691 : memref<24x128xi32, #tpu.memory_space<hbm>>) target(%dma_start3A_689 : memref<24x128xi32, #tpu.memory_space<vmem>>) target_semaphore(%run_scoped3A : memref<!tpu.dma_semaphore, #tpu.memory_space<semaphore_mem>>)
      %dma_wait3A = arith.constant 0 : i32
      %dma_wait3A_692 = arith.constant 0 : i32
      %dma_wait3A_693 = tpu.memref_slice %arg10[%dma_wait3A, %dma_wait3A_692] : memref<24x128xi32, #tpu.memory_space<vmem>> -> memref<24x128xi32, #tpu.memory_space<vmem>>
      %dma_wait3A_694 = arith.constant 0 : i32
      %dma_wait3A_695 = tpu.memref_slice %arg5[%add3A_339, %dma_wait3A_694] : memref<2560x128xi32, #tpu.memory_space<hbm>> -> memref<24x128xi32, #tpu.memory_space<hbm>>
      %dma_wait3A_696 = arith.constant 0 : i32
      %dma_wait3A_697 = arith.constant 0 : i32
      %dma_wait3A_698 = tpu.memref_slice %arg10[%dma_wait3A_696, %dma_wait3A_697] : memref<24x128xi32, #tpu.memory_space<vmem>> -> memref<24x128xi32, #tpu.memory_space<vmem>>
      %dma_wait3A_699 = arith.constant 0 : i32
      %dma_wait3A_700 = tpu.memref_slice %arg5[%add3A_339, %dma_wait3A_699] : memref<2560x128xi32, #tpu.memory_space<hbm>> -> memref<24x128xi32, #tpu.memory_space<hbm>>
      tpu.wait_dma2 semaphore(%run_scoped3A : memref<!tpu.dma_semaphore, #tpu.memory_space<semaphore_mem>>) src(%dma_wait3A_700 : memref<24x128xi32, #tpu.memory_space<hbm>>) dst(%dma_wait3A_698 : memref<24x128xi32, #tpu.memory_space<vmem>>)
      tpu.yield
    }) : () -> ()
    %get3A_340 = arith.constant 0 : i32
    %get3A_341 = arith.index_cast %get3A_340 : i32 to index
    %get3A_342 = arith.constant 0 : index
    %get3A_343 = tpu.vector_load %arg9[%get3A_341, %get3A_342] {strides = array<i32>} : memref<24x128xi32, #tpu.memory_space<vmem>>, vector<16xi32>,
    %gather3A_344 = tpu.vector_load_idx %arg8[%get3A_343] : memref<10000xi32, #tpu.memory_space<vmem>>[vector<16xi32>], vector<16xi32>,
    %swap3A_345 = arith.constant 0 : i32
    %swap3A_346 = arith.index_cast %swap3A_345 : i32 to index
    %swap3A_347 = arith.constant 0 : index
    %swap3A_348 = tpu.vector_load %arg9[%swap3A_346, %swap3A_347] {strides = array<i32>} : memref<24x128xi32, #tpu.memory_space<vmem>>, vector<16xi32>,
    tpu.vector_store %arg9[%swap3A_346, %swap3A_347], %gather3A_344 {strides = array<i32>} : memref<24x128xi32, #tpu.memory_space<vmem>>, vector<16xi32>,
    %get3A_349 = arith.constant 0 : i32
    %get3A_350 = arith.index_cast %get3A_349 : i32 to index
    %get3A_351 = arith.constant 16 : index
    %get3A_352 = tpu.vector_load %arg9[%get3A_350, %get3A_351] {strides = array<i32>} : memref<24x128xi32, #tpu.memory_space<vmem>>, vector<16xi32>,
    %gather3A_353 = tpu.vector_load_idx %arg8[%get3A_352] : memref<10000xi32, #tpu.memory_space<vmem>>[vector<16xi32>], vector<16xi32>,
    %swap3A_354 = arith.constant 0 : i32
    %swap3A_355 = arith.index_cast %swap3A_354 : i32 to index
    %swap3A_356 = arith.constant 16 : index
    %swap3A_357 = tpu.vector_load %arg9[%swap3A_355, %swap3A_356] {strides = array<i32>} : memref<24x128xi32, #tpu.memory_space<vmem>>, vector<16xi32>,
    tpu.vector_store %arg9[%swap3A_355, %swap3A_356], %gather3A_353 {strides = array<i32>} : memref<24x128xi32, #tpu.memory_space<vmem>>, vector<16xi32>,
    %get3A_358 = arith.constant 0 : i32
    %get3A_359 = arith.index_cast %get3A_358 : i32 to index
    %get3A_360 = arith.constant 32 : index
    %get3A_361 = tpu.vector_load %arg9[%get3A_359, %get3A_360] {strides = array<i32>} : memref<24x128xi32, #tpu.memory_space<vmem>>, vector<16xi32>,
    %gather3A_362 = tpu.vector_load_idx %arg8[%get3A_361] : memref<10000xi32, #tpu.memory_space<vmem>>[vector<16xi32>], vector<16xi32>,
    %swap3A_363 = arith.constant 0 : i32
    %swap3A_364 = arith.index_cast %swap3A_363 : i32 to index
    %swap3A_365 = arith.constant 32 : index
    %swap3A_366 = tpu.vector_load %arg9[%swap3A_364, %swap3A_365] {strides = array<i32>} : memref<24x128xi32, #tpu.memory_space<vmem>>, vector<16xi32>,
    tpu.vector_store %arg9[%swap3A_364, %swap3A_365], %gather3A_362 {strides = array<i32>} : memref<24x128xi32, #tpu.memory_space<vmem>>, vector<16xi32>,
    %get3A_367 = arith.constant 0 : i32
    %get3A_368 = arith.index_cast %get3A_367 : i32 to index
    %get3A_369 = arith.constant 48 : index
    %get3A_370 = tpu.vector_load %arg9[%get3A_368, %get3A_369] {strides = array<i32>} : memref<24x128xi32, #tpu.memory_space<vmem>>, vector<16xi32>,
    %gather3A_371 = tpu.vector_load_idx %arg8[%get3A_370] : memref<10000xi32, #tpu.memory_space<vmem>>[vector<16xi32>], vector<16xi32>,
    %swap3A_372 = arith.constant 0 : i32
    %swap3A_373 = arith.index_cast %swap3A_372 : i32 to index
    %swap3A_374 = arith.constant 48 : index
    %swap3A_375 = tpu.vector_load %arg9[%swap3A_373, %swap3A_374] {strides = array<i32>} : memref<24x128xi32, #tpu.memory_space<vmem>>, vector<16xi32>,
    tpu.vector_store %arg9[%swap3A_373, %swap3A_374], %gather3A_371 {strides = array<i32>} : memref<24x128xi32, #tpu.memory_space<vmem>>, vector<16xi32>,
    %get3A_376 = arith.constant 0 : i32
    %get3A_377 = arith.index_cast %get3A_376 : i32 to index
    %get3A_378 = arith.constant 64 : index
    %get3A_379 = tpu.vector_load %arg9[%get3A_377, %get3A_378] {strides = array<i32>} : memref<24x128xi32, #tpu.memory_space<vmem>>, vector<16xi32>,
    %gather3A_380 = tpu.vector_load_idx %arg8[%get3A_379] : memref<10000xi32, #tpu.memory_space<vmem>>[vector<16xi32>], vector<16xi32>,
    %swap3A_381 = arith.constant 0 : i32
    %swap3A_382 = arith.index_cast %swap3A_381 : i32 to index
    %swap3A_383 = arith.constant 64 : index
    %swap3A_384 = tpu.vector_load %arg9[%swap3A_382, %swap3A_383] {strides = array<i32>} : memref<24x128xi32, #tpu.memory_space<vmem>>, vector<16xi32>,
    tpu.vector_store %arg9[%swap3A_382, %swap3A_383], %gather3A_380 {strides = array<i32>} : memref<24x128xi32, #tpu.memory_space<vmem>>, vector<16xi32>,
    %get3A_385 = arith.constant 0 : i32
    %get3A_386 = arith.index_cast %get3A_385 : i32 to index
    %get3A_387 = arith.constant 80 : index
    %get3A_388 = tpu.vector_load %arg9[%get3A_386, %get3A_387] {strides = array<i32>} : memref<24x128xi32, #tpu.memory_space<vmem>>, vector<16xi32>,
    %gather3A_389 = tpu.vector_load_idx %arg8[%get3A_388] : memref<10000xi32, #tpu.memory_space<vmem>>[vector<16xi32>], vector<16xi32>,
    %swap3A_390 = arith.constant 0 : i32
    %swap3A_391 = arith.index_cast %swap3A_390 : i32 to index
    %swap3A_392 = arith.constant 80 : index
    %swap3A_393 = tpu.vector_load %arg9[%swap3A_391, %swap3A_392] {strides = array<i32>} : memref<24x128xi32, #tpu.memory_space<vmem>>, vector<16xi32>,
    tpu.vector_store %arg9[%swap3A_391, %swap3A_392], %gather3A_389 {strides = array<i32>} : memref<24x128xi32, #tpu.memory_space<vmem>>, vector<16xi32>,
    %get3A_394 = arith.constant 0 : i32
    %get3A_395 = arith.index_cast %get3A_394 : i32 to index
    %get3A_396 = arith.constant 96 : index
    %get3A_397 = tpu.vector_load %arg9[%get3A_395, %get3A_396] {strides = array<i32>} : memref<24x128xi32, #tpu.memory_space<vmem>>, vector<16xi32>,
    %gather3A_398 = tpu.vector_load_idx %arg8[%get3A_397] : memref<10000xi32, #tpu.memory_space<vmem>>[vector<16xi32>], vector<16xi32>,
    %swap3A_399 = arith.constant 0 : i32
    %swap3A_400 = arith.index_cast %swap3A_399 : i32 to index
    %swap3A_401 = arith.constant 96 : index
    %swap3A_402 = tpu.vector_load %arg9[%swap3A_400, %swap3A_401] {strides = array<i32>} : memref<24x128xi32, #tpu.memory_space<vmem>>, vector<16xi32>,
    tpu.vector_store %arg9[%swap3A_400, %swap3A_401], %gather3A_398 {strides = array<i32>} : memref<24x128xi32, #tpu.memory_space<vmem>>, vector<16xi32>,
    %get3A_403 = arith.constant 0 : i32
    %get3A_404 = arith.index_cast %get3A_403 : i32 to index
    %get3A_405 = arith.constant 112 : index
    %get3A_406 = tpu.vector_load %arg9[%get3A_404, %get3A_405] {strides = array<i32>} : memref<24x128xi32, #tpu.memory_space<vmem>>, vector<16xi32>,
    %gather3A_407 = tpu.vector_load_idx %arg8[%get3A_406] : memref<10000xi32, #tpu.memory_space<vmem>>[vector<16xi32>], vector<16xi32>,
    %swap3A_408 = arith.constant 0 : i32
    %swap3A_409 = arith.index_cast %swap3A_408 : i32 to index
    %swap3A_410 = arith.constant 112 : index
    %swap3A_411 = tpu.vector_load %arg9[%swap3A_409, %swap3A_410] {strides = array<i32>} : memref<24x128xi32, #tpu.memory_space<vmem>>, vector<16xi32>,
    tpu.vector_store %arg9[%swap3A_409, %swap3A_410], %gather3A_407 {strides = array<i32>} : memref<24x128xi32, #tpu.memory_space<vmem>>, vector<16xi32>,
    %dma_start3A_412 = arith.constant 0 : i32
    %dma_start3A_413 = arith.constant 0 : i32
    %dma_start3A_414 = tpu.memref_slice %arg9[%dma_start3A_412, %dma_start3A_413] : memref<24x128xi32, #tpu.memory_space<vmem>> -> memref<1x128xi32, #tpu.memory_space<vmem>>
    %dma_start3A_415 = tpu.memref_squeeze %dma_start3A_414 : memref<1x128xi32, #tpu.memory_space<vmem>> -> memref<128xi32, #tpu.memory_space<vmem>>
    %dma_start3A_416 = arith.constant 0 : i32
    %dma_start3A_417 = arith.constant 0 : i32
    %dma_start3A_418 = tpu.memref_slice %arg2[%dma_start3A_416, %dma_start3A_417] : memref<10000x128xf32, #tpu.memory_space<hbm>> -> memref<10000x128xf32, #tpu.memory_space<hbm>>
    tpu.enqueue_indirect_dma source(%dma_start3A_418 : memref<10000x128xf32, #tpu.memory_space<hbm>>) target(%arg11 : memref<128x128xf32, #tpu.memory_space<vmem>>) offsets(%dma_start3A_415 : memref<128xi32, #tpu.memory_space<vmem>>) semaphore(%arg14 : memref<!tpu.dma_semaphore, #tpu.memory_space<semaphore_mem>>)
    %get3A_419 = arith.constant 1 : i32
    %get3A_420 = arith.index_cast %get3A_419 : i32 to index
    %get3A_421 = arith.constant 0 : index
    %get3A_422 = tpu.vector_load %arg9[%get3A_420, %get3A_421] {strides = array<i32>} : memref<24x128xi32, #tpu.memory_space<vmem>>, vector<16xi32>,
    %gather3A_423 = tpu.vector_load_idx %arg8[%get3A_422] : memref<10000xi32, #tpu.memory_space<vmem>>[vector<16xi32>], vector<16xi32>,
    %swap3A_424 = arith.constant 1 : i32
    %swap3A_425 = arith.index_cast %swap3A_424 : i32 to index
    %swap3A_426 = arith.constant 0 : index
    %swap3A_427 = tpu.vector_load %arg9[%swap3A_425, %swap3A_426] {strides = array<i32>} : memref<24x128xi32, #tpu.memory_space<vmem>>, vector<16xi32>,
    tpu.vector_store %arg9[%swap3A_425, %swap3A_426], %gather3A_423 {strides = array<i32>} : memref<24x128xi32, #tpu.memory_space<vmem>>, vector<16xi32>,
    %get3A_428 = arith.constant 1 : i32
    %get3A_429 = arith.index_cast %get3A_428 : i32 to index
    %get3A_430 = arith.constant 16 : index
    %get3A_431 = tpu.vector_load %arg9[%get3A_429, %get3A_430] {strides = array<i32>} : memref<24x128xi32, #tpu.memory_space<vmem>>, vector<16xi32>,
    %gather3A_432 = tpu.vector_load_idx %arg8[%get3A_431] : memref<10000xi32, #tpu.memory_space<vmem>>[vector<16xi32>], vector<16xi32>,
    %swap3A_433 = arith.constant 1 : i32
    %swap3A_434 = arith.index_cast %swap3A_433 : i32 to index
    %swap3A_435 = arith.constant 16 : index
    %swap3A_436 = tpu.vector_load %arg9[%swap3A_434, %swap3A_435] {strides = array<i32>} : memref<24x128xi32, #tpu.memory_space<vmem>>, vector<16xi32>,
    tpu.vector_store %arg9[%swap3A_434, %swap3A_435], %gather3A_432 {strides = array<i32>} : memref<24x128xi32, #tpu.memory_space<vmem>>, vector<16xi32>,
    %get3A_437 = arith.constant 1 : i32
    %get3A_438 = arith.index_cast %get3A_437 : i32 to index
    %get3A_439 = arith.constant 32 : index
    %get3A_440 = tpu.vector_load %arg9[%get3A_438, %get3A_439] {strides = array<i32>} : memref<24x128xi32, #tpu.memory_space<vmem>>, vector<16xi32>,
    %gather3A_441 = tpu.vector_load_idx %arg8[%get3A_440] : memref<10000xi32, #tpu.memory_space<vmem>>[vector<16xi32>], vector<16xi32>,
    %swap3A_442 = arith.constant 1 : i32
    %swap3A_443 = arith.index_cast %swap3A_442 : i32 to index
    %swap3A_444 = arith.constant 32 : index
    %swap3A_445 = tpu.vector_load %arg9[%swap3A_443, %swap3A_444] {strides = array<i32>} : memref<24x128xi32, #tpu.memory_space<vmem>>, vector<16xi32>,
    tpu.vector_store %arg9[%swap3A_443, %swap3A_444], %gather3A_441 {strides = array<i32>} : memref<24x128xi32, #tpu.memory_space<vmem>>, vector<16xi32>,
    %get3A_446 = arith.constant 1 : i32
    %get3A_447 = arith.index_cast %get3A_446 : i32 to index
    %get3A_448 = arith.constant 48 : index
    %get3A_449 = tpu.vector_load %arg9[%get3A_447, %get3A_448] {strides = array<i32>} : memref<24x128xi32, #tpu.memory_space<vmem>>, vector<16xi32>,
    %gather3A_450 = tpu.vector_load_idx %arg8[%get3A_449] : memref<10000xi32, #tpu.memory_space<vmem>>[vector<16xi32>], vector<16xi32>,
    %swap3A_451 = arith.constant 1 : i32
    %swap3A_452 = arith.index_cast %swap3A_451 : i32 to index
    %swap3A_453 = arith.constant 48 : index
    %swap3A_454 = tpu.vector_load %arg9[%swap3A_452, %swap3A_453] {strides = array<i32>} : memref<24x128xi32, #tpu.memory_space<vmem>>, vector<16xi32>,
    tpu.vector_store %arg9[%swap3A_452, %swap3A_453], %gather3A_450 {strides = array<i32>} : memref<24x128xi32, #tpu.memory_space<vmem>>, vector<16xi32>,
    %get3A_455 = arith.constant 1 : i32
    %get3A_456 = arith.index_cast %get3A_455 : i32 to index
    %get3A_457 = arith.constant 64 : index
    %get3A_458 = tpu.vector_load %arg9[%get3A_456, %get3A_457] {strides = array<i32>} : memref<24x128xi32, #tpu.memory_space<vmem>>, vector<16xi32>,
    %gather3A_459 = tpu.vector_load_idx %arg8[%get3A_458] : memref<10000xi32, #tpu.memory_space<vmem>>[vector<16xi32>], vector<16xi32>,
    %swap3A_460 = arith.constant 1 : i32
    %swap3A_461 = arith.index_cast %swap3A_460 : i32 to index
    %swap3A_462 = arith.constant 64 : index
    %swap3A_463 = tpu.vector_load %arg9[%swap3A_461, %swap3A_462] {strides = array<i32>} : memref<24x128xi32, #tpu.memory_space<vmem>>, vector<16xi32>,
    tpu.vector_store %arg9[%swap3A_461, %swap3A_462], %gather3A_459 {strides = array<i32>} : memref<24x128xi32, #tpu.memory_space<vmem>>, vector<16xi32>,
    %get3A_464 = arith.constant 1 : i32
    %get3A_465 = arith.index_cast %get3A_464 : i32 to index
    %get3A_466 = arith.constant 80 : index
    %get3A_467 = tpu.vector_load %arg9[%get3A_465, %get3A_466] {strides = array<i32>} : memref<24x128xi32, #tpu.memory_space<vmem>>, vector<16xi32>,
    %gather3A_468 = tpu.vector_load_idx %arg8[%get3A_467] : memref<10000xi32, #tpu.memory_space<vmem>>[vector<16xi32>], vector<16xi32>,
    %swap3A_469 = arith.constant 1 : i32
    %swap3A_470 = arith.index_cast %swap3A_469 : i32 to index
    %swap3A_471 = arith.constant 80 : index
    %swap3A_472 = tpu.vector_load %arg9[%swap3A_470, %swap3A_471] {strides = array<i32>} : memref<24x128xi32, #tpu.memory_space<vmem>>, vector<16xi32>,
    tpu.vector_store %arg9[%swap3A_470, %swap3A_471], %gather3A_468 {strides = array<i32>} : memref<24x128xi32, #tpu.memory_space<vmem>>, vector<16xi32>,
    %get3A_473 = arith.constant 1 : i32
    %get3A_474 = arith.index_cast %get3A_473 : i32 to index
    %get3A_475 = arith.constant 96 : index
    %get3A_476 = tpu.vector_load %arg9[%get3A_474, %get3A_475] {strides = array<i32>} : memref<24x128xi32, #tpu.memory_space<vmem>>, vector<16xi32>,
    %gather3A_477 = tpu.vector_load_idx %arg8[%get3A_476] : memref<10000xi32, #tpu.memory_space<vmem>>[vector<16xi32>], vector<16xi32>,
    %swap3A_478 = arith.constant 1 : i32
    %swap3A_479 = arith.index_cast %swap3A_478 : i32 to index
    %swap3A_480 = arith.constant 96 : index
    %swap3A_481 = tpu.vector_load %arg9[%swap3A_479, %swap3A_480] {strides = array<i32>} : memref<24x128xi32, #tpu.memory_space<vmem>>, vector<16xi32>,
    tpu.vector_store %arg9[%swap3A_479, %swap3A_480], %gather3A_477 {strides = array<i32>} : memref<24x128xi32, #tpu.memory_space<vmem>>, vector<16xi32>,
    %get3A_482 = arith.constant 1 : i32
    %get3A_483 = arith.index_cast %get3A_482 : i32 to index
    %get3A_484 = arith.constant 112 : index
    %get3A_485 = tpu.vector_load %arg9[%get3A_483, %get3A_484] {strides = array<i32>} : memref<24x128xi32, #tpu.memory_space<vmem>>, vector<16xi32>,
    %gather3A_486 = tpu.vector_load_idx %arg8[%get3A_485] : memref<10000xi32, #tpu.memory_space<vmem>>[vector<16xi32>], vector<16xi32>,
    %swap3A_487 = arith.constant 1 : i32
    %swap3A_488 = arith.index_cast %swap3A_487 : i32 to index
    %swap3A_489 = arith.constant 112 : index
    %swap3A_490 = tpu.vector_load %arg9[%swap3A_488, %swap3A_489] {strides = array<i32>} : memref<24x128xi32, #tpu.memory_space<vmem>>, vector<16xi32>,
    tpu.vector_store %arg9[%swap3A_488, %swap3A_489], %gather3A_486 {strides = array<i32>} : memref<24x128xi32, #tpu.memory_space<vmem>>, vector<16xi32>,
    %dma_start3A_491 = arith.constant 1 : i32
    %dma_start3A_492 = arith.constant 0 : i32
    %dma_start3A_493 = tpu.memref_slice %arg9[%dma_start3A_491, %dma_start3A_492] : memref<24x128xi32, #tpu.memory_space<vmem>> -> memref<1x128xi32, #tpu.memory_space<vmem>>
    %dma_start3A_494 = tpu.memref_squeeze %dma_start3A_493 : memref<1x128xi32, #tpu.memory_space<vmem>> -> memref<128xi32, #tpu.memory_space<vmem>>
    %dma_start3A_495 = arith.constant 0 : i32
    %dma_start3A_496 = arith.constant 0 : i32
    %dma_start3A_497 = tpu.memref_slice %arg2[%dma_start3A_495, %dma_start3A_496] : memref<10000x128xf32, #tpu.memory_space<hbm>> -> memref<10000x128xf32, #tpu.memory_space<hbm>>
    tpu.enqueue_indirect_dma source(%dma_start3A_497 : memref<10000x128xf32, #tpu.memory_space<hbm>>) target(%arg12 : memref<128x128xf32, #tpu.memory_space<vmem>>) offsets(%dma_start3A_494 : memref<128xi32, #tpu.memory_space<vmem>>) semaphore(%arg15 : memref<!tpu.dma_semaphore, #tpu.memory_space<semaphore_mem>>)
    %scan3A_498 = arith.constant 0 : i32
    %scan3A_499 = arith.constant 0 : i32
    %scan3A_500 = arith.constant 12 : i32
    %scan3A_501 = arith.addi %scan3A_499, %scan3A_500 : i32
    %scan3A_502 = arith.constant 1 : i32
    scf.for %scan3A_682 = %scan3A_499 to %scan3A_501 step %scan3A_502  : i32 {
      %mul3A_683 = arith.constant 2 : i32
      %mul3A_684 = arith.muli %scan3A_682, %mul3A_683 : i32
      %add3A_685 = arith.constant 0 : i32
      %add3A_686 = arith.addi %mul3A_684, %add3A_685 : i32
      %dma_wait3A = arith.constant 0 : i32
      %dma_wait3A_687 = tpu.memref_slice %arg9[%add3A_686, %dma_wait3A] : memref<24x128xi32, #tpu.memory_space<vmem>> -> memref<1x128xi32, #tpu.memory_space<vmem>>
      %dma_wait3A_688 = tpu.memref_squeeze %dma_wait3A_687 : memref<1x128xi32, #tpu.memory_space<vmem>> -> memref<128xi32, #tpu.memory_space<vmem>>
      %dma_wait3A_689 = arith.constant 0 : i32
      %dma_wait3A_690 = arith.constant 0 : i32
      %dma_wait3A_691 = tpu.memref_slice %arg2[%dma_wait3A_689, %dma_wait3A_690] : memref<10000x128xf32, #tpu.memory_space<hbm>> -> memref<10000x128xf32, #tpu.memory_space<hbm>>
      tpu.wait_indirect_dma semaphore(%arg14 : memref<!tpu.dma_semaphore, #tpu.memory_space<semaphore_mem>>) src(%dma_wait3A_691 : memref<10000x128xf32, #tpu.memory_space<hbm>>) dst(%arg11 : memref<128x128xf32, #tpu.memory_space<vmem>>)
      "tpu.region"() ({
        %run_scoped3A = tpu.sem_alloc : memref<!tpu.dma_semaphore, #tpu.memory_space<semaphore_mem>>
        %dma_start3A_715 = arith.constant 0 : i32
        %dma_start3A_716 = tpu.memref_slice %arg10[%add3A_686, %dma_start3A_715] : memref<24x128xi32, #tpu.memory_space<vmem>> -> memref<1x128xi32, #tpu.memory_space<vmem>>
        %dma_start3A_717 = tpu.memref_squeeze %dma_start3A_716 : memref<1x128xi32, #tpu.memory_space<vmem>> -> memref<128xi32, #tpu.memory_space<vmem>>
        %dma_start3A_718 = arith.constant 0 : i32
        %dma_start3A_719 = arith.constant 0 : i32
        %dma_start3A_720 = tpu.memref_slice %arg13[%dma_start3A_718, %dma_start3A_719] : memref<10008x128xf32, #tpu.memory_space<vmem_shared>> -> memref<10008x128xf32, #tpu.memory_space<vmem_shared>>
        tpu.enqueue_indirect_dma source(%arg11 : memref<128x128xf32, #tpu.memory_space<vmem>>) target(%dma_start3A_720 : memref<10008x128xf32, #tpu.memory_space<vmem_shared>>) offsets(%dma_start3A_717 : memref<128xi32, #tpu.memory_space<vmem>>) semaphore(%run_scoped3A : memref<!tpu.dma_semaphore, #tpu.memory_space<semaphore_mem>>) {add = true}
        %dma_wait3A_721 = arith.constant 0 : i32
        %dma_wait3A_722 = tpu.memref_slice %arg10[%add3A_686, %dma_wait3A_721] : memref<24x128xi32, #tpu.memory_space<vmem>> -> memref<1x128xi32, #tpu.memory_space<vmem>>
        %dma_wait3A_723 = tpu.memref_squeeze %dma_wait3A_722 : memref<1x128xi32, #tpu.memory_space<vmem>> -> memref<128xi32, #tpu.memory_space<vmem>>
        %dma_wait3A_724 = arith.constant 0 : i32
        %dma_wait3A_725 = arith.constant 0 : i32
        %dma_wait3A_726 = tpu.memref_slice %arg13[%dma_wait3A_724, %dma_wait3A_725] : memref<10008x128xf32, #tpu.memory_space<vmem_shared>> -> memref<10008x128xf32, #tpu.memory_space<vmem_shared>>
        tpu.wait_indirect_dma semaphore(%run_scoped3A : memref<!tpu.dma_semaphore, #tpu.memory_space<semaphore_mem>>) src(%arg11 : memref<128x128xf32, #tpu.memory_space<vmem>>) dst(%dma_wait3A_726 : memref<10008x128xf32, #tpu.memory_space<vmem_shared>>)
        tpu.yield
      }) : () -> ()
      %add3A_692 = arith.constant 2 : i32
      %add3A_693 = arith.addi %add3A_686, %add3A_692 : i32
      %lt3A = arith.constant 24 : i32
      %lt3A_694 = arith.cmpi slt, %add3A_693, %lt3A : i32
      %convert_element_type3A_695 = arith.extui %lt3A_694 : i1 to i32
      %cond3A_696 = arith.constant 0 : i32
      %cond3A_697 = arith.cmpi ne, %convert_element_type3A_695, %cond3A_696 : i32
      scf.if %cond3A_697 {
        %add3A_715 = arith.constant 2 : i32
        %add3A_716 = arith.addi %add3A_686, %add3A_715 : i32
        %get3A_717 = arith.index_cast %add3A_716 : i32 to index
        %get3A_718 = arith.constant 0 : index
        %get3A_719 = tpu.vector_load %arg9[%get3A_717, %get3A_718] {strides = array<i32>} : memref<24x128xi32, #tpu.memory_space<vmem>>, vector<16xi32>,
        %gather3A_720 = tpu.vector_load_idx %arg8[%get3A_719] : memref<10000xi32, #tpu.memory_space<vmem>>[vector<16xi32>], vector<16xi32>,
        %swap3A_721 = arith.index_cast %add3A_716 : i32 to index
        %swap3A_722 = arith.constant 0 : index
        %swap3A_723 = tpu.vector_load %arg9[%swap3A_721, %swap3A_722] {strides = array<i32>} : memref<24x128xi32, #tpu.memory_space<vmem>>, vector<16xi32>,
        tpu.vector_store %arg9[%swap3A_721, %swap3A_722], %gather3A_720 {strides = array<i32>} : memref<24x128xi32, #tpu.memory_space<vmem>>, vector<16xi32>,
        %get3A_724 = arith.index_cast %add3A_716 : i32 to index
        %get3A_725 = arith.constant 16 : index
        %get3A_726 = tpu.vector_load %arg9[%get3A_724, %get3A_725] {strides = array<i32>} : memref<24x128xi32, #tpu.memory_space<vmem>>, vector<16xi32>,
        %gather3A_727 = tpu.vector_load_idx %arg8[%get3A_726] : memref<10000xi32, #tpu.memory_space<vmem>>[vector<16xi32>], vector<16xi32>,
        %swap3A_728 = arith.index_cast %add3A_716 : i32 to index
        %swap3A_729 = arith.constant 16 : index
        %swap3A_730 = tpu.vector_load %arg9[%swap3A_728, %swap3A_729] {strides = array<i32>} : memref<24x128xi32, #tpu.memory_space<vmem>>, vector<16xi32>,
        tpu.vector_store %arg9[%swap3A_728, %swap3A_729], %gather3A_727 {strides = array<i32>} : memref<24x128xi32, #tpu.memory_space<vmem>>, vector<16xi32>,
        %get3A_731 = arith.index_cast %add3A_716 : i32 to index
        %get3A_732 = arith.constant 32 : index
        %get3A_733 = tpu.vector_load %arg9[%get3A_731, %get3A_732] {strides = array<i32>} : memref<24x128xi32, #tpu.memory_space<vmem>>, vector<16xi32>,
        %gather3A_734 = tpu.vector_load_idx %arg8[%get3A_733] : memref<10000xi32, #tpu.memory_space<vmem>>[vector<16xi32>], vector<16xi32>,
        %swap3A_735 = arith.index_cast %add3A_716 : i32 to index
        %swap3A_736 = arith.constant 32 : index
        %swap3A_737 = tpu.vector_load %arg9[%swap3A_735, %swap3A_736] {strides = array<i32>} : memref<24x128xi32, #tpu.memory_space<vmem>>, vector<16xi32>,
        tpu.vector_store %arg9[%swap3A_735, %swap3A_736], %gather3A_734 {strides = array<i32>} : memref<24x128xi32, #tpu.memory_space<vmem>>, vector<16xi32>,
        %get3A_738 = arith.index_cast %add3A_716 : i32 to index
        %get3A_739 = arith.constant 48 : index
        %get3A_740 = tpu.vector_load %arg9[%get3A_738, %get3A_739] {strides = array<i32>} : memref<24x128xi32, #tpu.memory_space<vmem>>, vector<16xi32>,
        %gather3A_741 = tpu.vector_load_idx %arg8[%get3A_740] : memref<10000xi32, #tpu.memory_space<vmem>>[vector<16xi32>], vector<16xi32>,
        %swap3A_742 = arith.index_cast %add3A_716 : i32 to index
        %swap3A_743 = arith.constant 48 : index
        %swap3A_744 = tpu.vector_load %arg9[%swap3A_742, %swap3A_743] {strides = array<i32>} : memref<24x128xi32, #tpu.memory_space<vmem>>, vector<16xi32>,
        tpu.vector_store %arg9[%swap3A_742, %swap3A_743], %gather3A_741 {strides = array<i32>} : memref<24x128xi32, #tpu.memory_space<vmem>>, vector<16xi32>,
        %get3A_745 = arith.index_cast %add3A_716 : i32 to index
        %get3A_746 = arith.constant 64 : index
        %get3A_747 = tpu.vector_load %arg9[%get3A_745, %get3A_746] {strides = array<i32>} : memref<24x128xi32, #tpu.memory_space<vmem>>, vector<16xi32>,
        %gather3A_748 = tpu.vector_load_idx %arg8[%get3A_747] : memref<10000xi32, #tpu.memory_space<vmem>>[vector<16xi32>], vector<16xi32>,
        %swap3A_749 = arith.index_cast %add3A_716 : i32 to index
        %swap3A_750 = arith.constant 64 : index
        %swap3A_751 = tpu.vector_load %arg9[%swap3A_749, %swap3A_750] {strides = array<i32>} : memref<24x128xi32, #tpu.memory_space<vmem>>, vector<16xi32>,
        tpu.vector_store %arg9[%swap3A_749, %swap3A_750], %gather3A_748 {strides = array<i32>} : memref<24x128xi32, #tpu.memory_space<vmem>>, vector<16xi32>,
        %get3A_752 = arith.index_cast %add3A_716 : i32 to index
        %get3A_753 = arith.constant 80 : index
        %get3A_754 = tpu.vector_load %arg9[%get3A_752, %get3A_753] {strides = array<i32>} : memref<24x128xi32, #tpu.memory_space<vmem>>, vector<16xi32>,
        %gather3A_755 = tpu.vector_load_idx %arg8[%get3A_754] : memref<10000xi32, #tpu.memory_space<vmem>>[vector<16xi32>], vector<16xi32>,
        %swap3A_756 = arith.index_cast %add3A_716 : i32 to index
        %swap3A_757 = arith.constant 80 : index
        %swap3A_758 = tpu.vector_load %arg9[%swap3A_756, %swap3A_757] {strides = array<i32>} : memref<24x128xi32, #tpu.memory_space<vmem>>, vector<16xi32>,
        tpu.vector_store %arg9[%swap3A_756, %swap3A_757], %gather3A_755 {strides = array<i32>} : memref<24x128xi32, #tpu.memory_space<vmem>>, vector<16xi32>,
        %get3A_759 = arith.index_cast %add3A_716 : i32 to index
        %get3A_760 = arith.constant 96 : index
        %get3A_761 = tpu.vector_load %arg9[%get3A_759, %get3A_760] {strides = array<i32>} : memref<24x128xi32, #tpu.memory_space<vmem>>, vector<16xi32>,
        %gather3A_762 = tpu.vector_load_idx %arg8[%get3A_761] : memref<10000xi32, #tpu.memory_space<vmem>>[vector<16xi32>], vector<16xi32>,
        %swap3A_763 = arith.index_cast %add3A_716 : i32 to index
        %swap3A_764 = arith.constant 96 : index
        %swap3A_765 = tpu.vector_load %arg9[%swap3A_763, %swap3A_764] {strides = array<i32>} : memref<24x128xi32, #tpu.memory_space<vmem>>, vector<16xi32>,
        tpu.vector_store %arg9[%swap3A_763, %swap3A_764], %gather3A_762 {strides = array<i32>} : memref<24x128xi32, #tpu.memory_space<vmem>>, vector<16xi32>,
        %get3A_766 = arith.index_cast %add3A_716 : i32 to index
        %get3A_767 = arith.constant 112 : index
        %get3A_768 = tpu.vector_load %arg9[%get3A_766, %get3A_767] {strides = array<i32>} : memref<24x128xi32, #tpu.memory_space<vmem>>, vector<16xi32>,
        %gather3A_769 = tpu.vector_load_idx %arg8[%get3A_768] : memref<10000xi32, #tpu.memory_space<vmem>>[vector<16xi32>], vector<16xi32>,
        %swap3A_770 = arith.index_cast %add3A_716 : i32 to index
        %swap3A_771 = arith.constant 112 : index
        %swap3A_772 = tpu.vector_load %arg9[%swap3A_770, %swap3A_771] {strides = array<i32>} : memref<24x128xi32, #tpu.memory_space<vmem>>, vector<16xi32>,
        tpu.vector_store %arg9[%swap3A_770, %swap3A_771], %gather3A_769 {strides = array<i32>} : memref<24x128xi32, #tpu.memory_space<vmem>>, vector<16xi32>,
        %add3A_773 = arith.constant 2 : i32
        %add3A_774 = arith.addi %add3A_686, %add3A_773 : i32
        %dma_start3A_775 = arith.constant 0 : i32
        %dma_start3A_776 = tpu.memref_slice %arg9[%add3A_774, %dma_start3A_775] : memref<24x128xi32, #tpu.memory_space<vmem>> -> memref<1x128xi32, #tpu.memory_space<vmem>>
        %dma_start3A_777 = tpu.memref_squeeze %dma_start3A_776 : memref<1x128xi32, #tpu.memory_space<vmem>> -> memref<128xi32, #tpu.memory_space<vmem>>
        %dma_start3A_778 = arith.constant 0 : i32
        %dma_start3A_779 = arith.constant 0 : i32
        %dma_start3A_780 = tpu.memref_slice %arg2[%dma_start3A_778, %dma_start3A_779] : memref<10000x128xf32, #tpu.memory_space<hbm>> -> memref<10000x128xf32, #tpu.memory_space<hbm>>
        tpu.enqueue_indirect_dma source(%dma_start3A_780 : memref<10000x128xf32, #tpu.memory_space<hbm>>) target(%arg11 : memref<128x128xf32, #tpu.memory_space<vmem>>) offsets(%dma_start3A_777 : memref<128xi32, #tpu.memory_space<vmem>>) semaphore(%arg14 : memref<!tpu.dma_semaphore, #tpu.memory_space<semaphore_mem>>)
      } else {
      }
      %mul3A_698 = arith.constant 2 : i32
      %mul3A_699 = arith.muli %scan3A_682, %mul3A_698 : i32
      %add3A_700 = arith.constant 1 : i32
      %add3A_701 = arith.addi %mul3A_699, %add3A_700 : i32
      %dma_wait3A_702 = arith.constant 0 : i32
      %dma_wait3A_703 = tpu.memref_slice %arg9[%add3A_701, %dma_wait3A_702] : memref<24x128xi32, #tpu.memory_space<vmem>> -> memref<1x128xi32, #tpu.memory_space<vmem>>
      %dma_wait3A_704 = tpu.memref_squeeze %dma_wait3A_703 : memref<1x128xi32, #tpu.memory_space<vmem>> -> memref<128xi32, #tpu.memory_space<vmem>>
      %dma_wait3A_705 = arith.constant 0 : i32
      %dma_wait3A_706 = arith.constant 0 : i32
      %dma_wait3A_707 = tpu.memref_slice %arg2[%dma_wait3A_705, %dma_wait3A_706] : memref<10000x128xf32, #tpu.memory_space<hbm>> -> memref<10000x128xf32, #tpu.memory_space<hbm>>
      tpu.wait_indirect_dma semaphore(%arg15 : memref<!tpu.dma_semaphore, #tpu.memory_space<semaphore_mem>>) src(%dma_wait3A_707 : memref<10000x128xf32, #tpu.memory_space<hbm>>) dst(%arg12 : memref<128x128xf32, #tpu.memory_space<vmem>>)
      "tpu.region"() ({
        %run_scoped3A = tpu.sem_alloc : memref<!tpu.dma_semaphore, #tpu.memory_space<semaphore_mem>>
        %dma_start3A_715 = arith.constant 0 : i32
        %dma_start3A_716 = tpu.memref_slice %arg10[%add3A_701, %dma_start3A_715] : memref<24x128xi32, #tpu.memory_space<vmem>> -> memref<1x128xi32, #tpu.memory_space<vmem>>
        %dma_start3A_717 = tpu.memref_squeeze %dma_start3A_716 : memref<1x128xi32, #tpu.memory_space<vmem>> -> memref<128xi32, #tpu.memory_space<vmem>>
        %dma_start3A_718 = arith.constant 0 : i32
        %dma_start3A_719 = arith.constant 0 : i32
        %dma_start3A_720 = tpu.memref_slice %arg13[%dma_start3A_718, %dma_start3A_719] : memref<10008x128xf32, #tpu.memory_space<vmem_shared>> -> memref<10008x128xf32, #tpu.memory_space<vmem_shared>>
        tpu.enqueue_indirect_dma source(%arg12 : memref<128x128xf32, #tpu.memory_space<vmem>>) target(%dma_start3A_720 : memref<10008x128xf32, #tpu.memory_space<vmem_shared>>) offsets(%dma_start3A_717 : memref<128xi32, #tpu.memory_space<vmem>>) semaphore(%run_scoped3A : memref<!tpu.dma_semaphore, #tpu.memory_space<semaphore_mem>>) {add = true}
        %dma_wait3A_721 = arith.constant 0 : i32
        %dma_wait3A_722 = tpu.memref_slice %arg10[%add3A_701, %dma_wait3A_721] : memref<24x128xi32, #tpu.memory_space<vmem>> -> memref<1x128xi32, #tpu.memory_space<vmem>>
        %dma_wait3A_723 = tpu.memref_squeeze %dma_wait3A_722 : memref<1x128xi32, #tpu.memory_space<vmem>> -> memref<128xi32, #tpu.memory_space<vmem>>
        %dma_wait3A_724 = arith.constant 0 : i32
        %dma_wait3A_725 = arith.constant 0 : i32
        %dma_wait3A_726 = tpu.memref_slice %arg13[%dma_wait3A_724, %dma_wait3A_725] : memref<10008x128xf32, #tpu.memory_space<vmem_shared>> -> memref<10008x128xf32, #tpu.memory_space<vmem_shared>>
        tpu.wait_indirect_dma semaphore(%run_scoped3A : memref<!tpu.dma_semaphore, #tpu.memory_space<semaphore_mem>>) src(%arg12 : memref<128x128xf32, #tpu.memory_space<vmem>>) dst(%dma_wait3A_726 : memref<10008x128xf32, #tpu.memory_space<vmem_shared>>)
        tpu.yield
      }) : () -> ()
      %add3A_708 = arith.constant 2 : i32
      %add3A_709 = arith.addi %add3A_701, %add3A_708 : i32
      %lt3A_710 = arith.constant 24 : i32
      %lt3A_711 = arith.cmpi slt, %add3A_709, %lt3A_710 : i32
      %convert_element_type3A_712 = arith.extui %lt3A_711 : i1 to i32
      %cond3A_713 = arith.constant 0 : i32
      %cond3A_714 = arith.cmpi ne, %convert_element_type3A_712, %cond3A_713 : i32
      scf.if %cond3A_714 {
        %add3A_715 = arith.constant 2 : i32
        %add3A_716 = arith.addi %add3A_701, %add3A_715 : i32
        %get3A_717 = arith.index_cast %add3A_716 : i32 to index
        %get3A_718 = arith.constant 0 : index
        %get3A_719 = tpu.vector_load %arg9[%get3A_717, %get3A_718] {strides = array<i32>} : memref<24x128xi32, #tpu.memory_space<vmem>>, vector<16xi32>,
        %gather3A_720 = tpu.vector_load_idx %arg8[%get3A_719] : memref<10000xi32, #tpu.memory_space<vmem>>[vector<16xi32>], vector<16xi32>,
        %swap3A_721 = arith.index_cast %add3A_716 : i32 to index
        %swap3A_722 = arith.constant 0 : index
        %swap3A_723 = tpu.vector_load %arg9[%swap3A_721, %swap3A_722] {strides = array<i32>} : memref<24x128xi32, #tpu.memory_space<vmem>>, vector<16xi32>,
        tpu.vector_store %arg9[%swap3A_721, %swap3A_722], %gather3A_720 {strides = array<i32>} : memref<24x128xi32, #tpu.memory_space<vmem>>, vector<16xi32>,
        %get3A_724 = arith.index_cast %add3A_716 : i32 to index
        %get3A_725 = arith.constant 16 : index
        %get3A_726 = tpu.vector_load %arg9[%get3A_724, %get3A_725] {strides = array<i32>} : memref<24x128xi32, #tpu.memory_space<vmem>>, vector<16xi32>,
        %gather3A_727 = tpu.vector_load_idx %arg8[%get3A_726] : memref<10000xi32, #tpu.memory_space<vmem>>[vector<16xi32>], vector<16xi32>,
        %swap3A_728 = arith.index_cast %add3A_716 : i32 to index
        %swap3A_729 = arith.constant 16 : index
        %swap3A_730 = tpu.vector_load %arg9[%swap3A_728, %swap3A_729] {strides = array<i32>} : memref<24x128xi32, #tpu.memory_space<vmem>>, vector<16xi32>,
        tpu.vector_store %arg9[%swap3A_728, %swap3A_729], %gather3A_727 {strides = array<i32>} : memref<24x128xi32, #tpu.memory_space<vmem>>, vector<16xi32>,
        %get3A_731 = arith.index_cast %add3A_716 : i32 to index
        %get3A_732 = arith.constant 32 : index
        %get3A_733 = tpu.vector_load %arg9[%get3A_731, %get3A_732] {strides = array<i32>} : memref<24x128xi32, #tpu.memory_space<vmem>>, vector<16xi32>,
        %gather3A_734 = tpu.vector_load_idx %arg8[%get3A_733] : memref<10000xi32, #tpu.memory_space<vmem>>[vector<16xi32>], vector<16xi32>,
        %swap3A_735 = arith.index_cast %add3A_716 : i32 to index
        %swap3A_736 = arith.constant 32 : index
        %swap3A_737 = tpu.vector_load %arg9[%swap3A_735, %swap3A_736] {strides = array<i32>} : memref<24x128xi32, #tpu.memory_space<vmem>>, vector<16xi32>,
        tpu.vector_store %arg9[%swap3A_735, %swap3A_736], %gather3A_734 {strides = array<i32>} : memref<24x128xi32, #tpu.memory_space<vmem>>, vector<16xi32>,
        %get3A_738 = arith.index_cast %add3A_716 : i32 to index
        %get3A_739 = arith.constant 48 : index
        %get3A_740 = tpu.vector_load %arg9[%get3A_738, %get3A_739] {strides = array<i32>} : memref<24x128xi32, #tpu.memory_space<vmem>>, vector<16xi32>,
        %gather3A_741 = tpu.vector_load_idx %arg8[%get3A_740] : memref<10000xi32, #tpu.memory_space<vmem>>[vector<16xi32>], vector<16xi32>,
        %swap3A_742 = arith.index_cast %add3A_716 : i32 to index
        %swap3A_743 = arith.constant 48 : index
        %swap3A_744 = tpu.vector_load %arg9[%swap3A_742, %swap3A_743] {strides = array<i32>} : memref<24x128xi32, #tpu.memory_space<vmem>>, vector<16xi32>,
        tpu.vector_store %arg9[%swap3A_742, %swap3A_743], %gather3A_741 {strides = array<i32>} : memref<24x128xi32, #tpu.memory_space<vmem>>, vector<16xi32>,
        %get3A_745 = arith.index_cast %add3A_716 : i32 to index
        %get3A_746 = arith.constant 64 : index
        %get3A_747 = tpu.vector_load %arg9[%get3A_745, %get3A_746] {strides = array<i32>} : memref<24x128xi32, #tpu.memory_space<vmem>>, vector<16xi32>,
        %gather3A_748 = tpu.vector_load_idx %arg8[%get3A_747] : memref<10000xi32, #tpu.memory_space<vmem>>[vector<16xi32>], vector<16xi32>,
        %swap3A_749 = arith.index_cast %add3A_716 : i32 to index
        %swap3A_750 = arith.constant 64 : index
        %swap3A_751 = tpu.vector_load %arg9[%swap3A_749, %swap3A_750] {strides = array<i32>} : memref<24x128xi32, #tpu.memory_space<vmem>>, vector<16xi32>,
        tpu.vector_store %arg9[%swap3A_749, %swap3A_750], %gather3A_748 {strides = array<i32>} : memref<24x128xi32, #tpu.memory_space<vmem>>, vector<16xi32>,
        %get3A_752 = arith.index_cast %add3A_716 : i32 to index
        %get3A_753 = arith.constant 80 : index
        %get3A_754 = tpu.vector_load %arg9[%get3A_752, %get3A_753] {strides = array<i32>} : memref<24x128xi32, #tpu.memory_space<vmem>>, vector<16xi32>,
        %gather3A_755 = tpu.vector_load_idx %arg8[%get3A_754] : memref<10000xi32, #tpu.memory_space<vmem>>[vector<16xi32>], vector<16xi32>,
        %swap3A_756 = arith.index_cast %add3A_716 : i32 to index
        %swap3A_757 = arith.constant 80 : index
        %swap3A_758 = tpu.vector_load %arg9[%swap3A_756, %swap3A_757] {strides = array<i32>} : memref<24x128xi32, #tpu.memory_space<vmem>>, vector<16xi32>,
        tpu.vector_store %arg9[%swap3A_756, %swap3A_757], %gather3A_755 {strides = array<i32>} : memref<24x128xi32, #tpu.memory_space<vmem>>, vector<16xi32>,
        %get3A_759 = arith.index_cast %add3A_716 : i32 to index
        %get3A_760 = arith.constant 96 : index
        %get3A_761 = tpu.vector_load %arg9[%get3A_759, %get3A_760] {strides = array<i32>} : memref<24x128xi32, #tpu.memory_space<vmem>>, vector<16xi32>,
        %gather3A_762 = tpu.vector_load_idx %arg8[%get3A_761] : memref<10000xi32, #tpu.memory_space<vmem>>[vector<16xi32>], vector<16xi32>,
        %swap3A_763 = arith.index_cast %add3A_716 : i32 to index
        %swap3A_764 = arith.constant 96 : index
        %swap3A_765 = tpu.vector_load %arg9[%swap3A_763, %swap3A_764] {strides = array<i32>} : memref<24x128xi32, #tpu.memory_space<vmem>>, vector<16xi32>,
        tpu.vector_store %arg9[%swap3A_763, %swap3A_764], %gather3A_762 {strides = array<i32>} : memref<24x128xi32, #tpu.memory_space<vmem>>, vector<16xi32>,
        %get3A_766 = arith.index_cast %add3A_716 : i32 to index
        %get3A_767 = arith.constant 112 : index
        %get3A_768 = tpu.vector_load %arg9[%get3A_766, %get3A_767] {strides = array<i32>} : memref<24x128xi32, #tpu.memory_space<vmem>>, vector<16xi32>,
        %gather3A_769 = tpu.vector_load_idx %arg8[%get3A_768] : memref<10000xi32, #tpu.memory_space<vmem>>[vector<16xi32>], vector<16xi32>,
        %swap3A_770 = arith.index_cast %add3A_716 : i32 to index
        %swap3A_771 = arith.constant 112 : index
        %swap3A_772 = tpu.vector_load %arg9[%swap3A_770, %swap3A_771] {strides = array<i32>} : memref<24x128xi32, #tpu.memory_space<vmem>>, vector<16xi32>,
        tpu.vector_store %arg9[%swap3A_770, %swap3A_771], %gather3A_769 {strides = array<i32>} : memref<24x128xi32, #tpu.memory_space<vmem>>, vector<16xi32>,
        %add3A_773 = arith.constant 2 : i32
        %add3A_774 = arith.addi %add3A_701, %add3A_773 : i32
        %dma_start3A_775 = arith.constant 0 : i32
        %dma_start3A_776 = tpu.memref_slice %arg9[%add3A_774, %dma_start3A_775] : memref<24x128xi32, #tpu.memory_space<vmem>> -> memref<1x128xi32, #tpu.memory_space<vmem>>
        %dma_start3A_777 = tpu.memref_squeeze %dma_start3A_776 : memref<1x128xi32, #tpu.memory_space<vmem>> -> memref<128xi32, #tpu.memory_space<vmem>>
        %dma_start3A_778 = arith.constant 0 : i32
        %dma_start3A_779 = arith.constant 0 : i32
        %dma_start3A_780 = tpu.memref_slice %arg2[%dma_start3A_778, %dma_start3A_779] : memref<10000x128xf32, #tpu.memory_space<hbm>> -> memref<10000x128xf32, #tpu.memory_space<hbm>>
        tpu.enqueue_indirect_dma source(%dma_start3A_780 : memref<10000x128xf32, #tpu.memory_space<hbm>>) target(%arg12 : memref<128x128xf32, #tpu.memory_space<vmem>>) offsets(%dma_start3A_777 : memref<128xi32, #tpu.memory_space<vmem>>) semaphore(%arg15 : memref<!tpu.dma_semaphore, #tpu.memory_space<semaphore_mem>>)
      } else {
      }
    }
    %scan3A_503 = arith.constant 12 : i32
    %mul3A_504 = arith.constant 80 : i32
    %mul3A_505 = arith.muli %add3A, %mul3A_504 : i32
    %add3A_506 = arith.constant 72 : i32
    %add3A_507 = arith.addi %mul3A_505, %add3A_506 : i32
    "tpu.region"() ({
      %run_scoped3A = tpu.sem_alloc : memref<!tpu.dma_semaphore, #tpu.memory_space<semaphore_mem>>
      %dma_start3A_682 = arith.constant 0 : i32
      %dma_start3A_683 = arith.constant 0 : i32
      %dma_start3A_684 = tpu.memref_slice %arg9[%dma_start3A_682, %dma_start3A_683] : memref<24x128xi32, #tpu.memory_space<vmem>> -> memref<8x128xi32, #tpu.memory_space<vmem>>
      %dma_start3A_685 = arith.constant 0 : i32
      %dma_start3A_686 = tpu.memref_slice %arg4[%add3A_507, %dma_start3A_685] : memref<2560x128xi32, #tpu.memory_space<hbm>> -> memref<8x128xi32, #tpu.memory_space<hbm>>
      %dma_start3A_687 = arith.constant 0 : i32
      %dma_start3A_688 = arith.constant 0 : i32
      %dma_start3A_689 = tpu.memref_slice %arg9[%dma_start3A_687, %dma_start3A_688] : memref<24x128xi32, #tpu.memory_space<vmem>> -> memref<8x128xi32, #tpu.memory_space<vmem>>
      %dma_start3A_690 = arith.constant 0 : i32
      %dma_start3A_691 = tpu.memref_slice %arg4[%add3A_507, %dma_start3A_690] : memref<2560x128xi32, #tpu.memory_space<hbm>> -> memref<8x128xi32, #tpu.memory_space<hbm>>
      tpu.enqueue_dma source(%dma_start3A_691 : memref<8x128xi32, #tpu.memory_space<hbm>>) target(%dma_start3A_689 : memref<8x128xi32, #tpu.memory_space<vmem>>) target_semaphore(%run_scoped3A : memref<!tpu.dma_semaphore, #tpu.memory_space<semaphore_mem>>)
      %dma_wait3A = arith.constant 0 : i32
      %dma_wait3A_692 = arith.constant 0 : i32
      %dma_wait3A_693 = tpu.memref_slice %arg9[%dma_wait3A, %dma_wait3A_692] : memref<24x128xi32, #tpu.memory_space<vmem>> -> memref<8x128xi32, #tpu.memory_space<vmem>>
      %dma_wait3A_694 = arith.constant 0 : i32
      %dma_wait3A_695 = tpu.memref_slice %arg4[%add3A_507, %dma_wait3A_694] : memref<2560x128xi32, #tpu.memory_space<hbm>> -> memref<8x128xi32, #tpu.memory_space<hbm>>
      %dma_wait3A_696 = arith.constant 0 : i32
      %dma_wait3A_697 = arith.constant 0 : i32
      %dma_wait3A_698 = tpu.memref_slice %arg9[%dma_wait3A_696, %dma_wait3A_697] : memref<24x128xi32, #tpu.memory_space<vmem>> -> memref<8x128xi32, #tpu.memory_space<vmem>>
      %dma_wait3A_699 = arith.constant 0 : i32
      %dma_wait3A_700 = tpu.memref_slice %arg4[%add3A_507, %dma_wait3A_699] : memref<2560x128xi32, #tpu.memory_space<hbm>> -> memref<8x128xi32, #tpu.memory_space<hbm>>
      tpu.wait_dma2 semaphore(%run_scoped3A : memref<!tpu.dma_semaphore, #tpu.memory_space<semaphore_mem>>) src(%dma_wait3A_700 : memref<8x128xi32, #tpu.memory_space<hbm>>) dst(%dma_wait3A_698 : memref<8x128xi32, #tpu.memory_space<vmem>>)
      tpu.yield
    }) : () -> ()
    "tpu.region"() ({
      %run_scoped3A = tpu.sem_alloc : memref<!tpu.dma_semaphore, #tpu.memory_space<semaphore_mem>>
      %dma_start3A_682 = arith.constant 0 : i32
      %dma_start3A_683 = arith.constant 0 : i32
      %dma_start3A_684 = tpu.memref_slice %arg10[%dma_start3A_682, %dma_start3A_683] : memref<24x128xi32, #tpu.memory_space<vmem>> -> memref<8x128xi32, #tpu.memory_space<vmem>>
      %dma_start3A_685 = arith.constant 0 : i32
      %dma_start3A_686 = tpu.memref_slice %arg5[%add3A_507, %dma_start3A_685] : memref<2560x128xi32, #tpu.memory_space<hbm>> -> memref<8x128xi32, #tpu.memory_space<hbm>>
      %dma_start3A_687 = arith.constant 0 : i32
      %dma_start3A_688 = arith.constant 0 : i32
      %dma_start3A_689 = tpu.memref_slice %arg10[%dma_start3A_687, %dma_start3A_688] : memref<24x128xi32, #tpu.memory_space<vmem>> -> memref<8x128xi32, #tpu.memory_space<vmem>>
      %dma_start3A_690 = arith.constant 0 : i32
      %dma_start3A_691 = tpu.memref_slice %arg5[%add3A_507, %dma_start3A_690] : memref<2560x128xi32, #tpu.memory_space<hbm>> -> memref<8x128xi32, #tpu.memory_space<hbm>>
      tpu.enqueue_dma source(%dma_start3A_691 : memref<8x128xi32, #tpu.memory_space<hbm>>) target(%dma_start3A_689 : memref<8x128xi32, #tpu.memory_space<vmem>>) target_semaphore(%run_scoped3A : memref<!tpu.dma_semaphore, #tpu.memory_space<semaphore_mem>>)
      %dma_wait3A = arith.constant 0 : i32
      %dma_wait3A_692 = arith.constant 0 : i32
      %dma_wait3A_693 = tpu.memref_slice %arg10[%dma_wait3A, %dma_wait3A_692] : memref<24x128xi32, #tpu.memory_space<vmem>> -> memref<8x128xi32, #tpu.memory_space<vmem>>
      %dma_wait3A_694 = arith.constant 0 : i32
      %dma_wait3A_695 = tpu.memref_slice %arg5[%add3A_507, %dma_wait3A_694] : memref<2560x128xi32, #tpu.memory_space<hbm>> -> memref<8x128xi32, #tpu.memory_space<hbm>>
      %dma_wait3A_696 = arith.constant 0 : i32
      %dma_wait3A_697 = arith.constant 0 : i32
      %dma_wait3A_698 = tpu.memref_slice %arg10[%dma_wait3A_696, %dma_wait3A_697] : memref<24x128xi32, #tpu.memory_space<vmem>> -> memref<8x128xi32, #tpu.memory_space<vmem>>
      %dma_wait3A_699 = arith.constant 0 : i32
      %dma_wait3A_700 = tpu.memref_slice %arg5[%add3A_507, %dma_wait3A_699] : memref<2560x128xi32, #tpu.memory_space<hbm>> -> memref<8x128xi32, #tpu.memory_space<hbm>>
      tpu.wait_dma2 semaphore(%run_scoped3A : memref<!tpu.dma_semaphore, #tpu.memory_space<semaphore_mem>>) src(%dma_wait3A_700 : memref<8x128xi32, #tpu.memory_space<hbm>>) dst(%dma_wait3A_698 : memref<8x128xi32, #tpu.memory_space<vmem>>)
      tpu.yield
    }) : () -> ()
    %get3A_508 = arith.constant 0 : i32
    %get3A_509 = arith.index_cast %get3A_508 : i32 to index
    %get3A_510 = arith.constant 0 : index
    %get3A_511 = tpu.vector_load %arg9[%get3A_509, %get3A_510] {strides = array<i32>} : memref<24x128xi32, #tpu.memory_space<vmem>>, vector<16xi32>,
    %gather3A_512 = tpu.vector_load_idx %arg8[%get3A_511] : memref<10000xi32, #tpu.memory_space<vmem>>[vector<16xi32>], vector<16xi32>,
    %swap3A_513 = arith.constant 0 : i32
    %swap3A_514 = arith.index_cast %swap3A_513 : i32 to index
    %swap3A_515 = arith.constant 0 : index
    %swap3A_516 = tpu.vector_load %arg9[%swap3A_514, %swap3A_515] {strides = array<i32>} : memref<24x128xi32, #tpu.memory_space<vmem>>, vector<16xi32>,
    tpu.vector_store %arg9[%swap3A_514, %swap3A_515], %gather3A_512 {strides = array<i32>} : memref<24x128xi32, #tpu.memory_space<vmem>>, vector<16xi32>,
    %get3A_517 = arith.constant 0 : i32
    %get3A_518 = arith.index_cast %get3A_517 : i32 to index
    %get3A_519 = arith.constant 16 : index
    %get3A_520 = tpu.vector_load %arg9[%get3A_518, %get3A_519] {strides = array<i32>} : memref<24x128xi32, #tpu.memory_space<vmem>>, vector<16xi32>,
    %gather3A_521 = tpu.vector_load_idx %arg8[%get3A_520] : memref<10000xi32, #tpu.memory_space<vmem>>[vector<16xi32>], vector<16xi32>,
    %swap3A_522 = arith.constant 0 : i32
    %swap3A_523 = arith.index_cast %swap3A_522 : i32 to index
    %swap3A_524 = arith.constant 16 : index
    %swap3A_525 = tpu.vector_load %arg9[%swap3A_523, %swap3A_524] {strides = array<i32>} : memref<24x128xi32, #tpu.memory_space<vmem>>, vector<16xi32>,
    tpu.vector_store %arg9[%swap3A_523, %swap3A_524], %gather3A_521 {strides = array<i32>} : memref<24x128xi32, #tpu.memory_space<vmem>>, vector<16xi32>,
    %get3A_526 = arith.constant 0 : i32
    %get3A_527 = arith.index_cast %get3A_526 : i32 to index
    %get3A_528 = arith.constant 32 : index
    %get3A_529 = tpu.vector_load %arg9[%get3A_527, %get3A_528] {strides = array<i32>} : memref<24x128xi32, #tpu.memory_space<vmem>>, vector<16xi32>,
    %gather3A_530 = tpu.vector_load_idx %arg8[%get3A_529] : memref<10000xi32, #tpu.memory_space<vmem>>[vector<16xi32>], vector<16xi32>,
    %swap3A_531 = arith.constant 0 : i32
    %swap3A_532 = arith.index_cast %swap3A_531 : i32 to index
    %swap3A_533 = arith.constant 32 : index
    %swap3A_534 = tpu.vector_load %arg9[%swap3A_532, %swap3A_533] {strides = array<i32>} : memref<24x128xi32, #tpu.memory_space<vmem>>, vector<16xi32>,
    tpu.vector_store %arg9[%swap3A_532, %swap3A_533], %gather3A_530 {strides = array<i32>} : memref<24x128xi32, #tpu.memory_space<vmem>>, vector<16xi32>,
    %get3A_535 = arith.constant 0 : i32
    %get3A_536 = arith.index_cast %get3A_535 : i32 to index
    %get3A_537 = arith.constant 48 : index
    %get3A_538 = tpu.vector_load %arg9[%get3A_536, %get3A_537] {strides = array<i32>} : memref<24x128xi32, #tpu.memory_space<vmem>>, vector<16xi32>,
    %gather3A_539 = tpu.vector_load_idx %arg8[%get3A_538] : memref<10000xi32, #tpu.memory_space<vmem>>[vector<16xi32>], vector<16xi32>,
    %swap3A_540 = arith.constant 0 : i32
    %swap3A_541 = arith.index_cast %swap3A_540 : i32 to index
    %swap3A_542 = arith.constant 48 : index
    %swap3A_543 = tpu.vector_load %arg9[%swap3A_541, %swap3A_542] {strides = array<i32>} : memref<24x128xi32, #tpu.memory_space<vmem>>, vector<16xi32>,
    tpu.vector_store %arg9[%swap3A_541, %swap3A_542], %gather3A_539 {strides = array<i32>} : memref<24x128xi32, #tpu.memory_space<vmem>>, vector<16xi32>,
    %get3A_544 = arith.constant 0 : i32
    %get3A_545 = arith.index_cast %get3A_544 : i32 to index
    %get3A_546 = arith.constant 64 : index
    %get3A_547 = tpu.vector_load %arg9[%get3A_545, %get3A_546] {strides = array<i32>} : memref<24x128xi32, #tpu.memory_space<vmem>>, vector<16xi32>,
    %gather3A_548 = tpu.vector_load_idx %arg8[%get3A_547] : memref<10000xi32, #tpu.memory_space<vmem>>[vector<16xi32>], vector<16xi32>,
    %swap3A_549 = arith.constant 0 : i32
    %swap3A_550 = arith.index_cast %swap3A_549 : i32 to index
    %swap3A_551 = arith.constant 64 : index
    %swap3A_552 = tpu.vector_load %arg9[%swap3A_550, %swap3A_551] {strides = array<i32>} : memref<24x128xi32, #tpu.memory_space<vmem>>, vector<16xi32>,
    tpu.vector_store %arg9[%swap3A_550, %swap3A_551], %gather3A_548 {strides = array<i32>} : memref<24x128xi32, #tpu.memory_space<vmem>>, vector<16xi32>,
    %get3A_553 = arith.constant 0 : i32
    %get3A_554 = arith.index_cast %get3A_553 : i32 to index
    %get3A_555 = arith.constant 80 : index
    %get3A_556 = tpu.vector_load %arg9[%get3A_554, %get3A_555] {strides = array<i32>} : memref<24x128xi32, #tpu.memory_space<vmem>>, vector<16xi32>,
    %gather3A_557 = tpu.vector_load_idx %arg8[%get3A_556] : memref<10000xi32, #tpu.memory_space<vmem>>[vector<16xi32>], vector<16xi32>,
    %swap3A_558 = arith.constant 0 : i32
    %swap3A_559 = arith.index_cast %swap3A_558 : i32 to index
    %swap3A_560 = arith.constant 80 : index
    %swap3A_561 = tpu.vector_load %arg9[%swap3A_559, %swap3A_560] {strides = array<i32>} : memref<24x128xi32, #tpu.memory_space<vmem>>, vector<16xi32>,
    tpu.vector_store %arg9[%swap3A_559, %swap3A_560], %gather3A_557 {strides = array<i32>} : memref<24x128xi32, #tpu.memory_space<vmem>>, vector<16xi32>,
    %get3A_562 = arith.constant 0 : i32
    %get3A_563 = arith.index_cast %get3A_562 : i32 to index
    %get3A_564 = arith.constant 96 : index
    %get3A_565 = tpu.vector_load %arg9[%get3A_563, %get3A_564] {strides = array<i32>} : memref<24x128xi32, #tpu.memory_space<vmem>>, vector<16xi32>,
    %gather3A_566 = tpu.vector_load_idx %arg8[%get3A_565] : memref<10000xi32, #tpu.memory_space<vmem>>[vector<16xi32>], vector<16xi32>,
    %swap3A_567 = arith.constant 0 : i32
    %swap3A_568 = arith.index_cast %swap3A_567 : i32 to index
    %swap3A_569 = arith.constant 96 : index
    %swap3A_570 = tpu.vector_load %arg9[%swap3A_568, %swap3A_569] {strides = array<i32>} : memref<24x128xi32, #tpu.memory_space<vmem>>, vector<16xi32>,
    tpu.vector_store %arg9[%swap3A_568, %swap3A_569], %gather3A_566 {strides = array<i32>} : memref<24x128xi32, #tpu.memory_space<vmem>>, vector<16xi32>,
    %get3A_571 = arith.constant 0 : i32
    %get3A_572 = arith.index_cast %get3A_571 : i32 to index
    %get3A_573 = arith.constant 112 : index
    %get3A_574 = tpu.vector_load %arg9[%get3A_572, %get3A_573] {strides = array<i32>} : memref<24x128xi32, #tpu.memory_space<vmem>>, vector<16xi32>,
    %gather3A_575 = tpu.vector_load_idx %arg8[%get3A_574] : memref<10000xi32, #tpu.memory_space<vmem>>[vector<16xi32>], vector<16xi32>,
    %swap3A_576 = arith.constant 0 : i32
    %swap3A_577 = arith.index_cast %swap3A_576 : i32 to index
    %swap3A_578 = arith.constant 112 : index
    %swap3A_579 = tpu.vector_load %arg9[%swap3A_577, %swap3A_578] {strides = array<i32>} : memref<24x128xi32, #tpu.memory_space<vmem>>, vector<16xi32>,
    tpu.vector_store %arg9[%swap3A_577, %swap3A_578], %gather3A_575 {strides = array<i32>} : memref<24x128xi32, #tpu.memory_space<vmem>>, vector<16xi32>,
    %dma_start3A_580 = arith.constant 0 : i32
    %dma_start3A_581 = arith.constant 0 : i32
    %dma_start3A_582 = tpu.memref_slice %arg9[%dma_start3A_580, %dma_start3A_581] : memref<24x128xi32, #tpu.memory_space<vmem>> -> memref<1x128xi32, #tpu.memory_space<vmem>>
    %dma_start3A_583 = tpu.memref_squeeze %dma_start3A_582 : memref<1x128xi32, #tpu.memory_space<vmem>> -> memref<128xi32, #tpu.memory_space<vmem>>
    %dma_start3A_584 = arith.constant 0 : i32
    %dma_start3A_585 = arith.constant 0 : i32
    %dma_start3A_586 = tpu.memref_slice %arg2[%dma_start3A_584, %dma_start3A_585] : memref<10000x128xf32, #tpu.memory_space<hbm>> -> memref<10000x128xf32, #tpu.memory_space<hbm>>
    tpu.enqueue_indirect_dma source(%dma_start3A_586 : memref<10000x128xf32, #tpu.memory_space<hbm>>) target(%arg11 : memref<128x128xf32, #tpu.memory_space<vmem>>) offsets(%dma_start3A_583 : memref<128xi32, #tpu.memory_space<vmem>>) semaphore(%arg14 : memref<!tpu.dma_semaphore, #tpu.memory_space<semaphore_mem>>)
    %get3A_587 = arith.constant 1 : i32
    %get3A_588 = arith.index_cast %get3A_587 : i32 to index
    %get3A_589 = arith.constant 0 : index
    %get3A_590 = tpu.vector_load %arg9[%get3A_588, %get3A_589] {strides = array<i32>} : memref<24x128xi32, #tpu.memory_space<vmem>>, vector<16xi32>,
    %gather3A_591 = tpu.vector_load_idx %arg8[%get3A_590] : memref<10000xi32, #tpu.memory_space<vmem>>[vector<16xi32>], vector<16xi32>,
    %swap3A_592 = arith.constant 1 : i32
    %swap3A_593 = arith.index_cast %swap3A_592 : i32 to index
    %swap3A_594 = arith.constant 0 : index
    %swap3A_595 = tpu.vector_load %arg9[%swap3A_593, %swap3A_594] {strides = array<i32>} : memref<24x128xi32, #tpu.memory_space<vmem>>, vector<16xi32>,
    tpu.vector_store %arg9[%swap3A_593, %swap3A_594], %gather3A_591 {strides = array<i32>} : memref<24x128xi32, #tpu.memory_space<vmem>>, vector<16xi32>,
    %get3A_596 = arith.constant 1 : i32
    %get3A_597 = arith.index_cast %get3A_596 : i32 to index
    %get3A_598 = arith.constant 16 : index
    %get3A_599 = tpu.vector_load %arg9[%get3A_597, %get3A_598] {strides = array<i32>} : memref<24x128xi32, #tpu.memory_space<vmem>>, vector<16xi32>,
    %gather3A_600 = tpu.vector_load_idx %arg8[%get3A_599] : memref<10000xi32, #tpu.memory_space<vmem>>[vector<16xi32>], vector<16xi32>,
    %swap3A_601 = arith.constant 1 : i32
    %swap3A_602 = arith.index_cast %swap3A_601 : i32 to index
    %swap3A_603 = arith.constant 16 : index
    %swap3A_604 = tpu.vector_load %arg9[%swap3A_602, %swap3A_603] {strides = array<i32>} : memref<24x128xi32, #tpu.memory_space<vmem>>, vector<16xi32>,
    tpu.vector_store %arg9[%swap3A_602, %swap3A_603], %gather3A_600 {strides = array<i32>} : memref<24x128xi32, #tpu.memory_space<vmem>>, vector<16xi32>,
    %get3A_605 = arith.constant 1 : i32
    %get3A_606 = arith.index_cast %get3A_605 : i32 to index
    %get3A_607 = arith.constant 32 : index
    %get3A_608 = tpu.vector_load %arg9[%get3A_606, %get3A_607] {strides = array<i32>} : memref<24x128xi32, #tpu.memory_space<vmem>>, vector<16xi32>,
    %gather3A_609 = tpu.vector_load_idx %arg8[%get3A_608] : memref<10000xi32, #tpu.memory_space<vmem>>[vector<16xi32>], vector<16xi32>,
    %swap3A_610 = arith.constant 1 : i32
    %swap3A_611 = arith.index_cast %swap3A_610 : i32 to index
    %swap3A_612 = arith.constant 32 : index
    %swap3A_613 = tpu.vector_load %arg9[%swap3A_611, %swap3A_612] {strides = array<i32>} : memref<24x128xi32, #tpu.memory_space<vmem>>, vector<16xi32>,
    tpu.vector_store %arg9[%swap3A_611, %swap3A_612], %gather3A_609 {strides = array<i32>} : memref<24x128xi32, #tpu.memory_space<vmem>>, vector<16xi32>,
    %get3A_614 = arith.constant 1 : i32
    %get3A_615 = arith.index_cast %get3A_614 : i32 to index
    %get3A_616 = arith.constant 48 : index
    %get3A_617 = tpu.vector_load %arg9[%get3A_615, %get3A_616] {strides = array<i32>} : memref<24x128xi32, #tpu.memory_space<vmem>>, vector<16xi32>,
    %gather3A_618 = tpu.vector_load_idx %arg8[%get3A_617] : memref<10000xi32, #tpu.memory_space<vmem>>[vector<16xi32>], vector<16xi32>,
    %swap3A_619 = arith.constant 1 : i32
    %swap3A_620 = arith.index_cast %swap3A_619 : i32 to index
    %swap3A_621 = arith.constant 48 : index
    %swap3A_622 = tpu.vector_load %arg9[%swap3A_620, %swap3A_621] {strides = array<i32>} : memref<24x128xi32, #tpu.memory_space<vmem>>, vector<16xi32>,
    tpu.vector_store %arg9[%swap3A_620, %swap3A_621], %gather3A_618 {strides = array<i32>} : memref<24x128xi32, #tpu.memory_space<vmem>>, vector<16xi32>,
    %get3A_623 = arith.constant 1 : i32
    %get3A_624 = arith.index_cast %get3A_623 : i32 to index
    %get3A_625 = arith.constant 64 : index
    %get3A_626 = tpu.vector_load %arg9[%get3A_624, %get3A_625] {strides = array<i32>} : memref<24x128xi32, #tpu.memory_space<vmem>>, vector<16xi32>,
    %gather3A_627 = tpu.vector_load_idx %arg8[%get3A_626] : memref<10000xi32, #tpu.memory_space<vmem>>[vector<16xi32>], vector<16xi32>,
    %swap3A_628 = arith.constant 1 : i32
    %swap3A_629 = arith.index_cast %swap3A_628 : i32 to index
    %swap3A_630 = arith.constant 64 : index
    %swap3A_631 = tpu.vector_load %arg9[%swap3A_629, %swap3A_630] {strides = array<i32>} : memref<24x128xi32, #tpu.memory_space<vmem>>, vector<16xi32>,
    tpu.vector_store %arg9[%swap3A_629, %swap3A_630], %gather3A_627 {strides = array<i32>} : memref<24x128xi32, #tpu.memory_space<vmem>>, vector<16xi32>,
    %get3A_632 = arith.constant 1 : i32
    %get3A_633 = arith.index_cast %get3A_632 : i32 to index
    %get3A_634 = arith.constant 80 : index
    %get3A_635 = tpu.vector_load %arg9[%get3A_633, %get3A_634] {strides = array<i32>} : memref<24x128xi32, #tpu.memory_space<vmem>>, vector<16xi32>,
    %gather3A_636 = tpu.vector_load_idx %arg8[%get3A_635] : memref<10000xi32, #tpu.memory_space<vmem>>[vector<16xi32>], vector<16xi32>,
    %swap3A_637 = arith.constant 1 : i32
    %swap3A_638 = arith.index_cast %swap3A_637 : i32 to index
    %swap3A_639 = arith.constant 80 : index
    %swap3A_640 = tpu.vector_load %arg9[%swap3A_638, %swap3A_639] {strides = array<i32>} : memref<24x128xi32, #tpu.memory_space<vmem>>, vector<16xi32>,
    tpu.vector_store %arg9[%swap3A_638, %swap3A_639], %gather3A_636 {strides = array<i32>} : memref<24x128xi32, #tpu.memory_space<vmem>>, vector<16xi32>,
    %get3A_641 = arith.constant 1 : i32
    %get3A_642 = arith.index_cast %get3A_641 : i32 to index
    %get3A_643 = arith.constant 96 : index
    %get3A_644 = tpu.vector_load %arg9[%get3A_642, %get3A_643] {strides = array<i32>} : memref<24x128xi32, #tpu.memory_space<vmem>>, vector<16xi32>,
    %gather3A_645 = tpu.vector_load_idx %arg8[%get3A_644] : memref<10000xi32, #tpu.memory_space<vmem>>[vector<16xi32>], vector<16xi32>,
    %swap3A_646 = arith.constant 1 : i32
    %swap3A_647 = arith.index_cast %swap3A_646 : i32 to index
    %swap3A_648 = arith.constant 96 : index
    %swap3A_649 = tpu.vector_load %arg9[%swap3A_647, %swap3A_648] {strides = array<i32>} : memref<24x128xi32, #tpu.memory_space<vmem>>, vector<16xi32>,
    tpu.vector_store %arg9[%swap3A_647, %swap3A_648], %gather3A_645 {strides = array<i32>} : memref<24x128xi32, #tpu.memory_space<vmem>>, vector<16xi32>,
    %get3A_650 = arith.constant 1 : i32
    %get3A_651 = arith.index_cast %get3A_650 : i32 to index
    %get3A_652 = arith.constant 112 : index
    %get3A_653 = tpu.vector_load %arg9[%get3A_651, %get3A_652] {strides = array<i32>} : memref<24x128xi32, #tpu.memory_space<vmem>>, vector<16xi32>,
    %gather3A_654 = tpu.vector_load_idx %arg8[%get3A_653] : memref<10000xi32, #tpu.memory_space<vmem>>[vector<16xi32>], vector<16xi32>,
    %swap3A_655 = arith.constant 1 : i32
    %swap3A_656 = arith.index_cast %swap3A_655 : i32 to index
    %swap3A_657 = arith.constant 112 : index
    %swap3A_658 = tpu.vector_load %arg9[%swap3A_656, %swap3A_657] {strides = array<i32>} : memref<24x128xi32, #tpu.memory_space<vmem>>, vector<16xi32>,
    tpu.vector_store %arg9[%swap3A_656, %swap3A_657], %gather3A_654 {strides = array<i32>} : memref<24x128xi32, #tpu.memory_space<vmem>>, vector<16xi32>,
    %dma_start3A_659 = arith.constant 1 : i32
    %dma_start3A_660 = arith.constant 0 : i32
    %dma_start3A_661 = tpu.memref_slice %arg9[%dma_start3A_659, %dma_start3A_660] : memref<24x128xi32, #tpu.memory_space<vmem>> -> memref<1x128xi32, #tpu.memory_space<vmem>>
    %dma_start3A_662 = tpu.memref_squeeze %dma_start3A_661 : memref<1x128xi32, #tpu.memory_space<vmem>> -> memref<128xi32, #tpu.memory_space<vmem>>
    %dma_start3A_663 = arith.constant 0 : i32
    %dma_start3A_664 = arith.constant 0 : i32
    %dma_start3A_665 = tpu.memref_slice %arg2[%dma_start3A_663, %dma_start3A_664] : memref<10000x128xf32, #tpu.memory_space<hbm>> -> memref<10000x128xf32, #tpu.memory_space<hbm>>
    tpu.enqueue_indirect_dma source(%dma_start3A_665 : memref<10000x128xf32, #tpu.memory_space<hbm>>) target(%arg12 : memref<128x128xf32, #tpu.memory_space<vmem>>) offsets(%dma_start3A_662 : memref<128xi32, #tpu.memory_space<vmem>>) semaphore(%arg15 : memref<!tpu.dma_semaphore, #tpu.memory_space<semaphore_mem>>)
    %scan3A_666 = arith.constant 0 : i32
    %scan3A_667 = arith.constant 0 : i32
    %scan3A_668 = arith.constant 4 : i32
    %scan3A_669 = arith.addi %scan3A_667, %scan3A_668 : i32
    %scan3A_670 = arith.constant 1 : i32
    scf.for %scan3A_682 = %scan3A_667 to %scan3A_669 step %scan3A_670  : i32 {
      %mul3A_683 = arith.constant 2 : i32
      %mul3A_684 = arith.muli %scan3A_682, %mul3A_683 : i32
      %add3A_685 = arith.constant 0 : i32
      %add3A_686 = arith.addi %mul3A_684, %add3A_685 : i32
      %dma_wait3A = arith.constant 0 : i32
      %dma_wait3A_687 = tpu.memref_slice %arg9[%add3A_686, %dma_wait3A] : memref<24x128xi32, #tpu.memory_space<vmem>> -> memref<1x128xi32, #tpu.memory_space<vmem>>
      %dma_wait3A_688 = tpu.memref_squeeze %dma_wait3A_687 : memref<1x128xi32, #tpu.memory_space<vmem>> -> memref<128xi32, #tpu.memory_space<vmem>>
      %dma_wait3A_689 = arith.constant 0 : i32
      %dma_wait3A_690 = arith.constant 0 : i32
      %dma_wait3A_691 = tpu.memref_slice %arg2[%dma_wait3A_689, %dma_wait3A_690] : memref<10000x128xf32, #tpu.memory_space<hbm>> -> memref<10000x128xf32, #tpu.memory_space<hbm>>
      tpu.wait_indirect_dma semaphore(%arg14 : memref<!tpu.dma_semaphore, #tpu.memory_space<semaphore_mem>>) src(%dma_wait3A_691 : memref<10000x128xf32, #tpu.memory_space<hbm>>) dst(%arg11 : memref<128x128xf32, #tpu.memory_space<vmem>>)
      "tpu.region"() ({
        %run_scoped3A = tpu.sem_alloc : memref<!tpu.dma_semaphore, #tpu.memory_space<semaphore_mem>>
        %dma_start3A_715 = arith.constant 0 : i32
        %dma_start3A_716 = tpu.memref_slice %arg10[%add3A_686, %dma_start3A_715] : memref<24x128xi32, #tpu.memory_space<vmem>> -> memref<1x128xi32, #tpu.memory_space<vmem>>
        %dma_start3A_717 = tpu.memref_squeeze %dma_start3A_716 : memref<1x128xi32, #tpu.memory_space<vmem>> -> memref<128xi32, #tpu.memory_space<vmem>>
        %dma_start3A_718 = arith.constant 0 : i32
        %dma_start3A_719 = arith.constant 0 : i32
        %dma_start3A_720 = tpu.memref_slice %arg13[%dma_start3A_718, %dma_start3A_719] : memref<10008x128xf32, #tpu.memory_space<vmem_shared>> -> memref<10008x128xf32, #tpu.memory_space<vmem_shared>>
        tpu.enqueue_indirect_dma source(%arg11 : memref<128x128xf32, #tpu.memory_space<vmem>>) target(%dma_start3A_720 : memref<10008x128xf32, #tpu.memory_space<vmem_shared>>) offsets(%dma_start3A_717 : memref<128xi32, #tpu.memory_space<vmem>>) semaphore(%run_scoped3A : memref<!tpu.dma_semaphore, #tpu.memory_space<semaphore_mem>>) {add = true}
        %dma_wait3A_721 = arith.constant 0 : i32
        %dma_wait3A_722 = tpu.memref_slice %arg10[%add3A_686, %dma_wait3A_721] : memref<24x128xi32, #tpu.memory_space<vmem>> -> memref<1x128xi32, #tpu.memory_space<vmem>>
        %dma_wait3A_723 = tpu.memref_squeeze %dma_wait3A_722 : memref<1x128xi32, #tpu.memory_space<vmem>> -> memref<128xi32, #tpu.memory_space<vmem>>
        %dma_wait3A_724 = arith.constant 0 : i32
        %dma_wait3A_725 = arith.constant 0 : i32
        %dma_wait3A_726 = tpu.memref_slice %arg13[%dma_wait3A_724, %dma_wait3A_725] : memref<10008x128xf32, #tpu.memory_space<vmem_shared>> -> memref<10008x128xf32, #tpu.memory_space<vmem_shared>>
        tpu.wait_indirect_dma semaphore(%run_scoped3A : memref<!tpu.dma_semaphore, #tpu.memory_space<semaphore_mem>>) src(%arg11 : memref<128x128xf32, #tpu.memory_space<vmem>>) dst(%dma_wait3A_726 : memref<10008x128xf32, #tpu.memory_space<vmem_shared>>)
        tpu.yield
      }) : () -> ()
      %add3A_692 = arith.constant 2 : i32
      %add3A_693 = arith.addi %add3A_686, %add3A_692 : i32
      %lt3A = arith.constant 8 : i32
      %lt3A_694 = arith.cmpi slt, %add3A_693, %lt3A : i32
      %convert_element_type3A_695 = arith.extui %lt3A_694 : i1 to i32
      %cond3A_696 = arith.constant 0 : i32
      %cond3A_697 = arith.cmpi ne, %convert_element_type3A_695, %cond3A_696 : i32
      scf.if %cond3A_697 {
        %add3A_715 = arith.constant 2 : i32
        %add3A_716 = arith.addi %add3A_686, %add3A_715 : i32
        %get3A_717 = arith.index_cast %add3A_716 : i32 to index
        %get3A_718 = arith.constant 0 : index
        %get3A_719 = tpu.vector_load %arg9[%get3A_717, %get3A_718] {strides = array<i32>} : memref<24x128xi32, #tpu.memory_space<vmem>>, vector<16xi32>,
        %gather3A_720 = tpu.vector_load_idx %arg8[%get3A_719] : memref<10000xi32, #tpu.memory_space<vmem>>[vector<16xi32>], vector<16xi32>,
        %swap3A_721 = arith.index_cast %add3A_716 : i32 to index
        %swap3A_722 = arith.constant 0 : index
        %swap3A_723 = tpu.vector_load %arg9[%swap3A_721, %swap3A_722] {strides = array<i32>} : memref<24x128xi32, #tpu.memory_space<vmem>>, vector<16xi32>,
        tpu.vector_store %arg9[%swap3A_721, %swap3A_722], %gather3A_720 {strides = array<i32>} : memref<24x128xi32, #tpu.memory_space<vmem>>, vector<16xi32>,
        %get3A_724 = arith.index_cast %add3A_716 : i32 to index
        %get3A_725 = arith.constant 16 : index
        %get3A_726 = tpu.vector_load %arg9[%get3A_724, %get3A_725] {strides = array<i32>} : memref<24x128xi32, #tpu.memory_space<vmem>>, vector<16xi32>,
        %gather3A_727 = tpu.vector_load_idx %arg8[%get3A_726] : memref<10000xi32, #tpu.memory_space<vmem>>[vector<16xi32>], vector<16xi32>,
        %swap3A_728 = arith.index_cast %add3A_716 : i32 to index
        %swap3A_729 = arith.constant 16 : index
        %swap3A_730 = tpu.vector_load %arg9[%swap3A_728, %swap3A_729] {strides = array<i32>} : memref<24x128xi32, #tpu.memory_space<vmem>>, vector<16xi32>,
        tpu.vector_store %arg9[%swap3A_728, %swap3A_729], %gather3A_727 {strides = array<i32>} : memref<24x128xi32, #tpu.memory_space<vmem>>, vector<16xi32>,
        %get3A_731 = arith.index_cast %add3A_716 : i32 to index
        %get3A_732 = arith.constant 32 : index
        %get3A_733 = tpu.vector_load %arg9[%get3A_731, %get3A_732] {strides = array<i32>} : memref<24x128xi32, #tpu.memory_space<vmem>>, vector<16xi32>,
        %gather3A_734 = tpu.vector_load_idx %arg8[%get3A_733] : memref<10000xi32, #tpu.memory_space<vmem>>[vector<16xi32>], vector<16xi32>,
        %swap3A_735 = arith.index_cast %add3A_716 : i32 to index
        %swap3A_736 = arith.constant 32 : index
        %swap3A_737 = tpu.vector_load %arg9[%swap3A_735, %swap3A_736] {strides = array<i32>} : memref<24x128xi32, #tpu.memory_space<vmem>>, vector<16xi32>,
        tpu.vector_store %arg9[%swap3A_735, %swap3A_736], %gather3A_734 {strides = array<i32>} : memref<24x128xi32, #tpu.memory_space<vmem>>, vector<16xi32>,
        %get3A_738 = arith.index_cast %add3A_716 : i32 to index
        %get3A_739 = arith.constant 48 : index
        %get3A_740 = tpu.vector_load %arg9[%get3A_738, %get3A_739] {strides = array<i32>} : memref<24x128xi32, #tpu.memory_space<vmem>>, vector<16xi32>,
        %gather3A_741 = tpu.vector_load_idx %arg8[%get3A_740] : memref<10000xi32, #tpu.memory_space<vmem>>[vector<16xi32>], vector<16xi32>,
        %swap3A_742 = arith.index_cast %add3A_716 : i32 to index
        %swap3A_743 = arith.constant 48 : index
        %swap3A_744 = tpu.vector_load %arg9[%swap3A_742, %swap3A_743] {strides = array<i32>} : memref<24x128xi32, #tpu.memory_space<vmem>>, vector<16xi32>,
        tpu.vector_store %arg9[%swap3A_742, %swap3A_743], %gather3A_741 {strides = array<i32>} : memref<24x128xi32, #tpu.memory_space<vmem>>, vector<16xi32>,
        %get3A_745 = arith.index_cast %add3A_716 : i32 to index
        %get3A_746 = arith.constant 64 : index
        %get3A_747 = tpu.vector_load %arg9[%get3A_745, %get3A_746] {strides = array<i32>} : memref<24x128xi32, #tpu.memory_space<vmem>>, vector<16xi32>,
        %gather3A_748 = tpu.vector_load_idx %arg8[%get3A_747] : memref<10000xi32, #tpu.memory_space<vmem>>[vector<16xi32>], vector<16xi32>,
        %swap3A_749 = arith.index_cast %add3A_716 : i32 to index
        %swap3A_750 = arith.constant 64 : index
        %swap3A_751 = tpu.vector_load %arg9[%swap3A_749, %swap3A_750] {strides = array<i32>} : memref<24x128xi32, #tpu.memory_space<vmem>>, vector<16xi32>,
        tpu.vector_store %arg9[%swap3A_749, %swap3A_750], %gather3A_748 {strides = array<i32>} : memref<24x128xi32, #tpu.memory_space<vmem>>, vector<16xi32>,
        %get3A_752 = arith.index_cast %add3A_716 : i32 to index
        %get3A_753 = arith.constant 80 : index
        %get3A_754 = tpu.vector_load %arg9[%get3A_752, %get3A_753] {strides = array<i32>} : memref<24x128xi32, #tpu.memory_space<vmem>>, vector<16xi32>,
        %gather3A_755 = tpu.vector_load_idx %arg8[%get3A_754] : memref<10000xi32, #tpu.memory_space<vmem>>[vector<16xi32>], vector<16xi32>,
        %swap3A_756 = arith.index_cast %add3A_716 : i32 to index
        %swap3A_757 = arith.constant 80 : index
        %swap3A_758 = tpu.vector_load %arg9[%swap3A_756, %swap3A_757] {strides = array<i32>} : memref<24x128xi32, #tpu.memory_space<vmem>>, vector<16xi32>,
        tpu.vector_store %arg9[%swap3A_756, %swap3A_757], %gather3A_755 {strides = array<i32>} : memref<24x128xi32, #tpu.memory_space<vmem>>, vector<16xi32>,
        %get3A_759 = arith.index_cast %add3A_716 : i32 to index
        %get3A_760 = arith.constant 96 : index
        %get3A_761 = tpu.vector_load %arg9[%get3A_759, %get3A_760] {strides = array<i32>} : memref<24x128xi32, #tpu.memory_space<vmem>>, vector<16xi32>,
        %gather3A_762 = tpu.vector_load_idx %arg8[%get3A_761] : memref<10000xi32, #tpu.memory_space<vmem>>[vector<16xi32>], vector<16xi32>,
        %swap3A_763 = arith.index_cast %add3A_716 : i32 to index
        %swap3A_764 = arith.constant 96 : index
        %swap3A_765 = tpu.vector_load %arg9[%swap3A_763, %swap3A_764] {strides = array<i32>} : memref<24x128xi32, #tpu.memory_space<vmem>>, vector<16xi32>,
        tpu.vector_store %arg9[%swap3A_763, %swap3A_764], %gather3A_762 {strides = array<i32>} : memref<24x128xi32, #tpu.memory_space<vmem>>, vector<16xi32>,
        %get3A_766 = arith.index_cast %add3A_716 : i32 to index
        %get3A_767 = arith.constant 112 : index
        %get3A_768 = tpu.vector_load %arg9[%get3A_766, %get3A_767] {strides = array<i32>} : memref<24x128xi32, #tpu.memory_space<vmem>>, vector<16xi32>,
        %gather3A_769 = tpu.vector_load_idx %arg8[%get3A_768] : memref<10000xi32, #tpu.memory_space<vmem>>[vector<16xi32>], vector<16xi32>,
        %swap3A_770 = arith.index_cast %add3A_716 : i32 to index
        %swap3A_771 = arith.constant 112 : index
        %swap3A_772 = tpu.vector_load %arg9[%swap3A_770, %swap3A_771] {strides = array<i32>} : memref<24x128xi32, #tpu.memory_space<vmem>>, vector<16xi32>,
        tpu.vector_store %arg9[%swap3A_770, %swap3A_771], %gather3A_769 {strides = array<i32>} : memref<24x128xi32, #tpu.memory_space<vmem>>, vector<16xi32>,
        %add3A_773 = arith.constant 2 : i32
        %add3A_774 = arith.addi %add3A_686, %add3A_773 : i32
        %dma_start3A_775 = arith.constant 0 : i32
        %dma_start3A_776 = tpu.memref_slice %arg9[%add3A_774, %dma_start3A_775] : memref<24x128xi32, #tpu.memory_space<vmem>> -> memref<1x128xi32, #tpu.memory_space<vmem>>
        %dma_start3A_777 = tpu.memref_squeeze %dma_start3A_776 : memref<1x128xi32, #tpu.memory_space<vmem>> -> memref<128xi32, #tpu.memory_space<vmem>>
        %dma_start3A_778 = arith.constant 0 : i32
        %dma_start3A_779 = arith.constant 0 : i32
        %dma_start3A_780 = tpu.memref_slice %arg2[%dma_start3A_778, %dma_start3A_779] : memref<10000x128xf32, #tpu.memory_space<hbm>> -> memref<10000x128xf32, #tpu.memory_space<hbm>>
        tpu.enqueue_indirect_dma source(%dma_start3A_780 : memref<10000x128xf32, #tpu.memory_space<hbm>>) target(%arg11 : memref<128x128xf32, #tpu.memory_space<vmem>>) offsets(%dma_start3A_777 : memref<128xi32, #tpu.memory_space<vmem>>) semaphore(%arg14 : memref<!tpu.dma_semaphore, #tpu.memory_space<semaphore_mem>>)
      } else {
      }
      %mul3A_698 = arith.constant 2 : i32
      %mul3A_699 = arith.muli %scan3A_682, %mul3A_698 : i32
      %add3A_700 = arith.constant 1 : i32
      %add3A_701 = arith.addi %mul3A_699, %add3A_700 : i32
      %dma_wait3A_702 = arith.constant 0 : i32
      %dma_wait3A_703 = tpu.memref_slice %arg9[%add3A_701, %dma_wait3A_702] : memref<24x128xi32, #tpu.memory_space<vmem>> -> memref<1x128xi32, #tpu.memory_space<vmem>>
      %dma_wait3A_704 = tpu.memref_squeeze %dma_wait3A_703 : memref<1x128xi32, #tpu.memory_space<vmem>> -> memref<128xi32, #tpu.memory_space<vmem>>
      %dma_wait3A_705 = arith.constant 0 : i32
      %dma_wait3A_706 = arith.constant 0 : i32
      %dma_wait3A_707 = tpu.memref_slice %arg2[%dma_wait3A_705, %dma_wait3A_706] : memref<10000x128xf32, #tpu.memory_space<hbm>> -> memref<10000x128xf32, #tpu.memory_space<hbm>>
      tpu.wait_indirect_dma semaphore(%arg15 : memref<!tpu.dma_semaphore, #tpu.memory_space<semaphore_mem>>) src(%dma_wait3A_707 : memref<10000x128xf32, #tpu.memory_space<hbm>>) dst(%arg12 : memref<128x128xf32, #tpu.memory_space<vmem>>)
      "tpu.region"() ({
        %run_scoped3A = tpu.sem_alloc : memref<!tpu.dma_semaphore, #tpu.memory_space<semaphore_mem>>
        %dma_start3A_715 = arith.constant 0 : i32
        %dma_start3A_716 = tpu.memref_slice %arg10[%add3A_701, %dma_start3A_715] : memref<24x128xi32, #tpu.memory_space<vmem>> -> memref<1x128xi32, #tpu.memory_space<vmem>>
        %dma_start3A_717 = tpu.memref_squeeze %dma_start3A_716 : memref<1x128xi32, #tpu.memory_space<vmem>> -> memref<128xi32, #tpu.memory_space<vmem>>
        %dma_start3A_718 = arith.constant 0 : i32
        %dma_start3A_719 = arith.constant 0 : i32
        %dma_start3A_720 = tpu.memref_slice %arg13[%dma_start3A_718, %dma_start3A_719] : memref<10008x128xf32, #tpu.memory_space<vmem_shared>> -> memref<10008x128xf32, #tpu.memory_space<vmem_shared>>
        tpu.enqueue_indirect_dma source(%arg12 : memref<128x128xf32, #tpu.memory_space<vmem>>) target(%dma_start3A_720 : memref<10008x128xf32, #tpu.memory_space<vmem_shared>>) offsets(%dma_start3A_717 : memref<128xi32, #tpu.memory_space<vmem>>) semaphore(%run_scoped3A : memref<!tpu.dma_semaphore, #tpu.memory_space<semaphore_mem>>) {add = true}
        %dma_wait3A_721 = arith.constant 0 : i32
        %dma_wait3A_722 = tpu.memref_slice %arg10[%add3A_701, %dma_wait3A_721] : memref<24x128xi32, #tpu.memory_space<vmem>> -> memref<1x128xi32, #tpu.memory_space<vmem>>
        %dma_wait3A_723 = tpu.memref_squeeze %dma_wait3A_722 : memref<1x128xi32, #tpu.memory_space<vmem>> -> memref<128xi32, #tpu.memory_space<vmem>>
        %dma_wait3A_724 = arith.constant 0 : i32
        %dma_wait3A_725 = arith.constant 0 : i32
        %dma_wait3A_726 = tpu.memref_slice %arg13[%dma_wait3A_724, %dma_wait3A_725] : memref<10008x128xf32, #tpu.memory_space<vmem_shared>> -> memref<10008x128xf32, #tpu.memory_space<vmem_shared>>
        tpu.wait_indirect_dma semaphore(%run_scoped3A : memref<!tpu.dma_semaphore, #tpu.memory_space<semaphore_mem>>) src(%arg12 : memref<128x128xf32, #tpu.memory_space<vmem>>) dst(%dma_wait3A_726 : memref<10008x128xf32, #tpu.memory_space<vmem_shared>>)
        tpu.yield
      }) : () -> ()
      %add3A_708 = arith.constant 2 : i32
      %add3A_709 = arith.addi %add3A_701, %add3A_708 : i32
      %lt3A_710 = arith.constant 8 : i32
      %lt3A_711 = arith.cmpi slt, %add3A_709, %lt3A_710 : i32
      %convert_element_type3A_712 = arith.extui %lt3A_711 : i1 to i32
      %cond3A_713 = arith.constant 0 : i32
      %cond3A_714 = arith.cmpi ne, %convert_element_type3A_712, %cond3A_713 : i32
      scf.if %cond3A_714 {
        %add3A_715 = arith.constant 2 : i32
        %add3A_716 = arith.addi %add3A_701, %add3A_715 : i32
        %get3A_717 = arith.index_cast %add3A_716 : i32 to index
        %get3A_718 = arith.constant 0 : index
        %get3A_719 = tpu.vector_load %arg9[%get3A_717, %get3A_718] {strides = array<i32>} : memref<24x128xi32, #tpu.memory_space<vmem>>, vector<16xi32>,
        %gather3A_720 = tpu.vector_load_idx %arg8[%get3A_719] : memref<10000xi32, #tpu.memory_space<vmem>>[vector<16xi32>], vector<16xi32>,
        %swap3A_721 = arith.index_cast %add3A_716 : i32 to index
        %swap3A_722 = arith.constant 0 : index
        %swap3A_723 = tpu.vector_load %arg9[%swap3A_721, %swap3A_722] {strides = array<i32>} : memref<24x128xi32, #tpu.memory_space<vmem>>, vector<16xi32>,
        tpu.vector_store %arg9[%swap3A_721, %swap3A_722], %gather3A_720 {strides = array<i32>} : memref<24x128xi32, #tpu.memory_space<vmem>>, vector<16xi32>,
        %get3A_724 = arith.index_cast %add3A_716 : i32 to index
        %get3A_725 = arith.constant 16 : index
        %get3A_726 = tpu.vector_load %arg9[%get3A_724, %get3A_725] {strides = array<i32>} : memref<24x128xi32, #tpu.memory_space<vmem>>, vector<16xi32>,
        %gather3A_727 = tpu.vector_load_idx %arg8[%get3A_726] : memref<10000xi32, #tpu.memory_space<vmem>>[vector<16xi32>], vector<16xi32>,
        %swap3A_728 = arith.index_cast %add3A_716 : i32 to index
        %swap3A_729 = arith.constant 16 : index
        %swap3A_730 = tpu.vector_load %arg9[%swap3A_728, %swap3A_729] {strides = array<i32>} : memref<24x128xi32, #tpu.memory_space<vmem>>, vector<16xi32>,
        tpu.vector_store %arg9[%swap3A_728, %swap3A_729], %gather3A_727 {strides = array<i32>} : memref<24x128xi32, #tpu.memory_space<vmem>>, vector<16xi32>,
        %get3A_731 = arith.index_cast %add3A_716 : i32 to index
        %get3A_732 = arith.constant 32 : index
        %get3A_733 = tpu.vector_load %arg9[%get3A_731, %get3A_732] {strides = array<i32>} : memref<24x128xi32, #tpu.memory_space<vmem>>, vector<16xi32>,
        %gather3A_734 = tpu.vector_load_idx %arg8[%get3A_733] : memref<10000xi32, #tpu.memory_space<vmem>>[vector<16xi32>], vector<16xi32>,
        %swap3A_735 = arith.index_cast %add3A_716 : i32 to index
        %swap3A_736 = arith.constant 32 : index
        %swap3A_737 = tpu.vector_load %arg9[%swap3A_735, %swap3A_736] {strides = array<i32>} : memref<24x128xi32, #tpu.memory_space<vmem>>, vector<16xi32>,
        tpu.vector_store %arg9[%swap3A_735, %swap3A_736], %gather3A_734 {strides = array<i32>} : memref<24x128xi32, #tpu.memory_space<vmem>>, vector<16xi32>,
        %get3A_738 = arith.index_cast %add3A_716 : i32 to index
        %get3A_739 = arith.constant 48 : index
        %get3A_740 = tpu.vector_load %arg9[%get3A_738, %get3A_739] {strides = array<i32>} : memref<24x128xi32, #tpu.memory_space<vmem>>, vector<16xi32>,
        %gather3A_741 = tpu.vector_load_idx %arg8[%get3A_740] : memref<10000xi32, #tpu.memory_space<vmem>>[vector<16xi32>], vector<16xi32>,
        %swap3A_742 = arith.index_cast %add3A_716 : i32 to index
        %swap3A_743 = arith.constant 48 : index
        %swap3A_744 = tpu.vector_load %arg9[%swap3A_742, %swap3A_743] {strides = array<i32>} : memref<24x128xi32, #tpu.memory_space<vmem>>, vector<16xi32>,
        tpu.vector_store %arg9[%swap3A_742, %swap3A_743], %gather3A_741 {strides = array<i32>} : memref<24x128xi32, #tpu.memory_space<vmem>>, vector<16xi32>,
        %get3A_745 = arith.index_cast %add3A_716 : i32 to index
        %get3A_746 = arith.constant 64 : index
        %get3A_747 = tpu.vector_load %arg9[%get3A_745, %get3A_746] {strides = array<i32>} : memref<24x128xi32, #tpu.memory_space<vmem>>, vector<16xi32>,
        %gather3A_748 = tpu.vector_load_idx %arg8[%get3A_747] : memref<10000xi32, #tpu.memory_space<vmem>>[vector<16xi32>], vector<16xi32>,
        %swap3A_749 = arith.index_cast %add3A_716 : i32 to index
        %swap3A_750 = arith.constant 64 : index
        %swap3A_751 = tpu.vector_load %arg9[%swap3A_749, %swap3A_750] {strides = array<i32>} : memref<24x128xi32, #tpu.memory_space<vmem>>, vector<16xi32>,
        tpu.vector_store %arg9[%swap3A_749, %swap3A_750], %gather3A_748 {strides = array<i32>} : memref<24x128xi32, #tpu.memory_space<vmem>>, vector<16xi32>,
        %get3A_752 = arith.index_cast %add3A_716 : i32 to index
        %get3A_753 = arith.constant 80 : index
        %get3A_754 = tpu.vector_load %arg9[%get3A_752, %get3A_753] {strides = array<i32>} : memref<24x128xi32, #tpu.memory_space<vmem>>, vector<16xi32>,
        %gather3A_755 = tpu.vector_load_idx %arg8[%get3A_754] : memref<10000xi32, #tpu.memory_space<vmem>>[vector<16xi32>], vector<16xi32>,
        %swap3A_756 = arith.index_cast %add3A_716 : i32 to index
        %swap3A_757 = arith.constant 80 : index
        %swap3A_758 = tpu.vector_load %arg9[%swap3A_756, %swap3A_757] {strides = array<i32>} : memref<24x128xi32, #tpu.memory_space<vmem>>, vector<16xi32>,
        tpu.vector_store %arg9[%swap3A_756, %swap3A_757], %gather3A_755 {strides = array<i32>} : memref<24x128xi32, #tpu.memory_space<vmem>>, vector<16xi32>,
        %get3A_759 = arith.index_cast %add3A_716 : i32 to index
        %get3A_760 = arith.constant 96 : index
        %get3A_761 = tpu.vector_load %arg9[%get3A_759, %get3A_760] {strides = array<i32>} : memref<24x128xi32, #tpu.memory_space<vmem>>, vector<16xi32>,
        %gather3A_762 = tpu.vector_load_idx %arg8[%get3A_761] : memref<10000xi32, #tpu.memory_space<vmem>>[vector<16xi32>], vector<16xi32>,
        %swap3A_763 = arith.index_cast %add3A_716 : i32 to index
        %swap3A_764 = arith.constant 96 : index
        %swap3A_765 = tpu.vector_load %arg9[%swap3A_763, %swap3A_764] {strides = array<i32>} : memref<24x128xi32, #tpu.memory_space<vmem>>, vector<16xi32>,
        tpu.vector_store %arg9[%swap3A_763, %swap3A_764], %gather3A_762 {strides = array<i32>} : memref<24x128xi32, #tpu.memory_space<vmem>>, vector<16xi32>,
        %get3A_766 = arith.index_cast %add3A_716 : i32 to index
        %get3A_767 = arith.constant 112 : index
        %get3A_768 = tpu.vector_load %arg9[%get3A_766, %get3A_767] {strides = array<i32>} : memref<24x128xi32, #tpu.memory_space<vmem>>, vector<16xi32>,
        %gather3A_769 = tpu.vector_load_idx %arg8[%get3A_768] : memref<10000xi32, #tpu.memory_space<vmem>>[vector<16xi32>], vector<16xi32>,
        %swap3A_770 = arith.index_cast %add3A_716 : i32 to index
        %swap3A_771 = arith.constant 112 : index
        %swap3A_772 = tpu.vector_load %arg9[%swap3A_770, %swap3A_771] {strides = array<i32>} : memref<24x128xi32, #tpu.memory_space<vmem>>, vector<16xi32>,
        tpu.vector_store %arg9[%swap3A_770, %swap3A_771], %gather3A_769 {strides = array<i32>} : memref<24x128xi32, #tpu.memory_space<vmem>>, vector<16xi32>,
        %add3A_773 = arith.constant 2 : i32
        %add3A_774 = arith.addi %add3A_701, %add3A_773 : i32
        %dma_start3A_775 = arith.constant 0 : i32
        %dma_start3A_776 = tpu.memref_slice %arg9[%add3A_774, %dma_start3A_775] : memref<24x128xi32, #tpu.memory_space<vmem>> -> memref<1x128xi32, #tpu.memory_space<vmem>>
        %dma_start3A_777 = tpu.memref_squeeze %dma_start3A_776 : memref<1x128xi32, #tpu.memory_space<vmem>> -> memref<128xi32, #tpu.memory_space<vmem>>
        %dma_start3A_778 = arith.constant 0 : i32
        %dma_start3A_779 = arith.constant 0 : i32
        %dma_start3A_780 = tpu.memref_slice %arg2[%dma_start3A_778, %dma_start3A_779] : memref<10000x128xf32, #tpu.memory_space<hbm>> -> memref<10000x128xf32, #tpu.memory_space<hbm>>
        tpu.enqueue_indirect_dma source(%dma_start3A_780 : memref<10000x128xf32, #tpu.memory_space<hbm>>) target(%arg12 : memref<128x128xf32, #tpu.memory_space<vmem>>) offsets(%dma_start3A_777 : memref<128xi32, #tpu.memory_space<vmem>>) semaphore(%arg15 : memref<!tpu.dma_semaphore, #tpu.memory_space<semaphore_mem>>)
      } else {
      }
    }
    %scan3A_671 = arith.constant 4 : i32
    %barrier3A_672 = arith.constant 0 : index
    tpu.barrier barrier_id(%barrier3A_672)
    %mul3A_673 = arith.constant 624 : i32
    %mul3A_674 = arith.muli %arg1, %mul3A_673 : i32
    %mul3A_675 = arith.constant 624 : i32
    %mul3A_676 = arith.muli %arg1, %mul3A_675 : i32
    "tpu.region"() ({
      %run_scoped3A = tpu.sem_alloc : memref<!tpu.dma_semaphore, #tpu.memory_space<semaphore_mem>>
      %dma_start3A_682 = arith.constant 0 : i32
      %dma_start3A_683 = tpu.memref_slice %arg7[%arg0, %mul3A_676, %dma_start3A_682] : memref<2x10000x128xf32, #tpu.memory_space<hbm>> -> memref<1x624x128xf32, #tpu.memory_space<hbm>>
      %dma_start3A_684 = tpu.memref_squeeze %dma_start3A_683 : memref<1x624x128xf32, #tpu.memory_space<hbm>> -> memref<624x128xf32, #tpu.memory_space<hbm>>
      %dma_start3A_685 = arith.constant 0 : i32
      %dma_start3A_686 = tpu.memref_slice %arg13[%mul3A_674, %dma_start3A_685] : memref<10008x128xf32, #tpu.memory_space<vmem_shared>> -> memref<624x128xf32, #tpu.memory_space<vmem_shared>>
      tpu.enqueue_dma source(%dma_start3A_686 : memref<624x128xf32, #tpu.memory_space<vmem_shared>>) target(%dma_start3A_684 : memref<624x128xf32, #tpu.memory_space<hbm>>) target_semaphore(%run_scoped3A : memref<!tpu.dma_semaphore, #tpu.memory_space<semaphore_mem>>)
      %dma_wait3A = arith.constant 0 : i32
      %dma_wait3A_687 = tpu.memref_slice %arg7[%arg0, %mul3A_676, %dma_wait3A] : memref<2x10000x128xf32, #tpu.memory_space<hbm>> -> memref<1x624x128xf32, #tpu.memory_space<hbm>>
      %dma_wait3A_688 = tpu.memref_squeeze %dma_wait3A_687 : memref<1x624x128xf32, #tpu.memory_space<hbm>> -> memref<624x128xf32, #tpu.memory_space<hbm>>
      %dma_wait3A_689 = arith.constant 0 : i32
      %dma_wait3A_690 = tpu.memref_slice %arg13[%mul3A_674, %dma_wait3A_689] : memref<10008x128xf32, #tpu.memory_space<vmem_shared>> -> memref<624x128xf32, #tpu.memory_space<vmem_shared>>
      tpu.wait_dma2 semaphore(%run_scoped3A : memref<!tpu.dma_semaphore, #tpu.memory_space<semaphore_mem>>) src(%dma_wait3A_690 : memref<624x128xf32, #tpu.memory_space<vmem_shared>>) dst(%dma_wait3A_688 : memref<624x128xf32, #tpu.memory_space<hbm>>)
      tpu.yield
    }) : () -> ()
    %eq3A_677 = arith.constant 0 : i32
    %eq3A_678 = arith.cmpi eq, %arg1, %eq3A_677 : i32
    %convert_element_type3A_679 = arith.extui %eq3A_678 : i1 to i32
    %cond3A_680 = arith.constant 0 : i32
    %cond3A_681 = arith.cmpi ne, %convert_element_type3A_679, %cond3A_680 : i32
    scf.if %cond3A_681 {
      "tpu.region"() ({
        %run_scoped3A = tpu.sem_alloc : memref<!tpu.dma_semaphore, #tpu.memory_space<semaphore_mem>>
        %dma_start3A_682 = arith.constant 9984 : i32
        %dma_start3A_683 = arith.constant 0 : i32
        %dma_start3A_684 = tpu.memref_slice %arg7[%arg0, %dma_start3A_682, %dma_start3A_683] : memref<2x10000x128xf32, #tpu.memory_space<hbm>> -> memref<1x16x128xf32, #tpu.memory_space<hbm>>
        %dma_start3A_685 = tpu.memref_squeeze %dma_start3A_684 : memref<1x16x128xf32, #tpu.memory_space<hbm>> -> memref<16x128xf32, #tpu.memory_space<hbm>>
        %dma_start3A_686 = arith.constant 9984 : i32
        %dma_start3A_687 = arith.constant 0 : i32
        %dma_start3A_688 = tpu.memref_slice %arg13[%dma_start3A_686, %dma_start3A_687] : memref<10008x128xf32, #tpu.memory_space<vmem_shared>> -> memref<16x128xf32, #tpu.memory_space<vmem_shared>>
        tpu.enqueue_dma source(%dma_start3A_688 : memref<16x128xf32, #tpu.memory_space<vmem_shared>>) target(%dma_start3A_685 : memref<16x128xf32, #tpu.memory_space<hbm>>) target_semaphore(%run_scoped3A : memref<!tpu.dma_semaphore, #tpu.memory_space<semaphore_mem>>)
        %dma_wait3A = arith.constant 9984 : i32
        %dma_wait3A_689 = arith.constant 0 : i32
        %dma_wait3A_690 = tpu.memref_slice %arg7[%arg0, %dma_wait3A, %dma_wait3A_689] : memref<2x10000x128xf32, #tpu.memory_space<hbm>> -> memref<1x16x128xf32, #tpu.memory_space<hbm>>
        %dma_wait3A_691 = tpu.memref_squeeze %dma_wait3A_690 : memref<1x16x128xf32, #tpu.memory_space<hbm>> -> memref<16x128xf32, #tpu.memory_space<hbm>>
        %dma_wait3A_692 = arith.constant 9984 : i32
        %dma_wait3A_693 = arith.constant 0 : i32
        %dma_wait3A_694 = tpu.memref_slice %arg13[%dma_wait3A_692, %dma_wait3A_693] : memref<10008x128xf32, #tpu.memory_space<vmem_shared>> -> memref<16x128xf32, #tpu.memory_space<vmem_shared>>
        tpu.wait_dma2 semaphore(%run_scoped3A : memref<!tpu.dma_semaphore, #tpu.memory_space<semaphore_mem>>) src(%dma_wait3A_694 : memref<16x128xf32, #tpu.memory_space<vmem_shared>>) dst(%dma_wait3A_691 : memref<16x128xf32, #tpu.memory_space<hbm>>)
        tpu.yield
      }) : () -> ()
    } else {
    }
    return
  }
}

#map = affine_map<(d0, d1) -> (0, 0)>
#map1 = affine_map<(d0, d1) -> (0)>
#map2 = affine_map<(d0, d1) -> (0, 0, 0)>
module attributes {stable_mosaic.version = 14 : i64} {
  func.func @_sc_agg_body(%arg0: i32, %arg1: i32, %arg2: memref<10000x128xf32, #tpu.memory_space<hbm>>, %arg3: memref<10000xi32, #tpu.memory_space<hbm>>, %arg4: memref<2560x128xi32, #tpu.memory_space<hbm>>, %arg5: memref<2560x128xi32, #tpu.memory_space<hbm>>, %arg6: memref<624x128xf32, #tpu.memory_space<hbm>>, %arg7: memref<2x10000x128xf32, #tpu.memory_space<hbm>>, %arg8: memref<8xi32, #tpu.memory_space<vmem>>, %arg9: memref<40x128xi32, #tpu.memory_space<vmem>>, %arg10: memref<40x128xi32, #tpu.memory_space<vmem>>, %arg11: memref<128x128xf32, #tpu.memory_space<vmem>>, %arg12: memref<128x128xf32, #tpu.memory_space<vmem>>, %arg13: memref<10008x128xf32, #tpu.memory_space<vmem_shared>>, %arg14: memref<!tpu.dma_semaphore, #tpu.memory_space<semaphore_mem>>, %arg15: memref<!tpu.dma_semaphore, #tpu.memory_space<semaphore_mem>>) attributes {dimension_semantics = [#tpu.dimension_semantics<core_parallel>, #tpu.dimension_semantics<subcore_parallel>], iteration_bounds = array<i64: 2, 16>, scalar_prefetch = 0 : i64, scratch_operands = 8 : i64, tpu.core_type = #tpu.core_type<sc_vector_subcore>, window_params = [{transform_indices = #map}, {transform_indices = #map1}, {transform_indices = #map}, {transform_indices = #map}, {transform_indices = #map}, {transform_indices = #map2}]} {
    %mul3A = arith.constant 16 : i32
    %mul3A_0 = arith.muli %arg0, %mul3A : i32
    %add3A = arith.addi %mul3A_0, %arg1 : i32
    %mul3A_1 = arith.constant 624 : i32
    %mul3A_2 = arith.muli %arg1, %mul3A_1 : i32
    "tpu.region"() ({
      %run_scoped3A = tpu.sem_alloc : memref<!tpu.dma_semaphore, #tpu.memory_space<semaphore_mem>>
      %dma_start3A_61 = arith.constant 0 : i32
      %dma_start3A_62 = tpu.memref_slice %arg13[%mul3A_2, %dma_start3A_61] : memref<10008x128xf32, #tpu.memory_space<vmem_shared>> -> memref<624x128xf32, #tpu.memory_space<vmem_shared>>
      tpu.enqueue_dma source(%arg6 : memref<624x128xf32, #tpu.memory_space<hbm>>) target(%dma_start3A_62 : memref<624x128xf32, #tpu.memory_space<vmem_shared>>) target_semaphore(%run_scoped3A : memref<!tpu.dma_semaphore, #tpu.memory_space<semaphore_mem>>)
      %dma_wait3A = arith.constant 0 : i32
      %dma_wait3A_63 = tpu.memref_slice %arg13[%mul3A_2, %dma_wait3A] : memref<10008x128xf32, #tpu.memory_space<vmem_shared>> -> memref<624x128xf32, #tpu.memory_space<vmem_shared>>
      tpu.wait_dma2 semaphore(%run_scoped3A : memref<!tpu.dma_semaphore, #tpu.memory_space<semaphore_mem>>) src(%arg6 : memref<624x128xf32, #tpu.memory_space<hbm>>) dst(%dma_wait3A_63 : memref<624x128xf32, #tpu.memory_space<vmem_shared>>)
      tpu.yield
    }) : () -> ()
    %eq3A = arith.constant 0 : i32
    %eq3A_3 = arith.cmpi eq, %arg1, %eq3A : i32
    %convert_element_type3A = arith.extui %eq3A_3 : i1 to i32
    %cond3A = arith.constant 0 : i32
    %cond3A_4 = arith.cmpi ne, %convert_element_type3A, %cond3A : i32
    scf.if %cond3A_4 {
      "tpu.region"() ({
        %run_scoped3A = tpu.sem_alloc : memref<!tpu.dma_semaphore, #tpu.memory_space<semaphore_mem>>
        %dma_start3A_61 = arith.constant 9984 : i32
        %dma_start3A_62 = arith.constant 0 : i32
        %dma_start3A_63 = tpu.memref_slice %arg13[%dma_start3A_61, %dma_start3A_62] : memref<10008x128xf32, #tpu.memory_space<vmem_shared>> -> memref<24x128xf32, #tpu.memory_space<vmem_shared>>
        %dma_start3A_64 = arith.constant 0 : i32
        %dma_start3A_65 = arith.constant 0 : i32
        %dma_start3A_66 = tpu.memref_slice %arg6[%dma_start3A_64, %dma_start3A_65] : memref<624x128xf32, #tpu.memory_space<hbm>> -> memref<24x128xf32, #tpu.memory_space<hbm>>
        tpu.enqueue_dma source(%dma_start3A_66 : memref<24x128xf32, #tpu.memory_space<hbm>>) target(%dma_start3A_63 : memref<24x128xf32, #tpu.memory_space<vmem_shared>>) target_semaphore(%run_scoped3A : memref<!tpu.dma_semaphore, #tpu.memory_space<semaphore_mem>>)
        %dma_wait3A = arith.constant 9984 : i32
        %dma_wait3A_67 = arith.constant 0 : i32
        %dma_wait3A_68 = tpu.memref_slice %arg13[%dma_wait3A, %dma_wait3A_67] : memref<10008x128xf32, #tpu.memory_space<vmem_shared>> -> memref<24x128xf32, #tpu.memory_space<vmem_shared>>
        %dma_wait3A_69 = arith.constant 0 : i32
        %dma_wait3A_70 = arith.constant 0 : i32
        %dma_wait3A_71 = tpu.memref_slice %arg6[%dma_wait3A_69, %dma_wait3A_70] : memref<624x128xf32, #tpu.memory_space<hbm>> -> memref<24x128xf32, #tpu.memory_space<hbm>>
        tpu.wait_dma2 semaphore(%run_scoped3A : memref<!tpu.dma_semaphore, #tpu.memory_space<semaphore_mem>>) src(%dma_wait3A_71 : memref<24x128xf32, #tpu.memory_space<hbm>>) dst(%dma_wait3A_68 : memref<24x128xf32, #tpu.memory_space<vmem_shared>>)
        tpu.yield
      }) : () -> ()
    } else {
    }
    %barrier3A = arith.constant 0 : index
    tpu.barrier barrier_id(%barrier3A)
    %mul3A_5 = arith.constant 80 : i32
    %mul3A_6 = arith.muli %add3A, %mul3A_5 : i32
    %add3A_7 = arith.constant 0 : i32
    %add3A_8 = arith.addi %mul3A_6, %add3A_7 : i32
    "tpu.region"() ({
      %run_scoped3A = tpu.sem_alloc : memref<!tpu.dma_semaphore, #tpu.memory_space<semaphore_mem>>
      %dma_start3A_61 = arith.constant 0 : i32
      %dma_start3A_62 = arith.constant 0 : i32
      %dma_start3A_63 = tpu.memref_slice %arg9[%dma_start3A_61, %dma_start3A_62] : memref<40x128xi32, #tpu.memory_space<vmem>> -> memref<40x128xi32, #tpu.memory_space<vmem>>
      %dma_start3A_64 = arith.constant 0 : i32
      %dma_start3A_65 = tpu.memref_slice %arg4[%add3A_8, %dma_start3A_64] : memref<2560x128xi32, #tpu.memory_space<hbm>> -> memref<40x128xi32, #tpu.memory_space<hbm>>
      %dma_start3A_66 = arith.constant 0 : i32
      %dma_start3A_67 = arith.constant 0 : i32
      %dma_start3A_68 = tpu.memref_slice %arg9[%dma_start3A_66, %dma_start3A_67] : memref<40x128xi32, #tpu.memory_space<vmem>> -> memref<40x128xi32, #tpu.memory_space<vmem>>
      %dma_start3A_69 = arith.constant 0 : i32
      %dma_start3A_70 = tpu.memref_slice %arg4[%add3A_8, %dma_start3A_69] : memref<2560x128xi32, #tpu.memory_space<hbm>> -> memref<40x128xi32, #tpu.memory_space<hbm>>
      tpu.enqueue_dma source(%dma_start3A_70 : memref<40x128xi32, #tpu.memory_space<hbm>>) target(%dma_start3A_68 : memref<40x128xi32, #tpu.memory_space<vmem>>) target_semaphore(%run_scoped3A : memref<!tpu.dma_semaphore, #tpu.memory_space<semaphore_mem>>)
      %dma_wait3A = arith.constant 0 : i32
      %dma_wait3A_71 = arith.constant 0 : i32
      %dma_wait3A_72 = tpu.memref_slice %arg9[%dma_wait3A, %dma_wait3A_71] : memref<40x128xi32, #tpu.memory_space<vmem>> -> memref<40x128xi32, #tpu.memory_space<vmem>>
      %dma_wait3A_73 = arith.constant 0 : i32
      %dma_wait3A_74 = tpu.memref_slice %arg4[%add3A_8, %dma_wait3A_73] : memref<2560x128xi32, #tpu.memory_space<hbm>> -> memref<40x128xi32, #tpu.memory_space<hbm>>
      %dma_wait3A_75 = arith.constant 0 : i32
      %dma_wait3A_76 = arith.constant 0 : i32
      %dma_wait3A_77 = tpu.memref_slice %arg9[%dma_wait3A_75, %dma_wait3A_76] : memref<40x128xi32, #tpu.memory_space<vmem>> -> memref<40x128xi32, #tpu.memory_space<vmem>>
      %dma_wait3A_78 = arith.constant 0 : i32
      %dma_wait3A_79 = tpu.memref_slice %arg4[%add3A_8, %dma_wait3A_78] : memref<2560x128xi32, #tpu.memory_space<hbm>> -> memref<40x128xi32, #tpu.memory_space<hbm>>
      tpu.wait_dma2 semaphore(%run_scoped3A : memref<!tpu.dma_semaphore, #tpu.memory_space<semaphore_mem>>) src(%dma_wait3A_79 : memref<40x128xi32, #tpu.memory_space<hbm>>) dst(%dma_wait3A_77 : memref<40x128xi32, #tpu.memory_space<vmem>>)
      tpu.yield
    }) : () -> ()
    "tpu.region"() ({
      %run_scoped3A = tpu.sem_alloc : memref<!tpu.dma_semaphore, #tpu.memory_space<semaphore_mem>>
      %dma_start3A_61 = arith.constant 0 : i32
      %dma_start3A_62 = arith.constant 0 : i32
      %dma_start3A_63 = tpu.memref_slice %arg10[%dma_start3A_61, %dma_start3A_62] : memref<40x128xi32, #tpu.memory_space<vmem>> -> memref<40x128xi32, #tpu.memory_space<vmem>>
      %dma_start3A_64 = arith.constant 0 : i32
      %dma_start3A_65 = tpu.memref_slice %arg5[%add3A_8, %dma_start3A_64] : memref<2560x128xi32, #tpu.memory_space<hbm>> -> memref<40x128xi32, #tpu.memory_space<hbm>>
      %dma_start3A_66 = arith.constant 0 : i32
      %dma_start3A_67 = arith.constant 0 : i32
      %dma_start3A_68 = tpu.memref_slice %arg10[%dma_start3A_66, %dma_start3A_67] : memref<40x128xi32, #tpu.memory_space<vmem>> -> memref<40x128xi32, #tpu.memory_space<vmem>>
      %dma_start3A_69 = arith.constant 0 : i32
      %dma_start3A_70 = tpu.memref_slice %arg5[%add3A_8, %dma_start3A_69] : memref<2560x128xi32, #tpu.memory_space<hbm>> -> memref<40x128xi32, #tpu.memory_space<hbm>>
      tpu.enqueue_dma source(%dma_start3A_70 : memref<40x128xi32, #tpu.memory_space<hbm>>) target(%dma_start3A_68 : memref<40x128xi32, #tpu.memory_space<vmem>>) target_semaphore(%run_scoped3A : memref<!tpu.dma_semaphore, #tpu.memory_space<semaphore_mem>>)
      %dma_wait3A = arith.constant 0 : i32
      %dma_wait3A_71 = arith.constant 0 : i32
      %dma_wait3A_72 = tpu.memref_slice %arg10[%dma_wait3A, %dma_wait3A_71] : memref<40x128xi32, #tpu.memory_space<vmem>> -> memref<40x128xi32, #tpu.memory_space<vmem>>
      %dma_wait3A_73 = arith.constant 0 : i32
      %dma_wait3A_74 = tpu.memref_slice %arg5[%add3A_8, %dma_wait3A_73] : memref<2560x128xi32, #tpu.memory_space<hbm>> -> memref<40x128xi32, #tpu.memory_space<hbm>>
      %dma_wait3A_75 = arith.constant 0 : i32
      %dma_wait3A_76 = arith.constant 0 : i32
      %dma_wait3A_77 = tpu.memref_slice %arg10[%dma_wait3A_75, %dma_wait3A_76] : memref<40x128xi32, #tpu.memory_space<vmem>> -> memref<40x128xi32, #tpu.memory_space<vmem>>
      %dma_wait3A_78 = arith.constant 0 : i32
      %dma_wait3A_79 = tpu.memref_slice %arg5[%add3A_8, %dma_wait3A_78] : memref<2560x128xi32, #tpu.memory_space<hbm>> -> memref<40x128xi32, #tpu.memory_space<hbm>>
      tpu.wait_dma2 semaphore(%run_scoped3A : memref<!tpu.dma_semaphore, #tpu.memory_space<semaphore_mem>>) src(%dma_wait3A_79 : memref<40x128xi32, #tpu.memory_space<hbm>>) dst(%dma_wait3A_77 : memref<40x128xi32, #tpu.memory_space<vmem>>)
      tpu.yield
    }) : () -> ()
    %dma_start3A = arith.constant 0 : i32
    %dma_start3A_9 = arith.constant 0 : i32
    %dma_start3A_10 = tpu.memref_slice %arg9[%dma_start3A, %dma_start3A_9] : memref<40x128xi32, #tpu.memory_space<vmem>> -> memref<1x128xi32, #tpu.memory_space<vmem>>
    %dma_start3A_11 = tpu.memref_squeeze %dma_start3A_10 : memref<1x128xi32, #tpu.memory_space<vmem>> -> memref<128xi32, #tpu.memory_space<vmem>>
    %dma_start3A_12 = arith.constant 0 : i32
    %dma_start3A_13 = arith.constant 0 : i32
    %dma_start3A_14 = tpu.memref_slice %arg2[%dma_start3A_12, %dma_start3A_13] : memref<10000x128xf32, #tpu.memory_space<hbm>> -> memref<10000x128xf32, #tpu.memory_space<hbm>>
    tpu.enqueue_indirect_dma source(%dma_start3A_14 : memref<10000x128xf32, #tpu.memory_space<hbm>>) target(%arg11 : memref<128x128xf32, #tpu.memory_space<vmem>>) offsets(%dma_start3A_11 : memref<128xi32, #tpu.memory_space<vmem>>) semaphore(%arg14 : memref<!tpu.dma_semaphore, #tpu.memory_space<semaphore_mem>>)
    %dma_start3A_15 = arith.constant 1 : i32
    %dma_start3A_16 = arith.constant 0 : i32
    %dma_start3A_17 = tpu.memref_slice %arg9[%dma_start3A_15, %dma_start3A_16] : memref<40x128xi32, #tpu.memory_space<vmem>> -> memref<1x128xi32, #tpu.memory_space<vmem>>
    %dma_start3A_18 = tpu.memref_squeeze %dma_start3A_17 : memref<1x128xi32, #tpu.memory_space<vmem>> -> memref<128xi32, #tpu.memory_space<vmem>>
    %dma_start3A_19 = arith.constant 0 : i32
    %dma_start3A_20 = arith.constant 0 : i32
    %dma_start3A_21 = tpu.memref_slice %arg2[%dma_start3A_19, %dma_start3A_20] : memref<10000x128xf32, #tpu.memory_space<hbm>> -> memref<10000x128xf32, #tpu.memory_space<hbm>>
    tpu.enqueue_indirect_dma source(%dma_start3A_21 : memref<10000x128xf32, #tpu.memory_space<hbm>>) target(%arg12 : memref<128x128xf32, #tpu.memory_space<vmem>>) offsets(%dma_start3A_18 : memref<128xi32, #tpu.memory_space<vmem>>) semaphore(%arg15 : memref<!tpu.dma_semaphore, #tpu.memory_space<semaphore_mem>>)
    %scan3A = arith.constant 0 : i32
    %scan3A_22 = arith.constant 0 : i32
    %scan3A_23 = arith.constant 20 : i32
    %scan3A_24 = arith.addi %scan3A_22, %scan3A_23 : i32
    %scan3A_25 = arith.constant 1 : i32
    scf.for %scan3A_61 = %scan3A_22 to %scan3A_24 step %scan3A_25  : i32 {
      %mul3A_62 = arith.constant 2 : i32
      %mul3A_63 = arith.muli %scan3A_61, %mul3A_62 : i32
      %add3A_64 = arith.constant 0 : i32
      %add3A_65 = arith.addi %mul3A_63, %add3A_64 : i32
      %dma_wait3A = arith.constant 0 : i32
      %dma_wait3A_66 = tpu.memref_slice %arg9[%add3A_65, %dma_wait3A] : memref<40x128xi32, #tpu.memory_space<vmem>> -> memref<1x128xi32, #tpu.memory_space<vmem>>
      %dma_wait3A_67 = tpu.memref_squeeze %dma_wait3A_66 : memref<1x128xi32, #tpu.memory_space<vmem>> -> memref<128xi32, #tpu.memory_space<vmem>>
      %dma_wait3A_68 = arith.constant 0 : i32
      %dma_wait3A_69 = arith.constant 0 : i32
      %dma_wait3A_70 = tpu.memref_slice %arg2[%dma_wait3A_68, %dma_wait3A_69] : memref<10000x128xf32, #tpu.memory_space<hbm>> -> memref<10000x128xf32, #tpu.memory_space<hbm>>
      tpu.wait_indirect_dma semaphore(%arg14 : memref<!tpu.dma_semaphore, #tpu.memory_space<semaphore_mem>>) src(%dma_wait3A_70 : memref<10000x128xf32, #tpu.memory_space<hbm>>) dst(%arg11 : memref<128x128xf32, #tpu.memory_space<vmem>>)
      "tpu.region"() ({
        %run_scoped3A = tpu.sem_alloc : memref<!tpu.dma_semaphore, #tpu.memory_space<semaphore_mem>>
        %dma_start3A_94 = arith.constant 0 : i32
        %dma_start3A_95 = tpu.memref_slice %arg10[%add3A_65, %dma_start3A_94] : memref<40x128xi32, #tpu.memory_space<vmem>> -> memref<1x128xi32, #tpu.memory_space<vmem>>
        %dma_start3A_96 = tpu.memref_squeeze %dma_start3A_95 : memref<1x128xi32, #tpu.memory_space<vmem>> -> memref<128xi32, #tpu.memory_space<vmem>>
        %dma_start3A_97 = arith.constant 0 : i32
        %dma_start3A_98 = arith.constant 0 : i32
        %dma_start3A_99 = tpu.memref_slice %arg13[%dma_start3A_97, %dma_start3A_98] : memref<10008x128xf32, #tpu.memory_space<vmem_shared>> -> memref<10008x128xf32, #tpu.memory_space<vmem_shared>>
        tpu.enqueue_indirect_dma source(%arg11 : memref<128x128xf32, #tpu.memory_space<vmem>>) target(%dma_start3A_99 : memref<10008x128xf32, #tpu.memory_space<vmem_shared>>) offsets(%dma_start3A_96 : memref<128xi32, #tpu.memory_space<vmem>>) semaphore(%run_scoped3A : memref<!tpu.dma_semaphore, #tpu.memory_space<semaphore_mem>>) {add = true}
        %dma_wait3A_100 = arith.constant 0 : i32
        %dma_wait3A_101 = tpu.memref_slice %arg10[%add3A_65, %dma_wait3A_100] : memref<40x128xi32, #tpu.memory_space<vmem>> -> memref<1x128xi32, #tpu.memory_space<vmem>>
        %dma_wait3A_102 = tpu.memref_squeeze %dma_wait3A_101 : memref<1x128xi32, #tpu.memory_space<vmem>> -> memref<128xi32, #tpu.memory_space<vmem>>
        %dma_wait3A_103 = arith.constant 0 : i32
        %dma_wait3A_104 = arith.constant 0 : i32
        %dma_wait3A_105 = tpu.memref_slice %arg13[%dma_wait3A_103, %dma_wait3A_104] : memref<10008x128xf32, #tpu.memory_space<vmem_shared>> -> memref<10008x128xf32, #tpu.memory_space<vmem_shared>>
        tpu.wait_indirect_dma semaphore(%run_scoped3A : memref<!tpu.dma_semaphore, #tpu.memory_space<semaphore_mem>>) src(%arg11 : memref<128x128xf32, #tpu.memory_space<vmem>>) dst(%dma_wait3A_105 : memref<10008x128xf32, #tpu.memory_space<vmem_shared>>)
        tpu.yield
      }) : () -> ()
      %add3A_71 = arith.constant 2 : i32
      %add3A_72 = arith.addi %add3A_65, %add3A_71 : i32
      %lt3A = arith.constant 40 : i32
      %lt3A_73 = arith.cmpi slt, %add3A_72, %lt3A : i32
      %convert_element_type3A_74 = arith.extui %lt3A_73 : i1 to i32
      %cond3A_75 = arith.constant 0 : i32
      %cond3A_76 = arith.cmpi ne, %convert_element_type3A_74, %cond3A_75 : i32
      scf.if %cond3A_76 {
        %add3A_94 = arith.constant 2 : i32
        %add3A_95 = arith.addi %add3A_65, %add3A_94 : i32
        %add3A_96 = arith.constant 2 : i32
        %add3A_97 = arith.addi %add3A_65, %add3A_96 : i32
        %dma_start3A_98 = arith.constant 0 : i32
        %dma_start3A_99 = tpu.memref_slice %arg9[%add3A_97, %dma_start3A_98] : memref<40x128xi32, #tpu.memory_space<vmem>> -> memref<1x128xi32, #tpu.memory_space<vmem>>
        %dma_start3A_100 = tpu.memref_squeeze %dma_start3A_99 : memref<1x128xi32, #tpu.memory_space<vmem>> -> memref<128xi32, #tpu.memory_space<vmem>>
        %dma_start3A_101 = arith.constant 0 : i32
        %dma_start3A_102 = arith.constant 0 : i32
        %dma_start3A_103 = tpu.memref_slice %arg2[%dma_start3A_101, %dma_start3A_102] : memref<10000x128xf32, #tpu.memory_space<hbm>> -> memref<10000x128xf32, #tpu.memory_space<hbm>>
        tpu.enqueue_indirect_dma source(%dma_start3A_103 : memref<10000x128xf32, #tpu.memory_space<hbm>>) target(%arg11 : memref<128x128xf32, #tpu.memory_space<vmem>>) offsets(%dma_start3A_100 : memref<128xi32, #tpu.memory_space<vmem>>) semaphore(%arg14 : memref<!tpu.dma_semaphore, #tpu.memory_space<semaphore_mem>>)
      } else {
      }
      %mul3A_77 = arith.constant 2 : i32
      %mul3A_78 = arith.muli %scan3A_61, %mul3A_77 : i32
      %add3A_79 = arith.constant 1 : i32
      %add3A_80 = arith.addi %mul3A_78, %add3A_79 : i32
      %dma_wait3A_81 = arith.constant 0 : i32
      %dma_wait3A_82 = tpu.memref_slice %arg9[%add3A_80, %dma_wait3A_81] : memref<40x128xi32, #tpu.memory_space<vmem>> -> memref<1x128xi32, #tpu.memory_space<vmem>>
      %dma_wait3A_83 = tpu.memref_squeeze %dma_wait3A_82 : memref<1x128xi32, #tpu.memory_space<vmem>> -> memref<128xi32, #tpu.memory_space<vmem>>
      %dma_wait3A_84 = arith.constant 0 : i32
      %dma_wait3A_85 = arith.constant 0 : i32
      %dma_wait3A_86 = tpu.memref_slice %arg2[%dma_wait3A_84, %dma_wait3A_85] : memref<10000x128xf32, #tpu.memory_space<hbm>> -> memref<10000x128xf32, #tpu.memory_space<hbm>>
      tpu.wait_indirect_dma semaphore(%arg15 : memref<!tpu.dma_semaphore, #tpu.memory_space<semaphore_mem>>) src(%dma_wait3A_86 : memref<10000x128xf32, #tpu.memory_space<hbm>>) dst(%arg12 : memref<128x128xf32, #tpu.memory_space<vmem>>)
      "tpu.region"() ({
        %run_scoped3A = tpu.sem_alloc : memref<!tpu.dma_semaphore, #tpu.memory_space<semaphore_mem>>
        %dma_start3A_94 = arith.constant 0 : i32
        %dma_start3A_95 = tpu.memref_slice %arg10[%add3A_80, %dma_start3A_94] : memref<40x128xi32, #tpu.memory_space<vmem>> -> memref<1x128xi32, #tpu.memory_space<vmem>>
        %dma_start3A_96 = tpu.memref_squeeze %dma_start3A_95 : memref<1x128xi32, #tpu.memory_space<vmem>> -> memref<128xi32, #tpu.memory_space<vmem>>
        %dma_start3A_97 = arith.constant 0 : i32
        %dma_start3A_98 = arith.constant 0 : i32
        %dma_start3A_99 = tpu.memref_slice %arg13[%dma_start3A_97, %dma_start3A_98] : memref<10008x128xf32, #tpu.memory_space<vmem_shared>> -> memref<10008x128xf32, #tpu.memory_space<vmem_shared>>
        tpu.enqueue_indirect_dma source(%arg12 : memref<128x128xf32, #tpu.memory_space<vmem>>) target(%dma_start3A_99 : memref<10008x128xf32, #tpu.memory_space<vmem_shared>>) offsets(%dma_start3A_96 : memref<128xi32, #tpu.memory_space<vmem>>) semaphore(%run_scoped3A : memref<!tpu.dma_semaphore, #tpu.memory_space<semaphore_mem>>) {add = true}
        %dma_wait3A_100 = arith.constant 0 : i32
        %dma_wait3A_101 = tpu.memref_slice %arg10[%add3A_80, %dma_wait3A_100] : memref<40x128xi32, #tpu.memory_space<vmem>> -> memref<1x128xi32, #tpu.memory_space<vmem>>
        %dma_wait3A_102 = tpu.memref_squeeze %dma_wait3A_101 : memref<1x128xi32, #tpu.memory_space<vmem>> -> memref<128xi32, #tpu.memory_space<vmem>>
        %dma_wait3A_103 = arith.constant 0 : i32
        %dma_wait3A_104 = arith.constant 0 : i32
        %dma_wait3A_105 = tpu.memref_slice %arg13[%dma_wait3A_103, %dma_wait3A_104] : memref<10008x128xf32, #tpu.memory_space<vmem_shared>> -> memref<10008x128xf32, #tpu.memory_space<vmem_shared>>
        tpu.wait_indirect_dma semaphore(%run_scoped3A : memref<!tpu.dma_semaphore, #tpu.memory_space<semaphore_mem>>) src(%arg12 : memref<128x128xf32, #tpu.memory_space<vmem>>) dst(%dma_wait3A_105 : memref<10008x128xf32, #tpu.memory_space<vmem_shared>>)
        tpu.yield
      }) : () -> ()
      %add3A_87 = arith.constant 2 : i32
      %add3A_88 = arith.addi %add3A_80, %add3A_87 : i32
      %lt3A_89 = arith.constant 40 : i32
      %lt3A_90 = arith.cmpi slt, %add3A_88, %lt3A_89 : i32
      %convert_element_type3A_91 = arith.extui %lt3A_90 : i1 to i32
      %cond3A_92 = arith.constant 0 : i32
      %cond3A_93 = arith.cmpi ne, %convert_element_type3A_91, %cond3A_92 : i32
      scf.if %cond3A_93 {
        %add3A_94 = arith.constant 2 : i32
        %add3A_95 = arith.addi %add3A_80, %add3A_94 : i32
        %add3A_96 = arith.constant 2 : i32
        %add3A_97 = arith.addi %add3A_80, %add3A_96 : i32
        %dma_start3A_98 = arith.constant 0 : i32
        %dma_start3A_99 = tpu.memref_slice %arg9[%add3A_97, %dma_start3A_98] : memref<40x128xi32, #tpu.memory_space<vmem>> -> memref<1x128xi32, #tpu.memory_space<vmem>>
        %dma_start3A_100 = tpu.memref_squeeze %dma_start3A_99 : memref<1x128xi32, #tpu.memory_space<vmem>> -> memref<128xi32, #tpu.memory_space<vmem>>
        %dma_start3A_101 = arith.constant 0 : i32
        %dma_start3A_102 = arith.constant 0 : i32
        %dma_start3A_103 = tpu.memref_slice %arg2[%dma_start3A_101, %dma_start3A_102] : memref<10000x128xf32, #tpu.memory_space<hbm>> -> memref<10000x128xf32, #tpu.memory_space<hbm>>
        tpu.enqueue_indirect_dma source(%dma_start3A_103 : memref<10000x128xf32, #tpu.memory_space<hbm>>) target(%arg12 : memref<128x128xf32, #tpu.memory_space<vmem>>) offsets(%dma_start3A_100 : memref<128xi32, #tpu.memory_space<vmem>>) semaphore(%arg15 : memref<!tpu.dma_semaphore, #tpu.memory_space<semaphore_mem>>)
      } else {
      }
    }
    %scan3A_26 = arith.constant 20 : i32
    %mul3A_27 = arith.constant 80 : i32
    %mul3A_28 = arith.muli %add3A, %mul3A_27 : i32
    %add3A_29 = arith.constant 40 : i32
    %add3A_30 = arith.addi %mul3A_28, %add3A_29 : i32
    "tpu.region"() ({
      %run_scoped3A = tpu.sem_alloc : memref<!tpu.dma_semaphore, #tpu.memory_space<semaphore_mem>>
      %dma_start3A_61 = arith.constant 0 : i32
      %dma_start3A_62 = arith.constant 0 : i32
      %dma_start3A_63 = tpu.memref_slice %arg9[%dma_start3A_61, %dma_start3A_62] : memref<40x128xi32, #tpu.memory_space<vmem>> -> memref<40x128xi32, #tpu.memory_space<vmem>>
      %dma_start3A_64 = arith.constant 0 : i32
      %dma_start3A_65 = tpu.memref_slice %arg4[%add3A_30, %dma_start3A_64] : memref<2560x128xi32, #tpu.memory_space<hbm>> -> memref<40x128xi32, #tpu.memory_space<hbm>>
      %dma_start3A_66 = arith.constant 0 : i32
      %dma_start3A_67 = arith.constant 0 : i32
      %dma_start3A_68 = tpu.memref_slice %arg9[%dma_start3A_66, %dma_start3A_67] : memref<40x128xi32, #tpu.memory_space<vmem>> -> memref<40x128xi32, #tpu.memory_space<vmem>>
      %dma_start3A_69 = arith.constant 0 : i32
      %dma_start3A_70 = tpu.memref_slice %arg4[%add3A_30, %dma_start3A_69] : memref<2560x128xi32, #tpu.memory_space<hbm>> -> memref<40x128xi32, #tpu.memory_space<hbm>>
      tpu.enqueue_dma source(%dma_start3A_70 : memref<40x128xi32, #tpu.memory_space<hbm>>) target(%dma_start3A_68 : memref<40x128xi32, #tpu.memory_space<vmem>>) target_semaphore(%run_scoped3A : memref<!tpu.dma_semaphore, #tpu.memory_space<semaphore_mem>>)
      %dma_wait3A = arith.constant 0 : i32
      %dma_wait3A_71 = arith.constant 0 : i32
      %dma_wait3A_72 = tpu.memref_slice %arg9[%dma_wait3A, %dma_wait3A_71] : memref<40x128xi32, #tpu.memory_space<vmem>> -> memref<40x128xi32, #tpu.memory_space<vmem>>
      %dma_wait3A_73 = arith.constant 0 : i32
      %dma_wait3A_74 = tpu.memref_slice %arg4[%add3A_30, %dma_wait3A_73] : memref<2560x128xi32, #tpu.memory_space<hbm>> -> memref<40x128xi32, #tpu.memory_space<hbm>>
      %dma_wait3A_75 = arith.constant 0 : i32
      %dma_wait3A_76 = arith.constant 0 : i32
      %dma_wait3A_77 = tpu.memref_slice %arg9[%dma_wait3A_75, %dma_wait3A_76] : memref<40x128xi32, #tpu.memory_space<vmem>> -> memref<40x128xi32, #tpu.memory_space<vmem>>
      %dma_wait3A_78 = arith.constant 0 : i32
      %dma_wait3A_79 = tpu.memref_slice %arg4[%add3A_30, %dma_wait3A_78] : memref<2560x128xi32, #tpu.memory_space<hbm>> -> memref<40x128xi32, #tpu.memory_space<hbm>>
      tpu.wait_dma2 semaphore(%run_scoped3A : memref<!tpu.dma_semaphore, #tpu.memory_space<semaphore_mem>>) src(%dma_wait3A_79 : memref<40x128xi32, #tpu.memory_space<hbm>>) dst(%dma_wait3A_77 : memref<40x128xi32, #tpu.memory_space<vmem>>)
      tpu.yield
    }) : () -> ()
    "tpu.region"() ({
      %run_scoped3A = tpu.sem_alloc : memref<!tpu.dma_semaphore, #tpu.memory_space<semaphore_mem>>
      %dma_start3A_61 = arith.constant 0 : i32
      %dma_start3A_62 = arith.constant 0 : i32
      %dma_start3A_63 = tpu.memref_slice %arg10[%dma_start3A_61, %dma_start3A_62] : memref<40x128xi32, #tpu.memory_space<vmem>> -> memref<40x128xi32, #tpu.memory_space<vmem>>
      %dma_start3A_64 = arith.constant 0 : i32
      %dma_start3A_65 = tpu.memref_slice %arg5[%add3A_30, %dma_start3A_64] : memref<2560x128xi32, #tpu.memory_space<hbm>> -> memref<40x128xi32, #tpu.memory_space<hbm>>
      %dma_start3A_66 = arith.constant 0 : i32
      %dma_start3A_67 = arith.constant 0 : i32
      %dma_start3A_68 = tpu.memref_slice %arg10[%dma_start3A_66, %dma_start3A_67] : memref<40x128xi32, #tpu.memory_space<vmem>> -> memref<40x128xi32, #tpu.memory_space<vmem>>
      %dma_start3A_69 = arith.constant 0 : i32
      %dma_start3A_70 = tpu.memref_slice %arg5[%add3A_30, %dma_start3A_69] : memref<2560x128xi32, #tpu.memory_space<hbm>> -> memref<40x128xi32, #tpu.memory_space<hbm>>
      tpu.enqueue_dma source(%dma_start3A_70 : memref<40x128xi32, #tpu.memory_space<hbm>>) target(%dma_start3A_68 : memref<40x128xi32, #tpu.memory_space<vmem>>) target_semaphore(%run_scoped3A : memref<!tpu.dma_semaphore, #tpu.memory_space<semaphore_mem>>)
      %dma_wait3A = arith.constant 0 : i32
      %dma_wait3A_71 = arith.constant 0 : i32
      %dma_wait3A_72 = tpu.memref_slice %arg10[%dma_wait3A, %dma_wait3A_71] : memref<40x128xi32, #tpu.memory_space<vmem>> -> memref<40x128xi32, #tpu.memory_space<vmem>>
      %dma_wait3A_73 = arith.constant 0 : i32
      %dma_wait3A_74 = tpu.memref_slice %arg5[%add3A_30, %dma_wait3A_73] : memref<2560x128xi32, #tpu.memory_space<hbm>> -> memref<40x128xi32, #tpu.memory_space<hbm>>
      %dma_wait3A_75 = arith.constant 0 : i32
      %dma_wait3A_76 = arith.constant 0 : i32
      %dma_wait3A_77 = tpu.memref_slice %arg10[%dma_wait3A_75, %dma_wait3A_76] : memref<40x128xi32, #tpu.memory_space<vmem>> -> memref<40x128xi32, #tpu.memory_space<vmem>>
      %dma_wait3A_78 = arith.constant 0 : i32
      %dma_wait3A_79 = tpu.memref_slice %arg5[%add3A_30, %dma_wait3A_78] : memref<2560x128xi32, #tpu.memory_space<hbm>> -> memref<40x128xi32, #tpu.memory_space<hbm>>
      tpu.wait_dma2 semaphore(%run_scoped3A : memref<!tpu.dma_semaphore, #tpu.memory_space<semaphore_mem>>) src(%dma_wait3A_79 : memref<40x128xi32, #tpu.memory_space<hbm>>) dst(%dma_wait3A_77 : memref<40x128xi32, #tpu.memory_space<vmem>>)
      tpu.yield
    }) : () -> ()
    %dma_start3A_31 = arith.constant 0 : i32
    %dma_start3A_32 = arith.constant 0 : i32
    %dma_start3A_33 = tpu.memref_slice %arg9[%dma_start3A_31, %dma_start3A_32] : memref<40x128xi32, #tpu.memory_space<vmem>> -> memref<1x128xi32, #tpu.memory_space<vmem>>
    %dma_start3A_34 = tpu.memref_squeeze %dma_start3A_33 : memref<1x128xi32, #tpu.memory_space<vmem>> -> memref<128xi32, #tpu.memory_space<vmem>>
    %dma_start3A_35 = arith.constant 0 : i32
    %dma_start3A_36 = arith.constant 0 : i32
    %dma_start3A_37 = tpu.memref_slice %arg2[%dma_start3A_35, %dma_start3A_36] : memref<10000x128xf32, #tpu.memory_space<hbm>> -> memref<10000x128xf32, #tpu.memory_space<hbm>>
    tpu.enqueue_indirect_dma source(%dma_start3A_37 : memref<10000x128xf32, #tpu.memory_space<hbm>>) target(%arg11 : memref<128x128xf32, #tpu.memory_space<vmem>>) offsets(%dma_start3A_34 : memref<128xi32, #tpu.memory_space<vmem>>) semaphore(%arg14 : memref<!tpu.dma_semaphore, #tpu.memory_space<semaphore_mem>>)
    %dma_start3A_38 = arith.constant 1 : i32
    %dma_start3A_39 = arith.constant 0 : i32
    %dma_start3A_40 = tpu.memref_slice %arg9[%dma_start3A_38, %dma_start3A_39] : memref<40x128xi32, #tpu.memory_space<vmem>> -> memref<1x128xi32, #tpu.memory_space<vmem>>
    %dma_start3A_41 = tpu.memref_squeeze %dma_start3A_40 : memref<1x128xi32, #tpu.memory_space<vmem>> -> memref<128xi32, #tpu.memory_space<vmem>>
    %dma_start3A_42 = arith.constant 0 : i32
    %dma_start3A_43 = arith.constant 0 : i32
    %dma_start3A_44 = tpu.memref_slice %arg2[%dma_start3A_42, %dma_start3A_43] : memref<10000x128xf32, #tpu.memory_space<hbm>> -> memref<10000x128xf32, #tpu.memory_space<hbm>>
    tpu.enqueue_indirect_dma source(%dma_start3A_44 : memref<10000x128xf32, #tpu.memory_space<hbm>>) target(%arg12 : memref<128x128xf32, #tpu.memory_space<vmem>>) offsets(%dma_start3A_41 : memref<128xi32, #tpu.memory_space<vmem>>) semaphore(%arg15 : memref<!tpu.dma_semaphore, #tpu.memory_space<semaphore_mem>>)
    %scan3A_45 = arith.constant 0 : i32
    %scan3A_46 = arith.constant 0 : i32
    %scan3A_47 = arith.constant 20 : i32
    %scan3A_48 = arith.addi %scan3A_46, %scan3A_47 : i32
    %scan3A_49 = arith.constant 1 : i32
    scf.for %scan3A_61 = %scan3A_46 to %scan3A_48 step %scan3A_49  : i32 {
      %mul3A_62 = arith.constant 2 : i32
      %mul3A_63 = arith.muli %scan3A_61, %mul3A_62 : i32
      %add3A_64 = arith.constant 0 : i32
      %add3A_65 = arith.addi %mul3A_63, %add3A_64 : i32
      %dma_wait3A = arith.constant 0 : i32
      %dma_wait3A_66 = tpu.memref_slice %arg9[%add3A_65, %dma_wait3A] : memref<40x128xi32, #tpu.memory_space<vmem>> -> memref<1x128xi32, #tpu.memory_space<vmem>>
      %dma_wait3A_67 = tpu.memref_squeeze %dma_wait3A_66 : memref<1x128xi32, #tpu.memory_space<vmem>> -> memref<128xi32, #tpu.memory_space<vmem>>
      %dma_wait3A_68 = arith.constant 0 : i32
      %dma_wait3A_69 = arith.constant 0 : i32
      %dma_wait3A_70 = tpu.memref_slice %arg2[%dma_wait3A_68, %dma_wait3A_69] : memref<10000x128xf32, #tpu.memory_space<hbm>> -> memref<10000x128xf32, #tpu.memory_space<hbm>>
      tpu.wait_indirect_dma semaphore(%arg14 : memref<!tpu.dma_semaphore, #tpu.memory_space<semaphore_mem>>) src(%dma_wait3A_70 : memref<10000x128xf32, #tpu.memory_space<hbm>>) dst(%arg11 : memref<128x128xf32, #tpu.memory_space<vmem>>)
      "tpu.region"() ({
        %run_scoped3A = tpu.sem_alloc : memref<!tpu.dma_semaphore, #tpu.memory_space<semaphore_mem>>
        %dma_start3A_94 = arith.constant 0 : i32
        %dma_start3A_95 = tpu.memref_slice %arg10[%add3A_65, %dma_start3A_94] : memref<40x128xi32, #tpu.memory_space<vmem>> -> memref<1x128xi32, #tpu.memory_space<vmem>>
        %dma_start3A_96 = tpu.memref_squeeze %dma_start3A_95 : memref<1x128xi32, #tpu.memory_space<vmem>> -> memref<128xi32, #tpu.memory_space<vmem>>
        %dma_start3A_97 = arith.constant 0 : i32
        %dma_start3A_98 = arith.constant 0 : i32
        %dma_start3A_99 = tpu.memref_slice %arg13[%dma_start3A_97, %dma_start3A_98] : memref<10008x128xf32, #tpu.memory_space<vmem_shared>> -> memref<10008x128xf32, #tpu.memory_space<vmem_shared>>
        tpu.enqueue_indirect_dma source(%arg11 : memref<128x128xf32, #tpu.memory_space<vmem>>) target(%dma_start3A_99 : memref<10008x128xf32, #tpu.memory_space<vmem_shared>>) offsets(%dma_start3A_96 : memref<128xi32, #tpu.memory_space<vmem>>) semaphore(%run_scoped3A : memref<!tpu.dma_semaphore, #tpu.memory_space<semaphore_mem>>) {add = true}
        %dma_wait3A_100 = arith.constant 0 : i32
        %dma_wait3A_101 = tpu.memref_slice %arg10[%add3A_65, %dma_wait3A_100] : memref<40x128xi32, #tpu.memory_space<vmem>> -> memref<1x128xi32, #tpu.memory_space<vmem>>
        %dma_wait3A_102 = tpu.memref_squeeze %dma_wait3A_101 : memref<1x128xi32, #tpu.memory_space<vmem>> -> memref<128xi32, #tpu.memory_space<vmem>>
        %dma_wait3A_103 = arith.constant 0 : i32
        %dma_wait3A_104 = arith.constant 0 : i32
        %dma_wait3A_105 = tpu.memref_slice %arg13[%dma_wait3A_103, %dma_wait3A_104] : memref<10008x128xf32, #tpu.memory_space<vmem_shared>> -> memref<10008x128xf32, #tpu.memory_space<vmem_shared>>
        tpu.wait_indirect_dma semaphore(%run_scoped3A : memref<!tpu.dma_semaphore, #tpu.memory_space<semaphore_mem>>) src(%arg11 : memref<128x128xf32, #tpu.memory_space<vmem>>) dst(%dma_wait3A_105 : memref<10008x128xf32, #tpu.memory_space<vmem_shared>>)
        tpu.yield
      }) : () -> ()
      %add3A_71 = arith.constant 2 : i32
      %add3A_72 = arith.addi %add3A_65, %add3A_71 : i32
      %lt3A = arith.constant 40 : i32
      %lt3A_73 = arith.cmpi slt, %add3A_72, %lt3A : i32
      %convert_element_type3A_74 = arith.extui %lt3A_73 : i1 to i32
      %cond3A_75 = arith.constant 0 : i32
      %cond3A_76 = arith.cmpi ne, %convert_element_type3A_74, %cond3A_75 : i32
      scf.if %cond3A_76 {
        %add3A_94 = arith.constant 2 : i32
        %add3A_95 = arith.addi %add3A_65, %add3A_94 : i32
        %add3A_96 = arith.constant 2 : i32
        %add3A_97 = arith.addi %add3A_65, %add3A_96 : i32
        %dma_start3A_98 = arith.constant 0 : i32
        %dma_start3A_99 = tpu.memref_slice %arg9[%add3A_97, %dma_start3A_98] : memref<40x128xi32, #tpu.memory_space<vmem>> -> memref<1x128xi32, #tpu.memory_space<vmem>>
        %dma_start3A_100 = tpu.memref_squeeze %dma_start3A_99 : memref<1x128xi32, #tpu.memory_space<vmem>> -> memref<128xi32, #tpu.memory_space<vmem>>
        %dma_start3A_101 = arith.constant 0 : i32
        %dma_start3A_102 = arith.constant 0 : i32
        %dma_start3A_103 = tpu.memref_slice %arg2[%dma_start3A_101, %dma_start3A_102] : memref<10000x128xf32, #tpu.memory_space<hbm>> -> memref<10000x128xf32, #tpu.memory_space<hbm>>
        tpu.enqueue_indirect_dma source(%dma_start3A_103 : memref<10000x128xf32, #tpu.memory_space<hbm>>) target(%arg11 : memref<128x128xf32, #tpu.memory_space<vmem>>) offsets(%dma_start3A_100 : memref<128xi32, #tpu.memory_space<vmem>>) semaphore(%arg14 : memref<!tpu.dma_semaphore, #tpu.memory_space<semaphore_mem>>)
      } else {
      }
      %mul3A_77 = arith.constant 2 : i32
      %mul3A_78 = arith.muli %scan3A_61, %mul3A_77 : i32
      %add3A_79 = arith.constant 1 : i32
      %add3A_80 = arith.addi %mul3A_78, %add3A_79 : i32
      %dma_wait3A_81 = arith.constant 0 : i32
      %dma_wait3A_82 = tpu.memref_slice %arg9[%add3A_80, %dma_wait3A_81] : memref<40x128xi32, #tpu.memory_space<vmem>> -> memref<1x128xi32, #tpu.memory_space<vmem>>
      %dma_wait3A_83 = tpu.memref_squeeze %dma_wait3A_82 : memref<1x128xi32, #tpu.memory_space<vmem>> -> memref<128xi32, #tpu.memory_space<vmem>>
      %dma_wait3A_84 = arith.constant 0 : i32
      %dma_wait3A_85 = arith.constant 0 : i32
      %dma_wait3A_86 = tpu.memref_slice %arg2[%dma_wait3A_84, %dma_wait3A_85] : memref<10000x128xf32, #tpu.memory_space<hbm>> -> memref<10000x128xf32, #tpu.memory_space<hbm>>
      tpu.wait_indirect_dma semaphore(%arg15 : memref<!tpu.dma_semaphore, #tpu.memory_space<semaphore_mem>>) src(%dma_wait3A_86 : memref<10000x128xf32, #tpu.memory_space<hbm>>) dst(%arg12 : memref<128x128xf32, #tpu.memory_space<vmem>>)
      "tpu.region"() ({
        %run_scoped3A = tpu.sem_alloc : memref<!tpu.dma_semaphore, #tpu.memory_space<semaphore_mem>>
        %dma_start3A_94 = arith.constant 0 : i32
        %dma_start3A_95 = tpu.memref_slice %arg10[%add3A_80, %dma_start3A_94] : memref<40x128xi32, #tpu.memory_space<vmem>> -> memref<1x128xi32, #tpu.memory_space<vmem>>
        %dma_start3A_96 = tpu.memref_squeeze %dma_start3A_95 : memref<1x128xi32, #tpu.memory_space<vmem>> -> memref<128xi32, #tpu.memory_space<vmem>>
        %dma_start3A_97 = arith.constant 0 : i32
        %dma_start3A_98 = arith.constant 0 : i32
        %dma_start3A_99 = tpu.memref_slice %arg13[%dma_start3A_97, %dma_start3A_98] : memref<10008x128xf32, #tpu.memory_space<vmem_shared>> -> memref<10008x128xf32, #tpu.memory_space<vmem_shared>>
        tpu.enqueue_indirect_dma source(%arg12 : memref<128x128xf32, #tpu.memory_space<vmem>>) target(%dma_start3A_99 : memref<10008x128xf32, #tpu.memory_space<vmem_shared>>) offsets(%dma_start3A_96 : memref<128xi32, #tpu.memory_space<vmem>>) semaphore(%run_scoped3A : memref<!tpu.dma_semaphore, #tpu.memory_space<semaphore_mem>>) {add = true}
        %dma_wait3A_100 = arith.constant 0 : i32
        %dma_wait3A_101 = tpu.memref_slice %arg10[%add3A_80, %dma_wait3A_100] : memref<40x128xi32, #tpu.memory_space<vmem>> -> memref<1x128xi32, #tpu.memory_space<vmem>>
        %dma_wait3A_102 = tpu.memref_squeeze %dma_wait3A_101 : memref<1x128xi32, #tpu.memory_space<vmem>> -> memref<128xi32, #tpu.memory_space<vmem>>
        %dma_wait3A_103 = arith.constant 0 : i32
        %dma_wait3A_104 = arith.constant 0 : i32
        %dma_wait3A_105 = tpu.memref_slice %arg13[%dma_wait3A_103, %dma_wait3A_104] : memref<10008x128xf32, #tpu.memory_space<vmem_shared>> -> memref<10008x128xf32, #tpu.memory_space<vmem_shared>>
        tpu.wait_indirect_dma semaphore(%run_scoped3A : memref<!tpu.dma_semaphore, #tpu.memory_space<semaphore_mem>>) src(%arg12 : memref<128x128xf32, #tpu.memory_space<vmem>>) dst(%dma_wait3A_105 : memref<10008x128xf32, #tpu.memory_space<vmem_shared>>)
        tpu.yield
      }) : () -> ()
      %add3A_87 = arith.constant 2 : i32
      %add3A_88 = arith.addi %add3A_80, %add3A_87 : i32
      %lt3A_89 = arith.constant 40 : i32
      %lt3A_90 = arith.cmpi slt, %add3A_88, %lt3A_89 : i32
      %convert_element_type3A_91 = arith.extui %lt3A_90 : i1 to i32
      %cond3A_92 = arith.constant 0 : i32
      %cond3A_93 = arith.cmpi ne, %convert_element_type3A_91, %cond3A_92 : i32
      scf.if %cond3A_93 {
        %add3A_94 = arith.constant 2 : i32
        %add3A_95 = arith.addi %add3A_80, %add3A_94 : i32
        %add3A_96 = arith.constant 2 : i32
        %add3A_97 = arith.addi %add3A_80, %add3A_96 : i32
        %dma_start3A_98 = arith.constant 0 : i32
        %dma_start3A_99 = tpu.memref_slice %arg9[%add3A_97, %dma_start3A_98] : memref<40x128xi32, #tpu.memory_space<vmem>> -> memref<1x128xi32, #tpu.memory_space<vmem>>
        %dma_start3A_100 = tpu.memref_squeeze %dma_start3A_99 : memref<1x128xi32, #tpu.memory_space<vmem>> -> memref<128xi32, #tpu.memory_space<vmem>>
        %dma_start3A_101 = arith.constant 0 : i32
        %dma_start3A_102 = arith.constant 0 : i32
        %dma_start3A_103 = tpu.memref_slice %arg2[%dma_start3A_101, %dma_start3A_102] : memref<10000x128xf32, #tpu.memory_space<hbm>> -> memref<10000x128xf32, #tpu.memory_space<hbm>>
        tpu.enqueue_indirect_dma source(%dma_start3A_103 : memref<10000x128xf32, #tpu.memory_space<hbm>>) target(%arg12 : memref<128x128xf32, #tpu.memory_space<vmem>>) offsets(%dma_start3A_100 : memref<128xi32, #tpu.memory_space<vmem>>) semaphore(%arg15 : memref<!tpu.dma_semaphore, #tpu.memory_space<semaphore_mem>>)
      } else {
      }
    }
    %scan3A_50 = arith.constant 20 : i32
    %barrier3A_51 = arith.constant 0 : index
    tpu.barrier barrier_id(%barrier3A_51)
    %mul3A_52 = arith.constant 624 : i32
    %mul3A_53 = arith.muli %arg1, %mul3A_52 : i32
    %mul3A_54 = arith.constant 624 : i32
    %mul3A_55 = arith.muli %arg1, %mul3A_54 : i32
    "tpu.region"() ({
      %run_scoped3A = tpu.sem_alloc : memref<!tpu.dma_semaphore, #tpu.memory_space<semaphore_mem>>
      %dma_start3A_61 = arith.constant 0 : i32
      %dma_start3A_62 = tpu.memref_slice %arg7[%arg0, %mul3A_55, %dma_start3A_61] : memref<2x10000x128xf32, #tpu.memory_space<hbm>> -> memref<1x624x128xf32, #tpu.memory_space<hbm>>
      %dma_start3A_63 = tpu.memref_squeeze %dma_start3A_62 : memref<1x624x128xf32, #tpu.memory_space<hbm>> -> memref<624x128xf32, #tpu.memory_space<hbm>>
      %dma_start3A_64 = arith.constant 0 : i32
      %dma_start3A_65 = tpu.memref_slice %arg13[%mul3A_53, %dma_start3A_64] : memref<10008x128xf32, #tpu.memory_space<vmem_shared>> -> memref<624x128xf32, #tpu.memory_space<vmem_shared>>
      tpu.enqueue_dma source(%dma_start3A_65 : memref<624x128xf32, #tpu.memory_space<vmem_shared>>) target(%dma_start3A_63 : memref<624x128xf32, #tpu.memory_space<hbm>>) target_semaphore(%run_scoped3A : memref<!tpu.dma_semaphore, #tpu.memory_space<semaphore_mem>>)
      %dma_wait3A = arith.constant 0 : i32
      %dma_wait3A_66 = tpu.memref_slice %arg7[%arg0, %mul3A_55, %dma_wait3A] : memref<2x10000x128xf32, #tpu.memory_space<hbm>> -> memref<1x624x128xf32, #tpu.memory_space<hbm>>
      %dma_wait3A_67 = tpu.memref_squeeze %dma_wait3A_66 : memref<1x624x128xf32, #tpu.memory_space<hbm>> -> memref<624x128xf32, #tpu.memory_space<hbm>>
      %dma_wait3A_68 = arith.constant 0 : i32
      %dma_wait3A_69 = tpu.memref_slice %arg13[%mul3A_53, %dma_wait3A_68] : memref<10008x128xf32, #tpu.memory_space<vmem_shared>> -> memref<624x128xf32, #tpu.memory_space<vmem_shared>>
      tpu.wait_dma2 semaphore(%run_scoped3A : memref<!tpu.dma_semaphore, #tpu.memory_space<semaphore_mem>>) src(%dma_wait3A_69 : memref<624x128xf32, #tpu.memory_space<vmem_shared>>) dst(%dma_wait3A_67 : memref<624x128xf32, #tpu.memory_space<hbm>>)
      tpu.yield
    }) : () -> ()
    %eq3A_56 = arith.constant 0 : i32
    %eq3A_57 = arith.cmpi eq, %arg1, %eq3A_56 : i32
    %convert_element_type3A_58 = arith.extui %eq3A_57 : i1 to i32
    %cond3A_59 = arith.constant 0 : i32
    %cond3A_60 = arith.cmpi ne, %convert_element_type3A_58, %cond3A_59 : i32
    scf.if %cond3A_60 {
      "tpu.region"() ({
        %run_scoped3A = tpu.sem_alloc : memref<!tpu.dma_semaphore, #tpu.memory_space<semaphore_mem>>
        %dma_start3A_61 = arith.constant 9984 : i32
        %dma_start3A_62 = arith.constant 0 : i32
        %dma_start3A_63 = tpu.memref_slice %arg7[%arg0, %dma_start3A_61, %dma_start3A_62] : memref<2x10000x128xf32, #tpu.memory_space<hbm>> -> memref<1x16x128xf32, #tpu.memory_space<hbm>>
        %dma_start3A_64 = tpu.memref_squeeze %dma_start3A_63 : memref<1x16x128xf32, #tpu.memory_space<hbm>> -> memref<16x128xf32, #tpu.memory_space<hbm>>
        %dma_start3A_65 = arith.constant 9984 : i32
        %dma_start3A_66 = arith.constant 0 : i32
        %dma_start3A_67 = tpu.memref_slice %arg13[%dma_start3A_65, %dma_start3A_66] : memref<10008x128xf32, #tpu.memory_space<vmem_shared>> -> memref<16x128xf32, #tpu.memory_space<vmem_shared>>
        tpu.enqueue_dma source(%dma_start3A_67 : memref<16x128xf32, #tpu.memory_space<vmem_shared>>) target(%dma_start3A_64 : memref<16x128xf32, #tpu.memory_space<hbm>>) target_semaphore(%run_scoped3A : memref<!tpu.dma_semaphore, #tpu.memory_space<semaphore_mem>>)
        %dma_wait3A = arith.constant 9984 : i32
        %dma_wait3A_68 = arith.constant 0 : i32
        %dma_wait3A_69 = tpu.memref_slice %arg7[%arg0, %dma_wait3A, %dma_wait3A_68] : memref<2x10000x128xf32, #tpu.memory_space<hbm>> -> memref<1x16x128xf32, #tpu.memory_space<hbm>>
        %dma_wait3A_70 = tpu.memref_squeeze %dma_wait3A_69 : memref<1x16x128xf32, #tpu.memory_space<hbm>> -> memref<16x128xf32, #tpu.memory_space<hbm>>
        %dma_wait3A_71 = arith.constant 9984 : i32
        %dma_wait3A_72 = arith.constant 0 : i32
        %dma_wait3A_73 = tpu.memref_slice %arg13[%dma_wait3A_71, %dma_wait3A_72] : memref<10008x128xf32, #tpu.memory_space<vmem_shared>> -> memref<16x128xf32, #tpu.memory_space<vmem_shared>>
        tpu.wait_dma2 semaphore(%run_scoped3A : memref<!tpu.dma_semaphore, #tpu.memory_space<semaphore_mem>>) src(%dma_wait3A_73 : memref<16x128xf32, #tpu.memory_space<vmem_shared>>) dst(%dma_wait3A_70 : memref<16x128xf32, #tpu.memory_space<hbm>>)
        tpu.yield
      }) : () -> ()
    } else {
    }
    return
  }
}

module attributes {stable_mosaic.version = 14 : i64} {
  func.func @_tc_mlp_body(%arg0: i32, %arg1: memref<2x2000x128xf32, #tpu.memory_space<vmem>>, %arg2: memref<128x128xf32, #tpu.memory_space<vmem>>, %arg3: memref<1x128xf32, #tpu.memory_space<vmem>>, %arg4: memref<2000x128xf32, #tpu.memory_space<vmem>>) attributes {dimension_semantics = [#tpu.dimension_semantics<arbitrary>], iteration_bounds = array<i64: 5>, scalar_prefetch = 0 : i64, scratch_operands = 0 : i64, tpu.core_type = #tpu.core_type<tc>, window_params = [{transform_indices = @transform_0, window_bounds = array<i64: 2, 2000, 128>}, {pipeline_mode = #tpu.pipeline_mode<synchronous>, transform_indices = @transform_1, window_bounds = array<i64: 128, 128>}, {pipeline_mode = #tpu.pipeline_mode<synchronous>, transform_indices = @transform_2, window_bounds = array<i64: 1, 128>}, {transform_indices = @transform_3, window_bounds = array<i64: 2000, 128>}]} {
    %get3A = arith.constant 0 : index
    %get3A_0 = arith.constant 0 : index
    %get3A_1 = arith.constant 0 : index
    %get3A_2 = vector.load %arg1[%get3A, %get3A_0, %get3A_1] : memref<2x2000x128xf32, #tpu.memory_space<vmem>>, vector<1x2000x128xf32>
    %get3A_3 = vector.shape_cast %get3A_2 : vector<1x2000x128xf32> to vector<2000x128xf32>
    %get3A_4 = arith.constant 1 : index
    %get3A_5 = arith.constant 0 : index
    %get3A_6 = arith.constant 0 : index
    %get3A_7 = vector.load %arg1[%get3A_4, %get3A_5, %get3A_6] : memref<2x2000x128xf32, #tpu.memory_space<vmem>>, vector<1x2000x128xf32>
    %get3A_8 = vector.shape_cast %get3A_7 : vector<1x2000x128xf32> to vector<2000x128xf32>
    %add3A = arith.addf %get3A_3, %get3A_8 : vector<2000x128xf32>
    %get3A_9 = arith.constant 0 : index
    %get3A_10 = arith.constant 0 : index
    %get3A_11 = vector.load %arg2[%get3A_9, %get3A_10] : memref<128x128xf32, #tpu.memory_space<vmem>>, vector<128x128xf32>
    %dot_general3A = arith.constant dense<0.000000e+00> : vector<2000x128xf32>
    %dot_general3A_12 = tpu.matmul %add3A, %get3A_11, %dot_general3A {dimension_numbers = #tpu.dot_dimension_numbers<[1], [0], [0], [1], [0, 0, 1, 1], [], []>, transpose_lhs_hint = false} : vector<2000x128xf32>, vector<128x128xf32>, vector<2000x128xf32> -> vector<2000x128xf32>
    %get3A_13 = arith.constant 0 : index
    %get3A_14 = arith.constant 0 : index
    %get3A_15 = vector.load %arg3[%get3A_13, %get3A_14] : memref<1x128xf32, #tpu.memory_space<vmem>>, vector<1x128xf32>
    %add3A_16 = vector.broadcast %get3A_15 : vector<1x128xf32> to vector<2000x128xf32>
    %add3A_17 = arith.addf %dot_general3A_12, %add3A_16 : vector<2000x128xf32>
    %max3A = arith.constant 0.000000e+00 : f32
    %max3A_18 = vector.broadcast %max3A : f32 to vector<2000x128xf32>
    %max3A_19 = arith.maximumf %add3A_17, %max3A_18 : vector<2000x128xf32>
    %swap3A = arith.constant 0 : index
    %swap3A_20 = arith.constant 0 : index
    %swap3A_21 = vector.load %arg4[%swap3A, %swap3A_20] : memref<2000x128xf32, #tpu.memory_space<vmem>>, vector<2000x128xf32>
    tpu.vector_store %arg4[%swap3A, %swap3A_20], %max3A_19 {strides = array<i32>} : memref<2000x128xf32, #tpu.memory_space<vmem>>, vector<2000x128xf32>,
    return
  }
  func.func @transform_0(%arg0: i32) -> (i32, i32, i32) {
    %c0_i32 = arith.constant 0 : i32
    %c0_i32_0 = arith.constant 0 : i32
    %c0_i32_1 = arith.constant 0 : i32
    return %c0_i32, %arg0, %c0_i32_0 : i32, i32, i32
  }
  func.func @transform_1(%arg0: i32) -> (i32, i32) {
    %c0_i32 = arith.constant 0 : i32
    %c0_i32_0 = arith.constant 0 : i32
    %c0_i32_1 = arith.constant 0 : i32
    return %c0_i32, %c0_i32_0 : i32, i32
  }
  func.func @transform_2(%arg0: i32) -> (i32, i32) {
    %c0_i32 = arith.constant 0 : i32
    %c0_i32_0 = arith.constant 0 : i32
    %c0_i32_1 = arith.constant 0 : i32
    return %c0_i32, %c0_i32_0 : i32, i32
  }
  func.func @transform_3(%arg0: i32) -> (i32, i32) {
    %c0_i32 = arith.constant 0 : i32
    %c0_i32_0 = arith.constant 0 : i32
    return %arg0, %c0_i32 : i32, i32
  }
}

module attributes {stable_mosaic.version = 14 : i64} {
  func.func @_tc_mlp_body(%arg0: i32, %arg1: memref<2x2000x128xf32, #tpu.memory_space<vmem>>, %arg2: memref<128x128xf32, #tpu.memory_space<vmem>>, %arg3: memref<1x128xf32, #tpu.memory_space<vmem>>, %arg4: memref<2000x128xf32, #tpu.memory_space<vmem>>) attributes {dimension_semantics = [#tpu.dimension_semantics<arbitrary>], iteration_bounds = array<i64: 5>, scalar_prefetch = 0 : i64, scratch_operands = 0 : i64, tpu.core_type = #tpu.core_type<tc>, window_params = [{transform_indices = @transform_0, window_bounds = array<i64: 2, 2000, 128>}, {pipeline_mode = #tpu.pipeline_mode<synchronous>, transform_indices = @transform_1, window_bounds = array<i64: 128, 128>}, {pipeline_mode = #tpu.pipeline_mode<synchronous>, transform_indices = @transform_2, window_bounds = array<i64: 1, 128>}, {transform_indices = @transform_3, window_bounds = array<i64: 2000, 128>}]} {
    %get3A = arith.constant 0 : index
    %get3A_0 = arith.constant 0 : index
    %get3A_1 = arith.constant 0 : index
    %get3A_2 = vector.load %arg1[%get3A, %get3A_0, %get3A_1] : memref<2x2000x128xf32, #tpu.memory_space<vmem>>, vector<1x2000x128xf32>
    %get3A_3 = vector.shape_cast %get3A_2 : vector<1x2000x128xf32> to vector<2000x128xf32>
    %get3A_4 = arith.constant 1 : index
    %get3A_5 = arith.constant 0 : index
    %get3A_6 = arith.constant 0 : index
    %get3A_7 = vector.load %arg1[%get3A_4, %get3A_5, %get3A_6] : memref<2x2000x128xf32, #tpu.memory_space<vmem>>, vector<1x2000x128xf32>
    %get3A_8 = vector.shape_cast %get3A_7 : vector<1x2000x128xf32> to vector<2000x128xf32>
    %add3A = arith.addf %get3A_3, %get3A_8 : vector<2000x128xf32>
    %get3A_9 = arith.constant 0 : index
    %get3A_10 = arith.constant 0 : index
    %get3A_11 = vector.load %arg2[%get3A_9, %get3A_10] : memref<128x128xf32, #tpu.memory_space<vmem>>, vector<128x128xf32>
    %dot_general3A = arith.constant dense<0.000000e+00> : vector<2000x128xf32>
    %dot_general3A_12 = tpu.matmul %add3A, %get3A_11, %dot_general3A {dimension_numbers = #tpu.dot_dimension_numbers<[1], [0], [0], [1], [0, 0, 1, 1], [], []>, transpose_lhs_hint = false} : vector<2000x128xf32>, vector<128x128xf32>, vector<2000x128xf32> -> vector<2000x128xf32>
    %get3A_13 = arith.constant 0 : index
    %get3A_14 = arith.constant 0 : index
    %get3A_15 = vector.load %arg3[%get3A_13, %get3A_14] : memref<1x128xf32, #tpu.memory_space<vmem>>, vector<1x128xf32>
    %add3A_16 = vector.broadcast %get3A_15 : vector<1x128xf32> to vector<2000x128xf32>
    %add3A_17 = arith.addf %dot_general3A_12, %add3A_16 : vector<2000x128xf32>
    %max3A = arith.constant 0.000000e+00 : f32
    %max3A_18 = vector.broadcast %max3A : f32 to vector<2000x128xf32>
    %max3A_19 = arith.maximumf %add3A_17, %max3A_18 : vector<2000x128xf32>
    %swap3A = arith.constant 0 : index
    %swap3A_20 = arith.constant 0 : index
    %swap3A_21 = vector.load %arg4[%swap3A, %swap3A_20] : memref<2000x128xf32, #tpu.memory_space<vmem>>, vector<2000x128xf32>
    tpu.vector_store %arg4[%swap3A, %swap3A_20], %max3A_19 {strides = array<i32>} : memref<2000x128xf32, #tpu.memory_space<vmem>>, vector<2000x128xf32>,
    return
  }
  func.func @transform_0(%arg0: i32) -> (i32, i32, i32) {
    %c0_i32 = arith.constant 0 : i32
    %c0_i32_0 = arith.constant 0 : i32
    %c0_i32_1 = arith.constant 0 : i32
    return %c0_i32, %arg0, %c0_i32_0 : i32, i32, i32
  }
  func.func @transform_1(%arg0: i32) -> (i32, i32) {
    %c0_i32 = arith.constant 0 : i32
    %c0_i32_0 = arith.constant 0 : i32
    %c0_i32_1 = arith.constant 0 : i32
    return %c0_i32, %c0_i32_0 : i32, i32
  }
  func.func @transform_2(%arg0: i32) -> (i32, i32) {
    %c0_i32 = arith.constant 0 : i32
    %c0_i32_0 = arith.constant 0 : i32
    %c0_i32_1 = arith.constant 0 : i32
    return %c0_i32, %c0_i32_0 : i32, i32
  }
  func.func @transform_3(%arg0: i32) -> (i32, i32) {
    %c0_i32 = arith.constant 0 : i32
    %c0_i32_0 = arith.constant 0 : i32
    return %arg0, %c0_i32 : i32, i32
  }
}

</mosaic_0001>

<sc_bundles>
// kernel: kernel.6.cloned.1.call-start
scs
__scs_entry_jumppad:
0x0: {  	(pc) =	sbr.rel $0x88, $3  }
0x1: {  	(tag) =	ssettag $0x0;
	lr =	simm.s32 $0x1  }
0x2: {  	[smem:$0x3F9A] =	sst lr;
	_ =	strace $0xD0000000  }
0x3: {  	_ = 	snop  }
0x4: {  	_ = 	snop  }
0x5: {  	_ = 	snop  }
0x6: {  	_ = 	snop  }
0x7: {  	_ = 	snop  }
__scs_overlays_trampoline_lowered:
0x8: {  	[smem:$0x3FA9] =	sst s0  }
0x9: {  	[smem:$0x3FAA] =	sst s1  }
0xa: {  	[smem:$0x3FAB] =	sst s2  }
0xb: {  	[smem:$0x3FAC] =	sst s3  }
0xc: {  	[smem:$0x3FAD] =	sst s4  }
0xd: {  	[smem:$0x3FAE] =	sst s5  }
0xe: {  	[smem:$0x3FAF] =	sst s6  }
0xf: {  	[smem:$0x3FB0] =	sst s7  }
0x10: {  	[smem:$0x3FB1] =	sst s8  }
0x11: {  	[smem:$0x3FB2] =	sst s9;
	s0 =	simm.s32 @!p0 $0x0  }
0x12: {  	s1 =	sld [smem:$0x3F98];
	s0 =	simm.s32 @p0 $0x1  }
0x13: {  	[smem:$0x3FB3] =	sst s0;
	s0 =	simm.s32 @!p1 $0x0  }
0x14: {  	s2 =	sld [smem:$0x3F97];
	s0 =	simm.s32 @p1 $0x1  }
0x15: {  	[smem:$0x3FB4] =	sst s0;
	s0 =	simm.s32 @!p2 $0x0  }
0x16: {  	s3 =	sld [smem:$0x3FDB];
	s0 =	simm.s32 @p2 $0x1  }
0x17: {  	s4 =	simm.s32 $0x1BF5;
	[smem:$0x3FB6] =	sst s0  }
0x18: {  	s0 =	sld [smem:$0x3F99];
	_ =	swait.ge [sflag:s4], $0x0  }
0x19: {  	s7 =	sld [smem:$0x3F9A]  }
0x1a: {  	s8 =	sadd.s32 $0xFFFFE003, lr  }
0x1b: {  	s9 =	sadd.s32 $0xFFFFFEF7, lr;
	s5 =	simm.s32 $0xFFFFFFFF;
	p2 =	slt.u32 s8, $0xFFFFF086  }
0x1c: {  	p1 =	slt.u32 s9, $0xF7A;
	s5 =	simm.s32 @!p2 $0x0  }
0x1d: {  	s5 =	simm.s32 @p1 $0x1;
	p0 =	seq.s32 s7, s2  }
0x1e: {  	s7 =	smul.u32 @!p0 $0xF7A, s2;
	p2 =	seq.s32 @!p0 s5, $0x0  }
0x1f: {  	s9 =	smul.u32 $0xF7A, s1;
	s8 =	simm.s32 @!p0 $0x1BF5;
	p2 =	por !p2, p0  }
0x20: {  	[sflag:s8] =	ssyncset.s32 @!p0 $0xFFFFF086;
	s6 =	sadd.s32 @!p0 s3, s7;
	s7 =	simm.s32 @!p0 $0x108  }
0x21: {  	s3 =	sadd.s32 s3, s9;
	s6 =	sadd.s32 @!p0 $0x88, s6;
	s7 =	simm.s32 @p2 $0x1082  }
0x22: {  	[simem:s7], [sflag:s8] =	dma.local @!p0 [hbm:s6], $0xF7A  }
0x23: {  	s9 =	sor.u32 $0xD0000000, s2;
	s6 =	simm.s32 $0x108;
	_ =	swait.ge @!p0 [sflag:s8], $0x0  }
0x24: {  	s3 =	sadd.s32 $0x88, s3;
	s6 =	simm.s32 @!p1 $0x1082;
	[sflag:s4] =	ssyncset.s32 $0xFFFFF086  }
0x25: {  	[simem:s6], [sflag:s4] =	dma.local [hbm:s3], $0xF7A  }
0x26: {  	[smem:$0x3F9A] =	sst s1;
	(tag) =	ssettag s2;
	_ =	strace s9  }
0x27: {  	s1 =	sld [smem:$0x3FAA]  }
0x28: {  	s2 =	sld [smem:$0x3FAB]  }
0x29: {  	s4 =	sld [smem:$0x3FAD]  }
0x2a: {  	p0 =	seq.s32 s5, $0x0;
	s5 =	sld [smem:$0x3FAE]  }
0x2b: {  	s6 =	sld [smem:$0x3FAF]  }
0x2c: {  	s7 =	sld [smem:$0x3FB0]  }
0x2d: {  	s3 =	simm.s32 $0x108;
	s8 =	sld [smem:$0x3FB1]  }
0x2e: {  	s3 =	simm.s32 @!p0 $0x1082;
	s9 =	sld [smem:$0x3FB2]  }
0x2f: {  	lr =	sadd.s32 s0, s3;
	s0 =	sld [smem:$0x3FA9]  }
0x30: {  	s3 =	sld [smem:$0x3FAC]  }
0x31: {  	[smem:$0x3FB5] =	sst s10  }
0x32: {  	s10 =	sld [smem:$0x3FB3];
	_ =	sdelay $0x3  }
0x33: {  	p0 =	seq.s32 s10, $0x1;
	s10 =	sld [smem:$0x3FB5];
	_ =	sdelay $0x3  }
0x34: {  	[smem:$0x3FB5] =	sst s10  }
0x35: {  	s10 =	sld [smem:$0x3FB4];
	_ =	sdelay $0x3  }
0x36: {  	p1 =	seq.s32 s10, $0x1;
	s10 =	sld [smem:$0x3FB5];
	_ =	sdelay $0x3  }
0x37: {  	[smem:$0x3FB5] =	sst s10  }
0x38: {  	s10 =	sld [smem:$0x3FB6]  }
0x39: {  	_ = 	snop;
	(pc) =	sbr.ind lr, $3  }
0x3a: {  	_ = 	snop  }
0x3b: {  	_ = 	snop  }
0x3c: {  	p2 =	seq.s32 s10, $0x1;
	s10 =	sld [smem:$0x3FB5]  }
0x3d: {  	_ =	shalt  }
0x3e: {  	_ =	shalt  }
0x3f: {  	_ =	shalt  }
0x40: {  	_ =	shalt  }
0x41: {  	_ =	shalt  }
0x42: {  	_ =	shalt  }
0x43: {  	_ =	shalt  }
0x44: {  	_ =	shalt  }
0x45: {  	_ =	shalt  }
0x46: {  	_ =	shalt  }
0x47: {  	_ =	shalt  }
0x48: {  	_ =	shalt  }
0x49: {  	_ =	shalt  }
0x4a: {  	_ =	shalt  }
0x4b: {  	_ =	shalt  }
0x4c: {  	_ =	shalt  }
0x4d: {  	_ =	shalt  }
0x4e: {  	_ =	shalt  }
0x4f: {  	_ =	shalt  }
0x50: {  	_ =	shalt  }
0x51: {  	_ =	shalt  }
0x52: {  	_ =	shalt  }
0x53: {  	_ =	shalt  }
0x54: {  	_ =	shalt  }
0x55: {  	_ =	shalt  }
0x56: {  	_ =	shalt  }
0x57: {  	_ =	shalt  }
0x58: {  	_ =	shalt  }
0x59: {  	_ =	shalt  }
0x5a: {  	_ =	shalt  }
0x5b: {  	_ =	shalt  }
0x5c: {  	_ =	shalt  }
0x5d: {  	_ =	shalt  }
0x5e: {  	_ =	shalt  }
0x5f: {  	_ =	shalt  }
0x60: {  	_ =	shalt  }
0x61: {  	_ =	shalt  }
0x62: {  	_ =	shalt  }
0x63: {  	_ =	shalt  }
0x64: {  	_ =	shalt  }
0x65: {  	_ =	shalt  }
0x66: {  	_ =	shalt  }
0x67: {  	_ =	shalt  }
0x68: {  	_ =	shalt  }
0x69: {  	_ =	shalt  }
0x6a: {  	_ =	shalt  }
0x6b: {  	_ =	shalt  }
0x6c: {  	_ =	shalt  }
0x6d: {  	_ =	shalt  }
0x6e: {  	_ =	shalt  }
0x6f: {  	_ =	shalt  }
0x70: {  	_ =	shalt  }
0x71: {  	_ =	shalt  }
0x72: {  	_ =	shalt  }
0x73: {  	_ =	shalt  }
0x74: {  	_ =	shalt  }
0x75: {  	_ =	shalt  }
0x76: {  	_ =	shalt  }
0x77: {  	_ =	shalt  }
0x78: {  	_ =	shalt  }
0x79: {  	_ =	shalt  }
0x7a: {  	_ =	shalt  }
0x7b: {  	_ =	shalt  }
0x7c: {  	_ =	shalt  }
0x7d: {  	_ =	shalt  }
0x7e: {  	_ =	shalt  }
0x7f: {  	_ =	shalt  }
0x80: {  	_ =	shalt  }
0x81: {  	_ =	shalt  }
0x82: {  	_ =	shalt  }
0x83: {  	_ =	shalt  }
0x84: {  	_ =	shalt  }
0x85: {  	_ =	shalt  }
0x86: {  	_ =	shalt  }
0x87: {  	_ =	shalt  }
.Lfunc_end0:
.L_simem_size_0:
called_computation_lowered:
.L_overlay_start_0:
0x88: {  	s2 =	sld [smem:$0x3FD9]  }
0x89: {  	s3 =	sld [smem:$0x3FFE];
	_ =	sdelay $0x1  }
0x8a: {  	s1 =	srdreg.scid  }
0x8b: {  	s0 =	sand.u32 $0x1, s1  }
0x8c: {  	s17 =	sshll.u32 s0, $0xA;
	s2 =	sadd.s32 s3, s2  }
0x8d: {  	s2 =	sadd.s32 s2, s17  }
0x8e: {  	[smem:$0x3FC1] =	sst s2  }
0x8f: {  	_ = 	snop  }
0x90: {  	s2 =	sld [smem:$0x3FC9]  }
0x91: {  	s18 =	sld [smem:$0x3FC7];
	(tm) =	ssettm $0x1  }
0x92: {  	s4 =	sld [smem:$0x3FFB];
	_ =	sdelay $0x3  }
0x93: {  	_ =	strace s4  }
0x94: {  	s4 =	sld [smem:$0x3FFC];
	_ =	sdelay $0x3  }
0x95: {  	_ =	strace s4  }
0x96: {  	s4 =	sld [smem:$0x3FFD];
	_ =	sdelay $0x3  }
0x97: {  	_ =	strace s4  }
0x98: {  	_ =	strace $0x8FFFFFFF  }
0x99: {  	s19 =	sld [smem:$0x3FDB];
	_ =	sdelay $0x1  }
0x9a: {  	s5 =	simm.s32 $_scs_section_size  }
0x9b: {  	s6 =	simm.s32 $_size__tile_overlayer_lowered;
	s7 =	simm.s32 $_tile_overlayer_lowered  }
0x9c: {  	s22 =	simm.s32 $0x1BFF;
	s21 =	sshll.u32 s7, $0x1;
	s4 =	sadd.s32 s5, s19  }
0x9d: {  	s8 =	simm.s32 $0x0;
	s20 =	sshll.u32 s6, $0x1;
	s6 =	sadd.s32 s21, s4  }
0x9e: {  	[timem:s8], [sflag:s22] =	dma.local [hbm:s6], s20  }
0x9f: {  	_ =	swait.ge [sflag:s22], s20  }
0xa0: {  	s5 =	ssub.s32 $0x0, s20;
	[sflag:s22] =	ssyncset.done $0x0  }
0xa1: {  	[sflag:s22] =	ssyncadd.s32 s5;
	_ =	sdelay $0x1  }
0xa2: {  	s23 =	simm.s32 $0x1B8B  }
0xa3: {  	_ =	swait.ge [sflag:s23], $0x1  }
0xa4: {  	[sflag:s23] =	ssyncset.done $0x0  }
0xa5: {  	s25 =	simm.s32 $0x1B8E;
	s24 =	sld [smem:$0x3FFE];
	[sflag:s23] =	ssyncadd.s32 $0xFFFFFFFF  }
0xa6: {  	s26 =	simm.s32 $execute0_lowered;
	[smem:$0x3FD2] =	sst s25  }
0xa7: {  	s6 =	sshll.u32 s26, $0x1;
	_ =	strace $0x80000046;
	[dreg:$0x1] =	wrdreg $0xFFFFFFFF  }
0xa8: {  	s28 =	simm.s32 $_size_execute0_lowered;
	s4 =	sadd.s32 s4, s6;
	[dreg:$0x0] =	wrdreg $0x0  }
0xa9: {  	s6 =	sshll.u32 s28, $0x1;
	[dreg:$0x2] =	wrdreg s4  }
0xaa: {  	[dreg:$0x3] =	wrdreg s6  }
0xab: {  	[dreg:$0x4] =	wrdreg $0xC0  }
0xac: {  	_ =	task [dreg:s8], $0x5FFFF  }
0xad: {  	[dreg:$0x1] =	wrdreg $0xFFFFFFFF  }
0xae: {  	[dreg:$0x0] =	wrdreg $0x60  }
0xaf: {  	[dreg:$0x2] =	wrdreg s18  }
0xb0: {  	[dreg:$0x3] =	wrdreg s2  }
0xb1: {  	[dreg:$0x4] =	wrdreg s24  }
0xb2: {  	[dreg:$0x5] =	wrdreg $0xBF800  }
0xb3: {  	[dreg:$0x6] =	wrdreg $0x9  }
0xb4: {  	_ =	task.clear_ibuf [dreg:s8], $0x7FFFF;
	_ =	strace $0x90000046  }
0xb5: {  	s29 =	simm.s32 $0x9;
	_ =	strace $0x80000048  }
0xb6: {  	_ =	swait.ge [sflag:s29], $0x1  }
0xb7: {  	[sflag:s29] =	ssyncadd.s32 $0xFFFFFFFF  }
0xb8: {  	_ =	strace $0x90000048  }
0xb9: {  	_ =	sfence  }
0xba: {  	s30 =	sld [smem:$0x0];
	_ =	sdelay $0x2  }
0xbb: {  	s31 =	sshll.u32 s1, $0xD;
	s1 =	sshrl.u32 s1, $0x2  }
0xbc: {  	s3 =	sand.u32 $0x4000, s31;
	s1 =	sadd.s32 s1, s30  }
0xbd: {  	s0 =	sor.u32 s3, s0;
	s1 =	sshll.u32 s1, $0x11  }
0xbe: {  	s0 =	sor.u32 s1, s0  }
0xbf: {  	s0 =	sadd.s32 $0x8F2B, s0  }
0xc0: {  	[sflag:s0] =	ssyncadd.remote.s32 $0x1  }
0xc1: {  	_ =	sfence.sel $0xFFFF  }
0xc2: {  	[dreg:$0x0] =	wrdreg $0xFFFFFFFF;
	(pc) =	sbr.abs _section_cstart, $3  }
0xc3: {  	[dreg:$0x1] =	wrdreg $0xFFFFFFFF  }
0xc4: {  	_ =	task.clear_ibuf [dreg:s8], $0x2FFFF;
	_ =	strace $0x9FFFFFFF  }
0xc5: {  	(tm) =	ssettm $0x7FFFFFFF  }
tec
execute0_lowered:
.L_overlay_start_1:
0x0: {  	(tag) =	ssettag $0x1  }
0x1: {  	s1 =	rddreg [dreg:$0x0]  }
0x2: {  	s0 =	rddreg [dreg:$0x2]  }
0x3: {  	s3 =	rddreg [dreg:$0x3];
	s4 =	simm.s32 $0x0  }
0x4: {  	s2 =	srdreg.scid;
	s20 =	stileid.u32;
	s21 =	simm.s32 $0x2780  }
0x5: {  	s22 =	simm.s32 $0x3380;
	s28 =	simm.s32 $0x1;
	s29 =	simm.s32 $0x2  }
0x6: {  	s30 =	simm.s32 $0x0;
	[smem:$0x7FF] =	sst s4;
	s6 =	sadd.s32 $0x1000, s0  }
0x7: {  	s8 =	sadd.s32 $0xB000, s0;
	s2 =	sand.u32 $0x1, s2;
	s5 =	sadd.s32 $0x15000, s0  }
0x8: {  	s10 =	smul.u32 $0x4E000, s20;
	s0 =	sadd.s32 $0x17800, s0;
	s13 =	sshll.u32 s20, $0x6  }
0x9: {  	s24 =	sadd.s32 $0x138000, s3;
	s16 =	smul.u32 $0x13800, s20;
	p0 =	sne.s32 s20, $0x0  }
0xa: {  	_ =	strace $0x80000047;
	s7 =	sshll.u32 s2, $0x4;
	s9 =	ssub.s32 $0x2, s2  }
0xb: {  	[dreg:$0x6] =	wrdreg s24;
	s2 =	smul.u32 $0x138800, s2;
	s7 =	sor.u32 s20, s7  }
0xc: {  	s24 =	simm.s32 $0x3F80;
	s11 =	sshrl.u32 s9, $0x1;
	s12 =	smul.u32 $0x500, s7  }
0xd: {  	s10 =	sshrl.u32 s10, $0x2;
	s20 =	simm.s32 $0x3;
	s14 =	smul.u32 $0x2800, s7  }
0xe: {  	s19 =	ssub.s32 s9, s11;
	s23 =	sadd.s32 s10, s3;
	s7 =	sor.u32 $0x1C03, s13  }
0xf: {  	s16 =	sadd.s32 s16, s2;
	s2 =	sshrl.u32 s2, $0x3;
	[dreg:$0x5] =	wrdreg s23  }
0x10: {  	s31 =	sshrl.u32 s16, $0x3;
	s2 =	sadd.s32 s0, s2;
	s19 =	smax.u32 s19, $0x1  }
0x11: {  	s23 =	simm.s32 $0x80;
	s25 =	sadd.s32 s6, s12;
	s15 =	sshrl.u32 s14, $0x3  }
0x12: {  	s10 =	sadd.s32 s8, s12;
	s18 =	sadd.s32 $0x27000, s2;
	[dreg:$0x7] =	wrdreg s25  }
0x13: {  	s26 =	sadd.s32 $0x180, s15;
	s14 =	sadd.s32 $0x300, s15;
	s17 =	sadd.s32 $0x480, s15  }
0x14: {  	s25 =	simm.s32 $0x2800;
	s11 =	sadd.s32 s6, s26;
	s12 =	sadd.s32 s8, s26  }
0x15: {  	s13 =	sadd.s32 s6, s14;
	s14 =	sadd.s32 s8, s14;
	s15 =	sadd.s32 s6, s17  }
0x16: {  	s16 =	sadd.s32 s8, s17;
	s17 =	sadd.s32 s0, s31;
	s26 =	simm.s32 $0x7F80  }
.LBB2_1:
0x17: {  	s0 =	rddreg [dreg:$0x5]  }
0x18: {  	s31 =	sshrl.u32 s0, $0x3  }
0x19: {  	[spmem:s31], [sflag:s7] =	dma.local [hbm:s5], $0x2700  }
0x1a: {  	_ =	swait.ge [sflag:s20], $0x2700  }
0x1b: {  	[sflag:s20] =	ssyncset.done $0x0;
	s0 =	rddreg [dreg:$0x6]  }
0x1c: {  	s2 =	simm.s32 @!p0 $0x3;
	[sflag:s20] =	ssyncadd.s32 $0xFFFFD900;
	s0 =	sshrl.u32 @!p0 s0, $0x3  }
0x1d: {  	[spmem:s0], [sflag:s7] =	dma.local @!p0 [hbm:s5], $0x180  }
0x1e: {  	_ =	swait.ge @!p0 [sflag:s2], $0x180  }
0x1f: {  	[sflag:s2] =	ssyncset.done @!p0 $0x0  }
0x20: {  	[sflag:s2] =	ssyncadd.s32 @!p0 $0xFFFFFE80  }
0x21: {  	s2 =	rddreg [dreg:$0x1]  }
0x22: {  	[tilespmem:s4], [sflag:$0x3] =	stream.linear.gather [hbm4b:s2+s4], $0x2780, $0x38;
	[tilespmem:$0x1F840] =	vst v63  }
0x23: {  	_ =	swait.ge [sflag:s20], $0x2780  }
0x24: {  	[sflag:s20] =	ssyncset.done $0x0  }
0x25: {  	[sflag:s20] =	ssyncadd.s32 $0xFFFFD880  }
0x26: {  	[bflag:$0x0] =	sbarrier.arrive $0xFFFF  }
0x27: {  	s8 =	rddreg [dreg:$0x7]  }
0x28: {  	[tilespmem:s21], [sflag:$0x3] =	stream.linear.gather [hbm4b:s8+s4], $0xC00, $0x38;
	[tilespmem:$0x1F840] =	vst v63  }
0x29: {  	_ =	swait.ge [sflag:s20], $0xC00  }
0x2a: {  	[sflag:s20] =	ssyncset.done $0x0  }
0x2b: {  	[sflag:s20] =	ssyncadd.s32 $0xFFFFF400  }
0x2c: {  	[tilespmem:s22], [sflag:$0x3] =	stream.linear.gather [hbm4b:s10+s4], $0xC00, $0x38;
	[tilespmem:$0x1F840] =	vst v63  }
0x2d: {  	_ =	swait.ge [sflag:s20], $0xC00  }
0x2e: {  	[sflag:s20] =	ssyncset.done $0x0  }
0x2f: {  	[sflag:s20] =	ssyncadd.s32 $0xFFFFF400  }
0x30: {  	v0 =	vld [tilespmem:$0x2780];
	_ =	sdelay $0x5  }
0x31: {  	v1 =	vld [tilespmem:$0x2790];
	_ =	sdelay $0x1  }
0x32: {  	v0 =	vld.idx.msk [tilespmem:v0+s4+$0x0], $0xffff;
	_ =	sdelay $0x3  }
0x33: {  	v2 =	vld [tilespmem:$0x27A0]  }
0x34: {  	[tilespmem:$0x2780] =	vst v0  }
0x35: {  	v0 =	vld.idx.msk [tilespmem:v1+s4+$0x0], $0xffff;
	_ =	sdelay $0x3  }
0x36: {  	v35 =	vld [tilespmem:$0x27B0]  }
0x37: {  	[tilespmem:$0x2790] =	vst v0  }
0x38: {  	v0 =	vld.idx.msk [tilespmem:v2+s4+$0x0], $0xffff;
	_ =	sdelay $0x3  }
0x39: {  	v36 =	vld [tilespmem:$0x27C0]  }
0x3a: {  	[tilespmem:$0x27A0] =	vst v0  }
0x3b: {  	v0 =	vld.idx.msk [tilespmem:v35+s4+$0x0], $0xffff;
	_ =	sdelay $0x3  }
0x3c: {  	v37 =	vld [tilespmem:$0x27D0]  }
0x3d: {  	[tilespmem:$0x27B0] =	vst v0  }
0x3e: {  	v0 =	vld.idx.msk [tilespmem:v36+s4+$0x0], $0xffff;
	_ =	sdelay $0x3  }
0x3f: {  	v38 =	vld [tilespmem:$0x27E0]  }
0x40: {  	[tilespmem:$0x27C0] =	vst v0  }
0x41: {  	v0 =	vld.idx.msk [tilespmem:v37+s4+$0x0], $0xffff;
	_ =	sdelay $0x3  }
0x42: {  	v39 =	vld [tilespmem:$0x27F0]  }
0x43: {  	[tilespmem:$0x27D0] =	vst v0  }
0x44: {  	v0 =	vld.idx.msk [tilespmem:v38+s4+$0x0], $0xffff;
	_ =	sdelay $0x4  }
0x45: {  	[tilespmem:$0x27E0] =	vst v0  }
0x46: {  	v0 =	vld.idx.msk [tilespmem:v39+s4+$0x0], $0xffff;
	_ =	sdelay $0x4  }
0x47: {  	[tilespmem:$0x27F0] =	vst v0  }
0x48: {  	[tilespmem:s24], [sflag:$0x1] =	stream.indirect.gather [hbm4b:s1+s23], $0x80, s21, s23, $0xb8;
	[tilespmem:$0x1F840] =	vst v63  }
0x49: {  	v40 =	vld [tilespmem:$0x2800];
	_ =	sdelay $0x5  }
0x4a: {  	v41 =	vld [tilespmem:$0x2810];
	_ =	sdelay $0x1  }
0x4b: {  	v0 =	vld.idx.msk [tilespmem:v40+s4+$0x0], $0xffff;
	_ =	sdelay $0x3  }
0x4c: {  	v42 =	vld [tilespmem:$0x2820]  }
0x4d: {  	[tilespmem:$0x2800] =	vst v0  }
0x4e: {  	v0 =	vld.idx.msk [tilespmem:v41+s4+$0x0], $0xffff;
	_ =	sdelay $0x3  }
0x4f: {  	v43 =	vld [tilespmem:$0x2830]  }
0x50: {  	[tilespmem:$0x2810] =	vst v0  }
0x51: {  	v0 =	vld.idx.msk [tilespmem:v42+s4+$0x0], $0xffff;
	_ =	sdelay $0x3  }
0x52: {  	v44 =	vld [tilespmem:$0x2840]  }
0x53: {  	[tilespmem:$0x2820] =	vst v0  }
0x54: {  	v0 =	vld.idx.msk [tilespmem:v43+s4+$0x0], $0xffff;
	_ =	sdelay $0x3  }
0x55: {  	v45 =	vld [tilespmem:$0x2850]  }
0x56: {  	[tilespmem:$0x2830] =	vst v0  }
0x57: {  	v0 =	vld.idx.msk [tilespmem:v44+s4+$0x0], $0xffff;
	_ =	sdelay $0x3  }
0x58: {  	v46 =	vld [tilespmem:$0x2860]  }
0x59: {  	[tilespmem:$0x2840] =	vst v0  }
0x5a: {  	v0 =	vld.idx.msk [tilespmem:v45+s4+$0x0], $0xffff;
	_ =	sdelay $0x3  }
0x5b: {  	v47 =	vld [tilespmem:$0x2870]  }
0x5c: {  	[tilespmem:$0x2850] =	vst v0  }
0x5d: {  	v0 =	vld.idx.msk [tilespmem:v46+s4+$0x0], $0xffff;
	_ =	sdelay $0x4  }
0x5e: {  	[tilespmem:$0x2860] =	vst v0  }
0x5f: {  	v0 =	vld.idx.msk [tilespmem:v47+s4+$0x0], $0xffff;
	_ =	sdelay $0x4  }
0x60: {  	[tilespmem:$0x2870] =	vst v0  }
0x61: {  	[tilespmem:s26], [sflag:$0x2] =	stream.indirect.gather [hbm4b:s1+s23], $0x80, s25, s23, $0xb8;
	[tilespmem:$0x1F840] =	vst v63  }
0x62: {  	_ =	swait.ge [sflag:s28], $0x4000  }
0x63: {  	[sflag:s28] =	ssyncset.done $0x0  }
0x64: {  	[sflag:s28] =	ssyncadd.s32 $0xFFFFC000  }
0x65: {  	[spmem:s3] =	stream.indirect.scatter.add.f32 [tilespmem:s24], [sflag:$0x3], $0x80, s22, s23, $0xb8;
	[tilespmem:$0x1F840] =	vst v63  }
0x66: {  	_ =	swait.ge [sflag:s20], $0x4000  }
0x67: {  	[sflag:s20] =	ssyncset.done $0x0  }
0x68: {  	s2 =	simm.s32 $0x0;
	[sflag:s20] =	ssyncadd.s32 $0xFFFFC000  }
0x69: {  	v48 =	vld [tilespmem:s2+$0x2880];
	_ =	sdelay $0x5  }
0x6a: {  	v49 =	vld [tilespmem:s2+$0x2890];
	_ =	sdelay $0x1  }
0x6b: {  	v0 =	vld.idx.msk [tilespmem:v48+s4+$0x0], $0xffff;
	_ =	sdelay $0x3  }
0x6c: {  	v50 =	vld [tilespmem:s2+$0x28A0]  }
0x6d: {  	[tilespmem:s2+$0x2880] =	vst v0  }
0x6e: {  	v0 =	vld.idx.msk [tilespmem:v49+s4+$0x0], $0xffff;
	_ =	sdelay $0x3  }
0x6f: {  	v51 =	vld [tilespmem:s2+$0x28B0]  }
0x70: {  	[tilespmem:s2+$0x2890] =	vst v0  }
0x71: {  	v0 =	vld.idx.msk [tilespmem:v50+s4+$0x0], $0xffff;
	_ =	sdelay $0x3  }
0x72: {  	v52 =	vld [tilespmem:s2+$0x28C0]  }
0x73: {  	[tilespmem:s2+$0x28A0] =	vst v0  }
0x74: {  	v0 =	vld.idx.msk [tilespmem:v51+s4+$0x0], $0xffff;
	_ =	sdelay $0x3  }
0x75: {  	v53 =	vld [tilespmem:s2+$0x28D0]  }
0x76: {  	[tilespmem:s2+$0x28B0] =	vst v0  }
0x77: {  	v0 =	vld.idx.msk [tilespmem:v52+s4+$0x0], $0xffff;
	_ =	sdelay $0x3  }
0x78: {  	v54 =	vld [tilespmem:s2+$0x28E0]  }
0x79: {  	[tilespmem:s2+$0x28C0] =	vst v0  }
0x7a: {  	v0 =	vld.idx.msk [tilespmem:v53+s4+$0x0], $0xffff;
	_ =	sdelay $0x3  }
0x7b: {  	v55 =	vld [tilespmem:s2+$0x28F0]  }
0x7c: {  	[tilespmem:s2+$0x28D0] =	vst v0  }
0x7d: {  	v0 =	vld.idx.msk [tilespmem:v54+s4+$0x0], $0xffff;
	_ =	sdelay $0x4  }
0x7e: {  	[tilespmem:s2+$0x28E0] =	vst v0  }
0x7f: {  	v0 =	vld.idx.msk [tilespmem:v55+s4+$0x0], $0xffff;
	_ =	sdelay $0x4  }
0x80: {  	s6 =	simm.s32 $0x2880;
	[tilespmem:s2+$0x28F0] =	vst v0  }
0x81: {  	[tilespmem:s24], [sflag:$0x1] =	stream.indirect.gather [hbm4b:s1+s23], $0x80, s6, s23, $0xb8;
	[tilespmem:$0x1F840] =	vst v63  }
0x82: {  	_ =	swait.ge [sflag:s29], $0x4000  }
0x83: {  	[sflag:s29] =	ssyncset.done $0x0  }
0x84: {  	s9 =	simm.s32 $0x3400;
	[sflag:s29] =	ssyncadd.s32 $0xFFFFC000  }
0x85: {  	[spmem:s3] =	stream.indirect.scatter.add.f32 [tilespmem:s26], [sflag:$0x3], $0x80, s9, s23, $0xb8;
	[tilespmem:$0x1F840] =	vst v63  }
0x86: {  	_ =	swait.ge [sflag:s20], $0x4000  }
0x87: {  	[sflag:s20] =	ssyncset.done $0x0  }
0x88: {  	[sflag:s20] =	ssyncadd.s32 $0xFFFFC000  }
0x89: {  	v56 =	vld [tilespmem:s2+$0x2900];
	_ =	sdelay $0x5  }
0x8a: {  	v57 =	vld [tilespmem:s2+$0x2910];
	_ =	sdelay $0x1  }
0x8b: {  	v0 =	vld.idx.msk [tilespmem:v56+s4+$0x0], $0xffff;
	_ =	sdelay $0x3  }
0x8c: {  	v58 =	vld [tilespmem:s2+$0x2920]  }
0x8d: {  	[tilespmem:s2+$0x2900] =	vst v0  }
0x8e: {  	v0 =	vld.idx.msk [tilespmem:v57+s4+$0x0], $0xffff;
	_ =	sdelay $0x3  }
0x8f: {  	v59 =	vld [tilespmem:s2+$0x2930]  }
0x90: {  	[tilespmem:s2+$0x2910] =	vst v0  }
0x91: {  	v0 =	vld.idx.msk [tilespmem:v58+s4+$0x0], $0xffff;
	_ =	sdelay $0x3  }
0x92: {  	v60 =	vld [tilespmem:s2+$0x2940]  }
0x93: {  	[tilespmem:s2+$0x2920] =	vst v0  }
0x94: {  	v0 =	vld.idx.msk [tilespmem:v59+s4+$0x0], $0xffff;
	_ =	sdelay $0x3  }
0x95: {  	v61 =	vld [tilespmem:s2+$0x2950]  }
0x96: {  	[tilespmem:s2+$0x2930] =	vst v0  }
0x97: {  	v0 =	vld.idx.msk [tilespmem:v60+s4+$0x0], $0xffff;
	_ =	sdelay $0x3  }
0x98: {  	v62 =	vld [tilespmem:s2+$0x2960]  }
0x99: {  	[tilespmem:s2+$0x2940] =	vst v0  }
0x9a: {  	v0 =	vld.idx.msk [tilespmem:v61+s4+$0x0], $0xffff;
	_ =	sdelay $0x3  }
0x9b: {  	v63 =	vld [tilespmem:s2+$0x2970]  }
0x9c: {  	[tilespmem:s2+$0x2950] =	vst v0  }
0x9d: {  	v0 =	vld.idx.msk [tilespmem:v62+s4+$0x0], $0xffff;
	_ =	sdelay $0x4  }
0x9e: {  	[tilespmem:s2+$0x2960] =	vst v0  }
0x9f: {  	v0 =	vld.idx.msk [tilespmem:v63+s4+$0x0], $0xffff;
	_ =	sdelay $0x4  }
0xa0: {  	s8 =	simm.s32 $0x2900;
	[tilespmem:s2+$0x2970] =	vst v0  }
0xa1: {  	[tilespmem:s26], [sflag:$0x2] =	stream.indirect.gather [hbm4b:s1+s23], $0x80, s8, s23, $0xb8;
	[tilespmem:$0x1F840] =	vst v63  }
0xa2: {  	_ =	swait.ge [sflag:s28], $0x4000  }
0xa3: {  	[sflag:s28] =	ssyncset.done $0x0  }
0xa4: {  	s9 =	simm.s32 $0x3480;
	[sflag:s28] =	ssyncadd.s32 $0xFFFFC000  }
0xa5: {  	[spmem:s3] =	stream.indirect.scatter.add.f32 [tilespmem:s24], [sflag:$0x3], $0x80, s9, s23, $0xb8;
	[tilespmem:$0x1F840] =	vst v63  }
0xa6: {  	_ =	swait.ge [sflag:s20], $0x4000  }
0xa7: {  	s6 =	simm.s32 $0x400;
	s2 =	simm.s32 $0x800;
	[sflag:s20] =	ssyncset.done $0x0  }
.LBB2_2:
0xa8: {  	s8 =	sshra.s32 s6, $0x2  }
0xa9: {  	[sflag:s20] =	ssyncadd.s32 $0xFFFFC000;
	s6 =	smov.u32 s2;
	s2 =	sadd.s32 $0x400, s2  }
0xaa: {  	p1 =	sne.s32 s2, $0x2C00;
	v0 =	vld [tilespmem:s8+$0x2880];
	_ =	sdelay $0x6  }
0xab: {  	v1 =	vld [tilespmem:s8+$0x2890]  }
0xac: {  	v0 =	vld.idx.msk [tilespmem:v0+s4+$0x0], $0xffff;
	_ =	sdelay $0x5  }
0xad: {  	[tilespmem:s8+$0x2880] =	vst v0;
	v0 =	vld [tilespmem:s8+$0x28A0]  }
0xae: {  	v1 =	vld.idx.msk [tilespmem:v1+s4+$0x0], $0xffff;
	_ =	sdelay $0x5  }
0xaf: {  	[tilespmem:s8+$0x2890] =	vst v1;
	v1 =	vld [tilespmem:s8+$0x28B0]  }
0xb0: {  	v0 =	vld.idx.msk [tilespmem:v0+s4+$0x0], $0xffff;
	_ =	sdelay $0x5  }
0xb1: {  	[tilespmem:s8+$0x28A0] =	vst v0;
	v0 =	vld [tilespmem:s8+$0x28C0]  }
0xb2: {  	v1 =	vld.idx.msk [tilespmem:v1+s4+$0x0], $0xffff;
	_ =	sdelay $0x5  }
0xb3: {  	[tilespmem:s8+$0x28B0] =	vst v1;
	v1 =	vld [tilespmem:s8+$0x28D0]  }
0xb4: {  	v0 =	vld.idx.msk [tilespmem:v0+s4+$0x0], $0xffff;
	_ =	sdelay $0x5  }
0xb5: {  	[tilespmem:s8+$0x28C0] =	vst v0;
	v0 =	vld [tilespmem:s8+$0x28E0]  }
0xb6: {  	v1 =	vld.idx.msk [tilespmem:v1+s4+$0x0], $0xffff;
	_ =	sdelay $0x5  }
0xb7: {  	[tilespmem:s8+$0x28D0] =	vst v1;
	v1 =	vld [tilespmem:s8+$0x28F0]  }
0xb8: {  	v0 =	vld.idx.msk [tilespmem:v0+s4+$0x0], $0xffff;
	_ =	sdelay $0x5  }
0xb9: {  	[tilespmem:s8+$0x28E0] =	vst v0  }
0xba: {  	v0 =	vld.idx.msk [tilespmem:v1+s4+$0x0], $0xffff;
	_ =	sdelay $0x5  }
0xbb: {  	s9 =	sadd.s32 $0x2880, s8;
	[tilespmem:s8+$0x28F0] =	vst v0  }
0xbc: {  	[tilespmem:s24], [sflag:$0x1] =	stream.indirect.gather [hbm4b:s1+s23], $0x80, s9, s23, $0xb8;
	[tilespmem:$0x1F840] =	vst v63  }
0xbd: {  	_ =	swait.ge [sflag:s29], $0x4000  }
0xbe: {  	[sflag:s29] =	ssyncset.done $0x0  }
0xbf: {  	s9 =	sadd.s32 $0x3400, s8;
	[sflag:s29] =	ssyncadd.s32 $0xFFFFC000  }
0xc0: {  	[spmem:s3] =	stream.indirect.scatter.add.f32 [tilespmem:s26], [sflag:$0x3], $0x80, s9, s23, $0xb8;
	[tilespmem:$0x1F840] =	vst v63  }
0xc1: {  	_ =	swait.ge [sflag:s20], $0x4000  }
0xc2: {  	[sflag:s20] =	ssyncset.done $0x0  }
0xc3: {  	[sflag:s20] =	ssyncadd.s32 $0xFFFFC000  }
0xc4: {  	v0 =	vld [tilespmem:s8+$0x2900];
	_ =	sdelay $0x6  }
0xc5: {  	v1 =	vld [tilespmem:s8+$0x2910]  }
0xc6: {  	v0 =	vld.idx.msk [tilespmem:v0+s4+$0x0], $0xffff;
	_ =	sdelay $0x5  }
0xc7: {  	[tilespmem:s8+$0x2900] =	vst v0;
	v0 =	vld [tilespmem:s8+$0x2920]  }
0xc8: {  	v1 =	vld.idx.msk [tilespmem:v1+s4+$0x0], $0xffff;
	_ =	sdelay $0x5  }
0xc9: {  	[tilespmem:s8+$0x2910] =	vst v1;
	v1 =	vld [tilespmem:s8+$0x2930]  }
0xca: {  	v0 =	vld.idx.msk [tilespmem:v0+s4+$0x0], $0xffff;
	_ =	sdelay $0x5  }
0xcb: {  	[tilespmem:s8+$0x2920] =	vst v0;
	v0 =	vld [tilespmem:s8+$0x2940]  }
0xcc: {  	v1 =	vld.idx.msk [tilespmem:v1+s4+$0x0], $0xffff;
	_ =	sdelay $0x5  }
0xcd: {  	[tilespmem:s8+$0x2930] =	vst v1;
	v1 =	vld [tilespmem:s8+$0x2950]  }
0xce: {  	v0 =	vld.idx.msk [tilespmem:v0+s4+$0x0], $0xffff;
	_ =	sdelay $0x5  }
0xcf: {  	[tilespmem:s8+$0x2940] =	vst v0;
	v0 =	vld [tilespmem:s8+$0x2960]  }
0xd0: {  	v1 =	vld.idx.msk [tilespmem:v1+s4+$0x0], $0xffff;
	_ =	sdelay $0x5  }
0xd1: {  	[tilespmem:s8+$0x2950] =	vst v1;
	v1 =	vld [tilespmem:s8+$0x2970]  }
0xd2: {  	v0 =	vld.idx.msk [tilespmem:v0+s4+$0x0], $0xffff;
	_ =	sdelay $0x5  }
0xd3: {  	[tilespmem:s8+$0x2960] =	vst v0  }
0xd4: {  	v0 =	vld.idx.msk [tilespmem:v1+s4+$0x0], $0xffff;
	_ =	sdelay $0x5  }
0xd5: {  	s9 =	sadd.s32 $0x2900, s8;
	[tilespmem:s8+$0x2970] =	vst v0  }
0xd6: {  	[tilespmem:s26], [sflag:$0x2] =	stream.indirect.gather [hbm4b:s1+s23], $0x80, s9, s23, $0xb8;
	[tilespmem:$0x1F840] =	vst v63  }
0xd7: {  	_ =	swait.ge [sflag:s28], $0x4000  }
.Ltmp0:
0xd8: {  	[sflag:s28] =	ssyncset.done $0x0;
	(pc) =	sbr.rel @p1 .LBB2_2-.Ltmp0, $4  }
0xd9: {  	s8 =	sadd.s32 $0x3480, s8;
	[sflag:s28] =	ssyncadd.s32 $0xFFFFC000  }
0xda: {  	[spmem:s3] =	stream.indirect.scatter.add.f32 [tilespmem:s24], [sflag:$0x3], $0x80, s8, s23, $0xb8;
	[tilespmem:$0x1F840] =	vst v63  }
0xdb: {  	_ =	swait.ge [sflag:s20], $0x4000  }
0xdc: {  	[sflag:s20] =	ssyncset.done $0x0  }
0xdd: {  	s6 =	sshra.s32 s6, $0x2;
	[sflag:s20] =	ssyncadd.s32 $0xFFFFC000  }
0xde: {  	v0 =	vld [tilespmem:s6+$0x2880];
	_ =	sdelay $0x5  }
0xdf: {  	v1 =	vld [tilespmem:s6+$0x2890];
	_ =	sdelay $0x1  }
0xe0: {  	v0 =	vld.idx.msk [tilespmem:v0+s4+$0x0], $0xffff;
	_ =	sdelay $0x3  }
0xe1: {  	v2 =	vld [tilespmem:s6+$0x28A0]  }
0xe2: {  	[tilespmem:s6+$0x2880] =	vst v0  }
0xe3: {  	v0 =	vld.idx.msk [tilespmem:v1+s4+$0x0], $0xffff;
	_ =	sdelay $0x3  }
0xe4: {  	v19 =	vld [tilespmem:s6+$0x28B0]  }
0xe5: {  	[tilespmem:s6+$0x2890] =	vst v0  }
0xe6: {  	v0 =	vld.idx.msk [tilespmem:v2+s4+$0x0], $0xffff;
	_ =	sdelay $0x3  }
0xe7: {  	v20 =	vld [tilespmem:s6+$0x28C0]  }
0xe8: {  	[tilespmem:s6+$0x28A0] =	vst v0  }
0xe9: {  	v0 =	vld.idx.msk [tilespmem:v19+s4+$0x0], $0xffff;
	_ =	sdelay $0x3  }
0xea: {  	v21 =	vld [tilespmem:s6+$0x28D0]  }
0xeb: {  	[tilespmem:s6+$0x28B0] =	vst v0  }
0xec: {  	v0 =	vld.idx.msk [tilespmem:v20+s4+$0x0], $0xffff;
	_ =	sdelay $0x3  }
0xed: {  	v22 =	vld [tilespmem:s6+$0x28E0]  }
0xee: {  	[tilespmem:s6+$0x28C0] =	vst v0  }
0xef: {  	v0 =	vld.idx.msk [tilespmem:v21+s4+$0x0], $0xffff;
	_ =	sdelay $0x3  }
0xf0: {  	v23 =	vld [tilespmem:s6+$0x28F0]  }
0xf1: {  	[tilespmem:s6+$0x28D0] =	vst v0  }
0xf2: {  	v0 =	vld.idx.msk [tilespmem:v22+s4+$0x0], $0xffff;
	_ =	sdelay $0x4  }
0xf3: {  	[tilespmem:s6+$0x28E0] =	vst v0  }
0xf4: {  	v0 =	vld.idx.msk [tilespmem:v23+s4+$0x0], $0xffff;
	_ =	sdelay $0x4  }
0xf5: {  	s8 =	sadd.s32 $0x2880, s6;
	[tilespmem:s6+$0x28F0] =	vst v0  }
0xf6: {  	[tilespmem:s24], [sflag:$0x1] =	stream.indirect.gather [hbm4b:s1+s23], $0x80, s8, s23, $0xb8;
	[tilespmem:$0x1F840] =	vst v63  }
0xf7: {  	_ =	swait.ge [sflag:s29], $0x4000  }
0xf8: {  	[sflag:s29] =	ssyncset.done $0x0  }
0xf9: {  	s9 =	sadd.s32 $0x3400, s6;
	[sflag:s29] =	ssyncadd.s32 $0xFFFFC000  }
0xfa: {  	[spmem:s3] =	stream.indirect.scatter.add.f32 [tilespmem:s26], [sflag:$0x3], $0x80, s9, s23, $0xb8;
	[tilespmem:$0x1F840] =	vst v63  }
0xfb: {  	_ =	swait.ge [sflag:s20], $0x4000  }
0xfc: {  	[sflag:s20] =	ssyncset.done $0x0  }
0xfd: {  	[sflag:s20] =	ssyncadd.s32 $0xFFFFC000  }
0xfe: {  	v24 =	vld [tilespmem:s6+$0x2900];
	_ =	sdelay $0x5  }
0xff: {  	v25 =	vld [tilespmem:s6+$0x2910];
	_ =	sdelay $0x1  }
0x100: {  	v0 =	vld.idx.msk [tilespmem:v24+s4+$0x0], $0xffff;
	_ =	sdelay $0x3  }
0x101: {  	v26 =	vld [tilespmem:s6+$0x2920]  }
0x102: {  	[tilespmem:s6+$0x2900] =	vst v0  }
0x103: {  	v0 =	vld.idx.msk [tilespmem:v25+s4+$0x0], $0xffff;
	_ =	sdelay $0x3  }
0x104: {  	v27 =	vld [tilespmem:s6+$0x2930]  }
0x105: {  	[tilespmem:s6+$0x2910] =	vst v0  }
0x106: {  	v0 =	vld.idx.msk [tilespmem:v26+s4+$0x0], $0xffff;
	_ =	sdelay $0x3  }
0x107: {  	v28 =	vld [tilespmem:s6+$0x2940]  }
0x108: {  	[tilespmem:s6+$0x2920] =	vst v0  }
0x109: {  	v0 =	vld.idx.msk [tilespmem:v27+s4+$0x0], $0xffff;
	_ =	sdelay $0x3  }
0x10a: {  	v29 =	vld [tilespmem:s6+$0x2950]  }
0x10b: {  	[tilespmem:s6+$0x2930] =	vst v0  }
0x10c: {  	v0 =	vld.idx.msk [tilespmem:v28+s4+$0x0], $0xffff;
	_ =	sdelay $0x3  }
0x10d: {  	v30 =	vld [tilespmem:s6+$0x2960]  }
0x10e: {  	[tilespmem:s6+$0x2940] =	vst v0  }
0x10f: {  	v0 =	vld.idx.msk [tilespmem:v29+s4+$0x0], $0xffff;
	_ =	sdelay $0x3  }
0x110: {  	v31 =	vld [tilespmem:s6+$0x2970]  }
0x111: {  	[tilespmem:s6+$0x2950] =	vst v0  }
0x112: {  	v0 =	vld.idx.msk [tilespmem:v30+s4+$0x0], $0xffff;
	_ =	sdelay $0x4  }
0x113: {  	[tilespmem:s6+$0x2960] =	vst v0  }
0x114: {  	v0 =	vld.idx.msk [tilespmem:v31+s4+$0x0], $0xffff;
	_ =	sdelay $0x4  }
0x115: {  	s9 =	sadd.s32 $0x2900, s6;
	[tilespmem:s6+$0x2970] =	vst v0  }
0x116: {  	[tilespmem:s26], [sflag:$0x2] =	stream.indirect.gather [hbm4b:s1+s23], $0x80, s9, s23, $0xb8;
	[tilespmem:$0x1F840] =	vst v63  }
0x117: {  	_ =	swait.ge [sflag:s28], $0x4000  }
0x118: {  	[sflag:s28] =	ssyncset.done $0x0  }
0x119: {  	s6 =	sadd.s32 $0x3480, s6;
	[sflag:s28] =	ssyncadd.s32 $0xFFFFC000  }
0x11a: {  	[spmem:s3] =	stream.indirect.scatter.add.f32 [tilespmem:s24], [sflag:$0x3], $0x80, s6, s23, $0xb8;
	[tilespmem:$0x1F840] =	vst v63  }
0x11b: {  	_ =	swait.ge [sflag:s20], $0x4000  }
0x11c: {  	[sflag:s20] =	ssyncset.done $0x0  }
0x11d: {  	[sflag:s20] =	ssyncadd.s32 $0xFFFFC000  }
0x11e: {  	_ =	swait.ge [sflag:s29], $0x4000  }
0x11f: {  	s2 =	sshra.s32 s2, $0x2;
	[sflag:s29] =	ssyncset.done $0x0  }
0x120: {  	s2 =	sadd.s32 $0x3400, s2;
	[sflag:s29] =	ssyncadd.s32 $0xFFFFC000  }
0x121: {  	[spmem:s3] =	stream.indirect.scatter.add.f32 [tilespmem:s26], [sflag:$0x3], $0x80, s2, s23, $0xb8;
	[tilespmem:$0x1F840] =	vst v63  }
0x122: {  	_ =	swait.ge [sflag:s20], $0x4000  }
0x123: {  	[sflag:s20] =	ssyncset.done $0x0  }
0x124: {  	s6 =	simm.s32 $0x0;
	[sflag:s20] =	ssyncadd.s32 $0xFFFFC000  }
0x125: {  	[tilespmem:s21], [sflag:$0x3] =	stream.linear.gather [hbm4b:s11+s6], $0xC00, $0x38;
	[tilespmem:$0x1F840] =	vst v63  }
0x126: {  	_ =	swait.ge [sflag:s20], $0xC00  }
0x127: {  	[sflag:s20] =	ssyncset.done $0x0  }
0x128: {  	[sflag:s20] =	ssyncadd.s32 $0xFFFFF400  }
0x129: {  	[tilespmem:s22], [sflag:$0x3] =	stream.linear.gather [hbm4b:s12+s6], $0xC00, $0x38;
	[tilespmem:$0x1F840] =	vst v63  }
0x12a: {  	_ =	swait.ge [sflag:s20], $0xC00  }
0x12b: {  	[sflag:s20] =	ssyncset.done $0x0  }
0x12c: {  	[sflag:s20] =	ssyncadd.s32 $0xFFFFF400  }
0x12d: {  	v32 =	vld [tilespmem:$0x2780];
	_ =	sdelay $0x5  }
0x12e: {  	v33 =	vld [tilespmem:$0x2790];
	_ =	sdelay $0x1  }
0x12f: {  	v0 =	vld.idx.msk [tilespmem:v32+s6+$0x0], $0xffff;
	_ =	sdelay $0x3  }
0x130: {  	v34 =	vld [tilespmem:$0x27A0]  }
0x131: {  	[tilespmem:$0x2780] =	vst v0  }
0x132: {  	v0 =	vld.idx.msk [tilespmem:v33+s6+$0x0], $0xffff;
	_ =	sdelay $0x3  }
0x133: {  	v35 =	vld [tilespmem:$0x27B0]  }
0x134: {  	[tilespmem:$0x2790] =	vst v0  }
0x135: {  	v0 =	vld.idx.msk [tilespmem:v34+s6+$0x0], $0xffff;
	_ =	sdelay $0x3  }
0x136: {  	v36 =	vld [tilespmem:$0x27C0]  }
0x137: {  	[tilespmem:$0x27A0] =	vst v0  }
0x138: {  	v0 =	vld.idx.msk [tilespmem:v35+s6+$0x0], $0xffff;
	_ =	sdelay $0x3  }
0x139: {  	v37 =	vld [tilespmem:$0x27D0]  }
0x13a: {  	[tilespmem:$0x27B0] =	vst v0  }
0x13b: {  	v0 =	vld.idx.msk [tilespmem:v36+s6+$0x0], $0xffff;
	_ =	sdelay $0x3  }
0x13c: {  	v38 =	vld [tilespmem:$0x27E0]  }
0x13d: {  	[tilespmem:$0x27C0] =	vst v0  }
0x13e: {  	v0 =	vld.idx.msk [tilespmem:v37+s6+$0x0], $0xffff;
	_ =	sdelay $0x3  }
0x13f: {  	v39 =	vld [tilespmem:$0x27F0]  }
0x140: {  	[tilespmem:$0x27D0] =	vst v0  }
0x141: {  	v0 =	vld.idx.msk [tilespmem:v38+s6+$0x0], $0xffff;
	_ =	sdelay $0x4  }
0x142: {  	[tilespmem:$0x27E0] =	vst v0  }
0x143: {  	v0 =	vld.idx.msk [tilespmem:v39+s6+$0x0], $0xffff;
	_ =	sdelay $0x4  }
0x144: {  	[tilespmem:$0x27F0] =	vst v0  }
0x145: {  	[tilespmem:s24], [sflag:$0x1] =	stream.indirect.gather [hbm4b:s1+s23], $0x80, s21, s23, $0xb8;
	[tilespmem:$0x1F840] =	vst v63  }
0x146: {  	v40 =	vld [tilespmem:$0x2800];
	_ =	sdelay $0x5  }
0x147: {  	v41 =	vld [tilespmem:$0x2810];
	_ =	sdelay $0x1  }
0x148: {  	v0 =	vld.idx.msk [tilespmem:v40+s6+$0x0], $0xffff;
	_ =	sdelay $0x3  }
0x149: {  	v42 =	vld [tilespmem:$0x2820]  }
0x14a: {  	[tilespmem:$0x2800] =	vst v0  }
0x14b: {  	v0 =	vld.idx.msk [tilespmem:v41+s6+$0x0], $0xffff;
	_ =	sdelay $0x3  }
0x14c: {  	v43 =	vld [tilespmem:$0x2830]  }
0x14d: {  	[tilespmem:$0x2810] =	vst v0  }
0x14e: {  	v0 =	vld.idx.msk [tilespmem:v42+s6+$0x0], $0xffff;
	_ =	sdelay $0x3  }
0x14f: {  	v44 =	vld [tilespmem:$0x2840]  }
0x150: {  	[tilespmem:$0x2820] =	vst v0  }
0x151: {  	v0 =	vld.idx.msk [tilespmem:v43+s6+$0x0], $0xffff;
	_ =	sdelay $0x3  }
0x152: {  	v45 =	vld [tilespmem:$0x2850]  }
0x153: {  	[tilespmem:$0x2830] =	vst v0  }
0x154: {  	v0 =	vld.idx.msk [tilespmem:v44+s6+$0x0], $0xffff;
	_ =	sdelay $0x3  }
0x155: {  	v46 =	vld [tilespmem:$0x2860]  }
0x156: {  	[tilespmem:$0x2840] =	vst v0  }
0x157: {  	v0 =	vld.idx.msk [tilespmem:v45+s6+$0x0], $0xffff;
	_ =	sdelay $0x3  }
0x158: {  	v47 =	vld [tilespmem:$0x2870]  }
0x159: {  	[tilespmem:$0x2850] =	vst v0  }
0x15a: {  	v0 =	vld.idx.msk [tilespmem:v46+s6+$0x0], $0xffff;
	_ =	sdelay $0x4  }
0x15b: {  	[tilespmem:$0x2860] =	vst v0  }
0x15c: {  	v0 =	vld.idx.msk [tilespmem:v47+s6+$0x0], $0xffff;
	_ =	sdelay $0x4  }
0x15d: {  	[tilespmem:$0x2870] =	vst v0  }
0x15e: {  	[tilespmem:s26], [sflag:$0x2] =	stream.indirect.gather [hbm4b:s1+s23], $0x80, s25, s23, $0xb8;
	[tilespmem:$0x1F840] =	vst v63  }
0x15f: {  	_ =	swait.ge [sflag:s28], $0x4000  }
0x160: {  	[sflag:s28] =	ssyncset.done $0x0  }
0x161: {  	[sflag:s28] =	ssyncadd.s32 $0xFFFFC000  }
0x162: {  	[spmem:s3] =	stream.indirect.scatter.add.f32 [tilespmem:s24], [sflag:$0x3], $0x80, s22, s23, $0xb8;
	[tilespmem:$0x1F840] =	vst v63  }
0x163: {  	_ =	swait.ge [sflag:s20], $0x4000  }
0x164: {  	[sflag:s20] =	ssyncset.done $0x0  }
0x165: {  	s2 =	simm.s32 $0x0;
	[sflag:s20] =	ssyncadd.s32 $0xFFFFC000  }
0x166: {  	v48 =	vld [tilespmem:s2+$0x2880];
	_ =	sdelay $0x5  }
0x167: {  	v49 =	vld [tilespmem:s2+$0x2890];
	_ =	sdelay $0x1  }
0x168: {  	v0 =	vld.idx.msk [tilespmem:v48+s4+$0x0], $0xffff;
	_ =	sdelay $0x3  }
0x169: {  	v50 =	vld [tilespmem:s2+$0x28A0]  }
0x16a: {  	[tilespmem:s2+$0x2880] =	vst v0  }
0x16b: {  	v0 =	vld.idx.msk [tilespmem:v49+s4+$0x0], $0xffff;
	_ =	sdelay $0x3  }
0x16c: {  	v51 =	vld [tilespmem:s2+$0x28B0]  }
0x16d: {  	[tilespmem:s2+$0x2890] =	vst v0  }
0x16e: {  	v0 =	vld.idx.msk [tilespmem:v50+s4+$0x0], $0xffff;
	_ =	sdelay $0x3  }
0x16f: {  	v52 =	vld [tilespmem:s2+$0x28C0]  }
0x170: {  	[tilespmem:s2+$0x28A0] =	vst v0  }
0x171: {  	v0 =	vld.idx.msk [tilespmem:v51+s4+$0x0], $0xffff;
	_ =	sdelay $0x3  }
0x172: {  	v53 =	vld [tilespmem:s2+$0x28D0]  }
0x173: {  	[tilespmem:s2+$0x28B0] =	vst v0  }
0x174: {  	v0 =	vld.idx.msk [tilespmem:v52+s4+$0x0], $0xffff;
	_ =	sdelay $0x3  }
0x175: {  	v54 =	vld [tilespmem:s2+$0x28E0]  }
0x176: {  	[tilespmem:s2+$0x28C0] =	vst v0  }
0x177: {  	v0 =	vld.idx.msk [tilespmem:v53+s4+$0x0], $0xffff;
	_ =	sdelay $0x3  }
0x178: {  	v55 =	vld [tilespmem:s2+$0x28F0]  }
0x179: {  	[tilespmem:s2+$0x28D0] =	vst v0  }
0x17a: {  	v0 =	vld.idx.msk [tilespmem:v54+s4+$0x0], $0xffff;
	_ =	sdelay $0x4  }
0x17b: {  	[tilespmem:s2+$0x28E0] =	vst v0  }
0x17c: {  	v0 =	vld.idx.msk [tilespmem:v55+s4+$0x0], $0xffff;
	_ =	sdelay $0x4  }
0x17d: {  	s8 =	simm.s32 $0x2880;
	[tilespmem:s2+$0x28F0] =	vst v0  }
0x17e: {  	[tilespmem:s24], [sflag:$0x1] =	stream.indirect.gather [hbm4b:s1+s23], $0x80, s8, s23, $0xb8;
	[tilespmem:$0x1F840] =	vst v63  }
0x17f: {  	_ =	swait.ge [sflag:s29], $0x4000  }
0x180: {  	[sflag:s29] =	ssyncset.done $0x0  }
0x181: {  	s9 =	simm.s32 $0x3400;
	[sflag:s29] =	ssyncadd.s32 $0xFFFFC000  }
0x182: {  	[spmem:s3] =	stream.indirect.scatter.add.f32 [tilespmem:s26], [sflag:$0x3], $0x80, s9, s23, $0xb8;
	[tilespmem:$0x1F840] =	vst v63  }
0x183: {  	_ =	swait.ge [sflag:s20], $0x4000  }
0x184: {  	[sflag:s20] =	ssyncset.done $0x0  }
0x185: {  	[sflag:s20] =	ssyncadd.s32 $0xFFFFC000  }
0x186: {  	v56 =	vld [tilespmem:s2+$0x2900];
	_ =	sdelay $0x5  }
0x187: {  	v57 =	vld [tilespmem:s2+$0x2910];
	_ =	sdelay $0x1  }
0x188: {  	v0 =	vld.idx.msk [tilespmem:v56+s4+$0x0], $0xffff;
	_ =	sdelay $0x3  }
0x189: {  	v58 =	vld [tilespmem:s2+$0x2920]  }
0x18a: {  	[tilespmem:s2+$0x2900] =	vst v0  }
0x18b: {  	v0 =	vld.idx.msk [tilespmem:v57+s4+$0x0], $0xffff;
	_ =	sdelay $0x3  }
0x18c: {  	v59 =	vld [tilespmem:s2+$0x2930]  }
0x18d: {  	[tilespmem:s2+$0x2910] =	vst v0  }
0x18e: {  	v0 =	vld.idx.msk [tilespmem:v58+s4+$0x0], $0xffff;
	_ =	sdelay $0x3  }
0x18f: {  	v60 =	vld [tilespmem:s2+$0x2940]  }
0x190: {  	[tilespmem:s2+$0x2920] =	vst v0  }
0x191: {  	v0 =	vld.idx.msk [tilespmem:v59+s4+$0x0], $0xffff;
	_ =	sdelay $0x3  }
0x192: {  	v61 =	vld [tilespmem:s2+$0x2950]  }
0x193: {  	[tilespmem:s2+$0x2930] =	vst v0  }
0x194: {  	v0 =	vld.idx.msk [tilespmem:v60+s4+$0x0], $0xffff;
	_ =	sdelay $0x3  }
0x195: {  	v62 =	vld [tilespmem:s2+$0x2960]  }
0x196: {  	[tilespmem:s2+$0x2940] =	vst v0  }
0x197: {  	v0 =	vld.idx.msk [tilespmem:v61+s4+$0x0], $0xffff;
	_ =	sdelay $0x3  }
0x198: {  	v63 =	vld [tilespmem:s2+$0x2970]  }
0x199: {  	[tilespmem:s2+$0x2950] =	vst v0  }
0x19a: {  	v0 =	vld.idx.msk [tilespmem:v62+s4+$0x0], $0xffff;
	_ =	sdelay $0x4  }
0x19b: {  	[tilespmem:s2+$0x2960] =	vst v0  }
0x19c: {  	v0 =	vld.idx.msk [tilespmem:v63+s4+$0x0], $0xffff;
	_ =	sdelay $0x4  }
0x19d: {  	s8 =	simm.s32 $0x2900;
	[tilespmem:s2+$0x2970] =	vst v0  }
0x19e: {  	[tilespmem:s26], [sflag:$0x2] =	stream.indirect.gather [hbm4b:s1+s23], $0x80, s8, s23, $0xb8;
	[tilespmem:$0x1F840] =	vst v63  }
0x19f: {  	_ =	swait.ge [sflag:s28], $0x4000  }
0x1a0: {  	[sflag:s28] =	ssyncset.done $0x0  }
0x1a1: {  	s9 =	simm.s32 $0x3480;
	[sflag:s28] =	ssyncadd.s32 $0xFFFFC000  }
0x1a2: {  	[spmem:s3] =	stream.indirect.scatter.add.f32 [tilespmem:s24], [sflag:$0x3], $0x80, s9, s23, $0xb8;
	[tilespmem:$0x1F840] =	vst v63  }
0x1a3: {  	_ =	swait.ge [sflag:s20], $0x4000  }
0x1a4: {  	s6 =	simm.s32 $0x400;
	s2 =	simm.s32 $0x800;
	[sflag:s20] =	ssyncset.done $0x0  }
.LBB2_4:
0x1a5: {  	s8 =	sshra.s32 s6, $0x2  }
0x1a6: {  	[sflag:s20] =	ssyncadd.s32 $0xFFFFC000;
	s6 =	smov.u32 s2;
	s2 =	sadd.s32 $0x400, s2  }
0x1a7: {  	p1 =	sne.s32 s2, $0x2C00;
	v0 =	vld [tilespmem:s8+$0x2880];
	_ =	sdelay $0x6  }
0x1a8: {  	v1 =	vld [tilespmem:s8+$0x2890]  }
0x1a9: {  	v0 =	vld.idx.msk [tilespmem:v0+s4+$0x0], $0xffff;
	_ =	sdelay $0x5  }
0x1aa: {  	[tilespmem:s8+$0x2880] =	vst v0;
	v0 =	vld [tilespmem:s8+$0x28A0]  }
0x1ab: {  	v1 =	vld.idx.msk [tilespmem:v1+s4+$0x0], $0xffff;
	_ =	sdelay $0x5  }
0x1ac: {  	[tilespmem:s8+$0x2890] =	vst v1;
	v1 =	vld [tilespmem:s8+$0x28B0]  }
0x1ad: {  	v0 =	vld.idx.msk [tilespmem:v0+s4+$0x0], $0xffff;
	_ =	sdelay $0x5  }
0x1ae: {  	[tilespmem:s8+$0x28A0] =	vst v0;
	v0 =	vld [tilespmem:s8+$0x28C0]  }
0x1af: {  	v1 =	vld.idx.msk [tilespmem:v1+s4+$0x0], $0xffff;
	_ =	sdelay $0x5  }
0x1b0: {  	[tilespmem:s8+$0x28B0] =	vst v1;
	v1 =	vld [tilespmem:s8+$0x28D0]  }
0x1b1: {  	v0 =	vld.idx.msk [tilespmem:v0+s4+$0x0], $0xffff;
	_ =	sdelay $0x5  }
0x1b2: {  	[tilespmem:s8+$0x28C0] =	vst v0;
	v0 =	vld [tilespmem:s8+$0x28E0]  }
0x1b3: {  	v1 =	vld.idx.msk [tilespmem:v1+s4+$0x0], $0xffff;
	_ =	sdelay $0x5  }
0x1b4: {  	[tilespmem:s8+$0x28D0] =	vst v1;
	v1 =	vld [tilespmem:s8+$0x28F0]  }
0x1b5: {  	v0 =	vld.idx.msk [tilespmem:v0+s4+$0x0], $0xffff;
	_ =	sdelay $0x5  }
0x1b6: {  	[tilespmem:s8+$0x28E0] =	vst v0  }
0x1b7: {  	v0 =	vld.idx.msk [tilespmem:v1+s4+$0x0], $0xffff;
	_ =	sdelay $0x5  }
0x1b8: {  	s9 =	sadd.s32 $0x2880, s8;
	[tilespmem:s8+$0x28F0] =	vst v0  }
0x1b9: {  	[tilespmem:s24], [sflag:$0x1] =	stream.indirect.gather [hbm4b:s1+s23], $0x80, s9, s23, $0xb8;
	[tilespmem:$0x1F840] =	vst v63  }
0x1ba: {  	_ =	swait.ge [sflag:s29], $0x4000  }
0x1bb: {  	[sflag:s29] =	ssyncset.done $0x0  }
0x1bc: {  	s9 =	sadd.s32 $0x3400, s8;
	[sflag:s29] =	ssyncadd.s32 $0xFFFFC000  }
0x1bd: {  	[spmem:s3] =	stream.indirect.scatter.add.f32 [tilespmem:s26], [sflag:$0x3], $0x80, s9, s23, $0xb8;
	[tilespmem:$0x1F840] =	vst v63  }
0x1be: {  	_ =	swait.ge [sflag:s20], $0x4000  }
0x1bf: {  	[sflag:s20] =	ssyncset.done $0x0  }
0x1c0: {  	[sflag:s20] =	ssyncadd.s32 $0xFFFFC000  }
0x1c1: {  	v0 =	vld [tilespmem:s8+$0x2900];
	_ =	sdelay $0x6  }
0x1c2: {  	v1 =	vld [tilespmem:s8+$0x2910]  }
0x1c3: {  	v0 =	vld.idx.msk [tilespmem:v0+s4+$0x0], $0xffff;
	_ =	sdelay $0x5  }
0x1c4: {  	[tilespmem:s8+$0x2900] =	vst v0;
	v0 =	vld [tilespmem:s8+$0x2920]  }
0x1c5: {  	v1 =	vld.idx.msk [tilespmem:v1+s4+$0x0], $0xffff;
	_ =	sdelay $0x5  }
0x1c6: {  	[tilespmem:s8+$0x2910] =	vst v1;
	v1 =	vld [tilespmem:s8+$0x2930]  }
0x1c7: {  	v0 =	vld.idx.msk [tilespmem:v0+s4+$0x0], $0xffff;
	_ =	sdelay $0x5  }
0x1c8: {  	[tilespmem:s8+$0x2920] =	vst v0;
	v0 =	vld [tilespmem:s8+$0x2940]  }
0x1c9: {  	v1 =	vld.idx.msk [tilespmem:v1+s4+$0x0], $0xffff;
	_ =	sdelay $0x5  }
0x1ca: {  	[tilespmem:s8+$0x2930] =	vst v1;
	v1 =	vld [tilespmem:s8+$0x2950]  }
0x1cb: {  	v0 =	vld.idx.msk [tilespmem:v0+s4+$0x0], $0xffff;
	_ =	sdelay $0x5  }
0x1cc: {  	[tilespmem:s8+$0x2940] =	vst v0;
	v0 =	vld [tilespmem:s8+$0x2960]  }
0x1cd: {  	v1 =	vld.idx.msk [tilespmem:v1+s4+$0x0], $0xffff;
	_ =	sdelay $0x5  }
0x1ce: {  	[tilespmem:s8+$0x2950] =	vst v1;
	v1 =	vld [tilespmem:s8+$0x2970]  }
0x1cf: {  	v0 =	vld.idx.msk [tilespmem:v0+s4+$0x0], $0xffff;
	_ =	sdelay $0x5  }
0x1d0: {  	[tilespmem:s8+$0x2960] =	vst v0  }
0x1d1: {  	v0 =	vld.idx.msk [tilespmem:v1+s4+$0x0], $0xffff;
	_ =	sdelay $0x5  }
0x1d2: {  	s9 =	sadd.s32 $0x2900, s8;
	[tilespmem:s8+$0x2970] =	vst v0  }
0x1d3: {  	[tilespmem:s26], [sflag:$0x2] =	stream.indirect.gather [hbm4b:s1+s23], $0x80, s9, s23, $0xb8;
	[tilespmem:$0x1F840] =	vst v63  }
0x1d4: {  	_ =	swait.ge [sflag:s28], $0x4000  }
.Ltmp1:
0x1d5: {  	[sflag:s28] =	ssyncset.done $0x0;
	(pc) =	sbr.rel @p1 .LBB2_4-.Ltmp1, $4  }
0x1d6: {  	s8 =	sadd.s32 $0x3480, s8;
	[sflag:s28] =	ssyncadd.s32 $0xFFFFC000  }
0x1d7: {  	[spmem:s3] =	stream.indirect.scatter.add.f32 [tilespmem:s24], [sflag:$0x3], $0x80, s8, s23, $0xb8;
	[tilespmem:$0x1F840] =	vst v63  }
0x1d8: {  	_ =	swait.ge [sflag:s20], $0x4000  }
0x1d9: {  	[sflag:s20] =	ssyncset.done $0x0  }
0x1da: {  	s6 =	sshra.s32 s6, $0x2;
	[sflag:s20] =	ssyncadd.s32 $0xFFFFC000  }
0x1db: {  	v0 =	vld [tilespmem:s6+$0x2880];
	_ =	sdelay $0x5  }
0x1dc: {  	v1 =	vld [tilespmem:s6+$0x2890];
	_ =	sdelay $0x1  }
0x1dd: {  	v0 =	vld.idx.msk [tilespmem:v0+s4+$0x0], $0xffff;
	_ =	sdelay $0x3  }
0x1de: {  	v2 =	vld [tilespmem:s6+$0x28A0]  }
0x1df: {  	[tilespmem:s6+$0x2880] =	vst v0  }
0x1e0: {  	v0 =	vld.idx.msk [tilespmem:v1+s4+$0x0], $0xffff;
	_ =	sdelay $0x3  }
0x1e1: {  	v19 =	vld [tilespmem:s6+$0x28B0]  }
0x1e2: {  	[tilespmem:s6+$0x2890] =	vst v0  }
0x1e3: {  	v0 =	vld.idx.msk [tilespmem:v2+s4+$0x0], $0xffff;
	_ =	sdelay $0x3  }
0x1e4: {  	v20 =	vld [tilespmem:s6+$0x28C0]  }
0x1e5: {  	[tilespmem:s6+$0x28A0] =	vst v0  }
0x1e6: {  	v0 =	vld.idx.msk [tilespmem:v19+s4+$0x0], $0xffff;
	_ =	sdelay $0x3  }
0x1e7: {  	v21 =	vld [tilespmem:s6+$0x28D0]  }
0x1e8: {  	[tilespmem:s6+$0x28B0] =	vst v0  }
0x1e9: {  	v0 =	vld.idx.msk [tilespmem:v20+s4+$0x0], $0xffff;
	_ =	sdelay $0x3  }
0x1ea: {  	v22 =	vld [tilespmem:s6+$0x28E0]  }
0x1eb: {  	[tilespmem:s6+$0x28C0] =	vst v0  }
0x1ec: {  	v0 =	vld.idx.msk [tilespmem:v21+s4+$0x0], $0xffff;
	_ =	sdelay $0x3  }
0x1ed: {  	v23 =	vld [tilespmem:s6+$0x28F0]  }
0x1ee: {  	[tilespmem:s6+$0x28D0] =	vst v0  }
0x1ef: {  	v0 =	vld.idx.msk [tilespmem:v22+s4+$0x0], $0xffff;
	_ =	sdelay $0x4  }
0x1f0: {  	[tilespmem:s6+$0x28E0] =	vst v0  }
0x1f1: {  	v0 =	vld.idx.msk [tilespmem:v23+s4+$0x0], $0xffff;
	_ =	sdelay $0x4  }
0x1f2: {  	s8 =	sadd.s32 $0x2880, s6;
	[tilespmem:s6+$0x28F0] =	vst v0  }
0x1f3: {  	[tilespmem:s24], [sflag:$0x1] =	stream.indirect.gather [hbm4b:s1+s23], $0x80, s8, s23, $0xb8;
	[tilespmem:$0x1F840] =	vst v63  }
0x1f4: {  	_ =	swait.ge [sflag:s29], $0x4000  }
0x1f5: {  	[sflag:s29] =	ssyncset.done $0x0  }
0x1f6: {  	s9 =	sadd.s32 $0x3400, s6;
	[sflag:s29] =	ssyncadd.s32 $0xFFFFC000  }
0x1f7: {  	[spmem:s3] =	stream.indirect.scatter.add.f32 [tilespmem:s26], [sflag:$0x3], $0x80, s9, s23, $0xb8;
	[tilespmem:$0x1F840] =	vst v63  }
0x1f8: {  	_ =	swait.ge [sflag:s20], $0x4000  }
0x1f9: {  	[sflag:s20] =	ssyncset.done $0x0  }
0x1fa: {  	[sflag:s20] =	ssyncadd.s32 $0xFFFFC000  }
0x1fb: {  	v24 =	vld [tilespmem:s6+$0x2900];
	_ =	sdelay $0x5  }
0x1fc: {  	v25 =	vld [tilespmem:s6+$0x2910];
	_ =	sdelay $0x1  }
0x1fd: {  	v0 =	vld.idx.msk [tilespmem:v24+s4+$0x0], $0xffff;
	_ =	sdelay $0x3  }
0x1fe: {  	v26 =	vld [tilespmem:s6+$0x2920]  }
0x1ff: {  	[tilespmem:s6+$0x2900] =	vst v0  }
0x200: {  	v0 =	vld.idx.msk [tilespmem:v25+s4+$0x0], $0xffff;
	_ =	sdelay $0x3  }
0x201: {  	v27 =	vld [tilespmem:s6+$0x2930]  }
0x202: {  	[tilespmem:s6+$0x2910] =	vst v0  }
0x203: {  	v0 =	vld.idx.msk [tilespmem:v26+s4+$0x0], $0xffff;
	_ =	sdelay $0x3  }
0x204: {  	v28 =	vld [tilespmem:s6+$0x2940]  }
0x205: {  	[tilespmem:s6+$0x2920] =	vst v0  }
0x206: {  	v0 =	vld.idx.msk [tilespmem:v27+s4+$0x0], $0xffff;
	_ =	sdelay $0x3  }
0x207: {  	v29 =	vld [tilespmem:s6+$0x2950]  }
0x208: {  	[tilespmem:s6+$0x2930] =	vst v0  }
0x209: {  	v0 =	vld.idx.msk [tilespmem:v28+s4+$0x0], $0xffff;
	_ =	sdelay $0x3  }
0x20a: {  	v30 =	vld [tilespmem:s6+$0x2960]  }
0x20b: {  	[tilespmem:s6+$0x2940] =	vst v0  }
0x20c: {  	v0 =	vld.idx.msk [tilespmem:v29+s4+$0x0], $0xffff;
	_ =	sdelay $0x3  }
0x20d: {  	v31 =	vld [tilespmem:s6+$0x2970]  }
0x20e: {  	[tilespmem:s6+$0x2950] =	vst v0  }
0x20f: {  	v0 =	vld.idx.msk [tilespmem:v30+s4+$0x0], $0xffff;
	_ =	sdelay $0x4  }
0x210: {  	[tilespmem:s6+$0x2960] =	vst v0  }
0x211: {  	v0 =	vld.idx.msk [tilespmem:v31+s4+$0x0], $0xffff;
	_ =	sdelay $0x4  }
0x212: {  	s9 =	sadd.s32 $0x2900, s6;
	[tilespmem:s6+$0x2970] =	vst v0  }
0x213: {  	[tilespmem:s26], [sflag:$0x2] =	stream.indirect.gather [hbm4b:s1+s23], $0x80, s9, s23, $0xb8;
	[tilespmem:$0x1F840] =	vst v63  }
0x214: {  	_ =	swait.ge [sflag:s28], $0x4000  }
0x215: {  	[sflag:s28] =	ssyncset.done $0x0  }
0x216: {  	s6 =	sadd.s32 $0x3480, s6;
	[sflag:s28] =	ssyncadd.s32 $0xFFFFC000  }
0x217: {  	[spmem:s3] =	stream.indirect.scatter.add.f32 [tilespmem:s24], [sflag:$0x3], $0x80, s6, s23, $0xb8;
	[tilespmem:$0x1F840] =	vst v63  }
0x218: {  	_ =	swait.ge [sflag:s20], $0x4000  }
0x219: {  	[sflag:s20] =	ssyncset.done $0x0  }
0x21a: {  	[sflag:s20] =	ssyncadd.s32 $0xFFFFC000  }
0x21b: {  	_ =	swait.ge [sflag:s29], $0x4000  }
0x21c: {  	s2 =	sshra.s32 s2, $0x2;
	[sflag:s29] =	ssyncset.done $0x0  }
0x21d: {  	s2 =	sadd.s32 $0x3400, s2;
	[sflag:s29] =	ssyncadd.s32 $0xFFFFC000  }
0x21e: {  	[spmem:s3] =	stream.indirect.scatter.add.f32 [tilespmem:s26], [sflag:$0x3], $0x80, s2, s23, $0xb8;
	[tilespmem:$0x1F840] =	vst v63  }
0x21f: {  	_ =	swait.ge [sflag:s20], $0x4000  }
0x220: {  	[sflag:s20] =	ssyncset.done $0x0  }
0x221: {  	s6 =	simm.s32 $0x0;
	[sflag:s20] =	ssyncadd.s32 $0xFFFFC000  }
0x222: {  	[tilespmem:s21], [sflag:$0x3] =	stream.linear.gather [hbm4b:s13+s6], $0xC00, $0x38;
	[tilespmem:$0x1F840] =	vst v63  }
0x223: {  	_ =	swait.ge [sflag:s20], $0xC00  }
0x224: {  	[sflag:s20] =	ssyncset.done $0x0  }
0x225: {  	[sflag:s20] =	ssyncadd.s32 $0xFFFFF400  }
0x226: {  	[tilespmem:s22], [sflag:$0x3] =	stream.linear.gather [hbm4b:s14+s6], $0xC00, $0x38;
	[tilespmem:$0x1F840] =	vst v63  }
0x227: {  	_ =	swait.ge [sflag:s20], $0xC00  }
0x228: {  	[sflag:s20] =	ssyncset.done $0x0  }
0x229: {  	[sflag:s20] =	ssyncadd.s32 $0xFFFFF400  }
0x22a: {  	v32 =	vld [tilespmem:$0x2780];
	_ =	sdelay $0x5  }
0x22b: {  	v33 =	vld [tilespmem:$0x2790];
	_ =	sdelay $0x1  }
0x22c: {  	v0 =	vld.idx.msk [tilespmem:v32+s6+$0x0], $0xffff;
	_ =	sdelay $0x3  }
0x22d: {  	v34 =	vld [tilespmem:$0x27A0]  }
0x22e: {  	[tilespmem:$0x2780] =	vst v0  }
0x22f: {  	v0 =	vld.idx.msk [tilespmem:v33+s6+$0x0], $0xffff;
	_ =	sdelay $0x3  }
0x230: {  	v35 =	vld [tilespmem:$0x27B0]  }
0x231: {  	[tilespmem:$0x2790] =	vst v0  }
0x232: {  	v0 =	vld.idx.msk [tilespmem:v34+s6+$0x0], $0xffff;
	_ =	sdelay $0x3  }
0x233: {  	v36 =	vld [tilespmem:$0x27C0]  }
0x234: {  	[tilespmem:$0x27A0] =	vst v0  }
0x235: {  	v0 =	vld.idx.msk [tilespmem:v35+s6+$0x0], $0xffff;
	_ =	sdelay $0x3  }
0x236: {  	v37 =	vld [tilespmem:$0x27D0]  }
0x237: {  	[tilespmem:$0x27B0] =	vst v0  }
0x238: {  	v0 =	vld.idx.msk [tilespmem:v36+s6+$0x0], $0xffff;
	_ =	sdelay $0x3  }
0x239: {  	v38 =	vld [tilespmem:$0x27E0]  }
0x23a: {  	[tilespmem:$0x27C0] =	vst v0  }
0x23b: {  	v0 =	vld.idx.msk [tilespmem:v37+s6+$0x0], $0xffff;
	_ =	sdelay $0x3  }
0x23c: {  	v39 =	vld [tilespmem:$0x27F0]  }
0x23d: {  	[tilespmem:$0x27D0] =	vst v0  }
0x23e: {  	v0 =	vld.idx.msk [tilespmem:v38+s6+$0x0], $0xffff;
	_ =	sdelay $0x4  }
0x23f: {  	[tilespmem:$0x27E0] =	vst v0  }
0x240: {  	v0 =	vld.idx.msk [tilespmem:v39+s6+$0x0], $0xffff;
	_ =	sdelay $0x4  }
0x241: {  	[tilespmem:$0x27F0] =	vst v0  }
0x242: {  	[tilespmem:s24], [sflag:$0x1] =	stream.indirect.gather [hbm4b:s1+s23], $0x80, s21, s23, $0xb8;
	[tilespmem:$0x1F840] =	vst v63  }
0x243: {  	v40 =	vld [tilespmem:$0x2800];
	_ =	sdelay $0x5  }
0x244: {  	v41 =	vld [tilespmem:$0x2810];
	_ =	sdelay $0x1  }
0x245: {  	v0 =	vld.idx.msk [tilespmem:v40+s6+$0x0], $0xffff;
	_ =	sdelay $0x3  }
0x246: {  	v42 =	vld [tilespmem:$0x2820]  }
0x247: {  	[tilespmem:$0x2800] =	vst v0  }
0x248: {  	v0 =	vld.idx.msk [tilespmem:v41+s6+$0x0], $0xffff;
	_ =	sdelay $0x3  }
0x249: {  	v43 =	vld [tilespmem:$0x2830]  }
0x24a: {  	[tilespmem:$0x2810] =	vst v0  }
0x24b: {  	v0 =	vld.idx.msk [tilespmem:v42+s6+$0x0], $0xffff;
	_ =	sdelay $0x3  }
0x24c: {  	v44 =	vld [tilespmem:$0x2840]  }
0x24d: {  	[tilespmem:$0x2820] =	vst v0  }
0x24e: {  	v0 =	vld.idx.msk [tilespmem:v43+s6+$0x0], $0xffff;
	_ =	sdelay $0x3  }
0x24f: {  	v45 =	vld [tilespmem:$0x2850]  }
0x250: {  	[tilespmem:$0x2830] =	vst v0  }
0x251: {  	v0 =	vld.idx.msk [tilespmem:v44+s6+$0x0], $0xffff;
	_ =	sdelay $0x3  }
0x252: {  	v46 =	vld [tilespmem:$0x2860]  }
0x253: {  	[tilespmem:$0x2840] =	vst v0  }
0x254: {  	v0 =	vld.idx.msk [tilespmem:v45+s6+$0x0], $0xffff;
	_ =	sdelay $0x3  }
0x255: {  	v47 =	vld [tilespmem:$0x2870]  }
0x256: {  	[tilespmem:$0x2850] =	vst v0  }
0x257: {  	v0 =	vld.idx.msk [tilespmem:v46+s6+$0x0], $0xffff;
	_ =	sdelay $0x4  }
0x258: {  	[tilespmem:$0x2860] =	vst v0  }
0x259: {  	v0 =	vld.idx.msk [tilespmem:v47+s6+$0x0], $0xffff;
	_ =	sdelay $0x4  }
0x25a: {  	[tilespmem:$0x2870] =	vst v0  }
0x25b: {  	[tilespmem:s26], [sflag:$0x2] =	stream.indirect.gather [hbm4b:s1+s23], $0x80, s25, s23, $0xb8;
	[tilespmem:$0x1F840] =	vst v63  }
0x25c: {  	_ =	swait.ge [sflag:s28], $0x4000  }
0x25d: {  	[sflag:s28] =	ssyncset.done $0x0  }
0x25e: {  	[sflag:s28] =	ssyncadd.s32 $0xFFFFC000  }
0x25f: {  	[spmem:s3] =	stream.indirect.scatter.add.f32 [tilespmem:s24], [sflag:$0x3], $0x80, s22, s23, $0xb8;
	[tilespmem:$0x1F840] =	vst v63  }
0x260: {  	_ =	swait.ge [sflag:s20], $0x4000  }
0x261: {  	[sflag:s20] =	ssyncset.done $0x0  }
0x262: {  	s2 =	simm.s32 $0x0;
	[sflag:s20] =	ssyncadd.s32 $0xFFFFC000  }
0x263: {  	v48 =	vld [tilespmem:s2+$0x2880];
	_ =	sdelay $0x5  }
0x264: {  	v49 =	vld [tilespmem:s2+$0x2890];
	_ =	sdelay $0x1  }
0x265: {  	v0 =	vld.idx.msk [tilespmem:v48+s4+$0x0], $0xffff;
	_ =	sdelay $0x3  }
0x266: {  	v50 =	vld [tilespmem:s2+$0x28A0]  }
0x267: {  	[tilespmem:s2+$0x2880] =	vst v0  }
0x268: {  	v0 =	vld.idx.msk [tilespmem:v49+s4+$0x0], $0xffff;
	_ =	sdelay $0x3  }
0x269: {  	v51 =	vld [tilespmem:s2+$0x28B0]  }
0x26a: {  	[tilespmem:s2+$0x2890] =	vst v0  }
0x26b: {  	v0 =	vld.idx.msk [tilespmem:v50+s4+$0x0], $0xffff;
	_ =	sdelay $0x3  }
0x26c: {  	v52 =	vld [tilespmem:s2+$0x28C0]  }
0x26d: {  	[tilespmem:s2+$0x28A0] =	vst v0  }
0x26e: {  	v0 =	vld.idx.msk [tilespmem:v51+s4+$0x0], $0xffff;
	_ =	sdelay $0x3  }
0x26f: {  	v53 =	vld [tilespmem:s2+$0x28D0]  }
0x270: {  	[tilespmem:s2+$0x28B0] =	vst v0  }
0x271: {  	v0 =	vld.idx.msk [tilespmem:v52+s4+$0x0], $0xffff;
	_ =	sdelay $0x3  }
0x272: {  	v54 =	vld [tilespmem:s2+$0x28E0]  }
0x273: {  	[tilespmem:s2+$0x28C0] =	vst v0  }
0x274: {  	v0 =	vld.idx.msk [tilespmem:v53+s4+$0x0], $0xffff;
	_ =	sdelay $0x3  }
0x275: {  	v55 =	vld [tilespmem:s2+$0x28F0]  }
0x276: {  	[tilespmem:s2+$0x28D0] =	vst v0  }
0x277: {  	v0 =	vld.idx.msk [tilespmem:v54+s4+$0x0], $0xffff;
	_ =	sdelay $0x4  }
0x278: {  	[tilespmem:s2+$0x28E0] =	vst v0  }
0x279: {  	v0 =	vld.idx.msk [tilespmem:v55+s4+$0x0], $0xffff;
	_ =	sdelay $0x4  }
0x27a: {  	s8 =	simm.s32 $0x2880;
	[tilespmem:s2+$0x28F0] =	vst v0  }
0x27b: {  	[tilespmem:s24], [sflag:$0x1] =	stream.indirect.gather [hbm4b:s1+s23], $0x80, s8, s23, $0xb8;
	[tilespmem:$0x1F840] =	vst v63  }
0x27c: {  	_ =	swait.ge [sflag:s29], $0x4000  }
0x27d: {  	[sflag:s29] =	ssyncset.done $0x0  }
0x27e: {  	s9 =	simm.s32 $0x3400;
	[sflag:s29] =	ssyncadd.s32 $0xFFFFC000  }
0x27f: {  	[spmem:s3] =	stream.indirect.scatter.add.f32 [tilespmem:s26], [sflag:$0x3], $0x80, s9, s23, $0xb8;
	[tilespmem:$0x1F840] =	vst v63  }
0x280: {  	_ =	swait.ge [sflag:s20], $0x4000  }
0x281: {  	[sflag:s20] =	ssyncset.done $0x0  }
0x282: {  	[sflag:s20] =	ssyncadd.s32 $0xFFFFC000  }
0x283: {  	v56 =	vld [tilespmem:s2+$0x2900];
	_ =	sdelay $0x5  }
0x284: {  	v57 =	vld [tilespmem:s2+$0x2910];
	_ =	sdelay $0x1  }
0x285: {  	v0 =	vld.idx.msk [tilespmem:v56+s4+$0x0], $0xffff;
	_ =	sdelay $0x3  }
0x286: {  	v58 =	vld [tilespmem:s2+$0x2920]  }
0x287: {  	[tilespmem:s2+$0x2900] =	vst v0  }
0x288: {  	v0 =	vld.idx.msk [tilespmem:v57+s4+$0x0], $0xffff;
	_ =	sdelay $0x3  }
0x289: {  	v59 =	vld [tilespmem:s2+$0x2930]  }
0x28a: {  	[tilespmem:s2+$0x2910] =	vst v0  }
0x28b: {  	v0 =	vld.idx.msk [tilespmem:v58+s4+$0x0], $0xffff;
	_ =	sdelay $0x3  }
0x28c: {  	v60 =	vld [tilespmem:s2+$0x2940]  }
0x28d: {  	[tilespmem:s2+$0x2920] =	vst v0  }
0x28e: {  	v0 =	vld.idx.msk [tilespmem:v59+s4+$0x0], $0xffff;
	_ =	sdelay $0x3  }
0x28f: {  	v61 =	vld [tilespmem:s2+$0x2950]  }
0x290: {  	[tilespmem:s2+$0x2930] =	vst v0  }
0x291: {  	v0 =	vld.idx.msk [tilespmem:v60+s4+$0x0], $0xffff;
	_ =	sdelay $0x3  }
0x292: {  	v62 =	vld [tilespmem:s2+$0x2960]  }
0x293: {  	[tilespmem:s2+$0x2940] =	vst v0  }
0x294: {  	v0 =	vld.idx.msk [tilespmem:v61+s4+$0x0], $0xffff;
	_ =	sdelay $0x3  }
0x295: {  	v63 =	vld [tilespmem:s2+$0x2970]  }
0x296: {  	[tilespmem:s2+$0x2950] =	vst v0  }
0x297: {  	v0 =	vld.idx.msk [tilespmem:v62+s4+$0x0], $0xffff;
	_ =	sdelay $0x4  }
0x298: {  	[tilespmem:s2+$0x2960] =	vst v0  }
0x299: {  	v0 =	vld.idx.msk [tilespmem:v63+s4+$0x0], $0xffff;
	_ =	sdelay $0x4  }
0x29a: {  	s8 =	simm.s32 $0x2900;
	[tilespmem:s2+$0x2970] =	vst v0  }
0x29b: {  	[tilespmem:s26], [sflag:$0x2] =	stream.indirect.gather [hbm4b:s1+s23], $0x80, s8, s23, $0xb8;
	[tilespmem:$0x1F840] =	vst v63  }
0x29c: {  	_ =	swait.ge [sflag:s28], $0x4000  }
0x29d: {  	[sflag:s28] =	ssyncset.done $0x0  }
0x29e: {  	s9 =	simm.s32 $0x3480;
	[sflag:s28] =	ssyncadd.s32 $0xFFFFC000  }
0x29f: {  	[spmem:s3] =	stream.indirect.scatter.add.f32 [tilespmem:s24], [sflag:$0x3], $0x80, s9, s23, $0xb8;
	[tilespmem:$0x1F840] =	vst v63  }
0x2a0: {  	_ =	swait.ge [sflag:s20], $0x4000  }
0x2a1: {  	s6 =	simm.s32 $0x400;
	s2 =	simm.s32 $0x800;
	[sflag:s20] =	ssyncset.done $0x0  }
.LBB2_6:
0x2a2: {  	s8 =	sshra.s32 s6, $0x2  }
0x2a3: {  	[sflag:s20] =	ssyncadd.s32 $0xFFFFC000;
	s6 =	smov.u32 s2;
	s2 =	sadd.s32 $0x400, s2  }
0x2a4: {  	p1 =	sne.s32 s2, $0x2C00;
	v0 =	vld [tilespmem:s8+$0x2880];
	_ =	sdelay $0x6  }
0x2a5: {  	v1 =	vld [tilespmem:s8+$0x2890]  }
0x2a6: {  	v0 =	vld.idx.msk [tilespmem:v0+s4+$0x0], $0xffff;
	_ =	sdelay $0x5  }
0x2a7: {  	[tilespmem:s8+$0x2880] =	vst v0;
	v0 =	vld [tilespmem:s8+$0x28A0]  }
0x2a8: {  	v1 =	vld.idx.msk [tilespmem:v1+s4+$0x0], $0xffff;
	_ =	sdelay $0x5  }
0x2a9: {  	[tilespmem:s8+$0x2890] =	vst v1;
	v1 =	vld [tilespmem:s8+$0x28B0]  }
0x2aa: {  	v0 =	vld.idx.msk [tilespmem:v0+s4+$0x0], $0xffff;
	_ =	sdelay $0x5  }
0x2ab: {  	[tilespmem:s8+$0x28A0] =	vst v0;
	v0 =	vld [tilespmem:s8+$0x28C0]  }
0x2ac: {  	v1 =	vld.idx.msk [tilespmem:v1+s4+$0x0], $0xffff;
	_ =	sdelay $0x5  }
0x2ad: {  	[tilespmem:s8+$0x28B0] =	vst v1;
	v1 =	vld [tilespmem:s8+$0x28D0]  }
0x2ae: {  	v0 =	vld.idx.msk [tilespmem:v0+s4+$0x0], $0xffff;
	_ =	sdelay $0x5  }
0x2af: {  	[tilespmem:s8+$0x28C0] =	vst v0;
	v0 =	vld [tilespmem:s8+$0x28E0]  }
0x2b0: {  	v1 =	vld.idx.msk [tilespmem:v1+s4+$0x0], $0xffff;
	_ =	sdelay $0x5  }
0x2b1: {  	[tilespmem:s8+$0x28D0] =	vst v1;
	v1 =	vld [tilespmem:s8+$0x28F0]  }
0x2b2: {  	v0 =	vld.idx.msk [tilespmem:v0+s4+$0x0], $0xffff;
	_ =	sdelay $0x5  }
0x2b3: {  	[tilespmem:s8+$0x28E0] =	vst v0  }
0x2b4: {  	v0 =	vld.idx.msk [tilespmem:v1+s4+$0x0], $0xffff;
	_ =	sdelay $0x5  }
0x2b5: {  	s9 =	sadd.s32 $0x2880, s8;
	[tilespmem:s8+$0x28F0] =	vst v0  }
0x2b6: {  	[tilespmem:s24], [sflag:$0x1] =	stream.indirect.gather [hbm4b:s1+s23], $0x80, s9, s23, $0xb8;
	[tilespmem:$0x1F840] =	vst v63  }
0x2b7: {  	_ =	swait.ge [sflag:s29], $0x4000  }
0x2b8: {  	[sflag:s29] =	ssyncset.done $0x0  }
0x2b9: {  	s9 =	sadd.s32 $0x3400, s8;
	[sflag:s29] =	ssyncadd.s32 $0xFFFFC000  }
0x2ba: {  	[spmem:s3] =	stream.indirect.scatter.add.f32 [tilespmem:s26], [sflag:$0x3], $0x80, s9, s23, $0xb8;
	[tilespmem:$0x1F840] =	vst v63  }
0x2bb: {  	_ =	swait.ge [sflag:s20], $0x4000  }
0x2bc: {  	[sflag:s20] =	ssyncset.done $0x0  }
0x2bd: {  	[sflag:s20] =	ssyncadd.s32 $0xFFFFC000  }
0x2be: {  	v0 =	vld [tilespmem:s8+$0x2900];
	_ =	sdelay $0x6  }
0x2bf: {  	v1 =	vld [tilespmem:s8+$0x2910]  }
0x2c0: {  	v0 =	vld.idx.msk [tilespmem:v0+s4+$0x0], $0xffff;
	_ =	sdelay $0x5  }
0x2c1: {  	[tilespmem:s8+$0x2900] =	vst v0;
	v0 =	vld [tilespmem:s8+$0x2920]  }
0x2c2: {  	v1 =	vld.idx.msk [tilespmem:v1+s4+$0x0], $0xffff;
	_ =	sdelay $0x5  }
0x2c3: {  	[tilespmem:s8+$0x2910] =	vst v1;
	v1 =	vld [tilespmem:s8+$0x2930]  }
0x2c4: {  	v0 =	vld.idx.msk [tilespmem:v0+s4+$0x0], $0xffff;
	_ =	sdelay $0x5  }
0x2c5: {  	[tilespmem:s8+$0x2920] =	vst v0;
	v0 =	vld [tilespmem:s8+$0x2940]  }
0x2c6: {  	v1 =	vld.idx.msk [tilespmem:v1+s4+$0x0], $0xffff;
	_ =	sdelay $0x5  }
0x2c7: {  	[tilespmem:s8+$0x2930] =	vst v1;
	v1 =	vld [tilespmem:s8+$0x2950]  }
0x2c8: {  	v0 =	vld.idx.msk [tilespmem:v0+s4+$0x0], $0xffff;
	_ =	sdelay $0x5  }
0x2c9: {  	[tilespmem:s8+$0x2940] =	vst v0;
	v0 =	vld [tilespmem:s8+$0x2960]  }
0x2ca: {  	v1 =	vld.idx.msk [tilespmem:v1+s4+$0x0], $0xffff;
	_ =	sdelay $0x5  }
0x2cb: {  	[tilespmem:s8+$0x2950] =	vst v1;
	v1 =	vld [tilespmem:s8+$0x2970]  }
0x2cc: {  	v0 =	vld.idx.msk [tilespmem:v0+s4+$0x0], $0xffff;
	_ =	sdelay $0x5  }
0x2cd: {  	[tilespmem:s8+$0x2960] =	vst v0  }
0x2ce: {  	v0 =	vld.idx.msk [tilespmem:v1+s4+$0x0], $0xffff;
	_ =	sdelay $0x5  }
0x2cf: {  	s9 =	sadd.s32 $0x2900, s8;
	[tilespmem:s8+$0x2970] =	vst v0  }
0x2d0: {  	[tilespmem:s26], [sflag:$0x2] =	stream.indirect.gather [hbm4b:s1+s23], $0x80, s9, s23, $0xb8;
	[tilespmem:$0x1F840] =	vst v63  }
0x2d1: {  	_ =	swait.ge [sflag:s28], $0x4000  }
.Ltmp2:
0x2d2: {  	[sflag:s28] =	ssyncset.done $0x0;
	(pc) =	sbr.rel @p1 .LBB2_6-.Ltmp2, $4  }
0x2d3: {  	s8 =	sadd.s32 $0x3480, s8;
	[sflag:s28] =	ssyncadd.s32 $0xFFFFC000  }
0x2d4: {  	[spmem:s3] =	stream.indirect.scatter.add.f32 [tilespmem:s24], [sflag:$0x3], $0x80, s8, s23, $0xb8;
	[tilespmem:$0x1F840] =	vst v63  }
0x2d5: {  	_ =	swait.ge [sflag:s20], $0x4000  }
0x2d6: {  	[sflag:s20] =	ssyncset.done $0x0  }
0x2d7: {  	s6 =	sshra.s32 s6, $0x2;
	[sflag:s20] =	ssyncadd.s32 $0xFFFFC000  }
0x2d8: {  	v0 =	vld [tilespmem:s6+$0x2880];
	_ =	sdelay $0x5  }
0x2d9: {  	v1 =	vld [tilespmem:s6+$0x2890];
	_ =	sdelay $0x1  }
0x2da: {  	v0 =	vld.idx.msk [tilespmem:v0+s4+$0x0], $0xffff;
	_ =	sdelay $0x3  }
0x2db: {  	v2 =	vld [tilespmem:s6+$0x28A0]  }
0x2dc: {  	[tilespmem:s6+$0x2880] =	vst v0  }
0x2dd: {  	v0 =	vld.idx.msk [tilespmem:v1+s4+$0x0], $0xffff;
	_ =	sdelay $0x3  }
0x2de: {  	v19 =	vld [tilespmem:s6+$0x28B0]  }
0x2df: {  	[tilespmem:s6+$0x2890] =	vst v0  }
0x2e0: {  	v0 =	vld.idx.msk [tilespmem:v2+s4+$0x0], $0xffff;
	_ =	sdelay $0x3  }
0x2e1: {  	v20 =	vld [tilespmem:s6+$0x28C0]  }
0x2e2: {  	[tilespmem:s6+$0x28A0] =	vst v0  }
0x2e3: {  	v0 =	vld.idx.msk [tilespmem:v19+s4+$0x0], $0xffff;
	_ =	sdelay $0x3  }
0x2e4: {  	v21 =	vld [tilespmem:s6+$0x28D0]  }
0x2e5: {  	[tilespmem:s6+$0x28B0] =	vst v0  }
0x2e6: {  	v0 =	vld.idx.msk [tilespmem:v20+s4+$0x0], $0xffff;
	_ =	sdelay $0x3  }
0x2e7: {  	v22 =	vld [tilespmem:s6+$0x28E0]  }
0x2e8: {  	[tilespmem:s6+$0x28C0] =	vst v0  }
0x2e9: {  	v0 =	vld.idx.msk [tilespmem:v21+s4+$0x0], $0xffff;
	_ =	sdelay $0x3  }
0x2ea: {  	v23 =	vld [tilespmem:s6+$0x28F0]  }
0x2eb: {  	[tilespmem:s6+$0x28D0] =	vst v0  }
0x2ec: {  	v0 =	vld.idx.msk [tilespmem:v22+s4+$0x0], $0xffff;
	_ =	sdelay $0x4  }
0x2ed: {  	[tilespmem:s6+$0x28E0] =	vst v0  }
0x2ee: {  	v0 =	vld.idx.msk [tilespmem:v23+s4+$0x0], $0xffff;
	_ =	sdelay $0x4  }
0x2ef: {  	s8 =	sadd.s32 $0x2880, s6;
	[tilespmem:s6+$0x28F0] =	vst v0  }
0x2f0: {  	[tilespmem:s24], [sflag:$0x1] =	stream.indirect.gather [hbm4b:s1+s23], $0x80, s8, s23, $0xb8;
	[tilespmem:$0x1F840] =	vst v63  }
0x2f1: {  	_ =	swait.ge [sflag:s29], $0x4000  }
0x2f2: {  	[sflag:s29] =	ssyncset.done $0x0  }
0x2f3: {  	s9 =	sadd.s32 $0x3400, s6;
	[sflag:s29] =	ssyncadd.s32 $0xFFFFC000  }
0x2f4: {  	[spmem:s3] =	stream.indirect.scatter.add.f32 [tilespmem:s26], [sflag:$0x3], $0x80, s9, s23, $0xb8;
	[tilespmem:$0x1F840] =	vst v63  }
0x2f5: {  	_ =	swait.ge [sflag:s20], $0x4000  }
0x2f6: {  	[sflag:s20] =	ssyncset.done $0x0  }
0x2f7: {  	[sflag:s20] =	ssyncadd.s32 $0xFFFFC000  }
0x2f8: {  	v24 =	vld [tilespmem:s6+$0x2900];
	_ =	sdelay $0x5  }
0x2f9: {  	v25 =	vld [tilespmem:s6+$0x2910];
	_ =	sdelay $0x1  }
0x2fa: {  	v0 =	vld.idx.msk [tilespmem:v24+s4+$0x0], $0xffff;
	_ =	sdelay $0x3  }
0x2fb: {  	v26 =	vld [tilespmem:s6+$0x2920]  }
0x2fc: {  	[tilespmem:s6+$0x2900] =	vst v0  }
0x2fd: {  	v0 =	vld.idx.msk [tilespmem:v25+s4+$0x0], $0xffff;
	_ =	sdelay $0x3  }
0x2fe: {  	v27 =	vld [tilespmem:s6+$0x2930]  }
0x2ff: {  	[tilespmem:s6+$0x2910] =	vst v0  }
0x300: {  	v0 =	vld.idx.msk [tilespmem:v26+s4+$0x0], $0xffff;
	_ =	sdelay $0x3  }
0x301: {  	v28 =	vld [tilespmem:s6+$0x2940]  }
0x302: {  	[tilespmem:s6+$0x2920] =	vst v0  }
0x303: {  	v0 =	vld.idx.msk [tilespmem:v27+s4+$0x0], $0xffff;
	_ =	sdelay $0x3  }
0x304: {  	v29 =	vld [tilespmem:s6+$0x2950]  }
0x305: {  	[tilespmem:s6+$0x2930] =	vst v0  }
0x306: {  	v0 =	vld.idx.msk [tilespmem:v28+s4+$0x0], $0xffff;
	_ =	sdelay $0x3  }
0x307: {  	v30 =	vld [tilespmem:s6+$0x2960]  }
0x308: {  	[tilespmem:s6+$0x2940] =	vst v0  }
0x309: {  	v0 =	vld.idx.msk [tilespmem:v29+s4+$0x0], $0xffff;
	_ =	sdelay $0x3  }
0x30a: {  	v31 =	vld [tilespmem:s6+$0x2970]  }
0x30b: {  	[tilespmem:s6+$0x2950] =	vst v0  }
0x30c: {  	v0 =	vld.idx.msk [tilespmem:v30+s4+$0x0], $0xffff;
	_ =	sdelay $0x4  }
0x30d: {  	[tilespmem:s6+$0x2960] =	vst v0  }
0x30e: {  	v0 =	vld.idx.msk [tilespmem:v31+s4+$0x0], $0xffff;
	_ =	sdelay $0x4  }
0x30f: {  	s9 =	sadd.s32 $0x2900, s6;
	[tilespmem:s6+$0x2970] =	vst v0  }
0x310: {  	[tilespmem:s26], [sflag:$0x2] =	stream.indirect.gather [hbm4b:s1+s23], $0x80, s9, s23, $0xb8;
	[tilespmem:$0x1F840] =	vst v63  }
0x311: {  	_ =	swait.ge [sflag:s28], $0x4000  }
0x312: {  	[sflag:s28] =	ssyncset.done $0x0  }
0x313: {  	s6 =	sadd.s32 $0x3480, s6;
	[sflag:s28] =	ssyncadd.s32 $0xFFFFC000  }
0x314: {  	[spmem:s3] =	stream.indirect.scatter.add.f32 [tilespmem:s24], [sflag:$0x3], $0x80, s6, s23, $0xb8;
	[tilespmem:$0x1F840] =	vst v63  }
0x315: {  	_ =	swait.ge [sflag:s20], $0x4000  }
0x316: {  	[sflag:s20] =	ssyncset.done $0x0  }
0x317: {  	[sflag:s20] =	ssyncadd.s32 $0xFFFFC000  }
0x318: {  	_ =	swait.ge [sflag:s29], $0x4000  }
0x319: {  	s2 =	sshra.s32 s2, $0x2;
	[sflag:s29] =	ssyncset.done $0x0  }
0x31a: {  	s2 =	sadd.s32 $0x3400, s2;
	[sflag:s29] =	ssyncadd.s32 $0xFFFFC000  }
0x31b: {  	[spmem:s3] =	stream.indirect.scatter.add.f32 [tilespmem:s26], [sflag:$0x3], $0x80, s2, s23, $0xb8;
	[tilespmem:$0x1F840] =	vst v63  }
0x31c: {  	_ =	swait.ge [sflag:s20], $0x4000  }
0x31d: {  	[sflag:s20] =	ssyncset.done $0x0  }
0x31e: {  	s6 =	simm.s32 $0x0;
	[sflag:s20] =	ssyncadd.s32 $0xFFFFC000  }
0x31f: {  	[tilespmem:s21], [sflag:$0x3] =	stream.linear.gather [hbm4b:s15+s6], $0x400, $0x38;
	[tilespmem:$0x1F840] =	vst v63  }
0x320: {  	_ =	swait.ge [sflag:s20], $0x400  }
0x321: {  	[sflag:s20] =	ssyncset.done $0x0  }
0x322: {  	[sflag:s20] =	ssyncadd.s32 $0xFFFFFC00  }
0x323: {  	[tilespmem:s22], [sflag:$0x3] =	stream.linear.gather [hbm4b:s16+s6], $0x400, $0x38;
	[tilespmem:$0x1F840] =	vst v63  }
0x324: {  	_ =	swait.ge [sflag:s20], $0x400  }
0x325: {  	[sflag:s20] =	ssyncset.done $0x0  }
0x326: {  	[sflag:s20] =	ssyncadd.s32 $0xFFFFFC00  }
0x327: {  	v32 =	vld [tilespmem:$0x2780];
	_ =	sdelay $0x5  }
0x328: {  	v33 =	vld [tilespmem:$0x2790];
	_ =	sdelay $0x1  }
0x329: {  	v0 =	vld.idx.msk [tilespmem:v32+s6+$0x0], $0xffff;
	_ =	sdelay $0x3  }
0x32a: {  	v34 =	vld [tilespmem:$0x27A0]  }
0x32b: {  	[tilespmem:$0x2780] =	vst v0  }
0x32c: {  	v0 =	vld.idx.msk [tilespmem:v33+s6+$0x0], $0xffff;
	_ =	sdelay $0x3  }
0x32d: {  	v35 =	vld [tilespmem:$0x27B0]  }
0x32e: {  	[tilespmem:$0x2790] =	vst v0  }
0x32f: {  	v0 =	vld.idx.msk [tilespmem:v34+s6+$0x0], $0xffff;
	_ =	sdelay $0x3  }
0x330: {  	v36 =	vld [tilespmem:$0x27C0]  }
0x331: {  	[tilespmem:$0x27A0] =	vst v0  }
0x332: {  	v0 =	vld.idx.msk [tilespmem:v35+s6+$0x0], $0xffff;
	_ =	sdelay $0x3  }
0x333: {  	v37 =	vld [tilespmem:$0x27D0]  }
0x334: {  	[tilespmem:$0x27B0] =	vst v0  }
0x335: {  	v0 =	vld.idx.msk [tilespmem:v36+s6+$0x0], $0xffff;
	_ =	sdelay $0x3  }
0x336: {  	v38 =	vld [tilespmem:$0x27E0]  }
0x337: {  	[tilespmem:$0x27C0] =	vst v0  }
0x338: {  	v0 =	vld.idx.msk [tilespmem:v37+s6+$0x0], $0xffff;
	_ =	sdelay $0x3  }
0x339: {  	v39 =	vld [tilespmem:$0x27F0]  }
0x33a: {  	[tilespmem:$0x27D0] =	vst v0  }
0x33b: {  	v0 =	vld.idx.msk [tilespmem:v38+s6+$0x0], $0xffff;
	_ =	sdelay $0x4  }
0x33c: {  	[tilespmem:$0x27E0] =	vst v0  }
0x33d: {  	v0 =	vld.idx.msk [tilespmem:v39+s6+$0x0], $0xffff;
	_ =	sdelay $0x4  }
0x33e: {  	[tilespmem:$0x27F0] =	vst v0  }
0x33f: {  	[tilespmem:s24], [sflag:$0x1] =	stream.indirect.gather [hbm4b:s1+s23], $0x80, s21, s23, $0xb8;
	[tilespmem:$0x1F840] =	vst v63  }
0x340: {  	v40 =	vld [tilespmem:$0x2800];
	_ =	sdelay $0x5  }
0x341: {  	v41 =	vld [tilespmem:$0x2810];
	_ =	sdelay $0x1  }
0x342: {  	v0 =	vld.idx.msk [tilespmem:v40+s6+$0x0], $0xffff;
	_ =	sdelay $0x3  }
0x343: {  	v42 =	vld [tilespmem:$0x2820]  }
0x344: {  	[tilespmem:$0x2800] =	vst v0  }
0x345: {  	v0 =	vld.idx.msk [tilespmem:v41+s6+$0x0], $0xffff;
	_ =	sdelay $0x3  }
0x346: {  	v43 =	vld [tilespmem:$0x2830]  }
0x347: {  	[tilespmem:$0x2810] =	vst v0  }
0x348: {  	v0 =	vld.idx.msk [tilespmem:v42+s6+$0x0], $0xffff;
	_ =	sdelay $0x3  }
0x349: {  	v44 =	vld [tilespmem:$0x2840]  }
0x34a: {  	[tilespmem:$0x2820] =	vst v0  }
0x34b: {  	v0 =	vld.idx.msk [tilespmem:v43+s6+$0x0], $0xffff;
	_ =	sdelay $0x3  }
0x34c: {  	v45 =	vld [tilespmem:$0x2850]  }
0x34d: {  	[tilespmem:$0x2830] =	vst v0  }
0x34e: {  	v0 =	vld.idx.msk [tilespmem:v44+s6+$0x0], $0xffff;
	_ =	sdelay $0x3  }
0x34f: {  	v46 =	vld [tilespmem:$0x2860]  }
0x350: {  	[tilespmem:$0x2840] =	vst v0  }
0x351: {  	v0 =	vld.idx.msk [tilespmem:v45+s6+$0x0], $0xffff;
	_ =	sdelay $0x3  }
0x352: {  	v47 =	vld [tilespmem:$0x2870]  }
0x353: {  	[tilespmem:$0x2850] =	vst v0  }
0x354: {  	v0 =	vld.idx.msk [tilespmem:v46+s6+$0x0], $0xffff;
	_ =	sdelay $0x4  }
0x355: {  	[tilespmem:$0x2860] =	vst v0  }
0x356: {  	v0 =	vld.idx.msk [tilespmem:v47+s6+$0x0], $0xffff;
	_ =	sdelay $0x4  }
0x357: {  	[tilespmem:$0x2870] =	vst v0  }
0x358: {  	[tilespmem:s26], [sflag:$0x2] =	stream.indirect.gather [hbm4b:s1+s23], $0x80, s25, s23, $0xb8;
	[tilespmem:$0x1F840] =	vst v63  }
0x359: {  	_ =	swait.ge [sflag:s28], $0x4000  }
0x35a: {  	[sflag:s28] =	ssyncset.done $0x0  }
0x35b: {  	[sflag:s28] =	ssyncadd.s32 $0xFFFFC000  }
0x35c: {  	[spmem:s3] =	stream.indirect.scatter.add.f32 [tilespmem:s24], [sflag:$0x3], $0x80, s22, s23, $0xb8;
	[tilespmem:$0x1F840] =	vst v63  }
0x35d: {  	_ =	swait.ge [sflag:s20], $0x4000  }
0x35e: {  	[sflag:s20] =	ssyncset.done $0x0  }
0x35f: {  	s2 =	simm.s32 $0x0;
	[sflag:s20] =	ssyncadd.s32 $0xFFFFC000  }
0x360: {  	v48 =	vld [tilespmem:s2+$0x2880];
	_ =	sdelay $0x5  }
0x361: {  	v49 =	vld [tilespmem:s2+$0x2890];
	_ =	sdelay $0x1  }
0x362: {  	v0 =	vld.idx.msk [tilespmem:v48+s4+$0x0], $0xffff;
	_ =	sdelay $0x3  }
0x363: {  	v50 =	vld [tilespmem:s2+$0x28A0]  }
0x364: {  	[tilespmem:s2+$0x2880] =	vst v0  }
0x365: {  	v0 =	vld.idx.msk [tilespmem:v49+s4+$0x0], $0xffff;
	_ =	sdelay $0x3  }
0x366: {  	v51 =	vld [tilespmem:s2+$0x28B0]  }
0x367: {  	[tilespmem:s2+$0x2890] =	vst v0  }
0x368: {  	v0 =	vld.idx.msk [tilespmem:v50+s4+$0x0], $0xffff;
	_ =	sdelay $0x3  }
0x369: {  	v52 =	vld [tilespmem:s2+$0x28C0]  }
0x36a: {  	[tilespmem:s2+$0x28A0] =	vst v0  }
0x36b: {  	v0 =	vld.idx.msk [tilespmem:v51+s4+$0x0], $0xffff;
	_ =	sdelay $0x3  }
0x36c: {  	v53 =	vld [tilespmem:s2+$0x28D0]  }
0x36d: {  	[tilespmem:s2+$0x28B0] =	vst v0  }
0x36e: {  	v0 =	vld.idx.msk [tilespmem:v52+s4+$0x0], $0xffff;
	_ =	sdelay $0x3  }
0x36f: {  	v54 =	vld [tilespmem:s2+$0x28E0]  }
0x370: {  	[tilespmem:s2+$0x28C0] =	vst v0  }
0x371: {  	v0 =	vld.idx.msk [tilespmem:v53+s4+$0x0], $0xffff;
	_ =	sdelay $0x3  }
0x372: {  	v55 =	vld [tilespmem:s2+$0x28F0]  }
0x373: {  	[tilespmem:s2+$0x28D0] =	vst v0  }
0x374: {  	v0 =	vld.idx.msk [tilespmem:v54+s4+$0x0], $0xffff;
	_ =	sdelay $0x4  }
0x375: {  	[tilespmem:s2+$0x28E0] =	vst v0  }
0x376: {  	v0 =	vld.idx.msk [tilespmem:v55+s4+$0x0], $0xffff;
	_ =	sdelay $0x4  }
0x377: {  	s8 =	simm.s32 $0x2880;
	[tilespmem:s2+$0x28F0] =	vst v0  }
0x378: {  	[tilespmem:s24], [sflag:$0x1] =	stream.indirect.gather [hbm4b:s1+s23], $0x80, s8, s23, $0xb8;
	[tilespmem:$0x1F840] =	vst v63  }
0x379: {  	_ =	swait.ge [sflag:s29], $0x4000  }
0x37a: {  	[sflag:s29] =	ssyncset.done $0x0  }
0x37b: {  	s9 =	simm.s32 $0x3400;
	[sflag:s29] =	ssyncadd.s32 $0xFFFFC000  }
0x37c: {  	[spmem:s3] =	stream.indirect.scatter.add.f32 [tilespmem:s26], [sflag:$0x3], $0x80, s9, s23, $0xb8;
	[tilespmem:$0x1F840] =	vst v63  }
0x37d: {  	_ =	swait.ge [sflag:s20], $0x4000  }
0x37e: {  	[sflag:s20] =	ssyncset.done $0x0  }
0x37f: {  	[sflag:s20] =	ssyncadd.s32 $0xFFFFC000  }
0x380: {  	v56 =	vld [tilespmem:s2+$0x2900];
	_ =	sdelay $0x5  }
0x381: {  	v57 =	vld [tilespmem:s2+$0x2910];
	_ =	sdelay $0x1  }
0x382: {  	v0 =	vld.idx.msk [tilespmem:v56+s4+$0x0], $0xffff;
	_ =	sdelay $0x3  }
0x383: {  	v58 =	vld [tilespmem:s2+$0x2920]  }
0x384: {  	[tilespmem:s2+$0x2900] =	vst v0  }
0x385: {  	v0 =	vld.idx.msk [tilespmem:v57+s4+$0x0], $0xffff;
	_ =	sdelay $0x3  }
0x386: {  	v59 =	vld [tilespmem:s2+$0x2930]  }
0x387: {  	[tilespmem:s2+$0x2910] =	vst v0  }
0x388: {  	v0 =	vld.idx.msk [tilespmem:v58+s4+$0x0], $0xffff;
	_ =	sdelay $0x3  }
0x389: {  	v60 =	vld [tilespmem:s2+$0x2940]  }
0x38a: {  	[tilespmem:s2+$0x2920] =	vst v0  }
0x38b: {  	v0 =	vld.idx.msk [tilespmem:v59+s4+$0x0], $0xffff;
	_ =	sdelay $0x3  }
0x38c: {  	v61 =	vld [tilespmem:s2+$0x2950]  }
0x38d: {  	[tilespmem:s2+$0x2930] =	vst v0  }
0x38e: {  	v0 =	vld.idx.msk [tilespmem:v60+s4+$0x0], $0xffff;
	_ =	sdelay $0x3  }
0x38f: {  	v62 =	vld [tilespmem:s2+$0x2960]  }
0x390: {  	[tilespmem:s2+$0x2940] =	vst v0  }
0x391: {  	v0 =	vld.idx.msk [tilespmem:v61+s4+$0x0], $0xffff;
	_ =	sdelay $0x3  }
0x392: {  	v63 =	vld [tilespmem:s2+$0x2970]  }
0x393: {  	[tilespmem:s2+$0x2950] =	vst v0  }
0x394: {  	v0 =	vld.idx.msk [tilespmem:v62+s4+$0x0], $0xffff;
	_ =	sdelay $0x4  }
0x395: {  	[tilespmem:s2+$0x2960] =	vst v0  }
0x396: {  	v0 =	vld.idx.msk [tilespmem:v63+s4+$0x0], $0xffff;
	_ =	sdelay $0x4  }
0x397: {  	s8 =	simm.s32 $0x2900;
	[tilespmem:s2+$0x2970] =	vst v0  }
0x398: {  	[tilespmem:s26], [sflag:$0x2] =	stream.indirect.gather [hbm4b:s1+s23], $0x80, s8, s23, $0xb8;
	[tilespmem:$0x1F840] =	vst v63  }
0x399: {  	_ =	swait.ge [sflag:s28], $0x4000  }
0x39a: {  	[sflag:s28] =	ssyncset.done $0x0  }
0x39b: {  	s9 =	simm.s32 $0x3480;
	[sflag:s28] =	ssyncadd.s32 $0xFFFFC000  }
0x39c: {  	[spmem:s3] =	stream.indirect.scatter.add.f32 [tilespmem:s24], [sflag:$0x3], $0x80, s9, s23, $0xb8;
	[tilespmem:$0x1F840] =	vst v63  }
0x39d: {  	_ =	swait.ge [sflag:s20], $0x4000  }
0x39e: {  	s6 =	simm.s32 $0x400;
	s2 =	simm.s32 $0x800;
	[sflag:s20] =	ssyncset.done $0x0  }
.LBB2_8:
0x39f: {  	s8 =	sshra.s32 s6, $0x2  }
0x3a0: {  	[sflag:s20] =	ssyncadd.s32 $0xFFFFC000;
	s6 =	smov.u32 s2;
	s2 =	sadd.s32 $0x400, s2  }
0x3a1: {  	p1 =	sne.s32 s2, $0xC00;
	v0 =	vld [tilespmem:s8+$0x2880];
	_ =	sdelay $0x6  }
0x3a2: {  	v1 =	vld [tilespmem:s8+$0x2890]  }
0x3a3: {  	v0 =	vld.idx.msk [tilespmem:v0+s4+$0x0], $0xffff;
	_ =	sdelay $0x5  }
0x3a4: {  	[tilespmem:s8+$0x2880] =	vst v0;
	v0 =	vld [tilespmem:s8+$0x28A0]  }
0x3a5: {  	v1 =	vld.idx.msk [tilespmem:v1+s4+$0x0], $0xffff;
	_ =	sdelay $0x5  }
0x3a6: {  	[tilespmem:s8+$0x2890] =	vst v1;
	v1 =	vld [tilespmem:s8+$0x28B0]  }
0x3a7: {  	v0 =	vld.idx.msk [tilespmem:v0+s4+$0x0], $0xffff;
	_ =	sdelay $0x5  }
0x3a8: {  	[tilespmem:s8+$0x28A0] =	vst v0;
	v0 =	vld [tilespmem:s8+$0x28C0]  }
0x3a9: {  	v1 =	vld.idx.msk [tilespmem:v1+s4+$0x0], $0xffff;
	_ =	sdelay $0x5  }
0x3aa: {  	[tilespmem:s8+$0x28B0] =	vst v1;
	v1 =	vld [tilespmem:s8+$0x28D0]  }
0x3ab: {  	v0 =	vld.idx.msk [tilespmem:v0+s4+$0x0], $0xffff;
	_ =	sdelay $0x5  }
0x3ac: {  	[tilespmem:s8+$0x28C0] =	vst v0;
	v0 =	vld [tilespmem:s8+$0x28E0]  }
0x3ad: {  	v1 =	vld.idx.msk [tilespmem:v1+s4+$0x0], $0xffff;
	_ =	sdelay $0x5  }
0x3ae: {  	[tilespmem:s8+$0x28D0] =	vst v1;
	v1 =	vld [tilespmem:s8+$0x28F0]  }
0x3af: {  	v0 =	vld.idx.msk [tilespmem:v0+s4+$0x0], $0xffff;
	_ =	sdelay $0x5  }
0x3b0: {  	[tilespmem:s8+$0x28E0] =	vst v0  }
0x3b1: {  	v0 =	vld.idx.msk [tilespmem:v1+s4+$0x0], $0xffff;
	_ =	sdelay $0x5  }
0x3b2: {  	s9 =	sadd.s32 $0x2880, s8;
	[tilespmem:s8+$0x28F0] =	vst v0  }
0x3b3: {  	[tilespmem:s24], [sflag:$0x1] =	stream.indirect.gather [hbm4b:s1+s23], $0x80, s9, s23, $0xb8;
	[tilespmem:$0x1F840] =	vst v63  }
0x3b4: {  	_ =	swait.ge [sflag:s29], $0x4000  }
0x3b5: {  	[sflag:s29] =	ssyncset.done $0x0  }
0x3b6: {  	s9 =	sadd.s32 $0x3400, s8;
	[sflag:s29] =	ssyncadd.s32 $0xFFFFC000  }
0x3b7: {  	[spmem:s3] =	stream.indirect.scatter.add.f32 [tilespmem:s26], [sflag:$0x3], $0x80, s9, s23, $0xb8;
	[tilespmem:$0x1F840] =	vst v63  }
0x3b8: {  	_ =	swait.ge [sflag:s20], $0x4000  }
0x3b9: {  	[sflag:s20] =	ssyncset.done $0x0  }
0x3ba: {  	[sflag:s20] =	ssyncadd.s32 $0xFFFFC000  }
0x3bb: {  	v0 =	vld [tilespmem:s8+$0x2900];
	_ =	sdelay $0x6  }
0x3bc: {  	v1 =	vld [tilespmem:s8+$0x2910]  }
0x3bd: {  	v0 =	vld.idx.msk [tilespmem:v0+s4+$0x0], $0xffff;
	_ =	sdelay $0x5  }
0x3be: {  	[tilespmem:s8+$0x2900] =	vst v0;
	v0 =	vld [tilespmem:s8+$0x2920]  }
0x3bf: {  	v1 =	vld.idx.msk [tilespmem:v1+s4+$0x0], $0xffff;
	_ =	sdelay $0x5  }
0x3c0: {  	[tilespmem:s8+$0x2910] =	vst v1;
	v1 =	vld [tilespmem:s8+$0x2930]  }
0x3c1: {  	v0 =	vld.idx.msk [tilespmem:v0+s4+$0x0], $0xffff;
	_ =	sdelay $0x5  }
0x3c2: {  	[tilespmem:s8+$0x2920] =	vst v0;
	v0 =	vld [tilespmem:s8+$0x2940]  }
0x3c3: {  	v1 =	vld.idx.msk [tilespmem:v1+s4+$0x0], $0xffff;
	_ =	sdelay $0x5  }
0x3c4: {  	[tilespmem:s8+$0x2930] =	vst v1;
	v1 =	vld [tilespmem:s8+$0x2950]  }
0x3c5: {  	v0 =	vld.idx.msk [tilespmem:v0+s4+$0x0], $0xffff;
	_ =	sdelay $0x5  }
0x3c6: {  	[tilespmem:s8+$0x2940] =	vst v0;
	v0 =	vld [tilespmem:s8+$0x2960]  }
0x3c7: {  	v1 =	vld.idx.msk [tilespmem:v1+s4+$0x0], $0xffff;
	_ =	sdelay $0x5  }
0x3c8: {  	[tilespmem:s8+$0x2950] =	vst v1;
	v1 =	vld [tilespmem:s8+$0x2970]  }
0x3c9: {  	v0 =	vld.idx.msk [tilespmem:v0+s4+$0x0], $0xffff;
	_ =	sdelay $0x5  }
0x3ca: {  	[tilespmem:s8+$0x2960] =	vst v0  }
0x3cb: {  	v0 =	vld.idx.msk [tilespmem:v1+s4+$0x0], $0xffff;
	_ =	sdelay $0x5  }
0x3cc: {  	s9 =	sadd.s32 $0x2900, s8;
	[tilespmem:s8+$0x2970] =	vst v0  }
0x3cd: {  	[tilespmem:s26], [sflag:$0x2] =	stream.indirect.gather [hbm4b:s1+s23], $0x80, s9, s23, $0xb8;
	[tilespmem:$0x1F840] =	vst v63  }
0x3ce: {  	_ =	swait.ge [sflag:s28], $0x4000  }
.Ltmp3:
0x3cf: {  	[sflag:s28] =	ssyncset.done $0x0;
	(pc) =	sbr.rel @p1 .LBB2_8-.Ltmp3, $4  }
0x3d0: {  	s8 =	sadd.s32 $0x3480, s8;
	[sflag:s28] =	ssyncadd.s32 $0xFFFFC000  }
0x3d1: {  	[spmem:s3] =	stream.indirect.scatter.add.f32 [tilespmem:s24], [sflag:$0x3], $0x80, s8, s23, $0xb8;
	[tilespmem:$0x1F840] =	vst v63  }
0x3d2: {  	_ =	swait.ge [sflag:s20], $0x4000  }
0x3d3: {  	[sflag:s20] =	ssyncset.done $0x0  }
0x3d4: {  	s6 =	sshra.s32 s6, $0x2;
	[sflag:s20] =	ssyncadd.s32 $0xFFFFC000  }
0x3d5: {  	v0 =	vld [tilespmem:s6+$0x2880];
	_ =	sdelay $0x5  }
0x3d6: {  	v1 =	vld [tilespmem:s6+$0x2890];
	_ =	sdelay $0x1  }
0x3d7: {  	v0 =	vld.idx.msk [tilespmem:v0+s4+$0x0], $0xffff;
	_ =	sdelay $0x3  }
0x3d8: {  	v2 =	vld [tilespmem:s6+$0x28A0]  }
0x3d9: {  	[tilespmem:s6+$0x2880] =	vst v0  }
0x3da: {  	v0 =	vld.idx.msk [tilespmem:v1+s4+$0x0], $0xffff;
	_ =	sdelay $0x3  }
0x3db: {  	v51 =	vld [tilespmem:s6+$0x28B0]  }
0x3dc: {  	[tilespmem:s6+$0x2890] =	vst v0  }
0x3dd: {  	v0 =	vld.idx.msk [tilespmem:v2+s4+$0x0], $0xffff;
	_ =	sdelay $0x3  }
0x3de: {  	v52 =	vld [tilespmem:s6+$0x28C0]  }
0x3df: {  	[tilespmem:s6+$0x28A0] =	vst v0  }
0x3e0: {  	v0 =	vld.idx.msk [tilespmem:v51+s4+$0x0], $0xffff;
	_ =	sdelay $0x3  }
0x3e1: {  	v53 =	vld [tilespmem:s6+$0x28D0]  }
0x3e2: {  	[tilespmem:s6+$0x28B0] =	vst v0  }
0x3e3: {  	v0 =	vld.idx.msk [tilespmem:v52+s4+$0x0], $0xffff;
	_ =	sdelay $0x3  }
0x3e4: {  	v54 =	vld [tilespmem:s6+$0x28E0]  }
0x3e5: {  	[tilespmem:s6+$0x28C0] =	vst v0  }
0x3e6: {  	v0 =	vld.idx.msk [tilespmem:v53+s4+$0x0], $0xffff;
	_ =	sdelay $0x3  }
0x3e7: {  	v55 =	vld [tilespmem:s6+$0x28F0]  }
0x3e8: {  	[tilespmem:s6+$0x28D0] =	vst v0  }
0x3e9: {  	v0 =	vld.idx.msk [tilespmem:v54+s4+$0x0], $0xffff;
	_ =	sdelay $0x4  }
0x3ea: {  	[tilespmem:s6+$0x28E0] =	vst v0  }
0x3eb: {  	v0 =	vld.idx.msk [tilespmem:v55+s4+$0x0], $0xffff;
	_ =	sdelay $0x4  }
0x3ec: {  	s8 =	sadd.s32 $0x2880, s6;
	[tilespmem:s6+$0x28F0] =	vst v0  }
0x3ed: {  	[tilespmem:s24], [sflag:$0x1] =	stream.indirect.gather [hbm4b:s1+s23], $0x80, s8, s23, $0xb8;
	[tilespmem:$0x1F840] =	vst v63  }
0x3ee: {  	_ =	swait.ge [sflag:s29], $0x4000  }
0x3ef: {  	[sflag:s29] =	ssyncset.done $0x0  }
0x3f0: {  	s9 =	sadd.s32 $0x3400, s6;
	[sflag:s29] =	ssyncadd.s32 $0xFFFFC000  }
0x3f1: {  	[spmem:s3] =	stream.indirect.scatter.add.f32 [tilespmem:s26], [sflag:$0x3], $0x80, s9, s23, $0xb8;
	[tilespmem:$0x1F840] =	vst v63  }
0x3f2: {  	_ =	swait.ge [sflag:s20], $0x4000  }
0x3f3: {  	[sflag:s20] =	ssyncset.done $0x0  }
0x3f4: {  	[sflag:s20] =	ssyncadd.s32 $0xFFFFC000  }
0x3f5: {  	v56 =	vld [tilespmem:s6+$0x2900];
	_ =	sdelay $0x5  }
0x3f6: {  	v57 =	vld [tilespmem:s6+$0x2910];
	_ =	sdelay $0x1  }
0x3f7: {  	v0 =	vld.idx.msk [tilespmem:v56+s4+$0x0], $0xffff;
	_ =	sdelay $0x3  }
0x3f8: {  	v58 =	vld [tilespmem:s6+$0x2920]  }
0x3f9: {  	[tilespmem:s6+$0x2900] =	vst v0  }
0x3fa: {  	v0 =	vld.idx.msk [tilespmem:v57+s4+$0x0], $0xffff;
	_ =	sdelay $0x3  }
0x3fb: {  	v59 =	vld [tilespmem:s6+$0x2930]  }
0x3fc: {  	[tilespmem:s6+$0x2910] =	vst v0  }
0x3fd: {  	v0 =	vld.idx.msk [tilespmem:v58+s4+$0x0], $0xffff;
	_ =	sdelay $0x3  }
0x3fe: {  	v60 =	vld [tilespmem:s6+$0x2940]  }
0x3ff: {  	[tilespmem:s6+$0x2920] =	vst v0  }
0x400: {  	v0 =	vld.idx.msk [tilespmem:v59+s4+$0x0], $0xffff;
	_ =	sdelay $0x3  }
0x401: {  	v61 =	vld [tilespmem:s6+$0x2950]  }
0x402: {  	[tilespmem:s6+$0x2930] =	vst v0  }
0x403: {  	v0 =	vld.idx.msk [tilespmem:v60+s4+$0x0], $0xffff;
	_ =	sdelay $0x3  }
0x404: {  	v62 =	vld [tilespmem:s6+$0x2960]  }
0x405: {  	[tilespmem:s6+$0x2940] =	vst v0  }
0x406: {  	v0 =	vld.idx.msk [tilespmem:v61+s4+$0x0], $0xffff;
	_ =	sdelay $0x3  }
0x407: {  	v63 =	vld [tilespmem:s6+$0x2970]  }
0x408: {  	[tilespmem:s6+$0x2950] =	vst v0  }
0x409: {  	v0 =	vld.idx.msk [tilespmem:v62+s4+$0x0], $0xffff;
	_ =	sdelay $0x4  }
0x40a: {  	[tilespmem:s6+$0x2960] =	vst v0  }
0x40b: {  	v0 =	vld.idx.msk [tilespmem:v63+s4+$0x0], $0xffff;
	_ =	sdelay $0x4  }
0x40c: {  	s9 =	sadd.s32 $0x2900, s6;
	[tilespmem:s6+$0x2970] =	vst v0  }
0x40d: {  	[tilespmem:s26], [sflag:$0x2] =	stream.indirect.gather [hbm4b:s1+s23], $0x80, s9, s23, $0xb8;
	[tilespmem:$0x1F840] =	vst v63  }
0x40e: {  	_ =	swait.ge [sflag:s28], $0x4000  }
0x40f: {  	[sflag:s28] =	ssyncset.done $0x0  }
0x410: {  	s6 =	sadd.s32 $0x3480, s6;
	[sflag:s28] =	ssyncadd.s32 $0xFFFFC000  }
0x411: {  	[spmem:s3] =	stream.indirect.scatter.add.f32 [tilespmem:s24], [sflag:$0x3], $0x80, s6, s23, $0xb8;
	[tilespmem:$0x1F840] =	vst v63  }
0x412: {  	_ =	swait.ge [sflag:s20], $0x4000  }
0x413: {  	[sflag:s20] =	ssyncset.done $0x0  }
0x414: {  	[sflag:s20] =	ssyncadd.s32 $0xFFFFC000  }
0x415: {  	_ =	swait.ge [sflag:s29], $0x4000  }
0x416: {  	s2 =	sshra.s32 s2, $0x2;
	[sflag:s29] =	ssyncset.done $0x0  }
0x417: {  	s2 =	sadd.s32 $0x3400, s2;
	[sflag:s29] =	ssyncadd.s32 $0xFFFFC000  }
0x418: {  	[spmem:s3] =	stream.indirect.scatter.add.f32 [tilespmem:s26], [sflag:$0x3], $0x80, s2, s23, $0xb8;
	[tilespmem:$0x1F840] =	vst v63  }
0x419: {  	_ =	swait.ge [sflag:s20], $0x4000  }
0x41a: {  	[sflag:s20] =	ssyncset.done $0x0  }
0x41b: {  	[sflag:s20] =	ssyncadd.s32 $0xFFFFC000  }
0x41c: {  	[bflag:$0x0] =	sbarrier.arrive $0xFFFF  }
0x41d: {  	[hbm:s17], [sflag:s7] =	dma.local [spmem:s31], $0x2700  }
0x41e: {  	_ =	swait.ge [sflag:s20], $0x2700  }
0x41f: {  	s30 =	sadd.s32 $0x1, s30;
	[sflag:s20] =	ssyncset.done $0x0  }
0x420: {  	p1 =	sne.s32 s30, s19;
	[sflag:s20] =	ssyncadd.s32 $0xFFFFD900  }
0x421: {  	[hbm:s18], [sflag:s7] =	dma.local @!p0 [spmem:s0], $0x100  }
.Ltmp4:
0x422: {  	_ = 	snop;
	(pc) =	sbr.rel @p1 .LBB2_1-.Ltmp4, $4  }
0x423: {  	s0 =	simm.s32 @!p0 $0x3  }
0x424: {  	_ =	swait.ge @!p0 [sflag:s0], $0x100  }
0x425: {  	[sflag:s0] =	ssyncset.done @!p0 $0x0  }
0x426: {  	[sflag:s0] =	ssyncadd.s32 @!p0 $0xFFFFFF00  }
0x427: {  	_ =	sfence.sel $0x180000  }
0x428: {  	[bflag:$0x0] =	sbarrier.arrive $0xFFFF  }
0x429: {  	_ =	strace $0x90000047  }
0x42a: {  	[bflag:$0x2] =	sbarrier.arrive $0xFFFF  }
0x42b: {  	s0 =	rddreg [dreg:$0x4]  }
0x42c: {  	s0 =	sadd.s32 @!p0 $0x100000, s0  }
0x42d: {  	[sflag:s0] =	ssyncadd.tile.s32 @!p0 $0x1;
	_ =	shalt  }
.Lfunc_end2:
_tile_overlayer_lowered:
.L_overlay_start_2:
0x42e: {  	(tag) =	ssettag $0x2  }
0x42f: {  	s0 =	rddreg [dreg:$0x0];
	s2 =	stileid.u32  }
0x430: {  	s1 =	rddreg [dreg:$0x1];
	p0 =	sne.s32 s2, $0x0  }
0x431: {  	s3 =	rddreg [dreg:$0x2];
	[bflag:$0x3] =	sbarrier.arrive $0xFFFF;
	s2 =	simm.s32 @!p0 $0x1C03  }
0x432: {  	[timem:s3], [sflag:s2] =	dma.local @!p0 [hbm:s0], s1  }
0x433: {  	s0 =	simm.s32 @!p0 $0x3  }
0x434: {  	_ =	swait.ge @!p0 [sflag:s0], s1  }
0x435: {  	s1 =	ssub.s32 @!p0 $0x0, s1;
	[sflag:s0] =	ssyncset.done @!p0 $0x0  }
0x436: {  	[sflag:s0] =	ssyncadd.s32 @!p0 s1  }
0x437: {  	[bflag:$0x3] =	sbarrier.arrive $0xFFFF  }
0x438: {  	_ =	shalt  }

// kernel: kernel.9.cloned.1.call-start
scs
__scs_entry_jumppad:
0x0: {  	(pc) =	sbr.rel $0x88, $3  }
0x1: {  	(tag) =	ssettag $0x0;
	lr =	simm.s32 $0x1  }
0x2: {  	[smem:$0x3F9A] =	sst lr;
	_ =	strace $0xD0000000  }
0x3: {  	_ = 	snop  }
0x4: {  	_ = 	snop  }
0x5: {  	_ = 	snop  }
0x6: {  	_ = 	snop  }
0x7: {  	_ = 	snop  }
__scs_overlays_trampoline_lowered:
0x8: {  	[smem:$0x3FA9] =	sst s0  }
0x9: {  	[smem:$0x3FAA] =	sst s1  }
0xa: {  	[smem:$0x3FAB] =	sst s2  }
0xb: {  	[smem:$0x3FAC] =	sst s3  }
0xc: {  	[smem:$0x3FAD] =	sst s4  }
0xd: {  	[smem:$0x3FAE] =	sst s5  }
0xe: {  	[smem:$0x3FAF] =	sst s6  }
0xf: {  	[smem:$0x3FB0] =	sst s7  }
0x10: {  	[smem:$0x3FB1] =	sst s8  }
0x11: {  	[smem:$0x3FB2] =	sst s9;
	s0 =	simm.s32 @!p0 $0x0  }
0x12: {  	s1 =	sld [smem:$0x3F98];
	s0 =	simm.s32 @p0 $0x1  }
0x13: {  	[smem:$0x3FB3] =	sst s0;
	s0 =	simm.s32 @!p1 $0x0  }
0x14: {  	s2 =	sld [smem:$0x3F97];
	s0 =	simm.s32 @p1 $0x1  }
0x15: {  	[smem:$0x3FB4] =	sst s0;
	s0 =	simm.s32 @!p2 $0x0  }
0x16: {  	s3 =	sld [smem:$0x3FDB];
	s0 =	simm.s32 @p2 $0x1  }
0x17: {  	s4 =	simm.s32 $0x1BF5;
	[smem:$0x3FB6] =	sst s0  }
0x18: {  	s0 =	sld [smem:$0x3F99];
	_ =	swait.ge [sflag:s4], $0x0  }
0x19: {  	s7 =	sld [smem:$0x3F9A]  }
0x1a: {  	s8 =	sadd.s32 $0xFFFFE003, lr  }
0x1b: {  	s9 =	sadd.s32 $0xFFFFFEF7, lr;
	s5 =	simm.s32 $0xFFFFFFFF;
	p2 =	slt.u32 s8, $0xFFFFF086  }
0x1c: {  	p1 =	slt.u32 s9, $0xF7A;
	s5 =	simm.s32 @!p2 $0x0  }
0x1d: {  	s5 =	simm.s32 @p1 $0x1;
	p0 =	seq.s32 s7, s2  }
0x1e: {  	s7 =	smul.u32 @!p0 $0xF7A, s2;
	p2 =	seq.s32 @!p0 s5, $0x0  }
0x1f: {  	s9 =	smul.u32 $0xF7A, s1;
	s8 =	simm.s32 @!p0 $0x1BF5;
	p2 =	por !p2, p0  }
0x20: {  	[sflag:s8] =	ssyncset.s32 @!p0 $0xFFFFF086;
	s6 =	sadd.s32 @!p0 s3, s7;
	s7 =	simm.s32 @!p0 $0x108  }
0x21: {  	s3 =	sadd.s32 s3, s9;
	s6 =	sadd.s32 @!p0 $0x88, s6;
	s7 =	simm.s32 @p2 $0x1082  }
0x22: {  	[simem:s7], [sflag:s8] =	dma.local @!p0 [hbm:s6], $0xF7A  }
0x23: {  	s9 =	sor.u32 $0xD0000000, s2;
	s6 =	simm.s32 $0x108;
	_ =	swait.ge @!p0 [sflag:s8], $0x0  }
0x24: {  	s3 =	sadd.s32 $0x88, s3;
	s6 =	simm.s32 @!p1 $0x1082;
	[sflag:s4] =	ssyncset.s32 $0xFFFFF086  }
0x25: {  	[simem:s6], [sflag:s4] =	dma.local [hbm:s3], $0xF7A  }
0x26: {  	[smem:$0x3F9A] =	sst s1;
	(tag) =	ssettag s2;
	_ =	strace s9  }
0x27: {  	s1 =	sld [smem:$0x3FAA]  }
0x28: {  	s2 =	sld [smem:$0x3FAB]  }
0x29: {  	s4 =	sld [smem:$0x3FAD]  }
0x2a: {  	p0 =	seq.s32 s5, $0x0;
	s5 =	sld [smem:$0x3FAE]  }
0x2b: {  	s6 =	sld [smem:$0x3FAF]  }
0x2c: {  	s7 =	sld [smem:$0x3FB0]  }
0x2d: {  	s3 =	simm.s32 $0x108;
	s8 =	sld [smem:$0x3FB1]  }
0x2e: {  	s3 =	simm.s32 @!p0 $0x1082;
	s9 =	sld [smem:$0x3FB2]  }
0x2f: {  	lr =	sadd.s32 s0, s3;
	s0 =	sld [smem:$0x3FA9]  }
0x30: {  	s3 =	sld [smem:$0x3FAC]  }
0x31: {  	[smem:$0x3FB5] =	sst s10  }
0x32: {  	s10 =	sld [smem:$0x3FB3];
	_ =	sdelay $0x3  }
0x33: {  	p0 =	seq.s32 s10, $0x1;
	s10 =	sld [smem:$0x3FB5];
	_ =	sdelay $0x3  }
0x34: {  	[smem:$0x3FB5] =	sst s10  }
0x35: {  	s10 =	sld [smem:$0x3FB4];
	_ =	sdelay $0x3  }
0x36: {  	p1 =	seq.s32 s10, $0x1;
	s10 =	sld [smem:$0x3FB5];
	_ =	sdelay $0x3  }
0x37: {  	[smem:$0x3FB5] =	sst s10  }
0x38: {  	s10 =	sld [smem:$0x3FB6]  }
0x39: {  	_ = 	snop;
	(pc) =	sbr.ind lr, $3  }
0x3a: {  	_ = 	snop  }
0x3b: {  	_ = 	snop  }
0x3c: {  	p2 =	seq.s32 s10, $0x1;
	s10 =	sld [smem:$0x3FB5]  }
0x3d: {  	_ =	shalt  }
0x3e: {  	_ =	shalt  }
0x3f: {  	_ =	shalt  }
0x40: {  	_ =	shalt  }
0x41: {  	_ =	shalt  }
0x42: {  	_ =	shalt  }
0x43: {  	_ =	shalt  }
0x44: {  	_ =	shalt  }
0x45: {  	_ =	shalt  }
0x46: {  	_ =	shalt  }
0x47: {  	_ =	shalt  }
0x48: {  	_ =	shalt  }
0x49: {  	_ =	shalt  }
0x4a: {  	_ =	shalt  }
0x4b: {  	_ =	shalt  }
0x4c: {  	_ =	shalt  }
0x4d: {  	_ =	shalt  }
0x4e: {  	_ =	shalt  }
0x4f: {  	_ =	shalt  }
0x50: {  	_ =	shalt  }
0x51: {  	_ =	shalt  }
0x52: {  	_ =	shalt  }
0x53: {  	_ =	shalt  }
0x54: {  	_ =	shalt  }
0x55: {  	_ =	shalt  }
0x56: {  	_ =	shalt  }
0x57: {  	_ =	shalt  }
0x58: {  	_ =	shalt  }
0x59: {  	_ =	shalt  }
0x5a: {  	_ =	shalt  }
0x5b: {  	_ =	shalt  }
0x5c: {  	_ =	shalt  }
0x5d: {  	_ =	shalt  }
0x5e: {  	_ =	shalt  }
0x5f: {  	_ =	shalt  }
0x60: {  	_ =	shalt  }
0x61: {  	_ =	shalt  }
0x62: {  	_ =	shalt  }
0x63: {  	_ =	shalt  }
0x64: {  	_ =	shalt  }
0x65: {  	_ =	shalt  }
0x66: {  	_ =	shalt  }
0x67: {  	_ =	shalt  }
0x68: {  	_ =	shalt  }
0x69: {  	_ =	shalt  }
0x6a: {  	_ =	shalt  }
0x6b: {  	_ =	shalt  }
0x6c: {  	_ =	shalt  }
0x6d: {  	_ =	shalt  }
0x6e: {  	_ =	shalt  }
0x6f: {  	_ =	shalt  }
0x70: {  	_ =	shalt  }
0x71: {  	_ =	shalt  }
0x72: {  	_ =	shalt  }
0x73: {  	_ =	shalt  }
0x74: {  	_ =	shalt  }
0x75: {  	_ =	shalt  }
0x76: {  	_ =	shalt  }
0x77: {  	_ =	shalt  }
0x78: {  	_ =	shalt  }
0x79: {  	_ =	shalt  }
0x7a: {  	_ =	shalt  }
0x7b: {  	_ =	shalt  }
0x7c: {  	_ =	shalt  }
0x7d: {  	_ =	shalt  }
0x7e: {  	_ =	shalt  }
0x7f: {  	_ =	shalt  }
0x80: {  	_ =	shalt  }
0x81: {  	_ =	shalt  }
0x82: {  	_ =	shalt  }
0x83: {  	_ =	shalt  }
0x84: {  	_ =	shalt  }
0x85: {  	_ =	shalt  }
0x86: {  	_ =	shalt  }
0x87: {  	_ =	shalt  }
.Lfunc_end0:
.L_simem_size_0:
called_computation.1_lowered:
.L_overlay_start_0:
0x88: {  	s2 =	sld [smem:$0x3FD9]  }
0x89: {  	s3 =	sld [smem:$0x3FFE];
	_ =	sdelay $0x1  }
0x8a: {  	s1 =	srdreg.scid  }
0x8b: {  	s0 =	sand.u32 $0x1, s1  }
0x8c: {  	s17 =	sshll.u32 s0, $0xA;
	s2 =	sadd.s32 s3, s2  }
0x8d: {  	s2 =	sadd.s32 s2, s17  }
0x8e: {  	[smem:$0x3FC1] =	sst s2  }
0x8f: {  	_ = 	snop  }
0x90: {  	s2 =	sld [smem:$0x3FD0];
	(tm) =	ssettm $0x1  }
0x91: {  	s18 =	sld [smem:$0x3FFB];
	_ =	sdelay $0x3  }
0x92: {  	_ =	strace s18  }
0x93: {  	s3 =	sld [smem:$0x3FFC];
	_ =	sdelay $0x3  }
0x94: {  	_ =	strace s3  }
0x95: {  	s3 =	sld [smem:$0x3FFD];
	_ =	sdelay $0x3  }
0x96: {  	_ =	strace s3  }
0x97: {  	_ =	strace $0x8FFFFFFF  }
0x98: {  	s19 =	sld [smem:$0x3FDB];
	_ =	sdelay $0x1  }
0x99: {  	s4 =	simm.s32 $_scs_section_size  }
0x9a: {  	s5 =	simm.s32 $_size__tile_overlayer_lowered;
	s6 =	simm.s32 $_tile_overlayer_lowered  }
0x9b: {  	s22 =	simm.s32 $0x1BFF;
	s21 =	sshll.u32 s6, $0x1;
	s3 =	sadd.s32 s4, s19  }
0x9c: {  	s7 =	simm.s32 $0x0;
	s20 =	sshll.u32 s5, $0x1;
	s5 =	sadd.s32 s21, s3  }
0x9d: {  	[timem:s7], [sflag:s22] =	dma.local [hbm:s5], s20  }
0x9e: {  	_ =	swait.ge [sflag:s22], s20  }
0x9f: {  	s4 =	ssub.s32 $0x0, s20;
	[sflag:s22] =	ssyncset.done $0x0  }
0xa0: {  	[sflag:s22] =	ssyncadd.s32 s4;
	_ =	sdelay $0x1  }
0xa1: {  	s23 =	simm.s32 $0x1B8B  }
0xa2: {  	_ =	swait.ge [sflag:s23], $0x1  }
0xa3: {  	[sflag:s23] =	ssyncset.done $0x0  }
0xa4: {  	s25 =	simm.s32 $0x1B8E;
	s24 =	sld [smem:$0x3FFE];
	[sflag:s23] =	ssyncadd.s32 $0xFFFFFFFF  }
0xa5: {  	s26 =	simm.s32 $execute0_lowered;
	[smem:$0x3FD2] =	sst s25  }
0xa6: {  	s5 =	sshll.u32 s26, $0x1;
	_ =	strace $0x80000049;
	[dreg:$0x1] =	wrdreg $0xFFFFFFFF  }
0xa7: {  	s28 =	simm.s32 $_size_execute0_lowered;
	s3 =	sadd.s32 s3, s5;
	[dreg:$0x0] =	wrdreg $0x0  }
0xa8: {  	s5 =	sshll.u32 s28, $0x1;
	[dreg:$0x2] =	wrdreg s3  }
0xa9: {  	[dreg:$0x3] =	wrdreg s5  }
0xaa: {  	[dreg:$0x4] =	wrdreg $0xC0  }
0xab: {  	_ =	task [dreg:s7], $0x5FFFF  }
0xac: {  	[dreg:$0x1] =	wrdreg $0xFFFFFFFF  }
0xad: {  	[dreg:$0x0] =	wrdreg $0x60  }
0xae: {  	[dreg:$0x2] =	wrdreg s2  }
0xaf: {  	[dreg:$0x3] =	wrdreg s24  }
0xb0: {  	[dreg:$0x4] =	wrdreg $0xA8000  }
0xb1: {  	[dreg:$0x5] =	wrdreg $0x9  }
0xb2: {  	_ =	task.clear_ibuf [dreg:s7], $0x6FFFF;
	_ =	strace $0x90000049  }
0xb3: {  	s29 =	simm.s32 $0x9;
	_ =	strace $0x8000004B  }
0xb4: {  	_ =	swait.ge [sflag:s29], $0x1  }
0xb5: {  	[sflag:s29] =	ssyncadd.s32 $0xFFFFFFFF  }
0xb6: {  	_ =	strace $0x9000004B  }
0xb7: {  	_ =	sfence  }
0xb8: {  	s30 =	sld [smem:$0x0];
	_ =	sdelay $0x2  }
0xb9: {  	s31 =	sshll.u32 s1, $0xD;
	s1 =	sshrl.u32 s1, $0x2  }
0xba: {  	s3 =	sand.u32 $0x4000, s31;
	s1 =	sadd.s32 s1, s30  }
0xbb: {  	s0 =	sor.u32 s3, s0;
	s1 =	sshll.u32 s1, $0x11  }
0xbc: {  	s0 =	sor.u32 s1, s0  }
0xbd: {  	s0 =	sadd.s32 $0x8F2B, s0  }
0xbe: {  	[sflag:s0] =	ssyncadd.remote.s32 $0x1  }
0xbf: {  	_ =	sfence.sel $0xFFFF  }
0xc0: {  	[dreg:$0x0] =	wrdreg $0xFFFFFFFF;
	(pc) =	sbr.abs _section_cstart, $3  }
0xc1: {  	[dreg:$0x1] =	wrdreg $0xFFFFFFFF  }
0xc2: {  	_ =	task.clear_ibuf [dreg:s7], $0x2FFFF;
	_ =	strace $0x9FFFFFFF  }
0xc3: {  	(tm) =	ssettm $0x7FFFFFFF  }
tec
execute0_lowered:
.L_overlay_start_1:
0x0: {  	(tag) =	ssettag $0x1  }
0x1: {  	s1 =	rddreg [dreg:$0x0]  }
0x2: {  	s5 =	rddreg [dreg:$0x1]  }
0x3: {  	s2 =	rddreg [dreg:$0x2]  }
0x4: {  	s0 =	rddreg [dreg:$0x3]  }
0x5: {  	s3 =	simm.s32 $0x0;
	s4 =	srdreg.scid;
	s13 =	stileid.u32  }
0x6: {  	s19 =	simm.s32 $0x6800;
	s20 =	simm.s32 $0x1;
	s21 =	simm.s32 $0x2  }
0x7: {  	s22 =	simm.s32 $0x2700;
	s23 =	simm.s32 $0x2780;
	s24 =	simm.s32 $0x0  }
0x8: {  	[smem:$0x7FF] =	sst s3;
	s8 =	sadd.s32 $0x1000, s5;
	s6 =	sand.u32 $0x1, s4  }
0x9: {  	s9 =	sadd.s32 $0xB000, s5;
	s11 =	smul.u32 $0x4E000, s13;
	s15 =	sadd.s32 $0x17800, s5  }
0xa: {  	s28 =	sshll.u32 s13, $0x6;
	s30 =	smul.u32 $0x13800, s13;
	s17 =	sadd.s32 $0x138000, s2  }
0xb: {  	p0 =	sne.s32 s13, $0x0;
	_ =	strace $0x8000004A;
	s4 =	sshll.u32 s6, $0x4  }
0xc: {  	s7 =	ssub.s32 $0x2, s6;
	s29 =	smul.u32 $0x138800, s6;
	s10 =	sor.u32 s13, s4  }
0xd: {  	s4 =	sadd.s32 $0x15000, s5;
	s12 =	sshrl.u32 s7, $0x1;
	s26 =	sshrl.u32 s11, $0x2  }
0xe: {  	s5 =	sor.u32 $0x1C03, s28;
	s14 =	smul.u32 $0x500, s10;
	s12 =	ssub.s32 s7, s12  }
0xf: {  	s25 =	smul.u32 $0x2800, s10;
	s10 =	sadd.s32 s30, s29;
	s11 =	sshrl.u32 s29, $0x3  }
0x10: {  	s16 =	sadd.s32 s26, s2;
	s10 =	sshrl.u32 s10, $0x3;
	s11 =	sadd.s32 s15, s11  }
0x11: {  	s12 =	smax.u32 s12, $0x1;
	s13 =	sshrl.u32 s16, $0x3;
	s16 =	simm.s32 $0x1400  }
0x12: {  	s6 =	sadd.s32 s8, s14;
	s18 =	sshrl.u32 s25, $0x3;
	s7 =	sadd.s32 s9, s14  }
0x13: {  	s10 =	sadd.s32 s15, s10;
	s11 =	sadd.s32 $0x27000, s11;
	s14 =	simm.s32 $0x3  }
0x14: {  	s15 =	sshrl.u32 @!p0 s17, $0x3;
	s17 =	simm.s32 $0x80;
	s31 =	sadd.s32 $0x280, s18  }
0x15: {  	s18 =	simm.s32 $0x2800;
	s8 =	sadd.s32 s8, s31;
	s9 =	sadd.s32 s9, s31  }
.LBB2_1:
0x16: {  	[spmem:s13], [sflag:s5] =	dma.local [hbm:s4], $0x2700  }
0x17: {  	_ =	swait.ge [sflag:s14], $0x2700  }
0x18: {  	[sflag:s14] =	ssyncset.done $0x0  }
0x19: {  	s25 =	simm.s32 @!p0 $0x3;
	[sflag:s14] =	ssyncadd.s32 $0xFFFFD900  }
0x1a: {  	[spmem:s15], [sflag:s5] =	dma.local @!p0 [hbm:s4], $0x180  }
0x1b: {  	_ =	swait.ge @!p0 [sflag:s25], $0x180  }
0x1c: {  	[sflag:s25] =	ssyncset.done @!p0 $0x0  }
0x1d: {  	[sflag:s25] =	ssyncadd.s32 @!p0 $0xFFFFFE80  }
0x1e: {  	[bflag:$0x0] =	sbarrier.arrive $0xFFFF  }
0x1f: {  	[tilespmem:s3], [sflag:$0x3] =	stream.linear.gather [hbm4b:s6+s3], $0x1400, $0x38;
	[tilespmem:$0x1E0C0] =	vst v63  }
0x20: {  	_ =	swait.ge [sflag:s14], $0x1400  }
0x21: {  	[sflag:s14] =	ssyncset.done $0x0  }
0x22: {  	[sflag:s14] =	ssyncadd.s32 $0xFFFFEC00  }
0x23: {  	[tilespmem:s16], [sflag:$0x3] =	stream.linear.gather [hbm4b:s7+s3], $0x1400, $0x38;
	[tilespmem:$0x1E0C0] =	vst v63  }
0x24: {  	_ =	swait.ge [sflag:s14], $0x1400  }
0x25: {  	[sflag:s14] =	ssyncset.done $0x0  }
0x26: {  	[sflag:s14] =	ssyncadd.s32 $0xFFFFEC00  }
0x27: {  	[tilespmem:s18], [sflag:$0x1] =	stream.indirect.gather [hbm4b:s1+s17], $0x80, s3, s17, $0xb8;
	[tilespmem:$0x1E0C0] =	vst v63  }
0x28: {  	_ = 	snop  }
0x29: {  	[tilespmem:s19], [sflag:$0x2] =	stream.indirect.gather [hbm4b:s1+s17], $0x80, s17, s17, $0xb8;
	[tilespmem:$0x1E0C0] =	vst v63  }
0x2a: {  	_ =	swait.ge [sflag:s20], $0x4000  }
0x2b: {  	[sflag:s20] =	ssyncset.done $0x0  }
0x2c: {  	s29 =	simm.s32 $0x1400;
	[sflag:s20] =	ssyncadd.s32 $0xFFFFC000  }
0x2d: {  	[spmem:s2] =	stream.indirect.scatter.add.f32 [tilespmem:s18], [sflag:$0x3], $0x80, s29, s17, $0xb8;
	[tilespmem:$0x1E0C0] =	vst v63  }
0x2e: {  	_ =	swait.ge [sflag:s14], $0x4000  }
0x2f: {  	[sflag:s14] =	ssyncset.done $0x0  }
0x30: {  	s30 =	simm.s32 $0x100;
	[sflag:s14] =	ssyncadd.s32 $0xFFFFC000  }
0x31: {  	[tilespmem:s18], [sflag:$0x1] =	stream.indirect.gather [hbm4b:s1+s17], $0x80, s30, s17, $0xb8;
	[tilespmem:$0x1E0C0] =	vst v63  }
0x32: {  	_ =	swait.ge [sflag:s21], $0x4000  }
0x33: {  	[sflag:s21] =	ssyncset.done $0x0  }
0x34: {  	s31 =	simm.s32 $0x1480;
	[sflag:s21] =	ssyncadd.s32 $0xFFFFC000  }
0x35: {  	[spmem:s2] =	stream.indirect.scatter.add.f32 [tilespmem:s19], [sflag:$0x3], $0x80, s31, s17, $0xb8;
	[tilespmem:$0x1E0C0] =	vst v63  }
0x36: {  	_ =	swait.ge [sflag:s14], $0x4000  }
0x37: {  	[sflag:s14] =	ssyncset.done $0x0  }
0x38: {  	s26 =	simm.s32 $0x180;
	s25 =	simm.s32 $0x400;
	[sflag:s14] =	ssyncadd.s32 $0xFFFFC000  }
.LBB2_2:
0x39: {  	[tilespmem:s19], [sflag:$0x2] =	stream.indirect.gather [hbm4b:s1+s17], $0x80, s26, s17, $0xb8;
	[tilespmem:$0x1E0C0] =	vst v63  }
0x3a: {  	s26 =	smov.u32 s25  }
0x3b: {  	p1 =	sne.s32 s25, $0x4800;
	s25 =	sadd.s32 $0x400, s25;
	_ =	swait.ge [sflag:s20], $0x4000  }
0x3c: {  	s26 =	sshra.s32 s26, $0x2;
	[sflag:s20] =	ssyncset.done $0x0  }
0x3d: {  	s28 =	sadd.s32 $0x1400, s26;
	[sflag:s20] =	ssyncadd.s32 $0xFFFFC000  }
0x3e: {  	[spmem:s2] =	stream.indirect.scatter.add.f32 [tilespmem:s18], [sflag:$0x3], $0x80, s28, s17, $0xb8;
	[tilespmem:$0x1E0C0] =	vst v63  }
0x3f: {  	_ =	swait.ge [sflag:s14], $0x4000  }
0x40: {  	[sflag:s14] =	ssyncset.done $0x0  }
0x41: {  	s28 =	sadd.s32 $0x100, s26;
	[sflag:s14] =	ssyncadd.s32 $0xFFFFC000  }
0x42: {  	[tilespmem:s18], [sflag:$0x1] =	stream.indirect.gather [hbm4b:s1+s17], $0x80, s28, s17, $0xb8;
	[tilespmem:$0x1E0C0] =	vst v63  }
0x43: {  	_ =	swait.ge [sflag:s21], $0x4000  }
0x44: {  	[sflag:s21] =	ssyncset.done $0x0  }
.Ltmp0:
0x45: {  	s28 =	sadd.s32 $0x1480, s26;
	[sflag:s21] =	ssyncadd.s32 $0xFFFFC000;
	(pc) =	sbr.rel @p1 .LBB2_2-.Ltmp0, $4  }
0x46: {  	[spmem:s2] =	stream.indirect.scatter.add.f32 [tilespmem:s19], [sflag:$0x3], $0x80, s28, s17, $0xb8;
	[tilespmem:$0x1E0C0] =	vst v63  }
0x47: {  	_ =	swait.ge [sflag:s14], $0x4000  }
0x48: {  	[sflag:s14] =	ssyncset.done $0x0  }
0x49: {  	s26 =	sadd.s32 $0x180, s26;
	[sflag:s14] =	ssyncadd.s32 $0xFFFFC000  }
0x4a: {  	[tilespmem:s19], [sflag:$0x2] =	stream.indirect.gather [hbm4b:s1+s17], $0x80, s26, s17, $0xb8;
	[tilespmem:$0x1E0C0] =	vst v63  }
0x4b: {  	_ =	swait.ge [sflag:s20], $0x4000  }
0x4c: {  	[sflag:s20] =	ssyncset.done $0x0  }
0x4d: {  	[sflag:s20] =	ssyncadd.s32 $0xFFFFC000  }
0x4e: {  	[spmem:s2] =	stream.indirect.scatter.add.f32 [tilespmem:s18], [sflag:$0x3], $0x80, s22, s17, $0xb8;
	[tilespmem:$0x1E0C0] =	vst v63  }
0x4f: {  	_ =	swait.ge [sflag:s14], $0x4000  }
0x50: {  	[sflag:s14] =	ssyncset.done $0x0  }
0x51: {  	[sflag:s14] =	ssyncadd.s32 $0xFFFFC000  }
0x52: {  	_ =	swait.ge [sflag:s21], $0x4000  }
0x53: {  	[sflag:s21] =	ssyncset.done $0x0  }
0x54: {  	[sflag:s21] =	ssyncadd.s32 $0xFFFFC000  }
0x55: {  	[spmem:s2] =	stream.indirect.scatter.add.f32 [tilespmem:s19], [sflag:$0x3], $0x80, s23, s17, $0xb8;
	[tilespmem:$0x1E0C0] =	vst v63  }
0x56: {  	_ =	swait.ge [sflag:s14], $0x4000  }
0x57: {  	[sflag:s14] =	ssyncset.done $0x0  }
0x58: {  	s25 =	simm.s32 $0x0;
	[sflag:s14] =	ssyncadd.s32 $0xFFFFC000  }
0x59: {  	[tilespmem:s25], [sflag:$0x3] =	stream.linear.gather [hbm4b:s8+s25], $0x1400, $0x38;
	[tilespmem:$0x1E0C0] =	vst v63  }
0x5a: {  	_ =	swait.ge [sflag:s14], $0x1400  }
0x5b: {  	[sflag:s14] =	ssyncset.done $0x0  }
0x5c: {  	[sflag:s14] =	ssyncadd.s32 $0xFFFFEC00  }
0x5d: {  	[tilespmem:s16], [sflag:$0x3] =	stream.linear.gather [hbm4b:s9+s25], $0x1400, $0x38;
	[tilespmem:$0x1E0C0] =	vst v63  }
0x5e: {  	_ =	swait.ge [sflag:s14], $0x1400  }
0x5f: {  	[sflag:s14] =	ssyncset.done $0x0  }
0x60: {  	[sflag:s14] =	ssyncadd.s32 $0xFFFFEC00  }
0x61: {  	[tilespmem:s18], [sflag:$0x1] =	stream.indirect.gather [hbm4b:s1+s17], $0x80, s25, s17, $0xb8;
	[tilespmem:$0x1E0C0] =	vst v63  }
0x62: {  	_ = 	snop  }
0x63: {  	[tilespmem:s19], [sflag:$0x2] =	stream.indirect.gather [hbm4b:s1+s17], $0x80, s17, s17, $0xb8;
	[tilespmem:$0x1E0C0] =	vst v63  }
0x64: {  	_ =	swait.ge [sflag:s20], $0x4000  }
0x65: {  	[sflag:s20] =	ssyncset.done $0x0  }
0x66: {  	s29 =	simm.s32 $0x1400;
	[sflag:s20] =	ssyncadd.s32 $0xFFFFC000  }
0x67: {  	[spmem:s2] =	stream.indirect.scatter.add.f32 [tilespmem:s18], [sflag:$0x3], $0x80, s29, s17, $0xb8;
	[tilespmem:$0x1E0C0] =	vst v63  }
0x68: {  	_ =	swait.ge [sflag:s14], $0x4000  }
0x69: {  	[sflag:s14] =	ssyncset.done $0x0  }
0x6a: {  	s30 =	simm.s32 $0x100;
	[sflag:s14] =	ssyncadd.s32 $0xFFFFC000  }
0x6b: {  	[tilespmem:s18], [sflag:$0x1] =	stream.indirect.gather [hbm4b:s1+s17], $0x80, s30, s17, $0xb8;
	[tilespmem:$0x1E0C0] =	vst v63  }
0x6c: {  	_ =	swait.ge [sflag:s21], $0x4000  }
0x6d: {  	[sflag:s21] =	ssyncset.done $0x0  }
0x6e: {  	s31 =	simm.s32 $0x1480;
	[sflag:s21] =	ssyncadd.s32 $0xFFFFC000  }
0x6f: {  	[spmem:s2] =	stream.indirect.scatter.add.f32 [tilespmem:s19], [sflag:$0x3], $0x80, s31, s17, $0xb8;
	[tilespmem:$0x1E0C0] =	vst v63  }
0x70: {  	_ =	swait.ge [sflag:s14], $0x4000  }
0x71: {  	[sflag:s14] =	ssyncset.done $0x0  }
0x72: {  	s26 =	simm.s32 $0x180;
	s25 =	simm.s32 $0x400;
	[sflag:s14] =	ssyncadd.s32 $0xFFFFC000  }
.LBB2_4:
0x73: {  	[tilespmem:s19], [sflag:$0x2] =	stream.indirect.gather [hbm4b:s1+s17], $0x80, s26, s17, $0xb8;
	[tilespmem:$0x1E0C0] =	vst v63  }
0x74: {  	s26 =	smov.u32 s25  }
0x75: {  	p1 =	sne.s32 s25, $0x4800;
	s25 =	sadd.s32 $0x400, s25;
	_ =	swait.ge [sflag:s20], $0x4000  }
0x76: {  	s26 =	sshra.s32 s26, $0x2;
	[sflag:s20] =	ssyncset.done $0x0  }
0x77: {  	s28 =	sadd.s32 $0x1400, s26;
	[sflag:s20] =	ssyncadd.s32 $0xFFFFC000  }
0x78: {  	[spmem:s2] =	stream.indirect.scatter.add.f32 [tilespmem:s18], [sflag:$0x3], $0x80, s28, s17, $0xb8;
	[tilespmem:$0x1E0C0] =	vst v63  }
0x79: {  	_ =	swait.ge [sflag:s14], $0x4000  }
0x7a: {  	[sflag:s14] =	ssyncset.done $0x0  }
0x7b: {  	s28 =	sadd.s32 $0x100, s26;
	[sflag:s14] =	ssyncadd.s32 $0xFFFFC000  }
0x7c: {  	[tilespmem:s18], [sflag:$0x1] =	stream.indirect.gather [hbm4b:s1+s17], $0x80, s28, s17, $0xb8;
	[tilespmem:$0x1E0C0] =	vst v63  }
0x7d: {  	_ =	swait.ge [sflag:s21], $0x4000  }
0x7e: {  	[sflag:s21] =	ssyncset.done $0x0  }
.Ltmp1:
0x7f: {  	s28 =	sadd.s32 $0x1480, s26;
	[sflag:s21] =	ssyncadd.s32 $0xFFFFC000;
	(pc) =	sbr.rel @p1 .LBB2_4-.Ltmp1, $4  }
0x80: {  	[spmem:s2] =	stream.indirect.scatter.add.f32 [tilespmem:s19], [sflag:$0x3], $0x80, s28, s17, $0xb8;
	[tilespmem:$0x1E0C0] =	vst v63  }
0x81: {  	_ =	swait.ge [sflag:s14], $0x4000  }
0x82: {  	[sflag:s14] =	ssyncset.done $0x0  }
0x83: {  	s26 =	sadd.s32 $0x180, s26;
	[sflag:s14] =	ssyncadd.s32 $0xFFFFC000  }
0x84: {  	[tilespmem:s19], [sflag:$0x2] =	stream.indirect.gather [hbm4b:s1+s17], $0x80, s26, s17, $0xb8;
	[tilespmem:$0x1E0C0] =	vst v63  }
0x85: {  	_ =	swait.ge [sflag:s20], $0x4000  }
0x86: {  	[sflag:s20] =	ssyncset.done $0x0  }
0x87: {  	[sflag:s20] =	ssyncadd.s32 $0xFFFFC000  }
0x88: {  	[spmem:s2] =	stream.indirect.scatter.add.f32 [tilespmem:s18], [sflag:$0x3], $0x80, s22, s17, $0xb8;
	[tilespmem:$0x1E0C0] =	vst v63  }
0x89: {  	_ =	swait.ge [sflag:s14], $0x4000  }
0x8a: {  	[sflag:s14] =	ssyncset.done $0x0  }
0x8b: {  	[sflag:s14] =	ssyncadd.s32 $0xFFFFC000  }
0x8c: {  	_ =	swait.ge [sflag:s21], $0x4000  }
0x8d: {  	[sflag:s21] =	ssyncset.done $0x0  }
0x8e: {  	[sflag:s21] =	ssyncadd.s32 $0xFFFFC000  }
0x8f: {  	[spmem:s2] =	stream.indirect.scatter.add.f32 [tilespmem:s19], [sflag:$0x3], $0x80, s23, s17, $0xb8;
	[tilespmem:$0x1E0C0] =	vst v63  }
0x90: {  	_ =	swait.ge [sflag:s14], $0x4000  }
0x91: {  	[sflag:s14] =	ssyncset.done $0x0  }
0x92: {  	[sflag:s14] =	ssyncadd.s32 $0xFFFFC000  }
0x93: {  	[bflag:$0x0] =	sbarrier.arrive $0xFFFF  }
0x94: {  	[hbm:s10], [sflag:s5] =	dma.local [spmem:s13], $0x2700  }
0x95: {  	s24 =	sadd.s32 $0x1, s24;
	_ =	swait.ge [sflag:s14], $0x2700  }
0x96: {  	p1 =	sne.s32 s24, s12;
	[sflag:s14] =	ssyncset.done $0x0  }
.Ltmp2:
0x97: {  	s25 =	simm.s32 @!p0 $0x3;
	[sflag:s14] =	ssyncadd.s32 $0xFFFFD900;
	(pc) =	sbr.rel @p1 .LBB2_1-.Ltmp2, $4  }
0x98: {  	[hbm:s11], [sflag:s5] =	dma.local @!p0 [spmem:s15], $0x100  }
0x99: {  	_ =	swait.ge @!p0 [sflag:s25], $0x100  }
0x9a: {  	[sflag:s25] =	ssyncset.done @!p0 $0x0  }
0x9b: {  	[sflag:s25] =	ssyncadd.s32 @!p0 $0xFFFFFF00  }
0x9c: {  	_ =	sfence.sel $0x180000  }
0x9d: {  	[bflag:$0x0] =	sbarrier.arrive $0xFFFF  }
0x9e: {  	_ =	strace $0x9000004A  }
0x9f: {  	s0 =	sadd.s32 @!p0 $0x100000, s0;
	[bflag:$0x2] =	sbarrier.arrive $0xFFFF  }
0xa0: {  	[sflag:s0] =	ssyncadd.tile.s32 @!p0 $0x1;
	_ =	shalt  }
.Lfunc_end2:
_tile_overlayer_lowered:
.L_overlay_start_2:
0xa1: {  	(tag) =	ssettag $0x2  }
0xa2: {  	s0 =	rddreg [dreg:$0x0];
	s2 =	stileid.u32  }
0xa3: {  	s1 =	rddreg [dreg:$0x1];
	p0 =	sne.s32 s2, $0x0  }
0xa4: {  	s3 =	rddreg [dreg:$0x2];
	[bflag:$0x3] =	sbarrier.arrive $0xFFFF;
	s2 =	simm.s32 @!p0 $0x1C03  }
0xa5: {  	[timem:s3], [sflag:s2] =	dma.local @!p0 [hbm:s0], s1  }
0xa6: {  	s0 =	simm.s32 @!p0 $0x3  }
0xa7: {  	_ =	swait.ge @!p0 [sflag:s0], s1  }
0xa8: {  	s1 =	ssub.s32 @!p0 $0x0, s1;
	[sflag:s0] =	ssyncset.done @!p0 $0x0  }
0xa9: {  	[sflag:s0] =	ssyncadd.s32 @!p0 s1  }
0xaa: {  	[bflag:$0x3] =	sbarrier.arrive $0xFFFF  }
0xab: {  	_ =	shalt  }

</sc_bundles>
